<compile_context>
chip_gen: v7x
topology: tpu7x:2x2x1
jax: 0.10.2.dev20260603
libtpu: 0.0.44.dev20260713+nightly
codegen_flags: <defaults>
</compile_context>

<pallas_src>
import functools

import jax
import jax.numpy as jnp
from jax import lax
from jax.experimental import pallas as pl
from jax.experimental.pallas import tpu as pltpu
from jax.experimental.pallas import tpu_sc as plsc

N = 10000
NP = 10240
E = 320000
EP = 327680
NB32 = 80
CH = 16
B = 128
RT = NP // 16
F32 = jnp.float32

@functools.lru_cache(maxsize=1)
def _mesh():
    return plsc.VectorSubcoreMesh(core_axis_name="c", subcore_axis_name="s",
                                  num_cores=2, num_subcores=16)


def _zero_vmem(ref, nrows, ncols):
    z = jnp.zeros((16,), F32)
    def body(r, _):
        for j in range(ncols // 16):
            ref[r, pl.ds(j * 16, 16)] = z
        return 0
    lax.fori_loop(0, nrows, body, 0, unroll=False)


def _deg_body(dsts_hbm, out_hbm, dst_v, vals_v, dacc, sem):
    cid = lax.axis_index("c")
    sid = lax.axis_index("s")
    _zero_vmem(vals_v, B, B)
    for k in range(RT // B):
        pltpu.sync_copy(vals_v, dacc.at[pl.ds(sid * RT + k * B, B)])
    one = jnp.ones((16,), F32)
    def fill(r, _):
        for j in range(B // 16):
            vals_v[r, pl.ds(j * 16, 16)] = one
        return 0
    lax.fori_loop(0, B, fill, 0, unroll=False)
    pltpu.sync_copy(dsts_hbm.at[sid * 2 + cid], dst_v)
    plsc.subcore_barrier()
    GD = 8
    def body(grp, _):
        for j in range(GD):
            pltpu.async_copy(vals_v, dacc.at[dst_v.at[grp * GD + j]], sem,
                             add=True)
        @pl.when(grp >= 1)
        def _():
            for j in range(GD):
                pltpu.make_async_copy(
                    vals_v, dacc.at[dst_v.at[(grp - 1) * GD + j]],
                    sem).wait()
        return 0
    lax.fori_loop(0, NB32 // GD, body, 0, unroll=False)
    for j in range(GD):
        pltpu.make_async_copy(vals_v, dacc.at[dst_v.at[NB32 - GD + j]],
                              sem).wait()
    plsc.subcore_barrier()
    pltpu.sync_copy(dacc.at[pl.ds(sid * RT, RT)],
                    out_hbm.at[pl.ds(cid * NP + sid * RT, RT)])


def _sc_deg(dsts):
    f = pl.kernel(
        _deg_body,
        out_type=jax.ShapeDtypeStruct((2 * NP, B), F32),
        mesh=_mesh(),
        scratch_types=[
            pltpu.VMEM((NB32, B), jnp.int32),
            pltpu.VMEM((B, B), F32),
            pltpu.VMEM_SHARED((NP, B), F32),
            pltpu.SemaphoreType.DMA,
        ],
    )
    return f(dsts)


def _scat_body(g_hbm, srcs_hbm, dsts_hbm, out_hbm, src_v, dst_v, rows_v, acc,
               sem_g0, sem_g1, sem_s0, sem_s1, sem_i):
    cid = lax.axis_index("c")
    sid = lax.axis_index("s")
    z = jnp.zeros((16,), F32)
    def zr(r, _):
        for j in range(B // 16):
            rows_v[0, r, pl.ds(j * 16, 16)] = z
        return 0
    lax.fori_loop(0, B, zr, 0, unroll=False)
    for k in range(RT // B):
        pltpu.sync_copy(rows_v.at[0], acc.at[pl.ds(sid * RT + k * B, B)])
    plsc.subcore_barrier()
    buf = (rows_v.at[0], rows_v.at[1])
    sg = (sem_g0, sem_g1)
    ss = (sem_s0, sem_s1)
    NCH = NB32 // CH
    TOT = 2 * NCH

    def load_idx(cc, slot):
        part = cc // NCH
        ch = cc % NCH
        pltpu.async_copy(
            srcs_hbm.at[cid, sid * 2 + part, pl.ds(ch * CH, CH)],
            src_v.at[slot], sem_i)
        pltpu.async_copy(
            dsts_hbm.at[sid * 2 + part, pl.ds(ch * CH, CH)],
            dst_v.at[slot], sem_i)

    def wait_idx(slot):
        pltpu.make_async_copy(dsts_hbm.at[0, pl.ds(0, CH)],
                              src_v.at[slot], sem_i).wait()
        pltpu.make_async_copy(dsts_hbm.at[0, pl.ds(0, CH)],
                              dst_v.at[slot], sem_i).wait()

    load_idx(0, 0)
    wait_idx(0)

    def chunk(cc, _):
        slot = cc % 2
        sv = src_v.at[slot]
        dv = dst_v.at[slot]
        @pl.when(cc + 1 < TOT)
        def _():
            load_idx(cc + 1, (cc + 1) % 2)
        pltpu.async_copy(g_hbm.at[sv.at[0]], buf[0], sg[0])
        def body(k2, _):
            k = 2 * k2
            @pl.when(k2 >= 1)
            def _():
                pltpu.make_async_copy(buf[1], acc.at[dv.at[k - 1]],
                                      ss[1]).wait()
            pltpu.async_copy(g_hbm.at[sv.at[k + 1]], buf[1], sg[1])
            pltpu.make_async_copy(g_hbm.at[sv.at[k]], buf[0], sg[0]).wait()
            pltpu.async_copy(buf[0], acc.at[dv.at[k]], ss[0], add=True)
            @pl.when(k2 < CH // 2 - 1)
            def _():
                pltpu.make_async_copy(buf[0], acc.at[dv.at[k]], ss[0]).wait()
                pltpu.async_copy(g_hbm.at[sv.at[k + 2]], buf[0], sg[0])
            pltpu.make_async_copy(g_hbm.at[sv.at[k + 1]], buf[1],
                                  sg[1]).wait()
            pltpu.async_copy(buf[1], acc.at[dv.at[k + 1]], ss[1], add=True)
            return 0
        lax.fori_loop(0, CH // 2, body, 0, unroll=False)
        pltpu.make_async_copy(buf[0], acc.at[dv.at[CH - 2]], ss[0]).wait()
        pltpu.make_async_copy(buf[1], acc.at[dv.at[CH - 1]], ss[1]).wait()
        @pl.when(cc + 1 < TOT)
        def _():
            wait_idx((cc + 1) % 2)
        return 0
    lax.fori_loop(0, TOT, chunk, 0, unroll=False)
    plsc.subcore_barrier()
    pltpu.sync_copy(acc.at[pl.ds(sid * RT, RT)],
                    out_hbm.at[pl.ds(cid * NP + sid * RT, RT)])


def _sc_scatter(g2, srcs2, dsts):
    f = pl.kernel(
        _scat_body,
        out_type=jax.ShapeDtypeStruct((2 * NP, B), F32),
        mesh=_mesh(),
        scratch_types=[
            pltpu.VMEM((2, CH, B), jnp.int32),
            pltpu.VMEM((2, CH, B), jnp.int32),
            pltpu.VMEM((2, B, B), F32),
            pltpu.VMEM_SHARED((NP, B), F32),
        ] + [pltpu.SemaphoreType.DMA] * 5,
    )
    return f(g2, srcs2, dsts)


def _prep_body(degp_ref, disb_ref):
    i = pl.program_id(0)
    d = degp_ref[0, :, 0:1] + degp_ref[1, :, 0:1]
    rows = lax.broadcasted_iota(jnp.int32, (1280, 1), 0) + i * 1280
    dis = jnp.where(rows < N, lax.rsqrt(d + 1.0), 0.0)
    disb_ref[...] = jnp.broadcast_to(dis, (1280, 128))


def _tc_prep(degp):
    return pl.pallas_call(
        _prep_body,
        grid=(8,),
        in_specs=[pl.BlockSpec((2, 1280, 128), lambda i: (0, i, 0))],
        out_specs=pl.BlockSpec((1280, 128), lambda i: (i, 0)),
        out_shape=jax.ShapeDtypeStruct((NP, 128), F32),
    )(degp)


_DOT = functools.partial(jnp.dot, preferred_element_type=F32,
                         precision=lax.Precision.HIGHEST)


def _pre_body(x_ref, w_ref, b_ref, h_ref):
    h = _DOT(x_ref[...], w_ref[...]) + b_ref[0]
    h_ref[0] = h[:, :128]
    h_ref[1] = h[:, 128:]


def _tc_pre(xp, W_pre, b_pre):
    return pl.pallas_call(
        _pre_body,
        grid=(8,),
        in_specs=[
            pl.BlockSpec((1280, 128), lambda i: (i, 0)),
            pl.BlockSpec((128, 256), lambda i: (0, 0)),
            pl.BlockSpec((1, 256), lambda i: (0, 0)),
        ],
        out_specs=pl.BlockSpec((2, 1280, 128), lambda i: (0, i, 0)),
        out_shape=jax.ShapeDtypeStruct((2, NP, 128), F32),
    )(xp, W_pre, b_pre)


def _mm1_body(h_ref, disb_ref, w_ref, g_ref):
    d = disb_ref[...]
    g = _DOT(h_ref[0] * d, w_ref[:128, :]) + _DOT(h_ref[1] * d, w_ref[128:, :])
    g_ref[0] = g[:, :128]
    g_ref[1] = g[:, 128:]


def _tc_mm1(h, disb, W):
    return pl.pallas_call(
        _mm1_body,
        grid=(8,),
        in_specs=[
            pl.BlockSpec((2, 1280, 128), lambda i: (0, i, 0)),
            pl.BlockSpec((1280, 128), lambda i: (i, 0)),
            pl.BlockSpec((256, 256), lambda i: (0, 0)),
        ],
        out_specs=pl.BlockSpec((2, 1280, 128), lambda i: (0, i, 0)),
        out_shape=jax.ShapeDtypeStruct((2, NP, 128), F32),
    )(h, disb, W)


def _fuse_body(agg_ref, g_ref, disb_ref, bc_ref, w_ref, gn_ref):
    d = disb_ref[...]
    t = []
    for j in range(2):
        u = jnp.maximum(d * (agg_ref[j] + g_ref[j])
                        + bc_ref[0, j * 128:(j + 1) * 128], 0.0)
        t.append(d * u)
    gn = _DOT(t[0], w_ref[:128, :]) + _DOT(t[1], w_ref[128:, :])
    gn_ref[0] = gn[:, :128]
    gn_ref[1] = gn[:, 128:]


def _tc_fuse(agg, g, disb, bc_i, W):
    return pl.pallas_call(
        _fuse_body,
        grid=(8,),
        in_specs=[
            pl.BlockSpec((2, 1280, 128), lambda i: (0, i, 0)),
            pl.BlockSpec((2, 1280, 128), lambda i: (0, i, 0)),
            pl.BlockSpec((1280, 128), lambda i: (i, 0)),
            pl.BlockSpec((1, 256), lambda i: (0, 0)),
            pl.BlockSpec((256, 256), lambda i: (0, 0)),
        ],
        out_specs=pl.BlockSpec((2, 1280, 128), lambda i: (0, i, 0)),
        out_shape=jax.ShapeDtypeStruct((2, NP, 128), F32),
    )(agg, g, disb, bc_i, W)


def _postepi_body(agg_ref, g_ref, disb_ref, bc_ref, w_ref, b_ref, h_ref,
                  out_ref):
    d = disb_ref[...]
    u = []
    for j in range(2):
        uj = jnp.maximum(d * (agg_ref[j] + g_ref[j])
                         + bc_ref[0, j * 128:(j + 1) * 128], 0.0)
        h_ref[:, j * 128:(j + 1) * 128] = uj
        u.append(uj)
    logits = (_DOT(u[0], w_ref[:128, :]) + _DOT(u[1], w_ref[128:, :])
              + b_ref[0])
    m = jnp.max(logits, axis=1, keepdims=True)
    lse = jnp.log(jnp.sum(jnp.exp(logits - m), axis=1, keepdims=True)) + m
    out_ref[...] = logits - lse


def _tc_postepi(agg, g, disb, bc_i, W_post, b_post):
    return pl.pallas_call(
        _postepi_body,
        grid=(8,),
        in_specs=[
            pl.BlockSpec((2, 1280, 128), lambda i: (0, i, 0)),
            pl.BlockSpec((2, 1280, 128), lambda i: (0, i, 0)),
            pl.BlockSpec((1280, 128), lambda i: (i, 0)),
            pl.BlockSpec((1, 256), lambda i: (0, 0)),
            pl.BlockSpec((256, 64), lambda i: (0, 0)),
            pl.BlockSpec((1, 64), lambda i: (0, 0)),
        ],
        out_specs=[
            pl.BlockSpec((1280, 256), lambda i: (i, 0)),
            pl.BlockSpec((1280, 64), lambda i: (i, 0)),
        ],
        out_shape=[
            jax.ShapeDtypeStruct((NP, 256), F32),
            jax.ShapeDtypeStruct((NP, 64), F32),
        ],
    )(agg, g, disb, bc_i, W_post, b_post)


def kernel(x, edge_index, W_pre, b_pre, Wc, bc, W_post, b_post):
    xp = jnp.pad(x, ((0, NP - N), (0, 0)))
    ei = jnp.pad(edge_index, ((0, 0), (0, EP - E)), constant_values=N)
    src = ei[0].reshape(32, NB32, B)
    srcs2 = jnp.stack([src, src + NP])
    dsts = ei[1].reshape(32, NB32, B)

    degp = _sc_deg(dsts).reshape(2, NP, B)
    disb = _tc_prep(degp)
    h0 = _tc_pre(xp, W_pre, b_pre.reshape(1, 256))

    g = _tc_mm1(h0, disb, Wc[0])
    for i in range(3):
        agg = _sc_scatter(g.reshape(2 * NP, B), srcs2, dsts).reshape(2, NP, B)
        if i < 2:
            g = _tc_fuse(agg, g, disb, bc[i].reshape(1, 256), Wc[i + 1])
    h, out = _tc_postepi(agg, g, disb, bc[2].reshape(1, 256), W_post,
                         b_post.reshape(1, 64))
    return (out[:N], h[:N], h[:N])

# --- scband reference (transcript-rebuilt; emitter-appended) ---
"""Pipeline reference for scband-gcn-33062658245223 (READ-ONLY COPY).

The authoritative reference and input builder live on the scoring server;
editing this copy changes nothing except your own understanding.
"""

import jax, jax.numpy as jnp
import numpy as np

N_NODES = 10000
N_EDGES = 320000
NFEAT = 128
NHID = 256
NCLASS = 64
NLAYER = 3


def setup_inputs(seed: int = 0):
    key = jax.random.key(seed)
    ks = jax.random.split(key, 10)
    x = jax.random.normal(ks[0], (N_NODES, NFEAT), dtype=jnp.float32)
    edge_index = jax.random.randint(ks[1], (2, N_EDGES), 0, N_NODES, dtype=jnp.int32)
    W_pre = jax.random.normal(ks[2], (NFEAT, NHID), dtype=jnp.float32) * (1.0 / np.sqrt(NFEAT))
    b_pre = jnp.zeros((NHID,), dtype=jnp.float32)
    Wc = jax.random.normal(ks[3], (NLAYER, NHID, NHID), dtype=jnp.float32) * (1.0 / np.sqrt(NHID))
    bc = jnp.zeros((NLAYER, NHID), dtype=jnp.float32)
    W_post = jax.random.normal(ks[4], (NHID, NCLASS), dtype=jnp.float32) * (1.0 / np.sqrt(NHID))
    b_post = jnp.zeros((NCLASS,), dtype=jnp.float32)
    return {"x": x, "edge_index": edge_index, "W_pre": W_pre, "b_pre": b_pre,
            "Wc": Wc, "bc": bc, "W_post": W_post, "b_post": b_post}


def gcn_conv(h, edge_index, W, b):
    # PyG-style GCNConv: linear transform, add self-loops, symmetric normalization,
    # scatter-add aggregation, then bias.
    n = h.shape[0]
    h = h @ W
    src = edge_index[0]
    dst = edge_index[1]
    loop = jnp.arange(n, dtype=src.dtype)
    src = jnp.concatenate([src, loop])
    dst = jnp.concatenate([dst, loop])
    ones = jnp.ones(src.shape[0], dtype=h.dtype)
    deg = jnp.zeros((n,), dtype=h.dtype).at[dst].add(ones)
    deg_inv_sqrt = jnp.where(deg > 0, 1.0 / jnp.sqrt(deg), 0.0)
    norm = deg_inv_sqrt[src] * deg_inv_sqrt[dst]
    msgs = h[src] * norm[:, None]
    out = jnp.zeros_like(h).at[dst].add(msgs)
    return out + b


def reference(x, edge_index, W_pre, b_pre, Wc, bc, W_post, b_post):
    # pre linear
    h = x @ W_pre + b_pre
    # GCN conv stack (dropout is identity in eval mode)
    for i in range(NLAYER):
        h = gcn_conv(h, edge_index, Wc[i], bc[i])
        h = jax.nn.relu(h)
    x2 = h
    x1 = h
    out = x1 @ W_post + b_post
    out = jax.nn.log_softmax(out, axis=1)
    return (out, x1, x2)

if __name__ == "__main__":
    import jax
    _d = setup_inputs()
    print(jax.jit(kernel)(*tuple(_d.values())))

</pallas_src>

<mosaic_0001>
#map = affine_map<(d0, d1) -> (0, 0, 0)>
#map1 = affine_map<(d0, d1) -> (0, 0)>
module attributes {stable_mosaic.version = 14 : i64} {
  func.func @_deg_body(%arg0: i32, %arg1: i32, %arg2: memref<32x80x128xi32, #tpu.memory_space<hbm>>, %arg3: memref<20480x128xf32, #tpu.memory_space<hbm>>, %arg4: memref<80x128xi32, #tpu.memory_space<vmem>>, %arg5: memref<128x128xf32, #tpu.memory_space<vmem>>, %arg6: memref<10240x128xf32, #tpu.memory_space<vmem_shared>>, %arg7: memref<!tpu.dma_semaphore, #tpu.memory_space<semaphore_mem>>) attributes {dimension_semantics = [#tpu.dimension_semantics<core_parallel>, #tpu.dimension_semantics<subcore_parallel>], iteration_bounds = array<i64: 2, 16>, scalar_prefetch = 0 : i64, scratch_operands = 4 : i64, tpu.core_type = #tpu.core_type<sc_vector_subcore>, window_params = [{transform_indices = #map}, {transform_indices = #map1}]} {
    %broadcast_in_dim3A = arith.constant 0.000000e+00 : f32
    %broadcast_in_dim3A_0 = vector.broadcast %broadcast_in_dim3A : f32 to vector<16xf32>
    %scan3A = arith.constant 0 : i32
    %scan3A_1 = arith.constant 0 : i32
    %scan3A_2 = arith.constant 128 : i32
    %scan3A_3 = arith.addi %scan3A_1, %scan3A_2 : i32
    %scan3A_4 = arith.constant 1 : i32
    %scan3A_5 = scf.for %scan3A_107 = %scan3A_1 to %scan3A_3 step %scan3A_4 iter_args(%scan3A_108 = %scan3A) -> (i32)  : i32 {
      %swap3A = arith.index_cast %scan3A_107 : i32 to index
      %swap3A_109 = arith.constant 0 : index
      %swap3A_110 = tpu.vector_load %arg5[%swap3A, %swap3A_109] {strides = array<i32>} : memref<128x128xf32, #tpu.memory_space<vmem>>, vector<1x16xf32>,
      %swap3A_111 = vector.shape_cast %swap3A_110 : vector<1x16xf32> to vector<16xf32>
      %swap3A_112 = vector.shape_cast %broadcast_in_dim3A_0 : vector<16xf32> to vector<1x16xf32>
      tpu.vector_store %arg5[%swap3A, %swap3A_109], %swap3A_112 {strides = array<i32>} : memref<128x128xf32, #tpu.memory_space<vmem>>, vector<1x16xf32>,
      %swap3A_113 = arith.index_cast %scan3A_107 : i32 to index
      %swap3A_114 = arith.constant 16 : index
      %swap3A_115 = tpu.vector_load %arg5[%swap3A_113, %swap3A_114] {strides = array<i32>} : memref<128x128xf32, #tpu.memory_space<vmem>>, vector<1x16xf32>,
      %swap3A_116 = vector.shape_cast %swap3A_115 : vector<1x16xf32> to vector<16xf32>
      %swap3A_117 = vector.shape_cast %broadcast_in_dim3A_0 : vector<16xf32> to vector<1x16xf32>
      tpu.vector_store %arg5[%swap3A_113, %swap3A_114], %swap3A_117 {strides = array<i32>} : memref<128x128xf32, #tpu.memory_space<vmem>>, vector<1x16xf32>,
      %swap3A_118 = arith.index_cast %scan3A_107 : i32 to index
      %swap3A_119 = arith.constant 32 : index
      %swap3A_120 = tpu.vector_load %arg5[%swap3A_118, %swap3A_119] {strides = array<i32>} : memref<128x128xf32, #tpu.memory_space<vmem>>, vector<1x16xf32>,
      %swap3A_121 = vector.shape_cast %swap3A_120 : vector<1x16xf32> to vector<16xf32>
      %swap3A_122 = vector.shape_cast %broadcast_in_dim3A_0 : vector<16xf32> to vector<1x16xf32>
      tpu.vector_store %arg5[%swap3A_118, %swap3A_119], %swap3A_122 {strides = array<i32>} : memref<128x128xf32, #tpu.memory_space<vmem>>, vector<1x16xf32>,
      %swap3A_123 = arith.index_cast %scan3A_107 : i32 to index
      %swap3A_124 = arith.constant 48 : index
      %swap3A_125 = tpu.vector_load %arg5[%swap3A_123, %swap3A_124] {strides = array<i32>} : memref<128x128xf32, #tpu.memory_space<vmem>>, vector<1x16xf32>,
      %swap3A_126 = vector.shape_cast %swap3A_125 : vector<1x16xf32> to vector<16xf32>
      %swap3A_127 = vector.shape_cast %broadcast_in_dim3A_0 : vector<16xf32> to vector<1x16xf32>
      tpu.vector_store %arg5[%swap3A_123, %swap3A_124], %swap3A_127 {strides = array<i32>} : memref<128x128xf32, #tpu.memory_space<vmem>>, vector<1x16xf32>,
      %swap3A_128 = arith.index_cast %scan3A_107 : i32 to index
      %swap3A_129 = arith.constant 64 : index
      %swap3A_130 = tpu.vector_load %arg5[%swap3A_128, %swap3A_129] {strides = array<i32>} : memref<128x128xf32, #tpu.memory_space<vmem>>, vector<1x16xf32>,
      %swap3A_131 = vector.shape_cast %swap3A_130 : vector<1x16xf32> to vector<16xf32>
      %swap3A_132 = vector.shape_cast %broadcast_in_dim3A_0 : vector<16xf32> to vector<1x16xf32>
      tpu.vector_store %arg5[%swap3A_128, %swap3A_129], %swap3A_132 {strides = array<i32>} : memref<128x128xf32, #tpu.memory_space<vmem>>, vector<1x16xf32>,
      %swap3A_133 = arith.index_cast %scan3A_107 : i32 to index
      %swap3A_134 = arith.constant 80 : index
      %swap3A_135 = tpu.vector_load %arg5[%swap3A_133, %swap3A_134] {strides = array<i32>} : memref<128x128xf32, #tpu.memory_space<vmem>>, vector<1x16xf32>,
      %swap3A_136 = vector.shape_cast %swap3A_135 : vector<1x16xf32> to vector<16xf32>
      %swap3A_137 = vector.shape_cast %broadcast_in_dim3A_0 : vector<16xf32> to vector<1x16xf32>
      tpu.vector_store %arg5[%swap3A_133, %swap3A_134], %swap3A_137 {strides = array<i32>} : memref<128x128xf32, #tpu.memory_space<vmem>>, vector<1x16xf32>,
      %swap3A_138 = arith.index_cast %scan3A_107 : i32 to index
      %swap3A_139 = arith.constant 96 : index
      %swap3A_140 = tpu.vector_load %arg5[%swap3A_138, %swap3A_139] {strides = array<i32>} : memref<128x128xf32, #tpu.memory_space<vmem>>, vector<1x16xf32>,
      %swap3A_141 = vector.shape_cast %swap3A_140 : vector<1x16xf32> to vector<16xf32>
      %swap3A_142 = vector.shape_cast %broadcast_in_dim3A_0 : vector<16xf32> to vector<1x16xf32>
      tpu.vector_store %arg5[%swap3A_138, %swap3A_139], %swap3A_142 {strides = array<i32>} : memref<128x128xf32, #tpu.memory_space<vmem>>, vector<1x16xf32>,
      %swap3A_143 = arith.index_cast %scan3A_107 : i32 to index
      %swap3A_144 = arith.constant 112 : index
      %swap3A_145 = tpu.vector_load %arg5[%swap3A_143, %swap3A_144] {strides = array<i32>} : memref<128x128xf32, #tpu.memory_space<vmem>>, vector<1x16xf32>,
      %swap3A_146 = vector.shape_cast %swap3A_145 : vector<1x16xf32> to vector<16xf32>
      %swap3A_147 = vector.shape_cast %broadcast_in_dim3A_0 : vector<16xf32> to vector<1x16xf32>
      tpu.vector_store %arg5[%swap3A_143, %swap3A_144], %swap3A_147 {strides = array<i32>} : memref<128x128xf32, #tpu.memory_space<vmem>>, vector<1x16xf32>,
      %scan3A_148 = arith.constant 0 : i32
      scf.yield %scan3A_148 : i32
    }
    %scan3A_6 = arith.constant 128 : i32
    %mul3A = arith.constant 640 : i32
    %mul3A_7 = arith.muli %arg1, %mul3A : i32
    %add3A = arith.constant 0 : i32
    %add3A_8 = arith.addi %mul3A_7, %add3A : i32
    "tpu.region"() ({
      %run_scoped3A = tpu.sem_alloc : memref<!tpu.dma_semaphore, #tpu.memory_space<semaphore_mem>>
      %dma_start3A = arith.constant 0 : i32
      %dma_start3A_107 = tpu.memref_slice %arg6[%add3A_8, %dma_start3A] : memref<10240x128xf32, #tpu.memory_space<vmem_shared>> -> memref<128x128xf32, #tpu.memory_space<vmem_shared>>
      %dma_start3A_108 = arith.constant 0 : i32
      %dma_start3A_109 = tpu.memref_slice %arg6[%add3A_8, %dma_start3A_108] : memref<10240x128xf32, #tpu.memory_space<vmem_shared>> -> memref<128x128xf32, #tpu.memory_space<vmem_shared>>
      tpu.enqueue_dma source(%arg5 : memref<128x128xf32, #tpu.memory_space<vmem>>) target(%dma_start3A_109 : memref<128x128xf32, #tpu.memory_space<vmem_shared>>) target_semaphore(%run_scoped3A : memref<!tpu.dma_semaphore, #tpu.memory_space<semaphore_mem>>)
      %dma_wait3A_110 = arith.constant 0 : i32
      %dma_wait3A_111 = tpu.memref_slice %arg6[%add3A_8, %dma_wait3A_110] : memref<10240x128xf32, #tpu.memory_space<vmem_shared>> -> memref<128x128xf32, #tpu.memory_space<vmem_shared>>
      %dma_wait3A_112 = arith.constant 0 : i32
      %dma_wait3A_113 = tpu.memref_slice %arg6[%add3A_8, %dma_wait3A_112] : memref<10240x128xf32, #tpu.memory_space<vmem_shared>> -> memref<128x128xf32, #tpu.memory_space<vmem_shared>>
      tpu.wait_dma2 semaphore(%run_scoped3A : memref<!tpu.dma_semaphore, #tpu.memory_space<semaphore_mem>>) src(%arg5 : memref<128x128xf32, #tpu.memory_space<vmem>>) dst(%dma_wait3A_113 : memref<128x128xf32, #tpu.memory_space<vmem_shared>>)
      tpu.yield
    }) : () -> ()
    %mul3A_9 = arith.constant 640 : i32
    %mul3A_10 = arith.muli %arg1, %mul3A_9 : i32
    %add3A_11 = arith.constant 128 : i32
    %add3A_12 = arith.addi %mul3A_10, %add3A_11 : i32
    "tpu.region"() ({
      %run_scoped3A = tpu.sem_alloc : memref<!tpu.dma_semaphore, #tpu.memory_space<semaphore_mem>>
      %dma_start3A = arith.constant 0 : i32
      %dma_start3A_107 = tpu.memref_slice %arg6[%add3A_12, %dma_start3A] : memref<10240x128xf32, #tpu.memory_space<vmem_shared>> -> memref<128x128xf32, #tpu.memory_space<vmem_shared>>
      %dma_start3A_108 = arith.constant 0 : i32
      %dma_start3A_109 = tpu.memref_slice %arg6[%add3A_12, %dma_start3A_108] : memref<10240x128xf32, #tpu.memory_space<vmem_shared>> -> memref<128x128xf32, #tpu.memory_space<vmem_shared>>
      tpu.enqueue_dma source(%arg5 : memref<128x128xf32, #tpu.memory_space<vmem>>) target(%dma_start3A_109 : memref<128x128xf32, #tpu.memory_space<vmem_shared>>) target_semaphore(%run_scoped3A : memref<!tpu.dma_semaphore, #tpu.memory_space<semaphore_mem>>)
      %dma_wait3A_110 = arith.constant 0 : i32
      %dma_wait3A_111 = tpu.memref_slice %arg6[%add3A_12, %dma_wait3A_110] : memref<10240x128xf32, #tpu.memory_space<vmem_shared>> -> memref<128x128xf32, #tpu.memory_space<vmem_shared>>
      %dma_wait3A_112 = arith.constant 0 : i32
      %dma_wait3A_113 = tpu.memref_slice %arg6[%add3A_12, %dma_wait3A_112] : memref<10240x128xf32, #tpu.memory_space<vmem_shared>> -> memref<128x128xf32, #tpu.memory_space<vmem_shared>>
      tpu.wait_dma2 semaphore(%run_scoped3A : memref<!tpu.dma_semaphore, #tpu.memory_space<semaphore_mem>>) src(%arg5 : memref<128x128xf32, #tpu.memory_space<vmem>>) dst(%dma_wait3A_113 : memref<128x128xf32, #tpu.memory_space<vmem_shared>>)
      tpu.yield
    }) : () -> ()
    %mul3A_13 = arith.constant 640 : i32
    %mul3A_14 = arith.muli %arg1, %mul3A_13 : i32
    %add3A_15 = arith.constant 256 : i32
    %add3A_16 = arith.addi %mul3A_14, %add3A_15 : i32
    "tpu.region"() ({
      %run_scoped3A = tpu.sem_alloc : memref<!tpu.dma_semaphore, #tpu.memory_space<semaphore_mem>>
      %dma_start3A = arith.constant 0 : i32
      %dma_start3A_107 = tpu.memref_slice %arg6[%add3A_16, %dma_start3A] : memref<10240x128xf32, #tpu.memory_space<vmem_shared>> -> memref<128x128xf32, #tpu.memory_space<vmem_shared>>
      %dma_start3A_108 = arith.constant 0 : i32
      %dma_start3A_109 = tpu.memref_slice %arg6[%add3A_16, %dma_start3A_108] : memref<10240x128xf32, #tpu.memory_space<vmem_shared>> -> memref<128x128xf32, #tpu.memory_space<vmem_shared>>
      tpu.enqueue_dma source(%arg5 : memref<128x128xf32, #tpu.memory_space<vmem>>) target(%dma_start3A_109 : memref<128x128xf32, #tpu.memory_space<vmem_shared>>) target_semaphore(%run_scoped3A : memref<!tpu.dma_semaphore, #tpu.memory_space<semaphore_mem>>)
      %dma_wait3A_110 = arith.constant 0 : i32
      %dma_wait3A_111 = tpu.memref_slice %arg6[%add3A_16, %dma_wait3A_110] : memref<10240x128xf32, #tpu.memory_space<vmem_shared>> -> memref<128x128xf32, #tpu.memory_space<vmem_shared>>
      %dma_wait3A_112 = arith.constant 0 : i32
      %dma_wait3A_113 = tpu.memref_slice %arg6[%add3A_16, %dma_wait3A_112] : memref<10240x128xf32, #tpu.memory_space<vmem_shared>> -> memref<128x128xf32, #tpu.memory_space<vmem_shared>>
      tpu.wait_dma2 semaphore(%run_scoped3A : memref<!tpu.dma_semaphore, #tpu.memory_space<semaphore_mem>>) src(%arg5 : memref<128x128xf32, #tpu.memory_space<vmem>>) dst(%dma_wait3A_113 : memref<128x128xf32, #tpu.memory_space<vmem_shared>>)
      tpu.yield
    }) : () -> ()
    %mul3A_17 = arith.constant 640 : i32
    %mul3A_18 = arith.muli %arg1, %mul3A_17 : i32
    %add3A_19 = arith.constant 384 : i32
    %add3A_20 = arith.addi %mul3A_18, %add3A_19 : i32
    "tpu.region"() ({
      %run_scoped3A = tpu.sem_alloc : memref<!tpu.dma_semaphore, #tpu.memory_space<semaphore_mem>>
      %dma_start3A = arith.constant 0 : i32
      %dma_start3A_107 = tpu.memref_slice %arg6[%add3A_20, %dma_start3A] : memref<10240x128xf32, #tpu.memory_space<vmem_shared>> -> memref<128x128xf32, #tpu.memory_space<vmem_shared>>
      %dma_start3A_108 = arith.constant 0 : i32
      %dma_start3A_109 = tpu.memref_slice %arg6[%add3A_20, %dma_start3A_108] : memref<10240x128xf32, #tpu.memory_space<vmem_shared>> -> memref<128x128xf32, #tpu.memory_space<vmem_shared>>
      tpu.enqueue_dma source(%arg5 : memref<128x128xf32, #tpu.memory_space<vmem>>) target(%dma_start3A_109 : memref<128x128xf32, #tpu.memory_space<vmem_shared>>) target_semaphore(%run_scoped3A : memref<!tpu.dma_semaphore, #tpu.memory_space<semaphore_mem>>)
      %dma_wait3A_110 = arith.constant 0 : i32
      %dma_wait3A_111 = tpu.memref_slice %arg6[%add3A_20, %dma_wait3A_110] : memref<10240x128xf32, #tpu.memory_space<vmem_shared>> -> memref<128x128xf32, #tpu.memory_space<vmem_shared>>
      %dma_wait3A_112 = arith.constant 0 : i32
      %dma_wait3A_113 = tpu.memref_slice %arg6[%add3A_20, %dma_wait3A_112] : memref<10240x128xf32, #tpu.memory_space<vmem_shared>> -> memref<128x128xf32, #tpu.memory_space<vmem_shared>>
      tpu.wait_dma2 semaphore(%run_scoped3A : memref<!tpu.dma_semaphore, #tpu.memory_space<semaphore_mem>>) src(%arg5 : memref<128x128xf32, #tpu.memory_space<vmem>>) dst(%dma_wait3A_113 : memref<128x128xf32, #tpu.memory_space<vmem_shared>>)
      tpu.yield
    }) : () -> ()
    %mul3A_21 = arith.constant 640 : i32
    %mul3A_22 = arith.muli %arg1, %mul3A_21 : i32
    %add3A_23 = arith.constant 512 : i32
    %add3A_24 = arith.addi %mul3A_22, %add3A_23 : i32
    "tpu.region"() ({
      %run_scoped3A = tpu.sem_alloc : memref<!tpu.dma_semaphore, #tpu.memory_space<semaphore_mem>>
      %dma_start3A = arith.constant 0 : i32
      %dma_start3A_107 = tpu.memref_slice %arg6[%add3A_24, %dma_start3A] : memref<10240x128xf32, #tpu.memory_space<vmem_shared>> -> memref<128x128xf32, #tpu.memory_space<vmem_shared>>
      %dma_start3A_108 = arith.constant 0 : i32
      %dma_start3A_109 = tpu.memref_slice %arg6[%add3A_24, %dma_start3A_108] : memref<10240x128xf32, #tpu.memory_space<vmem_shared>> -> memref<128x128xf32, #tpu.memory_space<vmem_shared>>
      tpu.enqueue_dma source(%arg5 : memref<128x128xf32, #tpu.memory_space<vmem>>) target(%dma_start3A_109 : memref<128x128xf32, #tpu.memory_space<vmem_shared>>) target_semaphore(%run_scoped3A : memref<!tpu.dma_semaphore, #tpu.memory_space<semaphore_mem>>)
      %dma_wait3A_110 = arith.constant 0 : i32
      %dma_wait3A_111 = tpu.memref_slice %arg6[%add3A_24, %dma_wait3A_110] : memref<10240x128xf32, #tpu.memory_space<vmem_shared>> -> memref<128x128xf32, #tpu.memory_space<vmem_shared>>
      %dma_wait3A_112 = arith.constant 0 : i32
      %dma_wait3A_113 = tpu.memref_slice %arg6[%add3A_24, %dma_wait3A_112] : memref<10240x128xf32, #tpu.memory_space<vmem_shared>> -> memref<128x128xf32, #tpu.memory_space<vmem_shared>>
      tpu.wait_dma2 semaphore(%run_scoped3A : memref<!tpu.dma_semaphore, #tpu.memory_space<semaphore_mem>>) src(%arg5 : memref<128x128xf32, #tpu.memory_space<vmem>>) dst(%dma_wait3A_113 : memref<128x128xf32, #tpu.memory_space<vmem_shared>>)
      tpu.yield
    }) : () -> ()
    %broadcast_in_dim3A_25 = arith.constant 1.000000e+00 : f32
    %broadcast_in_dim3A_26 = vector.broadcast %broadcast_in_dim3A_25 : f32 to vector<16xf32>
    %scan3A_27 = arith.constant 0 : i32
    %scan3A_28 = arith.constant 0 : i32
    %scan3A_29 = arith.constant 128 : i32
    %scan3A_30 = arith.addi %scan3A_28, %scan3A_29 : i32
    %scan3A_31 = arith.constant 1 : i32
    %scan3A_32 = scf.for %scan3A_107 = %scan3A_28 to %scan3A_30 step %scan3A_31 iter_args(%scan3A_108 = %scan3A_27) -> (i32)  : i32 {
      %swap3A = arith.index_cast %scan3A_107 : i32 to index
      %swap3A_109 = arith.constant 0 : index
      %swap3A_110 = tpu.vector_load %arg5[%swap3A, %swap3A_109] {strides = array<i32>} : memref<128x128xf32, #tpu.memory_space<vmem>>, vector<1x16xf32>,
      %swap3A_111 = vector.shape_cast %swap3A_110 : vector<1x16xf32> to vector<16xf32>
      %swap3A_112 = vector.shape_cast %broadcast_in_dim3A_26 : vector<16xf32> to vector<1x16xf32>
      tpu.vector_store %arg5[%swap3A, %swap3A_109], %swap3A_112 {strides = array<i32>} : memref<128x128xf32, #tpu.memory_space<vmem>>, vector<1x16xf32>,
      %swap3A_113 = arith.index_cast %scan3A_107 : i32 to index
      %swap3A_114 = arith.constant 16 : index
      %swap3A_115 = tpu.vector_load %arg5[%swap3A_113, %swap3A_114] {strides = array<i32>} : memref<128x128xf32, #tpu.memory_space<vmem>>, vector<1x16xf32>,
      %swap3A_116 = vector.shape_cast %swap3A_115 : vector<1x16xf32> to vector<16xf32>
      %swap3A_117 = vector.shape_cast %broadcast_in_dim3A_26 : vector<16xf32> to vector<1x16xf32>
      tpu.vector_store %arg5[%swap3A_113, %swap3A_114], %swap3A_117 {strides = array<i32>} : memref<128x128xf32, #tpu.memory_space<vmem>>, vector<1x16xf32>,
      %swap3A_118 = arith.index_cast %scan3A_107 : i32 to index
      %swap3A_119 = arith.constant 32 : index
      %swap3A_120 = tpu.vector_load %arg5[%swap3A_118, %swap3A_119] {strides = array<i32>} : memref<128x128xf32, #tpu.memory_space<vmem>>, vector<1x16xf32>,
      %swap3A_121 = vector.shape_cast %swap3A_120 : vector<1x16xf32> to vector<16xf32>
      %swap3A_122 = vector.shape_cast %broadcast_in_dim3A_26 : vector<16xf32> to vector<1x16xf32>
      tpu.vector_store %arg5[%swap3A_118, %swap3A_119], %swap3A_122 {strides = array<i32>} : memref<128x128xf32, #tpu.memory_space<vmem>>, vector<1x16xf32>,
      %swap3A_123 = arith.index_cast %scan3A_107 : i32 to index
      %swap3A_124 = arith.constant 48 : index
      %swap3A_125 = tpu.vector_load %arg5[%swap3A_123, %swap3A_124] {strides = array<i32>} : memref<128x128xf32, #tpu.memory_space<vmem>>, vector<1x16xf32>,
      %swap3A_126 = vector.shape_cast %swap3A_125 : vector<1x16xf32> to vector<16xf32>
      %swap3A_127 = vector.shape_cast %broadcast_in_dim3A_26 : vector<16xf32> to vector<1x16xf32>
      tpu.vector_store %arg5[%swap3A_123, %swap3A_124], %swap3A_127 {strides = array<i32>} : memref<128x128xf32, #tpu.memory_space<vmem>>, vector<1x16xf32>,
      %swap3A_128 = arith.index_cast %scan3A_107 : i32 to index
      %swap3A_129 = arith.constant 64 : index
      %swap3A_130 = tpu.vector_load %arg5[%swap3A_128, %swap3A_129] {strides = array<i32>} : memref<128x128xf32, #tpu.memory_space<vmem>>, vector<1x16xf32>,
      %swap3A_131 = vector.shape_cast %swap3A_130 : vector<1x16xf32> to vector<16xf32>
      %swap3A_132 = vector.shape_cast %broadcast_in_dim3A_26 : vector<16xf32> to vector<1x16xf32>
      tpu.vector_store %arg5[%swap3A_128, %swap3A_129], %swap3A_132 {strides = array<i32>} : memref<128x128xf32, #tpu.memory_space<vmem>>, vector<1x16xf32>,
      %swap3A_133 = arith.index_cast %scan3A_107 : i32 to index
      %swap3A_134 = arith.constant 80 : index
      %swap3A_135 = tpu.vector_load %arg5[%swap3A_133, %swap3A_134] {strides = array<i32>} : memref<128x128xf32, #tpu.memory_space<vmem>>, vector<1x16xf32>,
      %swap3A_136 = vector.shape_cast %swap3A_135 : vector<1x16xf32> to vector<16xf32>
      %swap3A_137 = vector.shape_cast %broadcast_in_dim3A_26 : vector<16xf32> to vector<1x16xf32>
      tpu.vector_store %arg5[%swap3A_133, %swap3A_134], %swap3A_137 {strides = array<i32>} : memref<128x128xf32, #tpu.memory_space<vmem>>, vector<1x16xf32>,
      %swap3A_138 = arith.index_cast %scan3A_107 : i32 to index
      %swap3A_139 = arith.constant 96 : index
      %swap3A_140 = tpu.vector_load %arg5[%swap3A_138, %swap3A_139] {strides = array<i32>} : memref<128x128xf32, #tpu.memory_space<vmem>>, vector<1x16xf32>,
      %swap3A_141 = vector.shape_cast %swap3A_140 : vector<1x16xf32> to vector<16xf32>
      %swap3A_142 = vector.shape_cast %broadcast_in_dim3A_26 : vector<16xf32> to vector<1x16xf32>
      tpu.vector_store %arg5[%swap3A_138, %swap3A_139], %swap3A_142 {strides = array<i32>} : memref<128x128xf32, #tpu.memory_space<vmem>>, vector<1x16xf32>,
      %swap3A_143 = arith.index_cast %scan3A_107 : i32 to index
      %swap3A_144 = arith.constant 112 : index
      %swap3A_145 = tpu.vector_load %arg5[%swap3A_143, %swap3A_144] {strides = array<i32>} : memref<128x128xf32, #tpu.memory_space<vmem>>, vector<1x16xf32>,
      %swap3A_146 = vector.shape_cast %swap3A_145 : vector<1x16xf32> to vector<16xf32>
      %swap3A_147 = vector.shape_cast %broadcast_in_dim3A_26 : vector<16xf32> to vector<1x16xf32>
      tpu.vector_store %arg5[%swap3A_143, %swap3A_144], %swap3A_147 {strides = array<i32>} : memref<128x128xf32, #tpu.memory_space<vmem>>, vector<1x16xf32>,
      %scan3A_148 = arith.constant 0 : i32
      scf.yield %scan3A_148 : i32
    }
    %scan3A_33 = arith.constant 128 : i32
    %mul3A_34 = arith.constant 2 : i32
    %mul3A_35 = arith.muli %arg1, %mul3A_34 : i32
    %add3A_36 = arith.addi %mul3A_35, %arg0 : i32
    "tpu.region"() ({
      %run_scoped3A = tpu.sem_alloc : memref<!tpu.dma_semaphore, #tpu.memory_space<semaphore_mem>>
      %dma_start3A = arith.constant 0 : i32
      %dma_start3A_107 = arith.constant 0 : i32
      %dma_start3A_108 = tpu.memref_slice %arg2[%add3A_36, %dma_start3A, %dma_start3A_107] : memref<32x80x128xi32, #tpu.memory_space<hbm>> -> memref<1x80x128xi32, #tpu.memory_space<hbm>>
      %dma_start3A_109 = tpu.memref_squeeze %dma_start3A_108 : memref<1x80x128xi32, #tpu.memory_space<hbm>> -> memref<80x128xi32, #tpu.memory_space<hbm>>
      %dma_start3A_110 = arith.constant 0 : i32
      %dma_start3A_111 = arith.constant 0 : i32
      %dma_start3A_112 = tpu.memref_slice %arg2[%add3A_36, %dma_start3A_110, %dma_start3A_111] : memref<32x80x128xi32, #tpu.memory_space<hbm>> -> memref<1x80x128xi32, #tpu.memory_space<hbm>>
      %dma_start3A_113 = tpu.memref_squeeze %dma_start3A_112 : memref<1x80x128xi32, #tpu.memory_space<hbm>> -> memref<80x128xi32, #tpu.memory_space<hbm>>
      tpu.enqueue_dma source(%dma_start3A_113 : memref<80x128xi32, #tpu.memory_space<hbm>>) target(%arg4 : memref<80x128xi32, #tpu.memory_space<vmem>>) target_semaphore(%run_scoped3A : memref<!tpu.dma_semaphore, #tpu.memory_space<semaphore_mem>>)
      %dma_wait3A_114 = arith.constant 0 : i32
      %dma_wait3A_115 = arith.constant 0 : i32
      %dma_wait3A_116 = tpu.memref_slice %arg2[%add3A_36, %dma_wait3A_114, %dma_wait3A_115] : memref<32x80x128xi32, #tpu.memory_space<hbm>> -> memref<1x80x128xi32, #tpu.memory_space<hbm>>
      %dma_wait3A_117 = tpu.memref_squeeze %dma_wait3A_116 : memref<1x80x128xi32, #tpu.memory_space<hbm>> -> memref<80x128xi32, #tpu.memory_space<hbm>>
      %dma_wait3A_118 = arith.constant 0 : i32
      %dma_wait3A_119 = arith.constant 0 : i32
      %dma_wait3A_120 = tpu.memref_slice %arg2[%add3A_36, %dma_wait3A_118, %dma_wait3A_119] : memref<32x80x128xi32, #tpu.memory_space<hbm>> -> memref<1x80x128xi32, #tpu.memory_space<hbm>>
      %dma_wait3A_121 = tpu.memref_squeeze %dma_wait3A_120 : memref<1x80x128xi32, #tpu.memory_space<hbm>> -> memref<80x128xi32, #tpu.memory_space<hbm>>
      tpu.wait_dma2 semaphore(%run_scoped3A : memref<!tpu.dma_semaphore, #tpu.memory_space<semaphore_mem>>) src(%dma_wait3A_121 : memref<80x128xi32, #tpu.memory_space<hbm>>) dst(%arg4 : memref<80x128xi32, #tpu.memory_space<vmem>>)
      tpu.yield
    }) : () -> ()
    %barrier3A = arith.constant 0 : index
    tpu.barrier barrier_id(%barrier3A)
    %scan3A_37 = arith.constant 0 : i32
    %scan3A_38 = arith.constant 0 : i32
    %scan3A_39 = arith.constant 10 : i32
    %scan3A_40 = arith.addi %scan3A_38, %scan3A_39 : i32
    %scan3A_41 = arith.constant 1 : i32
    %scan3A_42 = scf.for %scan3A_107 = %scan3A_38 to %scan3A_40 step %scan3A_41 iter_args(%scan3A_108 = %scan3A_37) -> (i32)  : i32 {
      %mul3A_109 = arith.constant 8 : i32
      %mul3A_110 = arith.muli %scan3A_107, %mul3A_109 : i32
      %add3A_111 = arith.constant 0 : i32
      %add3A_112 = arith.addi %mul3A_110, %add3A_111 : i32
      %dma_start3A = arith.constant 0 : i32
      %dma_start3A_113 = tpu.memref_slice %arg4[%add3A_112, %dma_start3A] : memref<80x128xi32, #tpu.memory_space<vmem>> -> memref<1x128xi32, #tpu.memory_space<vmem>>
      %dma_start3A_114 = tpu.memref_squeeze %dma_start3A_113 : memref<1x128xi32, #tpu.memory_space<vmem>> -> memref<128xi32, #tpu.memory_space<vmem>>
      %dma_start3A_115 = arith.constant 0 : i32
      %dma_start3A_116 = arith.constant 0 : i32
      %dma_start3A_117 = tpu.memref_slice %arg6[%dma_start3A_115, %dma_start3A_116] : memref<10240x128xf32, #tpu.memory_space<vmem_shared>> -> memref<10240x128xf32, #tpu.memory_space<vmem_shared>>
      tpu.enqueue_indirect_dma source(%arg5 : memref<128x128xf32, #tpu.memory_space<vmem>>) target(%dma_start3A_117 : memref<10240x128xf32, #tpu.memory_space<vmem_shared>>) offsets(%dma_start3A_114 : memref<128xi32, #tpu.memory_space<vmem>>) semaphore(%arg7 : memref<!tpu.dma_semaphore, #tpu.memory_space<semaphore_mem>>) {add = true}
      %mul3A_118 = arith.constant 8 : i32
      %mul3A_119 = arith.muli %scan3A_107, %mul3A_118 : i32
      %add3A_120 = arith.constant 1 : i32
      %add3A_121 = arith.addi %mul3A_119, %add3A_120 : i32
      %dma_start3A_122 = arith.constant 0 : i32
      %dma_start3A_123 = tpu.memref_slice %arg4[%add3A_121, %dma_start3A_122] : memref<80x128xi32, #tpu.memory_space<vmem>> -> memref<1x128xi32, #tpu.memory_space<vmem>>
      %dma_start3A_124 = tpu.memref_squeeze %dma_start3A_123 : memref<1x128xi32, #tpu.memory_space<vmem>> -> memref<128xi32, #tpu.memory_space<vmem>>
      %dma_start3A_125 = arith.constant 0 : i32
      %dma_start3A_126 = arith.constant 0 : i32
      %dma_start3A_127 = tpu.memref_slice %arg6[%dma_start3A_125, %dma_start3A_126] : memref<10240x128xf32, #tpu.memory_space<vmem_shared>> -> memref<10240x128xf32, #tpu.memory_space<vmem_shared>>
      tpu.enqueue_indirect_dma source(%arg5 : memref<128x128xf32, #tpu.memory_space<vmem>>) target(%dma_start3A_127 : memref<10240x128xf32, #tpu.memory_space<vmem_shared>>) offsets(%dma_start3A_124 : memref<128xi32, #tpu.memory_space<vmem>>) semaphore(%arg7 : memref<!tpu.dma_semaphore, #tpu.memory_space<semaphore_mem>>) {add = true}
      %mul3A_128 = arith.constant 8 : i32
      %mul3A_129 = arith.muli %scan3A_107, %mul3A_128 : i32
      %add3A_130 = arith.constant 2 : i32
      %add3A_131 = arith.addi %mul3A_129, %add3A_130 : i32
      %dma_start3A_132 = arith.constant 0 : i32
      %dma_start3A_133 = tpu.memref_slice %arg4[%add3A_131, %dma_start3A_132] : memref<80x128xi32, #tpu.memory_space<vmem>> -> memref<1x128xi32, #tpu.memory_space<vmem>>
      %dma_start3A_134 = tpu.memref_squeeze %dma_start3A_133 : memref<1x128xi32, #tpu.memory_space<vmem>> -> memref<128xi32, #tpu.memory_space<vmem>>
      %dma_start3A_135 = arith.constant 0 : i32
      %dma_start3A_136 = arith.constant 0 : i32
      %dma_start3A_137 = tpu.memref_slice %arg6[%dma_start3A_135, %dma_start3A_136] : memref<10240x128xf32, #tpu.memory_space<vmem_shared>> -> memref<10240x128xf32, #tpu.memory_space<vmem_shared>>
      tpu.enqueue_indirect_dma source(%arg5 : memref<128x128xf32, #tpu.memory_space<vmem>>) target(%dma_start3A_137 : memref<10240x128xf32, #tpu.memory_space<vmem_shared>>) offsets(%dma_start3A_134 : memref<128xi32, #tpu.memory_space<vmem>>) semaphore(%arg7 : memref<!tpu.dma_semaphore, #tpu.memory_space<semaphore_mem>>) {add = true}
      %mul3A_138 = arith.constant 8 : i32
      %mul3A_139 = arith.muli %scan3A_107, %mul3A_138 : i32
      %add3A_140 = arith.constant 3 : i32
      %add3A_141 = arith.addi %mul3A_139, %add3A_140 : i32
      %dma_start3A_142 = arith.constant 0 : i32
      %dma_start3A_143 = tpu.memref_slice %arg4[%add3A_141, %dma_start3A_142] : memref<80x128xi32, #tpu.memory_space<vmem>> -> memref<1x128xi32, #tpu.memory_space<vmem>>
      %dma_start3A_144 = tpu.memref_squeeze %dma_start3A_143 : memref<1x128xi32, #tpu.memory_space<vmem>> -> memref<128xi32, #tpu.memory_space<vmem>>
      %dma_start3A_145 = arith.constant 0 : i32
      %dma_start3A_146 = arith.constant 0 : i32
      %dma_start3A_147 = tpu.memref_slice %arg6[%dma_start3A_145, %dma_start3A_146] : memref<10240x128xf32, #tpu.memory_space<vmem_shared>> -> memref<10240x128xf32, #tpu.memory_space<vmem_shared>>
      tpu.enqueue_indirect_dma source(%arg5 : memref<128x128xf32, #tpu.memory_space<vmem>>) target(%dma_start3A_147 : memref<10240x128xf32, #tpu.memory_space<vmem_shared>>) offsets(%dma_start3A_144 : memref<128xi32, #tpu.memory_space<vmem>>) semaphore(%arg7 : memref<!tpu.dma_semaphore, #tpu.memory_space<semaphore_mem>>) {add = true}
      %mul3A_148 = arith.constant 8 : i32
      %mul3A_149 = arith.muli %scan3A_107, %mul3A_148 : i32
      %add3A_150 = arith.constant 4 : i32
      %add3A_151 = arith.addi %mul3A_149, %add3A_150 : i32
      %dma_start3A_152 = arith.constant 0 : i32
      %dma_start3A_153 = tpu.memref_slice %arg4[%add3A_151, %dma_start3A_152] : memref<80x128xi32, #tpu.memory_space<vmem>> -> memref<1x128xi32, #tpu.memory_space<vmem>>
      %dma_start3A_154 = tpu.memref_squeeze %dma_start3A_153 : memref<1x128xi32, #tpu.memory_space<vmem>> -> memref<128xi32, #tpu.memory_space<vmem>>
      %dma_start3A_155 = arith.constant 0 : i32
      %dma_start3A_156 = arith.constant 0 : i32
      %dma_start3A_157 = tpu.memref_slice %arg6[%dma_start3A_155, %dma_start3A_156] : memref<10240x128xf32, #tpu.memory_space<vmem_shared>> -> memref<10240x128xf32, #tpu.memory_space<vmem_shared>>
      tpu.enqueue_indirect_dma source(%arg5 : memref<128x128xf32, #tpu.memory_space<vmem>>) target(%dma_start3A_157 : memref<10240x128xf32, #tpu.memory_space<vmem_shared>>) offsets(%dma_start3A_154 : memref<128xi32, #tpu.memory_space<vmem>>) semaphore(%arg7 : memref<!tpu.dma_semaphore, #tpu.memory_space<semaphore_mem>>) {add = true}
      %mul3A_158 = arith.constant 8 : i32
      %mul3A_159 = arith.muli %scan3A_107, %mul3A_158 : i32
      %add3A_160 = arith.constant 5 : i32
      %add3A_161 = arith.addi %mul3A_159, %add3A_160 : i32
      %dma_start3A_162 = arith.constant 0 : i32
      %dma_start3A_163 = tpu.memref_slice %arg4[%add3A_161, %dma_start3A_162] : memref<80x128xi32, #tpu.memory_space<vmem>> -> memref<1x128xi32, #tpu.memory_space<vmem>>
      %dma_start3A_164 = tpu.memref_squeeze %dma_start3A_163 : memref<1x128xi32, #tpu.memory_space<vmem>> -> memref<128xi32, #tpu.memory_space<vmem>>
      %dma_start3A_165 = arith.constant 0 : i32
      %dma_start3A_166 = arith.constant 0 : i32
      %dma_start3A_167 = tpu.memref_slice %arg6[%dma_start3A_165, %dma_start3A_166] : memref<10240x128xf32, #tpu.memory_space<vmem_shared>> -> memref<10240x128xf32, #tpu.memory_space<vmem_shared>>
      tpu.enqueue_indirect_dma source(%arg5 : memref<128x128xf32, #tpu.memory_space<vmem>>) target(%dma_start3A_167 : memref<10240x128xf32, #tpu.memory_space<vmem_shared>>) offsets(%dma_start3A_164 : memref<128xi32, #tpu.memory_space<vmem>>) semaphore(%arg7 : memref<!tpu.dma_semaphore, #tpu.memory_space<semaphore_mem>>) {add = true}
      %mul3A_168 = arith.constant 8 : i32
      %mul3A_169 = arith.muli %scan3A_107, %mul3A_168 : i32
      %add3A_170 = arith.constant 6 : i32
      %add3A_171 = arith.addi %mul3A_169, %add3A_170 : i32
      %dma_start3A_172 = arith.constant 0 : i32
      %dma_start3A_173 = tpu.memref_slice %arg4[%add3A_171, %dma_start3A_172] : memref<80x128xi32, #tpu.memory_space<vmem>> -> memref<1x128xi32, #tpu.memory_space<vmem>>
      %dma_start3A_174 = tpu.memref_squeeze %dma_start3A_173 : memref<1x128xi32, #tpu.memory_space<vmem>> -> memref<128xi32, #tpu.memory_space<vmem>>
      %dma_start3A_175 = arith.constant 0 : i32
      %dma_start3A_176 = arith.constant 0 : i32
      %dma_start3A_177 = tpu.memref_slice %arg6[%dma_start3A_175, %dma_start3A_176] : memref<10240x128xf32, #tpu.memory_space<vmem_shared>> -> memref<10240x128xf32, #tpu.memory_space<vmem_shared>>
      tpu.enqueue_indirect_dma source(%arg5 : memref<128x128xf32, #tpu.memory_space<vmem>>) target(%dma_start3A_177 : memref<10240x128xf32, #tpu.memory_space<vmem_shared>>) offsets(%dma_start3A_174 : memref<128xi32, #tpu.memory_space<vmem>>) semaphore(%arg7 : memref<!tpu.dma_semaphore, #tpu.memory_space<semaphore_mem>>) {add = true}
      %mul3A_178 = arith.constant 8 : i32
      %mul3A_179 = arith.muli %scan3A_107, %mul3A_178 : i32
      %add3A_180 = arith.constant 7 : i32
      %add3A_181 = arith.addi %mul3A_179, %add3A_180 : i32
      %dma_start3A_182 = arith.constant 0 : i32
      %dma_start3A_183 = tpu.memref_slice %arg4[%add3A_181, %dma_start3A_182] : memref<80x128xi32, #tpu.memory_space<vmem>> -> memref<1x128xi32, #tpu.memory_space<vmem>>
      %dma_start3A_184 = tpu.memref_squeeze %dma_start3A_183 : memref<1x128xi32, #tpu.memory_space<vmem>> -> memref<128xi32, #tpu.memory_space<vmem>>
      %dma_start3A_185 = arith.constant 0 : i32
      %dma_start3A_186 = arith.constant 0 : i32
      %dma_start3A_187 = tpu.memref_slice %arg6[%dma_start3A_185, %dma_start3A_186] : memref<10240x128xf32, #tpu.memory_space<vmem_shared>> -> memref<10240x128xf32, #tpu.memory_space<vmem_shared>>
      tpu.enqueue_indirect_dma source(%arg5 : memref<128x128xf32, #tpu.memory_space<vmem>>) target(%dma_start3A_187 : memref<10240x128xf32, #tpu.memory_space<vmem_shared>>) offsets(%dma_start3A_184 : memref<128xi32, #tpu.memory_space<vmem>>) semaphore(%arg7 : memref<!tpu.dma_semaphore, #tpu.memory_space<semaphore_mem>>) {add = true}
      %ge3A = arith.constant 1 : i32
      %ge3A_188 = arith.cmpi sge, %scan3A_107, %ge3A : i32
      %convert_element_type3A = arith.extui %ge3A_188 : i1 to i32
      %cond3A = arith.constant 0 : i32
      %cond3A_189 = arith.cmpi ne, %convert_element_type3A, %cond3A : i32
      scf.if %cond3A_189 {
        %sub3A = arith.constant 1 : i32
        %sub3A_191 = arith.subi %scan3A_107, %sub3A : i32
        %mul3A_192 = arith.constant 8 : i32
        %mul3A_193 = arith.muli %sub3A_191, %mul3A_192 : i32
        %add3A_194 = arith.constant 0 : i32
        %add3A_195 = arith.addi %mul3A_193, %add3A_194 : i32
        %dma_wait3A_196 = arith.constant 0 : i32
        %dma_wait3A_197 = tpu.memref_slice %arg4[%add3A_195, %dma_wait3A_196] : memref<80x128xi32, #tpu.memory_space<vmem>> -> memref<1x128xi32, #tpu.memory_space<vmem>>
        %dma_wait3A_198 = tpu.memref_squeeze %dma_wait3A_197 : memref<1x128xi32, #tpu.memory_space<vmem>> -> memref<128xi32, #tpu.memory_space<vmem>>
        %dma_wait3A_199 = arith.constant 0 : i32
        %dma_wait3A_200 = arith.constant 0 : i32
        %dma_wait3A_201 = tpu.memref_slice %arg6[%dma_wait3A_199, %dma_wait3A_200] : memref<10240x128xf32, #tpu.memory_space<vmem_shared>> -> memref<10240x128xf32, #tpu.memory_space<vmem_shared>>
        tpu.wait_indirect_dma semaphore(%arg7 : memref<!tpu.dma_semaphore, #tpu.memory_space<semaphore_mem>>) src(%arg5 : memref<128x128xf32, #tpu.memory_space<vmem>>) dst(%dma_wait3A_201 : memref<10240x128xf32, #tpu.memory_space<vmem_shared>>)
        %sub3A_202 = arith.constant 1 : i32
        %sub3A_203 = arith.subi %scan3A_107, %sub3A_202 : i32
        %mul3A_204 = arith.constant 8 : i32
        %mul3A_205 = arith.muli %sub3A_203, %mul3A_204 : i32
        %add3A_206 = arith.constant 1 : i32
        %add3A_207 = arith.addi %mul3A_205, %add3A_206 : i32
        %dma_wait3A_208 = arith.constant 0 : i32
        %dma_wait3A_209 = tpu.memref_slice %arg4[%add3A_207, %dma_wait3A_208] : memref<80x128xi32, #tpu.memory_space<vmem>> -> memref<1x128xi32, #tpu.memory_space<vmem>>
        %dma_wait3A_210 = tpu.memref_squeeze %dma_wait3A_209 : memref<1x128xi32, #tpu.memory_space<vmem>> -> memref<128xi32, #tpu.memory_space<vmem>>
        %dma_wait3A_211 = arith.constant 0 : i32
        %dma_wait3A_212 = arith.constant 0 : i32
        %dma_wait3A_213 = tpu.memref_slice %arg6[%dma_wait3A_211, %dma_wait3A_212] : memref<10240x128xf32, #tpu.memory_space<vmem_shared>> -> memref<10240x128xf32, #tpu.memory_space<vmem_shared>>
        tpu.wait_indirect_dma semaphore(%arg7 : memref<!tpu.dma_semaphore, #tpu.memory_space<semaphore_mem>>) src(%arg5 : memref<128x128xf32, #tpu.memory_space<vmem>>) dst(%dma_wait3A_213 : memref<10240x128xf32, #tpu.memory_space<vmem_shared>>)
        %sub3A_214 = arith.constant 1 : i32
        %sub3A_215 = arith.subi %scan3A_107, %sub3A_214 : i32
        %mul3A_216 = arith.constant 8 : i32
        %mul3A_217 = arith.muli %sub3A_215, %mul3A_216 : i32
        %add3A_218 = arith.constant 2 : i32
        %add3A_219 = arith.addi %mul3A_217, %add3A_218 : i32
        %dma_wait3A_220 = arith.constant 0 : i32
        %dma_wait3A_221 = tpu.memref_slice %arg4[%add3A_219, %dma_wait3A_220] : memref<80x128xi32, #tpu.memory_space<vmem>> -> memref<1x128xi32, #tpu.memory_space<vmem>>
        %dma_wait3A_222 = tpu.memref_squeeze %dma_wait3A_221 : memref<1x128xi32, #tpu.memory_space<vmem>> -> memref<128xi32, #tpu.memory_space<vmem>>
        %dma_wait3A_223 = arith.constant 0 : i32
        %dma_wait3A_224 = arith.constant 0 : i32
        %dma_wait3A_225 = tpu.memref_slice %arg6[%dma_wait3A_223, %dma_wait3A_224] : memref<10240x128xf32, #tpu.memory_space<vmem_shared>> -> memref<10240x128xf32, #tpu.memory_space<vmem_shared>>
        tpu.wait_indirect_dma semaphore(%arg7 : memref<!tpu.dma_semaphore, #tpu.memory_space<semaphore_mem>>) src(%arg5 : memref<128x128xf32, #tpu.memory_space<vmem>>) dst(%dma_wait3A_225 : memref<10240x128xf32, #tpu.memory_space<vmem_shared>>)
        %sub3A_226 = arith.constant 1 : i32
        %sub3A_227 = arith.subi %scan3A_107, %sub3A_226 : i32
        %mul3A_228 = arith.constant 8 : i32
        %mul3A_229 = arith.muli %sub3A_227, %mul3A_228 : i32
        %add3A_230 = arith.constant 3 : i32
        %add3A_231 = arith.addi %mul3A_229, %add3A_230 : i32
        %dma_wait3A_232 = arith.constant 0 : i32
        %dma_wait3A_233 = tpu.memref_slice %arg4[%add3A_231, %dma_wait3A_232] : memref<80x128xi32, #tpu.memory_space<vmem>> -> memref<1x128xi32, #tpu.memory_space<vmem>>
        %dma_wait3A_234 = tpu.memref_squeeze %dma_wait3A_233 : memref<1x128xi32, #tpu.memory_space<vmem>> -> memref<128xi32, #tpu.memory_space<vmem>>
        %dma_wait3A_235 = arith.constant 0 : i32
        %dma_wait3A_236 = arith.constant 0 : i32
        %dma_wait3A_237 = tpu.memref_slice %arg6[%dma_wait3A_235, %dma_wait3A_236] : memref<10240x128xf32, #tpu.memory_space<vmem_shared>> -> memref<10240x128xf32, #tpu.memory_space<vmem_shared>>
        tpu.wait_indirect_dma semaphore(%arg7 : memref<!tpu.dma_semaphore, #tpu.memory_space<semaphore_mem>>) src(%arg5 : memref<128x128xf32, #tpu.memory_space<vmem>>) dst(%dma_wait3A_237 : memref<10240x128xf32, #tpu.memory_space<vmem_shared>>)
        %sub3A_238 = arith.constant 1 : i32
        %sub3A_239 = arith.subi %scan3A_107, %sub3A_238 : i32
        %mul3A_240 = arith.constant 8 : i32
        %mul3A_241 = arith.muli %sub3A_239, %mul3A_240 : i32
        %add3A_242 = arith.constant 4 : i32
        %add3A_243 = arith.addi %mul3A_241, %add3A_242 : i32
        %dma_wait3A_244 = arith.constant 0 : i32
        %dma_wait3A_245 = tpu.memref_slice %arg4[%add3A_243, %dma_wait3A_244] : memref<80x128xi32, #tpu.memory_space<vmem>> -> memref<1x128xi32, #tpu.memory_space<vmem>>
        %dma_wait3A_246 = tpu.memref_squeeze %dma_wait3A_245 : memref<1x128xi32, #tpu.memory_space<vmem>> -> memref<128xi32, #tpu.memory_space<vmem>>
        %dma_wait3A_247 = arith.constant 0 : i32
        %dma_wait3A_248 = arith.constant 0 : i32
        %dma_wait3A_249 = tpu.memref_slice %arg6[%dma_wait3A_247, %dma_wait3A_248] : memref<10240x128xf32, #tpu.memory_space<vmem_shared>> -> memref<10240x128xf32, #tpu.memory_space<vmem_shared>>
        tpu.wait_indirect_dma semaphore(%arg7 : memref<!tpu.dma_semaphore, #tpu.memory_space<semaphore_mem>>) src(%arg5 : memref<128x128xf32, #tpu.memory_space<vmem>>) dst(%dma_wait3A_249 : memref<10240x128xf32, #tpu.memory_space<vmem_shared>>)
        %sub3A_250 = arith.constant 1 : i32
        %sub3A_251 = arith.subi %scan3A_107, %sub3A_250 : i32
        %mul3A_252 = arith.constant 8 : i32
        %mul3A_253 = arith.muli %sub3A_251, %mul3A_252 : i32
        %add3A_254 = arith.constant 5 : i32
        %add3A_255 = arith.addi %mul3A_253, %add3A_254 : i32
        %dma_wait3A_256 = arith.constant 0 : i32
        %dma_wait3A_257 = tpu.memref_slice %arg4[%add3A_255, %dma_wait3A_256] : memref<80x128xi32, #tpu.memory_space<vmem>> -> memref<1x128xi32, #tpu.memory_space<vmem>>
        %dma_wait3A_258 = tpu.memref_squeeze %dma_wait3A_257 : memref<1x128xi32, #tpu.memory_space<vmem>> -> memref<128xi32, #tpu.memory_space<vmem>>
        %dma_wait3A_259 = arith.constant 0 : i32
        %dma_wait3A_260 = arith.constant 0 : i32
        %dma_wait3A_261 = tpu.memref_slice %arg6[%dma_wait3A_259, %dma_wait3A_260] : memref<10240x128xf32, #tpu.memory_space<vmem_shared>> -> memref<10240x128xf32, #tpu.memory_space<vmem_shared>>
        tpu.wait_indirect_dma semaphore(%arg7 : memref<!tpu.dma_semaphore, #tpu.memory_space<semaphore_mem>>) src(%arg5 : memref<128x128xf32, #tpu.memory_space<vmem>>) dst(%dma_wait3A_261 : memref<10240x128xf32, #tpu.memory_space<vmem_shared>>)
        %sub3A_262 = arith.constant 1 : i32
        %sub3A_263 = arith.subi %scan3A_107, %sub3A_262 : i32
        %mul3A_264 = arith.constant 8 : i32
        %mul3A_265 = arith.muli %sub3A_263, %mul3A_264 : i32
        %add3A_266 = arith.constant 6 : i32
        %add3A_267 = arith.addi %mul3A_265, %add3A_266 : i32
        %dma_wait3A_268 = arith.constant 0 : i32
        %dma_wait3A_269 = tpu.memref_slice %arg4[%add3A_267, %dma_wait3A_268] : memref<80x128xi32, #tpu.memory_space<vmem>> -> memref<1x128xi32, #tpu.memory_space<vmem>>
        %dma_wait3A_270 = tpu.memref_squeeze %dma_wait3A_269 : memref<1x128xi32, #tpu.memory_space<vmem>> -> memref<128xi32, #tpu.memory_space<vmem>>
        %dma_wait3A_271 = arith.constant 0 : i32
        %dma_wait3A_272 = arith.constant 0 : i32
        %dma_wait3A_273 = tpu.memref_slice %arg6[%dma_wait3A_271, %dma_wait3A_272] : memref<10240x128xf32, #tpu.memory_space<vmem_shared>> -> memref<10240x128xf32, #tpu.memory_space<vmem_shared>>
        tpu.wait_indirect_dma semaphore(%arg7 : memref<!tpu.dma_semaphore, #tpu.memory_space<semaphore_mem>>) src(%arg5 : memref<128x128xf32, #tpu.memory_space<vmem>>) dst(%dma_wait3A_273 : memref<10240x128xf32, #tpu.memory_space<vmem_shared>>)
        %sub3A_274 = arith.constant 1 : i32
        %sub3A_275 = arith.subi %scan3A_107, %sub3A_274 : i32
        %mul3A_276 = arith.constant 8 : i32
        %mul3A_277 = arith.muli %sub3A_275, %mul3A_276 : i32
        %add3A_278 = arith.constant 7 : i32
        %add3A_279 = arith.addi %mul3A_277, %add3A_278 : i32
        %dma_wait3A_280 = arith.constant 0 : i32
        %dma_wait3A_281 = tpu.memref_slice %arg4[%add3A_279, %dma_wait3A_280] : memref<80x128xi32, #tpu.memory_space<vmem>> -> memref<1x128xi32, #tpu.memory_space<vmem>>
        %dma_wait3A_282 = tpu.memref_squeeze %dma_wait3A_281 : memref<1x128xi32, #tpu.memory_space<vmem>> -> memref<128xi32, #tpu.memory_space<vmem>>
        %dma_wait3A_283 = arith.constant 0 : i32
        %dma_wait3A_284 = arith.constant 0 : i32
        %dma_wait3A_285 = tpu.memref_slice %arg6[%dma_wait3A_283, %dma_wait3A_284] : memref<10240x128xf32, #tpu.memory_space<vmem_shared>> -> memref<10240x128xf32, #tpu.memory_space<vmem_shared>>
        tpu.wait_indirect_dma semaphore(%arg7 : memref<!tpu.dma_semaphore, #tpu.memory_space<semaphore_mem>>) src(%arg5 : memref<128x128xf32, #tpu.memory_space<vmem>>) dst(%dma_wait3A_285 : memref<10240x128xf32, #tpu.memory_space<vmem_shared>>)
      } else {
      }
      %scan3A_190 = arith.constant 0 : i32
      scf.yield %scan3A_190 : i32
    }
    %scan3A_43 = arith.constant 10 : i32
    %dma_wait3A = arith.constant 72 : i32
    %dma_wait3A_44 = arith.constant 0 : i32
    %dma_wait3A_45 = tpu.memref_slice %arg4[%dma_wait3A, %dma_wait3A_44] : memref<80x128xi32, #tpu.memory_space<vmem>> -> memref<1x128xi32, #tpu.memory_space<vmem>>
    %dma_wait3A_46 = tpu.memref_squeeze %dma_wait3A_45 : memref<1x128xi32, #tpu.memory_space<vmem>> -> memref<128xi32, #tpu.memory_space<vmem>>
    %dma_wait3A_47 = arith.constant 0 : i32
    %dma_wait3A_48 = arith.constant 0 : i32
    %dma_wait3A_49 = tpu.memref_slice %arg6[%dma_wait3A_47, %dma_wait3A_48] : memref<10240x128xf32, #tpu.memory_space<vmem_shared>> -> memref<10240x128xf32, #tpu.memory_space<vmem_shared>>
    tpu.wait_indirect_dma semaphore(%arg7 : memref<!tpu.dma_semaphore, #tpu.memory_space<semaphore_mem>>) src(%arg5 : memref<128x128xf32, #tpu.memory_space<vmem>>) dst(%dma_wait3A_49 : memref<10240x128xf32, #tpu.memory_space<vmem_shared>>)
    %dma_wait3A_50 = arith.constant 73 : i32
    %dma_wait3A_51 = arith.constant 0 : i32
    %dma_wait3A_52 = tpu.memref_slice %arg4[%dma_wait3A_50, %dma_wait3A_51] : memref<80x128xi32, #tpu.memory_space<vmem>> -> memref<1x128xi32, #tpu.memory_space<vmem>>
    %dma_wait3A_53 = tpu.memref_squeeze %dma_wait3A_52 : memref<1x128xi32, #tpu.memory_space<vmem>> -> memref<128xi32, #tpu.memory_space<vmem>>
    %dma_wait3A_54 = arith.constant 0 : i32
    %dma_wait3A_55 = arith.constant 0 : i32
    %dma_wait3A_56 = tpu.memref_slice %arg6[%dma_wait3A_54, %dma_wait3A_55] : memref<10240x128xf32, #tpu.memory_space<vmem_shared>> -> memref<10240x128xf32, #tpu.memory_space<vmem_shared>>
    tpu.wait_indirect_dma semaphore(%arg7 : memref<!tpu.dma_semaphore, #tpu.memory_space<semaphore_mem>>) src(%arg5 : memref<128x128xf32, #tpu.memory_space<vmem>>) dst(%dma_wait3A_56 : memref<10240x128xf32, #tpu.memory_space<vmem_shared>>)
    %dma_wait3A_57 = arith.constant 74 : i32
    %dma_wait3A_58 = arith.constant 0 : i32
    %dma_wait3A_59 = tpu.memref_slice %arg4[%dma_wait3A_57, %dma_wait3A_58] : memref<80x128xi32, #tpu.memory_space<vmem>> -> memref<1x128xi32, #tpu.memory_space<vmem>>
    %dma_wait3A_60 = tpu.memref_squeeze %dma_wait3A_59 : memref<1x128xi32, #tpu.memory_space<vmem>> -> memref<128xi32, #tpu.memory_space<vmem>>
    %dma_wait3A_61 = arith.constant 0 : i32
    %dma_wait3A_62 = arith.constant 0 : i32
    %dma_wait3A_63 = tpu.memref_slice %arg6[%dma_wait3A_61, %dma_wait3A_62] : memref<10240x128xf32, #tpu.memory_space<vmem_shared>> -> memref<10240x128xf32, #tpu.memory_space<vmem_shared>>
    tpu.wait_indirect_dma semaphore(%arg7 : memref<!tpu.dma_semaphore, #tpu.memory_space<semaphore_mem>>) src(%arg5 : memref<128x128xf32, #tpu.memory_space<vmem>>) dst(%dma_wait3A_63 : memref<10240x128xf32, #tpu.memory_space<vmem_shared>>)
    %dma_wait3A_64 = arith.constant 75 : i32
    %dma_wait3A_65 = arith.constant 0 : i32
    %dma_wait3A_66 = tpu.memref_slice %arg4[%dma_wait3A_64, %dma_wait3A_65] : memref<80x128xi32, #tpu.memory_space<vmem>> -> memref<1x128xi32, #tpu.memory_space<vmem>>
    %dma_wait3A_67 = tpu.memref_squeeze %dma_wait3A_66 : memref<1x128xi32, #tpu.memory_space<vmem>> -> memref<128xi32, #tpu.memory_space<vmem>>
    %dma_wait3A_68 = arith.constant 0 : i32
    %dma_wait3A_69 = arith.constant 0 : i32
    %dma_wait3A_70 = tpu.memref_slice %arg6[%dma_wait3A_68, %dma_wait3A_69] : memref<10240x128xf32, #tpu.memory_space<vmem_shared>> -> memref<10240x128xf32, #tpu.memory_space<vmem_shared>>
    tpu.wait_indirect_dma semaphore(%arg7 : memref<!tpu.dma_semaphore, #tpu.memory_space<semaphore_mem>>) src(%arg5 : memref<128x128xf32, #tpu.memory_space<vmem>>) dst(%dma_wait3A_70 : memref<10240x128xf32, #tpu.memory_space<vmem_shared>>)
    %dma_wait3A_71 = arith.constant 76 : i32
    %dma_wait3A_72 = arith.constant 0 : i32
    %dma_wait3A_73 = tpu.memref_slice %arg4[%dma_wait3A_71, %dma_wait3A_72] : memref<80x128xi32, #tpu.memory_space<vmem>> -> memref<1x128xi32, #tpu.memory_space<vmem>>
    %dma_wait3A_74 = tpu.memref_squeeze %dma_wait3A_73 : memref<1x128xi32, #tpu.memory_space<vmem>> -> memref<128xi32, #tpu.memory_space<vmem>>
    %dma_wait3A_75 = arith.constant 0 : i32
    %dma_wait3A_76 = arith.constant 0 : i32
    %dma_wait3A_77 = tpu.memref_slice %arg6[%dma_wait3A_75, %dma_wait3A_76] : memref<10240x128xf32, #tpu.memory_space<vmem_shared>> -> memref<10240x128xf32, #tpu.memory_space<vmem_shared>>
    tpu.wait_indirect_dma semaphore(%arg7 : memref<!tpu.dma_semaphore, #tpu.memory_space<semaphore_mem>>) src(%arg5 : memref<128x128xf32, #tpu.memory_space<vmem>>) dst(%dma_wait3A_77 : memref<10240x128xf32, #tpu.memory_space<vmem_shared>>)
    %dma_wait3A_78 = arith.constant 77 : i32
    %dma_wait3A_79 = arith.constant 0 : i32
    %dma_wait3A_80 = tpu.memref_slice %arg4[%dma_wait3A_78, %dma_wait3A_79] : memref<80x128xi32, #tpu.memory_space<vmem>> -> memref<1x128xi32, #tpu.memory_space<vmem>>
    %dma_wait3A_81 = tpu.memref_squeeze %dma_wait3A_80 : memref<1x128xi32, #tpu.memory_space<vmem>> -> memref<128xi32, #tpu.memory_space<vmem>>
    %dma_wait3A_82 = arith.constant 0 : i32
    %dma_wait3A_83 = arith.constant 0 : i32
    %dma_wait3A_84 = tpu.memref_slice %arg6[%dma_wait3A_82, %dma_wait3A_83] : memref<10240x128xf32, #tpu.memory_space<vmem_shared>> -> memref<10240x128xf32, #tpu.memory_space<vmem_shared>>
    tpu.wait_indirect_dma semaphore(%arg7 : memref<!tpu.dma_semaphore, #tpu.memory_space<semaphore_mem>>) src(%arg5 : memref<128x128xf32, #tpu.memory_space<vmem>>) dst(%dma_wait3A_84 : memref<10240x128xf32, #tpu.memory_space<vmem_shared>>)
    %dma_wait3A_85 = arith.constant 78 : i32
    %dma_wait3A_86 = arith.constant 0 : i32
    %dma_wait3A_87 = tpu.memref_slice %arg4[%dma_wait3A_85, %dma_wait3A_86] : memref<80x128xi32, #tpu.memory_space<vmem>> -> memref<1x128xi32, #tpu.memory_space<vmem>>
    %dma_wait3A_88 = tpu.memref_squeeze %dma_wait3A_87 : memref<1x128xi32, #tpu.memory_space<vmem>> -> memref<128xi32, #tpu.memory_space<vmem>>
    %dma_wait3A_89 = arith.constant 0 : i32
    %dma_wait3A_90 = arith.constant 0 : i32
    %dma_wait3A_91 = tpu.memref_slice %arg6[%dma_wait3A_89, %dma_wait3A_90] : memref<10240x128xf32, #tpu.memory_space<vmem_shared>> -> memref<10240x128xf32, #tpu.memory_space<vmem_shared>>
    tpu.wait_indirect_dma semaphore(%arg7 : memref<!tpu.dma_semaphore, #tpu.memory_space<semaphore_mem>>) src(%arg5 : memref<128x128xf32, #tpu.memory_space<vmem>>) dst(%dma_wait3A_91 : memref<10240x128xf32, #tpu.memory_space<vmem_shared>>)
    %dma_wait3A_92 = arith.constant 79 : i32
    %dma_wait3A_93 = arith.constant 0 : i32
    %dma_wait3A_94 = tpu.memref_slice %arg4[%dma_wait3A_92, %dma_wait3A_93] : memref<80x128xi32, #tpu.memory_space<vmem>> -> memref<1x128xi32, #tpu.memory_space<vmem>>
    %dma_wait3A_95 = tpu.memref_squeeze %dma_wait3A_94 : memref<1x128xi32, #tpu.memory_space<vmem>> -> memref<128xi32, #tpu.memory_space<vmem>>
    %dma_wait3A_96 = arith.constant 0 : i32
    %dma_wait3A_97 = arith.constant 0 : i32
    %dma_wait3A_98 = tpu.memref_slice %arg6[%dma_wait3A_96, %dma_wait3A_97] : memref<10240x128xf32, #tpu.memory_space<vmem_shared>> -> memref<10240x128xf32, #tpu.memory_space<vmem_shared>>
    tpu.wait_indirect_dma semaphore(%arg7 : memref<!tpu.dma_semaphore, #tpu.memory_space<semaphore_mem>>) src(%arg5 : memref<128x128xf32, #tpu.memory_space<vmem>>) dst(%dma_wait3A_98 : memref<10240x128xf32, #tpu.memory_space<vmem_shared>>)
    %barrier3A_99 = arith.constant 0 : index
    tpu.barrier barrier_id(%barrier3A_99)
    %mul3A_100 = arith.constant 640 : i32
    %mul3A_101 = arith.muli %arg1, %mul3A_100 : i32
    %mul3A_102 = arith.constant 10240 : i32
    %mul3A_103 = arith.muli %arg0, %mul3A_102 : i32
    %mul3A_104 = arith.constant 640 : i32
    %mul3A_105 = arith.muli %arg1, %mul3A_104 : i32
    %add3A_106 = arith.addi %mul3A_103, %mul3A_105 : i32
    "tpu.region"() ({
      %run_scoped3A = tpu.sem_alloc : memref<!tpu.dma_semaphore, #tpu.memory_space<semaphore_mem>>
      %dma_start3A = arith.constant 0 : i32
      %dma_start3A_107 = tpu.memref_slice %arg3[%add3A_106, %dma_start3A] : memref<20480x128xf32, #tpu.memory_space<hbm>> -> memref<640x128xf32, #tpu.memory_space<hbm>>
      %dma_start3A_108 = arith.constant 0 : i32
      %dma_start3A_109 = tpu.memref_slice %arg6[%mul3A_101, %dma_start3A_108] : memref<10240x128xf32, #tpu.memory_space<vmem_shared>> -> memref<640x128xf32, #tpu.memory_space<vmem_shared>>
      tpu.enqueue_dma source(%dma_start3A_109 : memref<640x128xf32, #tpu.memory_space<vmem_shared>>) target(%dma_start3A_107 : memref<640x128xf32, #tpu.memory_space<hbm>>) target_semaphore(%run_scoped3A : memref<!tpu.dma_semaphore, #tpu.memory_space<semaphore_mem>>)
      %dma_wait3A_110 = arith.constant 0 : i32
      %dma_wait3A_111 = tpu.memref_slice %arg3[%add3A_106, %dma_wait3A_110] : memref<20480x128xf32, #tpu.memory_space<hbm>> -> memref<640x128xf32, #tpu.memory_space<hbm>>
      %dma_wait3A_112 = arith.constant 0 : i32
      %dma_wait3A_113 = tpu.memref_slice %arg6[%mul3A_101, %dma_wait3A_112] : memref<10240x128xf32, #tpu.memory_space<vmem_shared>> -> memref<640x128xf32, #tpu.memory_space<vmem_shared>>
      tpu.wait_dma2 semaphore(%run_scoped3A : memref<!tpu.dma_semaphore, #tpu.memory_space<semaphore_mem>>) src(%dma_wait3A_113 : memref<640x128xf32, #tpu.memory_space<vmem_shared>>) dst(%dma_wait3A_111 : memref<640x128xf32, #tpu.memory_space<hbm>>)
      tpu.yield
    }) : () -> ()
    return
  }
}

#map = affine_map<(d0, d1) -> (0, 0)>
#map1 = affine_map<(d0, d1) -> (0, 0, 0, 0)>
#map2 = affine_map<(d0, d1) -> (0, 0, 0)>
module attributes {stable_mosaic.version = 14 : i64} {
  func.func @_scat_body(%arg0: i32, %arg1: i32, %arg2: memref<20480x128xf32, #tpu.memory_space<hbm>>, %arg3: memref<2x32x80x128xi32, #tpu.memory_space<hbm>>, %arg4: memref<32x80x128xi32, #tpu.memory_space<hbm>>, %arg5: memref<20480x128xf32, #tpu.memory_space<hbm>>, %arg6: memref<2x16x128xi32, #tpu.memory_space<vmem>>, %arg7: memref<2x16x128xi32, #tpu.memory_space<vmem>>, %arg8: memref<2x128x128xf32, #tpu.memory_space<vmem>>, %arg9: memref<10240x128xf32, #tpu.memory_space<vmem_shared>>, %arg10: memref<!tpu.dma_semaphore, #tpu.memory_space<semaphore_mem>>, %arg11: memref<!tpu.dma_semaphore, #tpu.memory_space<semaphore_mem>>, %arg12: memref<!tpu.dma_semaphore, #tpu.memory_space<semaphore_mem>>, %arg13: memref<!tpu.dma_semaphore, #tpu.memory_space<semaphore_mem>>, %arg14: memref<!tpu.dma_semaphore, #tpu.memory_space<semaphore_mem>>) attributes {dimension_semantics = [#tpu.dimension_semantics<core_parallel>, #tpu.dimension_semantics<subcore_parallel>], iteration_bounds = array<i64: 2, 16>, scalar_prefetch = 0 : i64, scratch_operands = 9 : i64, tpu.core_type = #tpu.core_type<sc_vector_subcore>, window_params = [{transform_indices = #map}, {transform_indices = #map1}, {transform_indices = #map2}, {transform_indices = #map}]} {
    %broadcast_in_dim3A = arith.constant 0.000000e+00 : f32
    %broadcast_in_dim3A_0 = vector.broadcast %broadcast_in_dim3A : f32 to vector<16xf32>
    %scan3A = arith.constant 0 : i32
    %scan3A_1 = arith.constant 0 : i32
    %scan3A_2 = arith.constant 128 : i32
    %scan3A_3 = arith.addi %scan3A_1, %scan3A_2 : i32
    %scan3A_4 = arith.constant 1 : i32
    %scan3A_5 = scf.for %scan3A_122 = %scan3A_1 to %scan3A_3 step %scan3A_4 iter_args(%scan3A_123 = %scan3A) -> (i32)  : i32 {
      %swap3A = arith.constant 0 : i32
      %swap3A_124 = arith.index_cast %swap3A : i32 to index
      %swap3A_125 = arith.index_cast %scan3A_122 : i32 to index
      %swap3A_126 = arith.constant 0 : index
      %swap3A_127 = tpu.vector_load %arg8[%swap3A_124, %swap3A_125, %swap3A_126] {strides = array<i32>} : memref<2x128x128xf32, #tpu.memory_space<vmem>>, vector<1x1x16xf32>,
      %swap3A_128 = vector.shape_cast %swap3A_127 : vector<1x1x16xf32> to vector<16xf32>
      %swap3A_129 = vector.shape_cast %broadcast_in_dim3A_0 : vector<16xf32> to vector<1x1x16xf32>
      tpu.vector_store %arg8[%swap3A_124, %swap3A_125, %swap3A_126], %swap3A_129 {strides = array<i32>} : memref<2x128x128xf32, #tpu.memory_space<vmem>>, vector<1x1x16xf32>,
      %swap3A_130 = arith.constant 0 : i32
      %swap3A_131 = arith.index_cast %swap3A_130 : i32 to index
      %swap3A_132 = arith.index_cast %scan3A_122 : i32 to index
      %swap3A_133 = arith.constant 16 : index
      %swap3A_134 = tpu.vector_load %arg8[%swap3A_131, %swap3A_132, %swap3A_133] {strides = array<i32>} : memref<2x128x128xf32, #tpu.memory_space<vmem>>, vector<1x1x16xf32>,
      %swap3A_135 = vector.shape_cast %swap3A_134 : vector<1x1x16xf32> to vector<16xf32>
      %swap3A_136 = vector.shape_cast %broadcast_in_dim3A_0 : vector<16xf32> to vector<1x1x16xf32>
      tpu.vector_store %arg8[%swap3A_131, %swap3A_132, %swap3A_133], %swap3A_136 {strides = array<i32>} : memref<2x128x128xf32, #tpu.memory_space<vmem>>, vector<1x1x16xf32>,
      %swap3A_137 = arith.constant 0 : i32
      %swap3A_138 = arith.index_cast %swap3A_137 : i32 to index
      %swap3A_139 = arith.index_cast %scan3A_122 : i32 to index
      %swap3A_140 = arith.constant 32 : index
      %swap3A_141 = tpu.vector_load %arg8[%swap3A_138, %swap3A_139, %swap3A_140] {strides = array<i32>} : memref<2x128x128xf32, #tpu.memory_space<vmem>>, vector<1x1x16xf32>,
      %swap3A_142 = vector.shape_cast %swap3A_141 : vector<1x1x16xf32> to vector<16xf32>
      %swap3A_143 = vector.shape_cast %broadcast_in_dim3A_0 : vector<16xf32> to vector<1x1x16xf32>
      tpu.vector_store %arg8[%swap3A_138, %swap3A_139, %swap3A_140], %swap3A_143 {strides = array<i32>} : memref<2x128x128xf32, #tpu.memory_space<vmem>>, vector<1x1x16xf32>,
      %swap3A_144 = arith.constant 0 : i32
      %swap3A_145 = arith.index_cast %swap3A_144 : i32 to index
      %swap3A_146 = arith.index_cast %scan3A_122 : i32 to index
      %swap3A_147 = arith.constant 48 : index
      %swap3A_148 = tpu.vector_load %arg8[%swap3A_145, %swap3A_146, %swap3A_147] {strides = array<i32>} : memref<2x128x128xf32, #tpu.memory_space<vmem>>, vector<1x1x16xf32>,
      %swap3A_149 = vector.shape_cast %swap3A_148 : vector<1x1x16xf32> to vector<16xf32>
      %swap3A_150 = vector.shape_cast %broadcast_in_dim3A_0 : vector<16xf32> to vector<1x1x16xf32>
      tpu.vector_store %arg8[%swap3A_145, %swap3A_146, %swap3A_147], %swap3A_150 {strides = array<i32>} : memref<2x128x128xf32, #tpu.memory_space<vmem>>, vector<1x1x16xf32>,
      %swap3A_151 = arith.constant 0 : i32
      %swap3A_152 = arith.index_cast %swap3A_151 : i32 to index
      %swap3A_153 = arith.index_cast %scan3A_122 : i32 to index
      %swap3A_154 = arith.constant 64 : index
      %swap3A_155 = tpu.vector_load %arg8[%swap3A_152, %swap3A_153, %swap3A_154] {strides = array<i32>} : memref<2x128x128xf32, #tpu.memory_space<vmem>>, vector<1x1x16xf32>,
      %swap3A_156 = vector.shape_cast %swap3A_155 : vector<1x1x16xf32> to vector<16xf32>
      %swap3A_157 = vector.shape_cast %broadcast_in_dim3A_0 : vector<16xf32> to vector<1x1x16xf32>
      tpu.vector_store %arg8[%swap3A_152, %swap3A_153, %swap3A_154], %swap3A_157 {strides = array<i32>} : memref<2x128x128xf32, #tpu.memory_space<vmem>>, vector<1x1x16xf32>,
      %swap3A_158 = arith.constant 0 : i32
      %swap3A_159 = arith.index_cast %swap3A_158 : i32 to index
      %swap3A_160 = arith.index_cast %scan3A_122 : i32 to index
      %swap3A_161 = arith.constant 80 : index
      %swap3A_162 = tpu.vector_load %arg8[%swap3A_159, %swap3A_160, %swap3A_161] {strides = array<i32>} : memref<2x128x128xf32, #tpu.memory_space<vmem>>, vector<1x1x16xf32>,
      %swap3A_163 = vector.shape_cast %swap3A_162 : vector<1x1x16xf32> to vector<16xf32>
      %swap3A_164 = vector.shape_cast %broadcast_in_dim3A_0 : vector<16xf32> to vector<1x1x16xf32>
      tpu.vector_store %arg8[%swap3A_159, %swap3A_160, %swap3A_161], %swap3A_164 {strides = array<i32>} : memref<2x128x128xf32, #tpu.memory_space<vmem>>, vector<1x1x16xf32>,
      %swap3A_165 = arith.constant 0 : i32
      %swap3A_166 = arith.index_cast %swap3A_165 : i32 to index
      %swap3A_167 = arith.index_cast %scan3A_122 : i32 to index
      %swap3A_168 = arith.constant 96 : index
      %swap3A_169 = tpu.vector_load %arg8[%swap3A_166, %swap3A_167, %swap3A_168] {strides = array<i32>} : memref<2x128x128xf32, #tpu.memory_space<vmem>>, vector<1x1x16xf32>,
      %swap3A_170 = vector.shape_cast %swap3A_169 : vector<1x1x16xf32> to vector<16xf32>
      %swap3A_171 = vector.shape_cast %broadcast_in_dim3A_0 : vector<16xf32> to vector<1x1x16xf32>
      tpu.vector_store %arg8[%swap3A_166, %swap3A_167, %swap3A_168], %swap3A_171 {strides = array<i32>} : memref<2x128x128xf32, #tpu.memory_space<vmem>>, vector<1x1x16xf32>,
      %swap3A_172 = arith.constant 0 : i32
      %swap3A_173 = arith.index_cast %swap3A_172 : i32 to index
      %swap3A_174 = arith.index_cast %scan3A_122 : i32 to index
      %swap3A_175 = arith.constant 112 : index
      %swap3A_176 = tpu.vector_load %arg8[%swap3A_173, %swap3A_174, %swap3A_175] {strides = array<i32>} : memref<2x128x128xf32, #tpu.memory_space<vmem>>, vector<1x1x16xf32>,
      %swap3A_177 = vector.shape_cast %swap3A_176 : vector<1x1x16xf32> to vector<16xf32>
      %swap3A_178 = vector.shape_cast %broadcast_in_dim3A_0 : vector<16xf32> to vector<1x1x16xf32>
      tpu.vector_store %arg8[%swap3A_173, %swap3A_174, %swap3A_175], %swap3A_178 {strides = array<i32>} : memref<2x128x128xf32, #tpu.memory_space<vmem>>, vector<1x1x16xf32>,
      %scan3A_179 = arith.constant 0 : i32
      scf.yield %scan3A_179 : i32
    }
    %scan3A_6 = arith.constant 128 : i32
    %mul3A = arith.constant 640 : i32
    %mul3A_7 = arith.muli %arg1, %mul3A : i32
    %add3A = arith.constant 0 : i32
    %add3A_8 = arith.addi %mul3A_7, %add3A : i32
    %run_scoped3A = arith.constant 0 : i32
    "tpu.region"() ({
      %run_scoped3A_122 = tpu.sem_alloc : memref<!tpu.dma_semaphore, #tpu.memory_space<semaphore_mem>>
      %dma_start3A_123 = arith.constant 0 : i32
      %dma_start3A_124 = arith.constant 0 : i32
      %dma_start3A_125 = tpu.memref_slice %arg8[%run_scoped3A, %dma_start3A_123, %dma_start3A_124] : memref<2x128x128xf32, #tpu.memory_space<vmem>> -> memref<1x128x128xf32, #tpu.memory_space<vmem>>
      %dma_start3A_126 = tpu.memref_squeeze %dma_start3A_125 : memref<1x128x128xf32, #tpu.memory_space<vmem>> -> memref<128x128xf32, #tpu.memory_space<vmem>>
      %dma_start3A_127 = arith.constant 0 : i32
      %dma_start3A_128 = tpu.memref_slice %arg9[%add3A_8, %dma_start3A_127] : memref<10240x128xf32, #tpu.memory_space<vmem_shared>> -> memref<128x128xf32, #tpu.memory_space<vmem_shared>>
      %dma_start3A_129 = arith.constant 0 : i32
      %dma_start3A_130 = tpu.memref_slice %arg9[%add3A_8, %dma_start3A_129] : memref<10240x128xf32, #tpu.memory_space<vmem_shared>> -> memref<128x128xf32, #tpu.memory_space<vmem_shared>>
      %dma_start3A_131 = arith.constant 0 : i32
      %dma_start3A_132 = arith.constant 0 : i32
      %dma_start3A_133 = tpu.memref_slice %arg8[%run_scoped3A, %dma_start3A_131, %dma_start3A_132] : memref<2x128x128xf32, #tpu.memory_space<vmem>> -> memref<1x128x128xf32, #tpu.memory_space<vmem>>
      %dma_start3A_134 = tpu.memref_squeeze %dma_start3A_133 : memref<1x128x128xf32, #tpu.memory_space<vmem>> -> memref<128x128xf32, #tpu.memory_space<vmem>>
      tpu.enqueue_dma source(%dma_start3A_134 : memref<128x128xf32, #tpu.memory_space<vmem>>) target(%dma_start3A_130 : memref<128x128xf32, #tpu.memory_space<vmem_shared>>) target_semaphore(%run_scoped3A_122 : memref<!tpu.dma_semaphore, #tpu.memory_space<semaphore_mem>>)
      %dma_wait3A_135 = arith.constant 0 : i32
      %dma_wait3A_136 = arith.constant 0 : i32
      %dma_wait3A_137 = tpu.memref_slice %arg8[%run_scoped3A, %dma_wait3A_135, %dma_wait3A_136] : memref<2x128x128xf32, #tpu.memory_space<vmem>> -> memref<1x128x128xf32, #tpu.memory_space<vmem>>
      %dma_wait3A_138 = tpu.memref_squeeze %dma_wait3A_137 : memref<1x128x128xf32, #tpu.memory_space<vmem>> -> memref<128x128xf32, #tpu.memory_space<vmem>>
      %dma_wait3A_139 = arith.constant 0 : i32
      %dma_wait3A_140 = tpu.memref_slice %arg9[%add3A_8, %dma_wait3A_139] : memref<10240x128xf32, #tpu.memory_space<vmem_shared>> -> memref<128x128xf32, #tpu.memory_space<vmem_shared>>
      %dma_wait3A_141 = arith.constant 0 : i32
      %dma_wait3A_142 = tpu.memref_slice %arg9[%add3A_8, %dma_wait3A_141] : memref<10240x128xf32, #tpu.memory_space<vmem_shared>> -> memref<128x128xf32, #tpu.memory_space<vmem_shared>>
      %dma_wait3A_143 = arith.constant 0 : i32
      %dma_wait3A_144 = arith.constant 0 : i32
      %dma_wait3A_145 = tpu.memref_slice %arg8[%run_scoped3A, %dma_wait3A_143, %dma_wait3A_144] : memref<2x128x128xf32, #tpu.memory_space<vmem>> -> memref<1x128x128xf32, #tpu.memory_space<vmem>>
      %dma_wait3A_146 = tpu.memref_squeeze %dma_wait3A_145 : memref<1x128x128xf32, #tpu.memory_space<vmem>> -> memref<128x128xf32, #tpu.memory_space<vmem>>
      tpu.wait_dma2 semaphore(%run_scoped3A_122 : memref<!tpu.dma_semaphore, #tpu.memory_space<semaphore_mem>>) src(%dma_wait3A_146 : memref<128x128xf32, #tpu.memory_space<vmem>>) dst(%dma_wait3A_142 : memref<128x128xf32, #tpu.memory_space<vmem_shared>>)
      tpu.yield
    }) : () -> ()
    %mul3A_9 = arith.constant 640 : i32
    %mul3A_10 = arith.muli %arg1, %mul3A_9 : i32
    %add3A_11 = arith.constant 128 : i32
    %add3A_12 = arith.addi %mul3A_10, %add3A_11 : i32
    %run_scoped3A_13 = arith.constant 0 : i32
    "tpu.region"() ({
      %run_scoped3A_122 = tpu.sem_alloc : memref<!tpu.dma_semaphore, #tpu.memory_space<semaphore_mem>>
      %dma_start3A_123 = arith.constant 0 : i32
      %dma_start3A_124 = arith.constant 0 : i32
      %dma_start3A_125 = tpu.memref_slice %arg8[%run_scoped3A_13, %dma_start3A_123, %dma_start3A_124] : memref<2x128x128xf32, #tpu.memory_space<vmem>> -> memref<1x128x128xf32, #tpu.memory_space<vmem>>
      %dma_start3A_126 = tpu.memref_squeeze %dma_start3A_125 : memref<1x128x128xf32, #tpu.memory_space<vmem>> -> memref<128x128xf32, #tpu.memory_space<vmem>>
      %dma_start3A_127 = arith.constant 0 : i32
      %dma_start3A_128 = tpu.memref_slice %arg9[%add3A_12, %dma_start3A_127] : memref<10240x128xf32, #tpu.memory_space<vmem_shared>> -> memref<128x128xf32, #tpu.memory_space<vmem_shared>>
      %dma_start3A_129 = arith.constant 0 : i32
      %dma_start3A_130 = tpu.memref_slice %arg9[%add3A_12, %dma_start3A_129] : memref<10240x128xf32, #tpu.memory_space<vmem_shared>> -> memref<128x128xf32, #tpu.memory_space<vmem_shared>>
      %dma_start3A_131 = arith.constant 0 : i32
      %dma_start3A_132 = arith.constant 0 : i32
      %dma_start3A_133 = tpu.memref_slice %arg8[%run_scoped3A_13, %dma_start3A_131, %dma_start3A_132] : memref<2x128x128xf32, #tpu.memory_space<vmem>> -> memref<1x128x128xf32, #tpu.memory_space<vmem>>
      %dma_start3A_134 = tpu.memref_squeeze %dma_start3A_133 : memref<1x128x128xf32, #tpu.memory_space<vmem>> -> memref<128x128xf32, #tpu.memory_space<vmem>>
      tpu.enqueue_dma source(%dma_start3A_134 : memref<128x128xf32, #tpu.memory_space<vmem>>) target(%dma_start3A_130 : memref<128x128xf32, #tpu.memory_space<vmem_shared>>) target_semaphore(%run_scoped3A_122 : memref<!tpu.dma_semaphore, #tpu.memory_space<semaphore_mem>>)
      %dma_wait3A_135 = arith.constant 0 : i32
      %dma_wait3A_136 = arith.constant 0 : i32
      %dma_wait3A_137 = tpu.memref_slice %arg8[%run_scoped3A_13, %dma_wait3A_135, %dma_wait3A_136] : memref<2x128x128xf32, #tpu.memory_space<vmem>> -> memref<1x128x128xf32, #tpu.memory_space<vmem>>
      %dma_wait3A_138 = tpu.memref_squeeze %dma_wait3A_137 : memref<1x128x128xf32, #tpu.memory_space<vmem>> -> memref<128x128xf32, #tpu.memory_space<vmem>>
      %dma_wait3A_139 = arith.constant 0 : i32
      %dma_wait3A_140 = tpu.memref_slice %arg9[%add3A_12, %dma_wait3A_139] : memref<10240x128xf32, #tpu.memory_space<vmem_shared>> -> memref<128x128xf32, #tpu.memory_space<vmem_shared>>
      %dma_wait3A_141 = arith.constant 0 : i32
      %dma_wait3A_142 = tpu.memref_slice %arg9[%add3A_12, %dma_wait3A_141] : memref<10240x128xf32, #tpu.memory_space<vmem_shared>> -> memref<128x128xf32, #tpu.memory_space<vmem_shared>>
      %dma_wait3A_143 = arith.constant 0 : i32
      %dma_wait3A_144 = arith.constant 0 : i32
      %dma_wait3A_145 = tpu.memref_slice %arg8[%run_scoped3A_13, %dma_wait3A_143, %dma_wait3A_144] : memref<2x128x128xf32, #tpu.memory_space<vmem>> -> memref<1x128x128xf32, #tpu.memory_space<vmem>>
      %dma_wait3A_146 = tpu.memref_squeeze %dma_wait3A_145 : memref<1x128x128xf32, #tpu.memory_space<vmem>> -> memref<128x128xf32, #tpu.memory_space<vmem>>
      tpu.wait_dma2 semaphore(%run_scoped3A_122 : memref<!tpu.dma_semaphore, #tpu.memory_space<semaphore_mem>>) src(%dma_wait3A_146 : memref<128x128xf32, #tpu.memory_space<vmem>>) dst(%dma_wait3A_142 : memref<128x128xf32, #tpu.memory_space<vmem_shared>>)
      tpu.yield
    }) : () -> ()
    %mul3A_14 = arith.constant 640 : i32
    %mul3A_15 = arith.muli %arg1, %mul3A_14 : i32
    %add3A_16 = arith.constant 256 : i32
    %add3A_17 = arith.addi %mul3A_15, %add3A_16 : i32
    %run_scoped3A_18 = arith.constant 0 : i32
    "tpu.region"() ({
      %run_scoped3A_122 = tpu.sem_alloc : memref<!tpu.dma_semaphore, #tpu.memory_space<semaphore_mem>>
      %dma_start3A_123 = arith.constant 0 : i32
      %dma_start3A_124 = arith.constant 0 : i32
      %dma_start3A_125 = tpu.memref_slice %arg8[%run_scoped3A_18, %dma_start3A_123, %dma_start3A_124] : memref<2x128x128xf32, #tpu.memory_space<vmem>> -> memref<1x128x128xf32, #tpu.memory_space<vmem>>
      %dma_start3A_126 = tpu.memref_squeeze %dma_start3A_125 : memref<1x128x128xf32, #tpu.memory_space<vmem>> -> memref<128x128xf32, #tpu.memory_space<vmem>>
      %dma_start3A_127 = arith.constant 0 : i32
      %dma_start3A_128 = tpu.memref_slice %arg9[%add3A_17, %dma_start3A_127] : memref<10240x128xf32, #tpu.memory_space<vmem_shared>> -> memref<128x128xf32, #tpu.memory_space<vmem_shared>>
      %dma_start3A_129 = arith.constant 0 : i32
      %dma_start3A_130 = tpu.memref_slice %arg9[%add3A_17, %dma_start3A_129] : memref<10240x128xf32, #tpu.memory_space<vmem_shared>> -> memref<128x128xf32, #tpu.memory_space<vmem_shared>>
      %dma_start3A_131 = arith.constant 0 : i32
      %dma_start3A_132 = arith.constant 0 : i32
      %dma_start3A_133 = tpu.memref_slice %arg8[%run_scoped3A_18, %dma_start3A_131, %dma_start3A_132] : memref<2x128x128xf32, #tpu.memory_space<vmem>> -> memref<1x128x128xf32, #tpu.memory_space<vmem>>
      %dma_start3A_134 = tpu.memref_squeeze %dma_start3A_133 : memref<1x128x128xf32, #tpu.memory_space<vmem>> -> memref<128x128xf32, #tpu.memory_space<vmem>>
      tpu.enqueue_dma source(%dma_start3A_134 : memref<128x128xf32, #tpu.memory_space<vmem>>) target(%dma_start3A_130 : memref<128x128xf32, #tpu.memory_space<vmem_shared>>) target_semaphore(%run_scoped3A_122 : memref<!tpu.dma_semaphore, #tpu.memory_space<semaphore_mem>>)
      %dma_wait3A_135 = arith.constant 0 : i32
      %dma_wait3A_136 = arith.constant 0 : i32
      %dma_wait3A_137 = tpu.memref_slice %arg8[%run_scoped3A_18, %dma_wait3A_135, %dma_wait3A_136] : memref<2x128x128xf32, #tpu.memory_space<vmem>> -> memref<1x128x128xf32, #tpu.memory_space<vmem>>
      %dma_wait3A_138 = tpu.memref_squeeze %dma_wait3A_137 : memref<1x128x128xf32, #tpu.memory_space<vmem>> -> memref<128x128xf32, #tpu.memory_space<vmem>>
      %dma_wait3A_139 = arith.constant 0 : i32
      %dma_wait3A_140 = tpu.memref_slice %arg9[%add3A_17, %dma_wait3A_139] : memref<10240x128xf32, #tpu.memory_space<vmem_shared>> -> memref<128x128xf32, #tpu.memory_space<vmem_shared>>
      %dma_wait3A_141 = arith.constant 0 : i32
      %dma_wait3A_142 = tpu.memref_slice %arg9[%add3A_17, %dma_wait3A_141] : memref<10240x128xf32, #tpu.memory_space<vmem_shared>> -> memref<128x128xf32, #tpu.memory_space<vmem_shared>>
      %dma_wait3A_143 = arith.constant 0 : i32
      %dma_wait3A_144 = arith.constant 0 : i32
      %dma_wait3A_145 = tpu.memref_slice %arg8[%run_scoped3A_18, %dma_wait3A_143, %dma_wait3A_144] : memref<2x128x128xf32, #tpu.memory_space<vmem>> -> memref<1x128x128xf32, #tpu.memory_space<vmem>>
      %dma_wait3A_146 = tpu.memref_squeeze %dma_wait3A_145 : memref<1x128x128xf32, #tpu.memory_space<vmem>> -> memref<128x128xf32, #tpu.memory_space<vmem>>
      tpu.wait_dma2 semaphore(%run_scoped3A_122 : memref<!tpu.dma_semaphore, #tpu.memory_space<semaphore_mem>>) src(%dma_wait3A_146 : memref<128x128xf32, #tpu.memory_space<vmem>>) dst(%dma_wait3A_142 : memref<128x128xf32, #tpu.memory_space<vmem_shared>>)
      tpu.yield
    }) : () -> ()
    %mul3A_19 = arith.constant 640 : i32
    %mul3A_20 = arith.muli %arg1, %mul3A_19 : i32
    %add3A_21 = arith.constant 384 : i32
    %add3A_22 = arith.addi %mul3A_20, %add3A_21 : i32
    %run_scoped3A_23 = arith.constant 0 : i32
    "tpu.region"() ({
      %run_scoped3A_122 = tpu.sem_alloc : memref<!tpu.dma_semaphore, #tpu.memory_space<semaphore_mem>>
      %dma_start3A_123 = arith.constant 0 : i32
      %dma_start3A_124 = arith.constant 0 : i32
      %dma_start3A_125 = tpu.memref_slice %arg8[%run_scoped3A_23, %dma_start3A_123, %dma_start3A_124] : memref<2x128x128xf32, #tpu.memory_space<vmem>> -> memref<1x128x128xf32, #tpu.memory_space<vmem>>
      %dma_start3A_126 = tpu.memref_squeeze %dma_start3A_125 : memref<1x128x128xf32, #tpu.memory_space<vmem>> -> memref<128x128xf32, #tpu.memory_space<vmem>>
      %dma_start3A_127 = arith.constant 0 : i32
      %dma_start3A_128 = tpu.memref_slice %arg9[%add3A_22, %dma_start3A_127] : memref<10240x128xf32, #tpu.memory_space<vmem_shared>> -> memref<128x128xf32, #tpu.memory_space<vmem_shared>>
      %dma_start3A_129 = arith.constant 0 : i32
      %dma_start3A_130 = tpu.memref_slice %arg9[%add3A_22, %dma_start3A_129] : memref<10240x128xf32, #tpu.memory_space<vmem_shared>> -> memref<128x128xf32, #tpu.memory_space<vmem_shared>>
      %dma_start3A_131 = arith.constant 0 : i32
      %dma_start3A_132 = arith.constant 0 : i32
      %dma_start3A_133 = tpu.memref_slice %arg8[%run_scoped3A_23, %dma_start3A_131, %dma_start3A_132] : memref<2x128x128xf32, #tpu.memory_space<vmem>> -> memref<1x128x128xf32, #tpu.memory_space<vmem>>
      %dma_start3A_134 = tpu.memref_squeeze %dma_start3A_133 : memref<1x128x128xf32, #tpu.memory_space<vmem>> -> memref<128x128xf32, #tpu.memory_space<vmem>>
      tpu.enqueue_dma source(%dma_start3A_134 : memref<128x128xf32, #tpu.memory_space<vmem>>) target(%dma_start3A_130 : memref<128x128xf32, #tpu.memory_space<vmem_shared>>) target_semaphore(%run_scoped3A_122 : memref<!tpu.dma_semaphore, #tpu.memory_space<semaphore_mem>>)
      %dma_wait3A_135 = arith.constant 0 : i32
      %dma_wait3A_136 = arith.constant 0 : i32
      %dma_wait3A_137 = tpu.memref_slice %arg8[%run_scoped3A_23, %dma_wait3A_135, %dma_wait3A_136] : memref<2x128x128xf32, #tpu.memory_space<vmem>> -> memref<1x128x128xf32, #tpu.memory_space<vmem>>
      %dma_wait3A_138 = tpu.memref_squeeze %dma_wait3A_137 : memref<1x128x128xf32, #tpu.memory_space<vmem>> -> memref<128x128xf32, #tpu.memory_space<vmem>>
      %dma_wait3A_139 = arith.constant 0 : i32
      %dma_wait3A_140 = tpu.memref_slice %arg9[%add3A_22, %dma_wait3A_139] : memref<10240x128xf32, #tpu.memory_space<vmem_shared>> -> memref<128x128xf32, #tpu.memory_space<vmem_shared>>
      %dma_wait3A_141 = arith.constant 0 : i32
      %dma_wait3A_142 = tpu.memref_slice %arg9[%add3A_22, %dma_wait3A_141] : memref<10240x128xf32, #tpu.memory_space<vmem_shared>> -> memref<128x128xf32, #tpu.memory_space<vmem_shared>>
      %dma_wait3A_143 = arith.constant 0 : i32
      %dma_wait3A_144 = arith.constant 0 : i32
      %dma_wait3A_145 = tpu.memref_slice %arg8[%run_scoped3A_23, %dma_wait3A_143, %dma_wait3A_144] : memref<2x128x128xf32, #tpu.memory_space<vmem>> -> memref<1x128x128xf32, #tpu.memory_space<vmem>>
      %dma_wait3A_146 = tpu.memref_squeeze %dma_wait3A_145 : memref<1x128x128xf32, #tpu.memory_space<vmem>> -> memref<128x128xf32, #tpu.memory_space<vmem>>
      tpu.wait_dma2 semaphore(%run_scoped3A_122 : memref<!tpu.dma_semaphore, #tpu.memory_space<semaphore_mem>>) src(%dma_wait3A_146 : memref<128x128xf32, #tpu.memory_space<vmem>>) dst(%dma_wait3A_142 : memref<128x128xf32, #tpu.memory_space<vmem_shared>>)
      tpu.yield
    }) : () -> ()
    %mul3A_24 = arith.constant 640 : i32
    %mul3A_25 = arith.muli %arg1, %mul3A_24 : i32
    %add3A_26 = arith.constant 512 : i32
    %add3A_27 = arith.addi %mul3A_25, %add3A_26 : i32
    %run_scoped3A_28 = arith.constant 0 : i32
    "tpu.region"() ({
      %run_scoped3A_122 = tpu.sem_alloc : memref<!tpu.dma_semaphore, #tpu.memory_space<semaphore_mem>>
      %dma_start3A_123 = arith.constant 0 : i32
      %dma_start3A_124 = arith.constant 0 : i32
      %dma_start3A_125 = tpu.memref_slice %arg8[%run_scoped3A_28, %dma_start3A_123, %dma_start3A_124] : memref<2x128x128xf32, #tpu.memory_space<vmem>> -> memref<1x128x128xf32, #tpu.memory_space<vmem>>
      %dma_start3A_126 = tpu.memref_squeeze %dma_start3A_125 : memref<1x128x128xf32, #tpu.memory_space<vmem>> -> memref<128x128xf32, #tpu.memory_space<vmem>>
      %dma_start3A_127 = arith.constant 0 : i32
      %dma_start3A_128 = tpu.memref_slice %arg9[%add3A_27, %dma_start3A_127] : memref<10240x128xf32, #tpu.memory_space<vmem_shared>> -> memref<128x128xf32, #tpu.memory_space<vmem_shared>>
      %dma_start3A_129 = arith.constant 0 : i32
      %dma_start3A_130 = tpu.memref_slice %arg9[%add3A_27, %dma_start3A_129] : memref<10240x128xf32, #tpu.memory_space<vmem_shared>> -> memref<128x128xf32, #tpu.memory_space<vmem_shared>>
      %dma_start3A_131 = arith.constant 0 : i32
      %dma_start3A_132 = arith.constant 0 : i32
      %dma_start3A_133 = tpu.memref_slice %arg8[%run_scoped3A_28, %dma_start3A_131, %dma_start3A_132] : memref<2x128x128xf32, #tpu.memory_space<vmem>> -> memref<1x128x128xf32, #tpu.memory_space<vmem>>
      %dma_start3A_134 = tpu.memref_squeeze %dma_start3A_133 : memref<1x128x128xf32, #tpu.memory_space<vmem>> -> memref<128x128xf32, #tpu.memory_space<vmem>>
      tpu.enqueue_dma source(%dma_start3A_134 : memref<128x128xf32, #tpu.memory_space<vmem>>) target(%dma_start3A_130 : memref<128x128xf32, #tpu.memory_space<vmem_shared>>) target_semaphore(%run_scoped3A_122 : memref<!tpu.dma_semaphore, #tpu.memory_space<semaphore_mem>>)
      %dma_wait3A_135 = arith.constant 0 : i32
      %dma_wait3A_136 = arith.constant 0 : i32
      %dma_wait3A_137 = tpu.memref_slice %arg8[%run_scoped3A_28, %dma_wait3A_135, %dma_wait3A_136] : memref<2x128x128xf32, #tpu.memory_space<vmem>> -> memref<1x128x128xf32, #tpu.memory_space<vmem>>
      %dma_wait3A_138 = tpu.memref_squeeze %dma_wait3A_137 : memref<1x128x128xf32, #tpu.memory_space<vmem>> -> memref<128x128xf32, #tpu.memory_space<vmem>>
      %dma_wait3A_139 = arith.constant 0 : i32
      %dma_wait3A_140 = tpu.memref_slice %arg9[%add3A_27, %dma_wait3A_139] : memref<10240x128xf32, #tpu.memory_space<vmem_shared>> -> memref<128x128xf32, #tpu.memory_space<vmem_shared>>
      %dma_wait3A_141 = arith.constant 0 : i32
      %dma_wait3A_142 = tpu.memref_slice %arg9[%add3A_27, %dma_wait3A_141] : memref<10240x128xf32, #tpu.memory_space<vmem_shared>> -> memref<128x128xf32, #tpu.memory_space<vmem_shared>>
      %dma_wait3A_143 = arith.constant 0 : i32
      %dma_wait3A_144 = arith.constant 0 : i32
      %dma_wait3A_145 = tpu.memref_slice %arg8[%run_scoped3A_28, %dma_wait3A_143, %dma_wait3A_144] : memref<2x128x128xf32, #tpu.memory_space<vmem>> -> memref<1x128x128xf32, #tpu.memory_space<vmem>>
      %dma_wait3A_146 = tpu.memref_squeeze %dma_wait3A_145 : memref<1x128x128xf32, #tpu.memory_space<vmem>> -> memref<128x128xf32, #tpu.memory_space<vmem>>
      tpu.wait_dma2 semaphore(%run_scoped3A_122 : memref<!tpu.dma_semaphore, #tpu.memory_space<semaphore_mem>>) src(%dma_wait3A_146 : memref<128x128xf32, #tpu.memory_space<vmem>>) dst(%dma_wait3A_142 : memref<128x128xf32, #tpu.memory_space<vmem_shared>>)
      tpu.yield
    }) : () -> ()
    %barrier3A = arith.constant 0 : index
    tpu.barrier barrier_id(%barrier3A)
    %mul3A_29 = arith.constant 2 : i32
    %mul3A_30 = arith.muli %arg1, %mul3A_29 : i32
    %add3A_31 = arith.constant 0 : i32
    %add3A_32 = arith.addi %mul3A_30, %add3A_31 : i32
    %dma_start3A = arith.constant 0 : i32
    %dma_start3A_33 = arith.constant 0 : i32
    %dma_start3A_34 = arith.constant 0 : i32
    %dma_start3A_35 = tpu.memref_slice %arg6[%dma_start3A, %dma_start3A_33, %dma_start3A_34] : memref<2x16x128xi32, #tpu.memory_space<vmem>> -> memref<1x16x128xi32, #tpu.memory_space<vmem>>
    %dma_start3A_36 = tpu.memref_squeeze %dma_start3A_35 : memref<1x16x128xi32, #tpu.memory_space<vmem>> -> memref<16x128xi32, #tpu.memory_space<vmem>>
    %dma_start3A_37 = arith.constant 0 : i32
    %dma_start3A_38 = arith.constant 0 : i32
    %dma_start3A_39 = tpu.memref_slice %arg3[%arg0, %add3A_32, %dma_start3A_37, %dma_start3A_38] : memref<2x32x80x128xi32, #tpu.memory_space<hbm>> -> memref<1x1x16x128xi32, #tpu.memory_space<hbm>>
    %dma_start3A_40 = tpu.memref_squeeze %dma_start3A_39 : memref<1x1x16x128xi32, #tpu.memory_space<hbm>> -> memref<16x128xi32, #tpu.memory_space<hbm>>
    %dma_start3A_41 = arith.constant 0 : i32
    %dma_start3A_42 = arith.constant 0 : i32
    %dma_start3A_43 = tpu.memref_slice %arg6[%dma_start3A, %dma_start3A_41, %dma_start3A_42] : memref<2x16x128xi32, #tpu.memory_space<vmem>> -> memref<1x16x128xi32, #tpu.memory_space<vmem>>
    %dma_start3A_44 = tpu.memref_squeeze %dma_start3A_43 : memref<1x16x128xi32, #tpu.memory_space<vmem>> -> memref<16x128xi32, #tpu.memory_space<vmem>>
    %dma_start3A_45 = arith.constant 0 : i32
    %dma_start3A_46 = arith.constant 0 : i32
    %dma_start3A_47 = tpu.memref_slice %arg3[%arg0, %add3A_32, %dma_start3A_45, %dma_start3A_46] : memref<2x32x80x128xi32, #tpu.memory_space<hbm>> -> memref<1x1x16x128xi32, #tpu.memory_space<hbm>>
    %dma_start3A_48 = tpu.memref_squeeze %dma_start3A_47 : memref<1x1x16x128xi32, #tpu.memory_space<hbm>> -> memref<16x128xi32, #tpu.memory_space<hbm>>
    tpu.enqueue_dma source(%dma_start3A_48 : memref<16x128xi32, #tpu.memory_space<hbm>>) target(%dma_start3A_44 : memref<16x128xi32, #tpu.memory_space<vmem>>) target_semaphore(%arg14 : memref<!tpu.dma_semaphore, #tpu.memory_space<semaphore_mem>>)
    %mul3A_49 = arith.constant 2 : i32
    %mul3A_50 = arith.muli %arg1, %mul3A_49 : i32
    %add3A_51 = arith.constant 0 : i32
    %add3A_52 = arith.addi %mul3A_50, %add3A_51 : i32
    %dma_start3A_53 = arith.constant 0 : i32
    %dma_start3A_54 = arith.constant 0 : i32
    %dma_start3A_55 = arith.constant 0 : i32
    %dma_start3A_56 = tpu.memref_slice %arg7[%dma_start3A_53, %dma_start3A_54, %dma_start3A_55] : memref<2x16x128xi32, #tpu.memory_space<vmem>> -> memref<1x16x128xi32, #tpu.memory_space<vmem>>
    %dma_start3A_57 = tpu.memref_squeeze %dma_start3A_56 : memref<1x16x128xi32, #tpu.memory_space<vmem>> -> memref<16x128xi32, #tpu.memory_space<vmem>>
    %dma_start3A_58 = arith.constant 0 : i32
    %dma_start3A_59 = arith.constant 0 : i32
    %dma_start3A_60 = tpu.memref_slice %arg4[%add3A_52, %dma_start3A_58, %dma_start3A_59] : memref<32x80x128xi32, #tpu.memory_space<hbm>> -> memref<1x16x128xi32, #tpu.memory_space<hbm>>
    %dma_start3A_61 = tpu.memref_squeeze %dma_start3A_60 : memref<1x16x128xi32, #tpu.memory_space<hbm>> -> memref<16x128xi32, #tpu.memory_space<hbm>>
    %dma_start3A_62 = arith.constant 0 : i32
    %dma_start3A_63 = arith.constant 0 : i32
    %dma_start3A_64 = tpu.memref_slice %arg7[%dma_start3A_53, %dma_start3A_62, %dma_start3A_63] : memref<2x16x128xi32, #tpu.memory_space<vmem>> -> memref<1x16x128xi32, #tpu.memory_space<vmem>>
    %dma_start3A_65 = tpu.memref_squeeze %dma_start3A_64 : memref<1x16x128xi32, #tpu.memory_space<vmem>> -> memref<16x128xi32, #tpu.memory_space<vmem>>
    %dma_start3A_66 = arith.constant 0 : i32
    %dma_start3A_67 = arith.constant 0 : i32
    %dma_start3A_68 = tpu.memref_slice %arg4[%add3A_52, %dma_start3A_66, %dma_start3A_67] : memref<32x80x128xi32, #tpu.memory_space<hbm>> -> memref<1x16x128xi32, #tpu.memory_space<hbm>>
    %dma_start3A_69 = tpu.memref_squeeze %dma_start3A_68 : memref<1x16x128xi32, #tpu.memory_space<hbm>> -> memref<16x128xi32, #tpu.memory_space<hbm>>
    tpu.enqueue_dma source(%dma_start3A_69 : memref<16x128xi32, #tpu.memory_space<hbm>>) target(%dma_start3A_65 : memref<16x128xi32, #tpu.memory_space<vmem>>) target_semaphore(%arg14 : memref<!tpu.dma_semaphore, #tpu.memory_space<semaphore_mem>>)
    %dma_wait3A = arith.constant 0 : i32
    %dma_wait3A_70 = arith.constant 0 : i32
    %dma_wait3A_71 = arith.constant 0 : i32
    %dma_wait3A_72 = arith.constant 0 : i32
    %dma_wait3A_73 = tpu.memref_slice %arg6[%dma_wait3A_70, %dma_wait3A_71, %dma_wait3A_72] : memref<2x16x128xi32, #tpu.memory_space<vmem>> -> memref<1x16x128xi32, #tpu.memory_space<vmem>>
    %dma_wait3A_74 = tpu.memref_squeeze %dma_wait3A_73 : memref<1x16x128xi32, #tpu.memory_space<vmem>> -> memref<16x128xi32, #tpu.memory_space<vmem>>
    %dma_wait3A_75 = arith.constant 0 : i32
    %dma_wait3A_76 = arith.constant 0 : i32
    %dma_wait3A_77 = tpu.memref_slice %arg4[%dma_wait3A, %dma_wait3A_75, %dma_wait3A_76] : memref<32x80x128xi32, #tpu.memory_space<hbm>> -> memref<1x16x128xi32, #tpu.memory_space<hbm>>
    %dma_wait3A_78 = tpu.memref_squeeze %dma_wait3A_77 : memref<1x16x128xi32, #tpu.memory_space<hbm>> -> memref<16x128xi32, #tpu.memory_space<hbm>>
    %dma_wait3A_79 = arith.constant 0 : i32
    %dma_wait3A_80 = arith.constant 0 : i32
    %dma_wait3A_81 = tpu.memref_slice %arg6[%dma_wait3A_70, %dma_wait3A_79, %dma_wait3A_80] : memref<2x16x128xi32, #tpu.memory_space<vmem>> -> memref<1x16x128xi32, #tpu.memory_space<vmem>>
    %dma_wait3A_82 = tpu.memref_squeeze %dma_wait3A_81 : memref<1x16x128xi32, #tpu.memory_space<vmem>> -> memref<16x128xi32, #tpu.memory_space<vmem>>
    %dma_wait3A_83 = arith.constant 0 : i32
    %dma_wait3A_84 = arith.constant 0 : i32
    %dma_wait3A_85 = tpu.memref_slice %arg4[%dma_wait3A, %dma_wait3A_83, %dma_wait3A_84] : memref<32x80x128xi32, #tpu.memory_space<hbm>> -> memref<1x16x128xi32, #tpu.memory_space<hbm>>
    %dma_wait3A_86 = tpu.memref_squeeze %dma_wait3A_85 : memref<1x16x128xi32, #tpu.memory_space<hbm>> -> memref<16x128xi32, #tpu.memory_space<hbm>>
    tpu.wait_dma2 semaphore(%arg14 : memref<!tpu.dma_semaphore, #tpu.memory_space<semaphore_mem>>) src(%dma_wait3A_86 : memref<16x128xi32, #tpu.memory_space<hbm>>) dst(%dma_wait3A_82 : memref<16x128xi32, #tpu.memory_space<vmem>>)
    %dma_wait3A_87 = arith.constant 0 : i32
    %dma_wait3A_88 = arith.constant 0 : i32
    %dma_wait3A_89 = arith.constant 0 : i32
    %dma_wait3A_90 = arith.constant 0 : i32
    %dma_wait3A_91 = tpu.memref_slice %arg7[%dma_wait3A_88, %dma_wait3A_89, %dma_wait3A_90] : memref<2x16x128xi32, #tpu.memory_space<vmem>> -> memref<1x16x128xi32, #tpu.memory_space<vmem>>
    %dma_wait3A_92 = tpu.memref_squeeze %dma_wait3A_91 : memref<1x16x128xi32, #tpu.memory_space<vmem>> -> memref<16x128xi32, #tpu.memory_space<vmem>>
    %dma_wait3A_93 = arith.constant 0 : i32
    %dma_wait3A_94 = arith.constant 0 : i32
    %dma_wait3A_95 = tpu.memref_slice %arg4[%dma_wait3A_87, %dma_wait3A_93, %dma_wait3A_94] : memref<32x80x128xi32, #tpu.memory_space<hbm>> -> memref<1x16x128xi32, #tpu.memory_space<hbm>>
    %dma_wait3A_96 = tpu.memref_squeeze %dma_wait3A_95 : memref<1x16x128xi32, #tpu.memory_space<hbm>> -> memref<16x128xi32, #tpu.memory_space<hbm>>
    %dma_wait3A_97 = arith.constant 0 : i32
    %dma_wait3A_98 = arith.constant 0 : i32
    %dma_wait3A_99 = tpu.memref_slice %arg7[%dma_wait3A_88, %dma_wait3A_97, %dma_wait3A_98] : memref<2x16x128xi32, #tpu.memory_space<vmem>> -> memref<1x16x128xi32, #tpu.memory_space<vmem>>
    %dma_wait3A_100 = tpu.memref_squeeze %dma_wait3A_99 : memref<1x16x128xi32, #tpu.memory_space<vmem>> -> memref<16x128xi32, #tpu.memory_space<vmem>>
    %dma_wait3A_101 = arith.constant 0 : i32
    %dma_wait3A_102 = arith.constant 0 : i32
    %dma_wait3A_103 = tpu.memref_slice %arg4[%dma_wait3A_87, %dma_wait3A_101, %dma_wait3A_102] : memref<32x80x128xi32, #tpu.memory_space<hbm>> -> memref<1x16x128xi32, #tpu.memory_space<hbm>>
    %dma_wait3A_104 = tpu.memref_squeeze %dma_wait3A_103 : memref<1x16x128xi32, #tpu.memory_space<hbm>> -> memref<16x128xi32, #tpu.memory_space<hbm>>
    tpu.wait_dma2 semaphore(%arg14 : memref<!tpu.dma_semaphore, #tpu.memory_space<semaphore_mem>>) src(%dma_wait3A_104 : memref<16x128xi32, #tpu.memory_space<hbm>>) dst(%dma_wait3A_100 : memref<16x128xi32, #tpu.memory_space<vmem>>)
    %scan3A_105 = arith.constant 0 : i32
    %scan3A_106 = arith.constant 1 : i32
    %scan3A_107 = arith.constant 0 : i32
    %scan3A_108 = arith.constant 0 : i32
    %scan3A_109 = arith.constant 10 : i32
    %scan3A_110 = arith.addi %scan3A_108, %scan3A_109 : i32
    %scan3A_111 = arith.constant 1 : i32
    %scan3A_112 = scf.for %scan3A_122 = %scan3A_108 to %scan3A_110 step %scan3A_111 iter_args(%scan3A_123 = %scan3A_107) -> (i32)  : i32 {
      %jit3A = arith.constant 2 : i32
      %eq3A = arith.constant 0 : i32
      %eq3A_124 = arith.cmpi eq, %jit3A, %eq3A : i32
      %jit3A_125 = arith.constant 1 : i32
      %select_n3A = arith.select %eq3A_124, %jit3A_125, %jit3A : i32
      %rem3A = arith.remsi %scan3A_122, %select_n3A : i32
      %ne3A = arith.constant 0 : i32
      %ne3A_126 = arith.cmpi ne, %rem3A, %ne3A : i32
      %lt3A = arith.constant 0 : i32
      %lt3A_127 = arith.cmpi slt, %rem3A, %lt3A : i32
      %lt3A_128 = arith.constant 0 : i32
      %lt3A_129 = arith.cmpi slt, %select_n3A, %lt3A_128 : i32
      %ne3A_130 = arith.xori %lt3A_127, %lt3A_129 : i1
      %and3A = arith.andi %ne3A_130, %ne3A_126 : i1
      %add3A_131 = arith.addi %rem3A, %select_n3A : i32
      %select_n3A_132 = arith.select %and3A, %add3A_131, %rem3A : i32
      %add3A_133 = arith.constant 1 : i32
      %add3A_134 = arith.addi %scan3A_122, %add3A_133 : i32
      %lt3A_135 = arith.constant 10 : i32
      %lt3A_136 = arith.cmpi slt, %add3A_134, %lt3A_135 : i32
      %convert_element_type3A = arith.extui %lt3A_136 : i1 to i32
      %cond3A = arith.constant 0 : i32
      %cond3A_137 = arith.cmpi ne, %convert_element_type3A, %cond3A : i32
      scf.if %cond3A_137 {
        %add3A_198 = arith.constant 1 : i32
        %add3A_199 = arith.addi %scan3A_122, %add3A_198 : i32
        %add3A_200 = arith.constant 1 : i32
        %add3A_201 = arith.addi %scan3A_122, %add3A_200 : i32
        %jit3A_202 = arith.constant 2 : i32
        %eq3A_203 = arith.constant 0 : i32
        %eq3A_204 = arith.cmpi eq, %jit3A_202, %eq3A_203 : i32
        %jit3A_205 = arith.constant 1 : i32
        %select_n3A_206 = arith.select %eq3A_204, %jit3A_205, %jit3A_202 : i32
        %rem3A_207 = arith.remsi %add3A_201, %select_n3A_206 : i32
        %ne3A_208 = arith.constant 0 : i32
        %ne3A_209 = arith.cmpi ne, %rem3A_207, %ne3A_208 : i32
        %lt3A_210 = arith.constant 0 : i32
        %lt3A_211 = arith.cmpi slt, %rem3A_207, %lt3A_210 : i32
        %lt3A_212 = arith.constant 0 : i32
        %lt3A_213 = arith.cmpi slt, %select_n3A_206, %lt3A_212 : i32
        %ne3A_214 = arith.xori %lt3A_211, %lt3A_213 : i1
        %and3A_215 = arith.andi %ne3A_214, %ne3A_209 : i1
        %add3A_216 = arith.addi %rem3A_207, %select_n3A_206 : i32
        %select_n3A_217 = arith.select %and3A_215, %add3A_216, %rem3A_207 : i32
        %jit3A_218 = arith.constant 5 : i32
        %div3A = arith.divsi %add3A_199, %jit3A_218 : i32
        %sign3A = arith.constant 0 : i32
        %sign3A_219 = arith.cmpi sgt, %add3A_199, %sign3A : i32
        %sign3A_220 = arith.extui %sign3A_219 : i1 to i32
        %sign3A_221 = arith.constant 0 : i32
        %sign3A_222 = arith.cmpi slt, %add3A_199, %sign3A_221 : i32
        %sign3A_223 = arith.extui %sign3A_222 : i1 to i32
        %sign3A_224 = arith.subi %sign3A_220, %sign3A_223 : i32
        %sign3A_225 = arith.constant 0 : i32
        %sign3A_226 = arith.cmpi sgt, %jit3A_218, %sign3A_225 : i32
        %sign3A_227 = arith.extui %sign3A_226 : i1 to i32
        %sign3A_228 = arith.constant 0 : i32
        %sign3A_229 = arith.cmpi slt, %jit3A_218, %sign3A_228 : i32
        %sign3A_230 = arith.extui %sign3A_229 : i1 to i32
        %sign3A_231 = arith.subi %sign3A_227, %sign3A_230 : i32
        %ne3A_232 = arith.cmpi ne, %sign3A_224, %sign3A_231 : i32
        %rem3A_233 = arith.remsi %add3A_199, %jit3A_218 : i32
        %ne3A_234 = arith.constant 0 : i32
        %ne3A_235 = arith.cmpi ne, %rem3A_233, %ne3A_234 : i32
        %and3A_236 = arith.andi %ne3A_232, %ne3A_235 : i1
        %sub3A = arith.constant 1 : i32
        %sub3A_237 = arith.subi %div3A, %sub3A : i32
        %select_n3A_238 = arith.select %and3A_236, %sub3A_237, %div3A : i32
        %jit3A_239 = arith.constant 5 : i32
        %eq3A_240 = arith.constant 0 : i32
        %eq3A_241 = arith.cmpi eq, %jit3A_239, %eq3A_240 : i32
        %jit3A_242 = arith.constant 1 : i32
        %select_n3A_243 = arith.select %eq3A_241, %jit3A_242, %jit3A_239 : i32
        %rem3A_244 = arith.remsi %add3A_199, %select_n3A_243 : i32
        %ne3A_245 = arith.constant 0 : i32
        %ne3A_246 = arith.cmpi ne, %rem3A_244, %ne3A_245 : i32
        %lt3A_247 = arith.constant 0 : i32
        %lt3A_248 = arith.cmpi slt, %rem3A_244, %lt3A_247 : i32
        %lt3A_249 = arith.constant 0 : i32
        %lt3A_250 = arith.cmpi slt, %select_n3A_243, %lt3A_249 : i32
        %ne3A_251 = arith.xori %lt3A_248, %lt3A_250 : i1
        %and3A_252 = arith.andi %ne3A_251, %ne3A_246 : i1
        %add3A_253 = arith.addi %rem3A_244, %select_n3A_243 : i32
        %select_n3A_254 = arith.select %and3A_252, %add3A_253, %rem3A_244 : i32
        %mul3A_255 = arith.constant 2 : i32
        %mul3A_256 = arith.muli %arg1, %mul3A_255 : i32
        %add3A_257 = arith.addi %mul3A_256, %select_n3A_238 : i32
        %mul3A_258 = arith.constant 16 : i32
        %mul3A_259 = arith.muli %select_n3A_254, %mul3A_258 : i32
        %dma_start3A_260 = arith.constant 0 : i32
        %dma_start3A_261 = arith.constant 0 : i32
        %dma_start3A_262 = tpu.memref_slice %arg6[%select_n3A_217, %dma_start3A_260, %dma_start3A_261] : memref<2x16x128xi32, #tpu.memory_space<vmem>> -> memref<1x16x128xi32, #tpu.memory_space<vmem>>
        %dma_start3A_263 = tpu.memref_squeeze %dma_start3A_262 : memref<1x16x128xi32, #tpu.memory_space<vmem>> -> memref<16x128xi32, #tpu.memory_space<vmem>>
        %dma_start3A_264 = arith.constant 0 : i32
        %dma_start3A_265 = tpu.memref_slice %arg3[%arg0, %add3A_257, %mul3A_259, %dma_start3A_264] : memref<2x32x80x128xi32, #tpu.memory_space<hbm>> -> memref<1x1x16x128xi32, #tpu.memory_space<hbm>>
        %dma_start3A_266 = tpu.memref_squeeze %dma_start3A_265 : memref<1x1x16x128xi32, #tpu.memory_space<hbm>> -> memref<16x128xi32, #tpu.memory_space<hbm>>
        %dma_start3A_267 = arith.constant 0 : i32
        %dma_start3A_268 = arith.constant 0 : i32
        %dma_start3A_269 = tpu.memref_slice %arg6[%select_n3A_217, %dma_start3A_267, %dma_start3A_268] : memref<2x16x128xi32, #tpu.memory_space<vmem>> -> memref<1x16x128xi32, #tpu.memory_space<vmem>>
        %dma_start3A_270 = tpu.memref_squeeze %dma_start3A_269 : memref<1x16x128xi32, #tpu.memory_space<vmem>> -> memref<16x128xi32, #tpu.memory_space<vmem>>
        %dma_start3A_271 = arith.constant 0 : i32
        %dma_start3A_272 = tpu.memref_slice %arg3[%arg0, %add3A_257, %mul3A_259, %dma_start3A_271] : memref<2x32x80x128xi32, #tpu.memory_space<hbm>> -> memref<1x1x16x128xi32, #tpu.memory_space<hbm>>
        %dma_start3A_273 = tpu.memref_squeeze %dma_start3A_272 : memref<1x1x16x128xi32, #tpu.memory_space<hbm>> -> memref<16x128xi32, #tpu.memory_space<hbm>>
        tpu.enqueue_dma source(%dma_start3A_273 : memref<16x128xi32, #tpu.memory_space<hbm>>) target(%dma_start3A_270 : memref<16x128xi32, #tpu.memory_space<vmem>>) target_semaphore(%arg14 : memref<!tpu.dma_semaphore, #tpu.memory_space<semaphore_mem>>)
        %mul3A_274 = arith.constant 2 : i32
        %mul3A_275 = arith.muli %arg1, %mul3A_274 : i32
        %add3A_276 = arith.addi %mul3A_275, %select_n3A_238 : i32
        %mul3A_277 = arith.constant 16 : i32
        %mul3A_278 = arith.muli %select_n3A_254, %mul3A_277 : i32
        %dma_start3A_279 = arith.constant 0 : i32
        %dma_start3A_280 = arith.constant 0 : i32
        %dma_start3A_281 = tpu.memref_slice %arg7[%select_n3A_217, %dma_start3A_279, %dma_start3A_280] : memref<2x16x128xi32, #tpu.memory_space<vmem>> -> memref<1x16x128xi32, #tpu.memory_space<vmem>>
        %dma_start3A_282 = tpu.memref_squeeze %dma_start3A_281 : memref<1x16x128xi32, #tpu.memory_space<vmem>> -> memref<16x128xi32, #tpu.memory_space<vmem>>
        %dma_start3A_283 = arith.constant 0 : i32
        %dma_start3A_284 = tpu.memref_slice %arg4[%add3A_276, %mul3A_278, %dma_start3A_283] : memref<32x80x128xi32, #tpu.memory_space<hbm>> -> memref<1x16x128xi32, #tpu.memory_space<hbm>>
        %dma_start3A_285 = tpu.memref_squeeze %dma_start3A_284 : memref<1x16x128xi32, #tpu.memory_space<hbm>> -> memref<16x128xi32, #tpu.memory_space<hbm>>
        %dma_start3A_286 = arith.constant 0 : i32
        %dma_start3A_287 = arith.constant 0 : i32
        %dma_start3A_288 = tpu.memref_slice %arg7[%select_n3A_217, %dma_start3A_286, %dma_start3A_287] : memref<2x16x128xi32, #tpu.memory_space<vmem>> -> memref<1x16x128xi32, #tpu.memory_space<vmem>>
        %dma_start3A_289 = tpu.memref_squeeze %dma_start3A_288 : memref<1x16x128xi32, #tpu.memory_space<vmem>> -> memref<16x128xi32, #tpu.memory_space<vmem>>
        %dma_start3A_290 = arith.constant 0 : i32
        %dma_start3A_291 = tpu.memref_slice %arg4[%add3A_276, %mul3A_278, %dma_start3A_290] : memref<32x80x128xi32, #tpu.memory_space<hbm>> -> memref<1x16x128xi32, #tpu.memory_space<hbm>>
        %dma_start3A_292 = tpu.memref_squeeze %dma_start3A_291 : memref<1x16x128xi32, #tpu.memory_space<hbm>> -> memref<16x128xi32, #tpu.memory_space<hbm>>
        tpu.enqueue_dma source(%dma_start3A_292 : memref<16x128xi32, #tpu.memory_space<hbm>>) target(%dma_start3A_289 : memref<16x128xi32, #tpu.memory_space<vmem>>) target_semaphore(%arg14 : memref<!tpu.dma_semaphore, #tpu.memory_space<semaphore_mem>>)
      } else {
      }
      %dma_start3A_138 = arith.constant 0 : i32
      %dma_start3A_139 = arith.constant 0 : i32
      %dma_start3A_140 = arith.constant 0 : i32
      %dma_start3A_141 = tpu.memref_slice %arg8[%scan3A_105, %dma_start3A_139, %dma_start3A_140] : memref<2x128x128xf32, #tpu.memory_space<vmem>> -> memref<1x128x128xf32, #tpu.memory_space<vmem>>
      %dma_start3A_142 = tpu.memref_squeeze %dma_start3A_141 : memref<1x128x128xf32, #tpu.memory_space<vmem>> -> memref<128x128xf32, #tpu.memory_space<vmem>>
      %dma_start3A_143 = arith.constant 0 : i32
      %dma_start3A_144 = arith.constant 0 : i32
      %dma_start3A_145 = tpu.memref_slice %arg6[%select_n3A_132, %dma_start3A_143, %dma_start3A_144] : memref<2x16x128xi32, #tpu.memory_space<vmem>> -> memref<1x16x128xi32, #tpu.memory_space<vmem>>
      %dma_start3A_146 = tpu.memref_squeeze %dma_start3A_145 : memref<1x16x128xi32, #tpu.memory_space<vmem>> -> memref<16x128xi32, #tpu.memory_space<vmem>>
      %dma_start3A_147 = arith.constant 0 : i32
      %dma_start3A_148 = tpu.memref_slice %dma_start3A_146[%dma_start3A_138, %dma_start3A_147] : memref<16x128xi32, #tpu.memory_space<vmem>> -> memref<1x128xi32, #tpu.memory_space<vmem>>
      %dma_start3A_149 = tpu.memref_squeeze %dma_start3A_148 : memref<1x128xi32, #tpu.memory_space<vmem>> -> memref<128xi32, #tpu.memory_space<vmem>>
      %dma_start3A_150 = arith.constant 0 : i32
      %dma_start3A_151 = arith.constant 0 : i32
      %dma_start3A_152 = tpu.memref_slice %arg2[%dma_start3A_150, %dma_start3A_151] : memref<20480x128xf32, #tpu.memory_space<hbm>> -> memref<20480x128xf32, #tpu.memory_space<hbm>>
      tpu.enqueue_indirect_dma source(%dma_start3A_152 : memref<20480x128xf32, #tpu.memory_space<hbm>>) target(%dma_start3A_142 : memref<128x128xf32, #tpu.memory_space<vmem>>) offsets(%dma_start3A_149 : memref<128xi32, #tpu.memory_space<vmem>>) semaphore(%arg10 : memref<!tpu.dma_semaphore, #tpu.memory_space<semaphore_mem>>)
      %scan3A_153 = arith.constant 0 : i32
      %scan3A_154 = arith.constant 0 : i32
      %scan3A_155 = arith.constant 8 : i32
      %scan3A_156 = arith.addi %scan3A_154, %scan3A_155 : i32
      %scan3A_157 = arith.constant 1 : i32
      %scan3A_158 = scf.for %scan3A_198 = %scan3A_154 to %scan3A_156 step %scan3A_157 iter_args(%scan3A_199 = %scan3A_153) -> (i32)  : i32 {
        %mul3A_200 = arith.constant 2 : i32
        %mul3A_201 = arith.muli %mul3A_200, %scan3A_198 : i32
        %ge3A = arith.constant 1 : i32
        %ge3A_202 = arith.cmpi sge, %scan3A_198, %ge3A : i32
        %convert_element_type3A_203 = arith.extui %ge3A_202 : i1 to i32
        %cond3A_204 = arith.constant 0 : i32
        %cond3A_205 = arith.cmpi ne, %convert_element_type3A_203, %cond3A_204 : i32
        scf.if %cond3A_205 {
          %sub3A = arith.constant 1 : i32
          %sub3A_288 = arith.subi %mul3A_201, %sub3A : i32
          %dma_wait3A_289 = arith.constant 0 : i32
          %dma_wait3A_290 = arith.constant 0 : i32
          %dma_wait3A_291 = tpu.memref_slice %arg8[%scan3A_106, %dma_wait3A_289, %dma_wait3A_290] : memref<2x128x128xf32, #tpu.memory_space<vmem>> -> memref<1x128x128xf32, #tpu.memory_space<vmem>>
          %dma_wait3A_292 = tpu.memref_squeeze %dma_wait3A_291 : memref<1x128x128xf32, #tpu.memory_space<vmem>> -> memref<128x128xf32, #tpu.memory_space<vmem>>
          %dma_wait3A_293 = arith.constant 0 : i32
          %dma_wait3A_294 = arith.constant 0 : i32
          %dma_wait3A_295 = tpu.memref_slice %arg7[%select_n3A_132, %dma_wait3A_293, %dma_wait3A_294] : memref<2x16x128xi32, #tpu.memory_space<vmem>> -> memref<1x16x128xi32, #tpu.memory_space<vmem>>
          %dma_wait3A_296 = tpu.memref_squeeze %dma_wait3A_295 : memref<1x16x128xi32, #tpu.memory_space<vmem>> -> memref<16x128xi32, #tpu.memory_space<vmem>>
          %dma_wait3A_297 = arith.constant 0 : i32
          %dma_wait3A_298 = tpu.memref_slice %dma_wait3A_296[%sub3A_288, %dma_wait3A_297] : memref<16x128xi32, #tpu.memory_space<vmem>> -> memref<1x128xi32, #tpu.memory_space<vmem>>
          %dma_wait3A_299 = tpu.memref_squeeze %dma_wait3A_298 : memref<1x128xi32, #tpu.memory_space<vmem>> -> memref<128xi32, #tpu.memory_space<vmem>>
          %dma_wait3A_300 = arith.constant 0 : i32
          %dma_wait3A_301 = arith.constant 0 : i32
          %dma_wait3A_302 = tpu.memref_slice %arg9[%dma_wait3A_300, %dma_wait3A_301] : memref<10240x128xf32, #tpu.memory_space<vmem_shared>> -> memref<10240x128xf32, #tpu.memory_space<vmem_shared>>
          tpu.wait_indirect_dma semaphore(%arg13 : memref<!tpu.dma_semaphore, #tpu.memory_space<semaphore_mem>>) src(%dma_wait3A_292 : memref<128x128xf32, #tpu.memory_space<vmem>>) dst(%dma_wait3A_302 : memref<10240x128xf32, #tpu.memory_space<vmem_shared>>)
        } else {
        }
        %add3A_206 = arith.constant 1 : i32
        %add3A_207 = arith.addi %mul3A_201, %add3A_206 : i32
        %dma_start3A_208 = arith.constant 0 : i32
        %dma_start3A_209 = arith.constant 0 : i32
        %dma_start3A_210 = tpu.memref_slice %arg8[%scan3A_106, %dma_start3A_208, %dma_start3A_209] : memref<2x128x128xf32, #tpu.memory_space<vmem>> -> memref<1x128x128xf32, #tpu.memory_space<vmem>>
        %dma_start3A_211 = tpu.memref_squeeze %dma_start3A_210 : memref<1x128x128xf32, #tpu.memory_space<vmem>> -> memref<128x128xf32, #tpu.memory_space<vmem>>
        %dma_start3A_212 = arith.constant 0 : i32
        %dma_start3A_213 = arith.constant 0 : i32
        %dma_start3A_214 = tpu.memref_slice %arg6[%select_n3A_132, %dma_start3A_212, %dma_start3A_213] : memref<2x16x128xi32, #tpu.memory_space<vmem>> -> memref<1x16x128xi32, #tpu.memory_space<vmem>>
        %dma_start3A_215 = tpu.memref_squeeze %dma_start3A_214 : memref<1x16x128xi32, #tpu.memory_space<vmem>> -> memref<16x128xi32, #tpu.memory_space<vmem>>
        %dma_start3A_216 = arith.constant 0 : i32
        %dma_start3A_217 = tpu.memref_slice %dma_start3A_215[%add3A_207, %dma_start3A_216] : memref<16x128xi32, #tpu.memory_space<vmem>> -> memref<1x128xi32, #tpu.memory_space<vmem>>
        %dma_start3A_218 = tpu.memref_squeeze %dma_start3A_217 : memref<1x128xi32, #tpu.memory_space<vmem>> -> memref<128xi32, #tpu.memory_space<vmem>>
        %dma_start3A_219 = arith.constant 0 : i32
        %dma_start3A_220 = arith.constant 0 : i32
        %dma_start3A_221 = tpu.memref_slice %arg2[%dma_start3A_219, %dma_start3A_220] : memref<20480x128xf32, #tpu.memory_space<hbm>> -> memref<20480x128xf32, #tpu.memory_space<hbm>>
        tpu.enqueue_indirect_dma source(%dma_start3A_221 : memref<20480x128xf32, #tpu.memory_space<hbm>>) target(%dma_start3A_211 : memref<128x128xf32, #tpu.memory_space<vmem>>) offsets(%dma_start3A_218 : memref<128xi32, #tpu.memory_space<vmem>>) semaphore(%arg11 : memref<!tpu.dma_semaphore, #tpu.memory_space<semaphore_mem>>)
        %dma_wait3A_222 = arith.constant 0 : i32
        %dma_wait3A_223 = arith.constant 0 : i32
        %dma_wait3A_224 = tpu.memref_slice %arg8[%scan3A_105, %dma_wait3A_222, %dma_wait3A_223] : memref<2x128x128xf32, #tpu.memory_space<vmem>> -> memref<1x128x128xf32, #tpu.memory_space<vmem>>
        %dma_wait3A_225 = tpu.memref_squeeze %dma_wait3A_224 : memref<1x128x128xf32, #tpu.memory_space<vmem>> -> memref<128x128xf32, #tpu.memory_space<vmem>>
        %dma_wait3A_226 = arith.constant 0 : i32
        %dma_wait3A_227 = arith.constant 0 : i32
        %dma_wait3A_228 = tpu.memref_slice %arg6[%select_n3A_132, %dma_wait3A_226, %dma_wait3A_227] : memref<2x16x128xi32, #tpu.memory_space<vmem>> -> memref<1x16x128xi32, #tpu.memory_space<vmem>>
        %dma_wait3A_229 = tpu.memref_squeeze %dma_wait3A_228 : memref<1x16x128xi32, #tpu.memory_space<vmem>> -> memref<16x128xi32, #tpu.memory_space<vmem>>
        %dma_wait3A_230 = arith.constant 0 : i32
        %dma_wait3A_231 = tpu.memref_slice %dma_wait3A_229[%mul3A_201, %dma_wait3A_230] : memref<16x128xi32, #tpu.memory_space<vmem>> -> memref<1x128xi32, #tpu.memory_space<vmem>>
        %dma_wait3A_232 = tpu.memref_squeeze %dma_wait3A_231 : memref<1x128xi32, #tpu.memory_space<vmem>> -> memref<128xi32, #tpu.memory_space<vmem>>
        %dma_wait3A_233 = arith.constant 0 : i32
        %dma_wait3A_234 = arith.constant 0 : i32
        %dma_wait3A_235 = tpu.memref_slice %arg2[%dma_wait3A_233, %dma_wait3A_234] : memref<20480x128xf32, #tpu.memory_space<hbm>> -> memref<20480x128xf32, #tpu.memory_space<hbm>>
        tpu.wait_indirect_dma semaphore(%arg10 : memref<!tpu.dma_semaphore, #tpu.memory_space<semaphore_mem>>) src(%dma_wait3A_235 : memref<20480x128xf32, #tpu.memory_space<hbm>>) dst(%dma_wait3A_225 : memref<128x128xf32, #tpu.memory_space<vmem>>)
        %dma_start3A_236 = arith.constant 0 : i32
        %dma_start3A_237 = arith.constant 0 : i32
        %dma_start3A_238 = tpu.memref_slice %arg8[%scan3A_105, %dma_start3A_236, %dma_start3A_237] : memref<2x128x128xf32, #tpu.memory_space<vmem>> -> memref<1x128x128xf32, #tpu.memory_space<vmem>>
        %dma_start3A_239 = tpu.memref_squeeze %dma_start3A_238 : memref<1x128x128xf32, #tpu.memory_space<vmem>> -> memref<128x128xf32, #tpu.memory_space<vmem>>
        %dma_start3A_240 = arith.constant 0 : i32
        %dma_start3A_241 = arith.constant 0 : i32
        %dma_start3A_242 = tpu.memref_slice %arg7[%select_n3A_132, %dma_start3A_240, %dma_start3A_241] : memref<2x16x128xi32, #tpu.memory_space<vmem>> -> memref<1x16x128xi32, #tpu.memory_space<vmem>>
        %dma_start3A_243 = tpu.memref_squeeze %dma_start3A_242 : memref<1x16x128xi32, #tpu.memory_space<vmem>> -> memref<16x128xi32, #tpu.memory_space<vmem>>
        %dma_start3A_244 = arith.constant 0 : i32
        %dma_start3A_245 = tpu.memref_slice %dma_start3A_243[%mul3A_201, %dma_start3A_244] : memref<16x128xi32, #tpu.memory_space<vmem>> -> memref<1x128xi32, #tpu.memory_space<vmem>>
        %dma_start3A_246 = tpu.memref_squeeze %dma_start3A_245 : memref<1x128xi32, #tpu.memory_space<vmem>> -> memref<128xi32, #tpu.memory_space<vmem>>
        %dma_start3A_247 = arith.constant 0 : i32
        %dma_start3A_248 = arith.constant 0 : i32
        %dma_start3A_249 = tpu.memref_slice %arg9[%dma_start3A_247, %dma_start3A_248] : memref<10240x128xf32, #tpu.memory_space<vmem_shared>> -> memref<10240x128xf32, #tpu.memory_space<vmem_shared>>
        tpu.enqueue_indirect_dma source(%dma_start3A_239 : memref<128x128xf32, #tpu.memory_space<vmem>>) target(%dma_start3A_249 : memref<10240x128xf32, #tpu.memory_space<vmem_shared>>) offsets(%dma_start3A_246 : memref<128xi32, #tpu.memory_space<vmem>>) semaphore(%arg12 : memref<!tpu.dma_semaphore, #tpu.memory_space<semaphore_mem>>) {add = true}
        %lt3A_250 = arith.constant 7 : i32
        %lt3A_251 = arith.cmpi slt, %scan3A_198, %lt3A_250 : i32
        %convert_element_type3A_252 = arith.extui %lt3A_251 : i1 to i32
        %cond3A_253 = arith.constant 0 : i32
        %cond3A_254 = arith.cmpi ne, %convert_element_type3A_252, %cond3A_253 : i32
        scf.if %cond3A_254 {
          %dma_wait3A_288 = arith.constant 0 : i32
          %dma_wait3A_289 = arith.constant 0 : i32
          %dma_wait3A_290 = tpu.memref_slice %arg8[%scan3A_105, %dma_wait3A_288, %dma_wait3A_289] : memref<2x128x128xf32, #tpu.memory_space<vmem>> -> memref<1x128x128xf32, #tpu.memory_space<vmem>>
          %dma_wait3A_291 = tpu.memref_squeeze %dma_wait3A_290 : memref<1x128x128xf32, #tpu.memory_space<vmem>> -> memref<128x128xf32, #tpu.memory_space<vmem>>
          %dma_wait3A_292 = arith.constant 0 : i32
          %dma_wait3A_293 = arith.constant 0 : i32
          %dma_wait3A_294 = tpu.memref_slice %arg7[%select_n3A_132, %dma_wait3A_292, %dma_wait3A_293] : memref<2x16x128xi32, #tpu.memory_space<vmem>> -> memref<1x16x128xi32, #tpu.memory_space<vmem>>
          %dma_wait3A_295 = tpu.memref_squeeze %dma_wait3A_294 : memref<1x16x128xi32, #tpu.memory_space<vmem>> -> memref<16x128xi32, #tpu.memory_space<vmem>>
          %dma_wait3A_296 = arith.constant 0 : i32
          %dma_wait3A_297 = tpu.memref_slice %dma_wait3A_295[%mul3A_201, %dma_wait3A_296] : memref<16x128xi32, #tpu.memory_space<vmem>> -> memref<1x128xi32, #tpu.memory_space<vmem>>
          %dma_wait3A_298 = tpu.memref_squeeze %dma_wait3A_297 : memref<1x128xi32, #tpu.memory_space<vmem>> -> memref<128xi32, #tpu.memory_space<vmem>>
          %dma_wait3A_299 = arith.constant 0 : i32
          %dma_wait3A_300 = arith.constant 0 : i32
          %dma_wait3A_301 = tpu.memref_slice %arg9[%dma_wait3A_299, %dma_wait3A_300] : memref<10240x128xf32, #tpu.memory_space<vmem_shared>> -> memref<10240x128xf32, #tpu.memory_space<vmem_shared>>
          tpu.wait_indirect_dma semaphore(%arg12 : memref<!tpu.dma_semaphore, #tpu.memory_space<semaphore_mem>>) src(%dma_wait3A_291 : memref<128x128xf32, #tpu.memory_space<vmem>>) dst(%dma_wait3A_301 : memref<10240x128xf32, #tpu.memory_space<vmem_shared>>)
          %add3A_302 = arith.constant 2 : i32
          %add3A_303 = arith.addi %mul3A_201, %add3A_302 : i32
          %dma_start3A_304 = arith.constant 0 : i32
          %dma_start3A_305 = arith.constant 0 : i32
          %dma_start3A_306 = tpu.memref_slice %arg8[%scan3A_105, %dma_start3A_304, %dma_start3A_305] : memref<2x128x128xf32, #tpu.memory_space<vmem>> -> memref<1x128x128xf32, #tpu.memory_space<vmem>>
          %dma_start3A_307 = tpu.memref_squeeze %dma_start3A_306 : memref<1x128x128xf32, #tpu.memory_space<vmem>> -> memref<128x128xf32, #tpu.memory_space<vmem>>
          %dma_start3A_308 = arith.constant 0 : i32
          %dma_start3A_309 = arith.constant 0 : i32
          %dma_start3A_310 = tpu.memref_slice %arg6[%select_n3A_132, %dma_start3A_308, %dma_start3A_309] : memref<2x16x128xi32, #tpu.memory_space<vmem>> -> memref<1x16x128xi32, #tpu.memory_space<vmem>>
          %dma_start3A_311 = tpu.memref_squeeze %dma_start3A_310 : memref<1x16x128xi32, #tpu.memory_space<vmem>> -> memref<16x128xi32, #tpu.memory_space<vmem>>
          %dma_start3A_312 = arith.constant 0 : i32
          %dma_start3A_313 = tpu.memref_slice %dma_start3A_311[%add3A_303, %dma_start3A_312] : memref<16x128xi32, #tpu.memory_space<vmem>> -> memref<1x128xi32, #tpu.memory_space<vmem>>
          %dma_start3A_314 = tpu.memref_squeeze %dma_start3A_313 : memref<1x128xi32, #tpu.memory_space<vmem>> -> memref<128xi32, #tpu.memory_space<vmem>>
          %dma_start3A_315 = arith.constant 0 : i32
          %dma_start3A_316 = arith.constant 0 : i32
          %dma_start3A_317 = tpu.memref_slice %arg2[%dma_start3A_315, %dma_start3A_316] : memref<20480x128xf32, #tpu.memory_space<hbm>> -> memref<20480x128xf32, #tpu.memory_space<hbm>>
          tpu.enqueue_indirect_dma source(%dma_start3A_317 : memref<20480x128xf32, #tpu.memory_space<hbm>>) target(%dma_start3A_307 : memref<128x128xf32, #tpu.memory_space<vmem>>) offsets(%dma_start3A_314 : memref<128xi32, #tpu.memory_space<vmem>>) semaphore(%arg10 : memref<!tpu.dma_semaphore, #tpu.memory_space<semaphore_mem>>)
        } else {
        }
        %add3A_255 = arith.constant 1 : i32
        %add3A_256 = arith.addi %mul3A_201, %add3A_255 : i32
        %dma_wait3A_257 = arith.constant 0 : i32
        %dma_wait3A_258 = arith.constant 0 : i32
        %dma_wait3A_259 = tpu.memref_slice %arg8[%scan3A_106, %dma_wait3A_257, %dma_wait3A_258] : memref<2x128x128xf32, #tpu.memory_space<vmem>> -> memref<1x128x128xf32, #tpu.memory_space<vmem>>
        %dma_wait3A_260 = tpu.memref_squeeze %dma_wait3A_259 : memref<1x128x128xf32, #tpu.memory_space<vmem>> -> memref<128x128xf32, #tpu.memory_space<vmem>>
        %dma_wait3A_261 = arith.constant 0 : i32
        %dma_wait3A_262 = arith.constant 0 : i32
        %dma_wait3A_263 = tpu.memref_slice %arg6[%select_n3A_132, %dma_wait3A_261, %dma_wait3A_262] : memref<2x16x128xi32, #tpu.memory_space<vmem>> -> memref<1x16x128xi32, #tpu.memory_space<vmem>>
        %dma_wait3A_264 = tpu.memref_squeeze %dma_wait3A_263 : memref<1x16x128xi32, #tpu.memory_space<vmem>> -> memref<16x128xi32, #tpu.memory_space<vmem>>
        %dma_wait3A_265 = arith.constant 0 : i32
        %dma_wait3A_266 = tpu.memref_slice %dma_wait3A_264[%add3A_256, %dma_wait3A_265] : memref<16x128xi32, #tpu.memory_space<vmem>> -> memref<1x128xi32, #tpu.memory_space<vmem>>
        %dma_wait3A_267 = tpu.memref_squeeze %dma_wait3A_266 : memref<1x128xi32, #tpu.memory_space<vmem>> -> memref<128xi32, #tpu.memory_space<vmem>>
        %dma_wait3A_268 = arith.constant 0 : i32
        %dma_wait3A_269 = arith.constant 0 : i32
        %dma_wait3A_270 = tpu.memref_slice %arg2[%dma_wait3A_268, %dma_wait3A_269] : memref<20480x128xf32, #tpu.memory_space<hbm>> -> memref<20480x128xf32, #tpu.memory_space<hbm>>
        tpu.wait_indirect_dma semaphore(%arg11 : memref<!tpu.dma_semaphore, #tpu.memory_space<semaphore_mem>>) src(%dma_wait3A_270 : memref<20480x128xf32, #tpu.memory_space<hbm>>) dst(%dma_wait3A_260 : memref<128x128xf32, #tpu.memory_space<vmem>>)
        %add3A_271 = arith.constant 1 : i32
        %add3A_272 = arith.addi %mul3A_201, %add3A_271 : i32
        %dma_start3A_273 = arith.constant 0 : i32
        %dma_start3A_274 = arith.constant 0 : i32
        %dma_start3A_275 = tpu.memref_slice %arg8[%scan3A_106, %dma_start3A_273, %dma_start3A_274] : memref<2x128x128xf32, #tpu.memory_space<vmem>> -> memref<1x128x128xf32, #tpu.memory_space<vmem>>
        %dma_start3A_276 = tpu.memref_squeeze %dma_start3A_275 : memref<1x128x128xf32, #tpu.memory_space<vmem>> -> memref<128x128xf32, #tpu.memory_space<vmem>>
        %dma_start3A_277 = arith.constant 0 : i32
        %dma_start3A_278 = arith.constant 0 : i32
        %dma_start3A_279 = tpu.memref_slice %arg7[%select_n3A_132, %dma_start3A_277, %dma_start3A_278] : memref<2x16x128xi32, #tpu.memory_space<vmem>> -> memref<1x16x128xi32, #tpu.memory_space<vmem>>
        %dma_start3A_280 = tpu.memref_squeeze %dma_start3A_279 : memref<1x16x128xi32, #tpu.memory_space<vmem>> -> memref<16x128xi32, #tpu.memory_space<vmem>>
        %dma_start3A_281 = arith.constant 0 : i32
        %dma_start3A_282 = tpu.memref_slice %dma_start3A_280[%add3A_272, %dma_start3A_281] : memref<16x128xi32, #tpu.memory_space<vmem>> -> memref<1x128xi32, #tpu.memory_space<vmem>>
        %dma_start3A_283 = tpu.memref_squeeze %dma_start3A_282 : memref<1x128xi32, #tpu.memory_space<vmem>> -> memref<128xi32, #tpu.memory_space<vmem>>
        %dma_start3A_284 = arith.constant 0 : i32
        %dma_start3A_285 = arith.constant 0 : i32
        %dma_start3A_286 = tpu.memref_slice %arg9[%dma_start3A_284, %dma_start3A_285] : memref<10240x128xf32, #tpu.memory_space<vmem_shared>> -> memref<10240x128xf32, #tpu.memory_space<vmem_shared>>
        tpu.enqueue_indirect_dma source(%dma_start3A_276 : memref<128x128xf32, #tpu.memory_space<vmem>>) target(%dma_start3A_286 : memref<10240x128xf32, #tpu.memory_space<vmem_shared>>) offsets(%dma_start3A_283 : memref<128xi32, #tpu.memory_space<vmem>>) semaphore(%arg13 : memref<!tpu.dma_semaphore, #tpu.memory_space<semaphore_mem>>) {add = true}
        %scan3A_287 = arith.constant 0 : i32
        scf.yield %scan3A_287 : i32
      }
      %scan3A_159 = arith.constant 8 : i32
      %dma_wait3A_160 = arith.constant 14 : i32
      %dma_wait3A_161 = arith.constant 0 : i32
      %dma_wait3A_162 = arith.constant 0 : i32
      %dma_wait3A_163 = tpu.memref_slice %arg8[%scan3A_105, %dma_wait3A_161, %dma_wait3A_162] : memref<2x128x128xf32, #tpu.memory_space<vmem>> -> memref<1x128x128xf32, #tpu.memory_space<vmem>>
      %dma_wait3A_164 = tpu.memref_squeeze %dma_wait3A_163 : memref<1x128x128xf32, #tpu.memory_space<vmem>> -> memref<128x128xf32, #tpu.memory_space<vmem>>
      %dma_wait3A_165 = arith.constant 0 : i32
      %dma_wait3A_166 = arith.constant 0 : i32
      %dma_wait3A_167 = tpu.memref_slice %arg7[%select_n3A_132, %dma_wait3A_165, %dma_wait3A_166] : memref<2x16x128xi32, #tpu.memory_space<vmem>> -> memref<1x16x128xi32, #tpu.memory_space<vmem>>
      %dma_wait3A_168 = tpu.memref_squeeze %dma_wait3A_167 : memref<1x16x128xi32, #tpu.memory_space<vmem>> -> memref<16x128xi32, #tpu.memory_space<vmem>>
      %dma_wait3A_169 = arith.constant 0 : i32
      %dma_wait3A_170 = tpu.memref_slice %dma_wait3A_168[%dma_wait3A_160, %dma_wait3A_169] : memref<16x128xi32, #tpu.memory_space<vmem>> -> memref<1x128xi32, #tpu.memory_space<vmem>>
      %dma_wait3A_171 = tpu.memref_squeeze %dma_wait3A_170 : memref<1x128xi32, #tpu.memory_space<vmem>> -> memref<128xi32, #tpu.memory_space<vmem>>
      %dma_wait3A_172 = arith.constant 0 : i32
      %dma_wait3A_173 = arith.constant 0 : i32
      %dma_wait3A_174 = tpu.memref_slice %arg9[%dma_wait3A_172, %dma_wait3A_173] : memref<10240x128xf32, #tpu.memory_space<vmem_shared>> -> memref<10240x128xf32, #tpu.memory_space<vmem_shared>>
      tpu.wait_indirect_dma semaphore(%arg12 : memref<!tpu.dma_semaphore, #tpu.memory_space<semaphore_mem>>) src(%dma_wait3A_164 : memref<128x128xf32, #tpu.memory_space<vmem>>) dst(%dma_wait3A_174 : memref<10240x128xf32, #tpu.memory_space<vmem_shared>>)
      %dma_wait3A_175 = arith.constant 15 : i32
      %dma_wait3A_176 = arith.constant 0 : i32
      %dma_wait3A_177 = arith.constant 0 : i32
      %dma_wait3A_178 = tpu.memref_slice %arg8[%scan3A_106, %dma_wait3A_176, %dma_wait3A_177] : memref<2x128x128xf32, #tpu.memory_space<vmem>> -> memref<1x128x128xf32, #tpu.memory_space<vmem>>
      %dma_wait3A_179 = tpu.memref_squeeze %dma_wait3A_178 : memref<1x128x128xf32, #tpu.memory_space<vmem>> -> memref<128x128xf32, #tpu.memory_space<vmem>>
      %dma_wait3A_180 = arith.constant 0 : i32
      %dma_wait3A_181 = arith.constant 0 : i32
      %dma_wait3A_182 = tpu.memref_slice %arg7[%select_n3A_132, %dma_wait3A_180, %dma_wait3A_181] : memref<2x16x128xi32, #tpu.memory_space<vmem>> -> memref<1x16x128xi32, #tpu.memory_space<vmem>>
      %dma_wait3A_183 = tpu.memref_squeeze %dma_wait3A_182 : memref<1x16x128xi32, #tpu.memory_space<vmem>> -> memref<16x128xi32, #tpu.memory_space<vmem>>
      %dma_wait3A_184 = arith.constant 0 : i32
      %dma_wait3A_185 = tpu.memref_slice %dma_wait3A_183[%dma_wait3A_175, %dma_wait3A_184] : memref<16x128xi32, #tpu.memory_space<vmem>> -> memref<1x128xi32, #tpu.memory_space<vmem>>
      %dma_wait3A_186 = tpu.memref_squeeze %dma_wait3A_185 : memref<1x128xi32, #tpu.memory_space<vmem>> -> memref<128xi32, #tpu.memory_space<vmem>>
      %dma_wait3A_187 = arith.constant 0 : i32
      %dma_wait3A_188 = arith.constant 0 : i32
      %dma_wait3A_189 = tpu.memref_slice %arg9[%dma_wait3A_187, %dma_wait3A_188] : memref<10240x128xf32, #tpu.memory_space<vmem_shared>> -> memref<10240x128xf32, #tpu.memory_space<vmem_shared>>
      tpu.wait_indirect_dma semaphore(%arg13 : memref<!tpu.dma_semaphore, #tpu.memory_space<semaphore_mem>>) src(%dma_wait3A_179 : memref<128x128xf32, #tpu.memory_space<vmem>>) dst(%dma_wait3A_189 : memref<10240x128xf32, #tpu.memory_space<vmem_shared>>)
      %add3A_190 = arith.constant 1 : i32
      %add3A_191 = arith.addi %scan3A_122, %add3A_190 : i32
      %lt3A_192 = arith.constant 10 : i32
      %lt3A_193 = arith.cmpi slt, %add3A_191, %lt3A_192 : i32
      %convert_element_type3A_194 = arith.extui %lt3A_193 : i1 to i32
      %cond3A_195 = arith.constant 0 : i32
      %cond3A_196 = arith.cmpi ne, %convert_element_type3A_194, %cond3A_195 : i32
      scf.if %cond3A_196 {
        %add3A_198 = arith.constant 1 : i32
        %add3A_199 = arith.addi %scan3A_122, %add3A_198 : i32
        %jit3A_200 = arith.constant 2 : i32
        %eq3A_201 = arith.constant 0 : i32
        %eq3A_202 = arith.cmpi eq, %jit3A_200, %eq3A_201 : i32
        %jit3A_203 = arith.constant 1 : i32
        %select_n3A_204 = arith.select %eq3A_202, %jit3A_203, %jit3A_200 : i32
        %rem3A_205 = arith.remsi %add3A_199, %select_n3A_204 : i32
        %ne3A_206 = arith.constant 0 : i32
        %ne3A_207 = arith.cmpi ne, %rem3A_205, %ne3A_206 : i32
        %lt3A_208 = arith.constant 0 : i32
        %lt3A_209 = arith.cmpi slt, %rem3A_205, %lt3A_208 : i32
        %lt3A_210 = arith.constant 0 : i32
        %lt3A_211 = arith.cmpi slt, %select_n3A_204, %lt3A_210 : i32
        %ne3A_212 = arith.xori %lt3A_209, %lt3A_211 : i1
        %and3A_213 = arith.andi %ne3A_212, %ne3A_207 : i1
        %add3A_214 = arith.addi %rem3A_205, %select_n3A_204 : i32
        %select_n3A_215 = arith.select %and3A_213, %add3A_214, %rem3A_205 : i32
        %dma_wait3A_216 = arith.constant 0 : i32
        %dma_wait3A_217 = arith.constant 0 : i32
        %dma_wait3A_218 = arith.constant 0 : i32
        %dma_wait3A_219 = tpu.memref_slice %arg6[%select_n3A_215, %dma_wait3A_217, %dma_wait3A_218] : memref<2x16x128xi32, #tpu.memory_space<vmem>> -> memref<1x16x128xi32, #tpu.memory_space<vmem>>
        %dma_wait3A_220 = tpu.memref_squeeze %dma_wait3A_219 : memref<1x16x128xi32, #tpu.memory_space<vmem>> -> memref<16x128xi32, #tpu.memory_space<vmem>>
        %dma_wait3A_221 = arith.constant 0 : i32
        %dma_wait3A_222 = arith.constant 0 : i32
        %dma_wait3A_223 = tpu.memref_slice %arg4[%dma_wait3A_216, %dma_wait3A_221, %dma_wait3A_222] : memref<32x80x128xi32, #tpu.memory_space<hbm>> -> memref<1x16x128xi32, #tpu.memory_space<hbm>>
        %dma_wait3A_224 = tpu.memref_squeeze %dma_wait3A_223 : memref<1x16x128xi32, #tpu.memory_space<hbm>> -> memref<16x128xi32, #tpu.memory_space<hbm>>
        %dma_wait3A_225 = arith.constant 0 : i32
        %dma_wait3A_226 = arith.constant 0 : i32
        %dma_wait3A_227 = tpu.memref_slice %arg6[%select_n3A_215, %dma_wait3A_225, %dma_wait3A_226] : memref<2x16x128xi32, #tpu.memory_space<vmem>> -> memref<1x16x128xi32, #tpu.memory_space<vmem>>
        %dma_wait3A_228 = tpu.memref_squeeze %dma_wait3A_227 : memref<1x16x128xi32, #tpu.memory_space<vmem>> -> memref<16x128xi32, #tpu.memory_space<vmem>>
        %dma_wait3A_229 = arith.constant 0 : i32
        %dma_wait3A_230 = arith.constant 0 : i32
        %dma_wait3A_231 = tpu.memref_slice %arg4[%dma_wait3A_216, %dma_wait3A_229, %dma_wait3A_230] : memref<32x80x128xi32, #tpu.memory_space<hbm>> -> memref<1x16x128xi32, #tpu.memory_space<hbm>>
        %dma_wait3A_232 = tpu.memref_squeeze %dma_wait3A_231 : memref<1x16x128xi32, #tpu.memory_space<hbm>> -> memref<16x128xi32, #tpu.memory_space<hbm>>
        tpu.wait_dma2 semaphore(%arg14 : memref<!tpu.dma_semaphore, #tpu.memory_space<semaphore_mem>>) src(%dma_wait3A_232 : memref<16x128xi32, #tpu.memory_space<hbm>>) dst(%dma_wait3A_228 : memref<16x128xi32, #tpu.memory_space<vmem>>)
        %dma_wait3A_233 = arith.constant 0 : i32
        %dma_wait3A_234 = arith.constant 0 : i32
        %dma_wait3A_235 = arith.constant 0 : i32
        %dma_wait3A_236 = tpu.memref_slice %arg7[%select_n3A_215, %dma_wait3A_234, %dma_wait3A_235] : memref<2x16x128xi32, #tpu.memory_space<vmem>> -> memref<1x16x128xi32, #tpu.memory_space<vmem>>
        %dma_wait3A_237 = tpu.memref_squeeze %dma_wait3A_236 : memref<1x16x128xi32, #tpu.memory_space<vmem>> -> memref<16x128xi32, #tpu.memory_space<vmem>>
        %dma_wait3A_238 = arith.constant 0 : i32
        %dma_wait3A_239 = arith.constant 0 : i32
        %dma_wait3A_240 = tpu.memref_slice %arg4[%dma_wait3A_233, %dma_wait3A_238, %dma_wait3A_239] : memref<32x80x128xi32, #tpu.memory_space<hbm>> -> memref<1x16x128xi32, #tpu.memory_space<hbm>>
        %dma_wait3A_241 = tpu.memref_squeeze %dma_wait3A_240 : memref<1x16x128xi32, #tpu.memory_space<hbm>> -> memref<16x128xi32, #tpu.memory_space<hbm>>
        %dma_wait3A_242 = arith.constant 0 : i32
        %dma_wait3A_243 = arith.constant 0 : i32
        %dma_wait3A_244 = tpu.memref_slice %arg7[%select_n3A_215, %dma_wait3A_242, %dma_wait3A_243] : memref<2x16x128xi32, #tpu.memory_space<vmem>> -> memref<1x16x128xi32, #tpu.memory_space<vmem>>
        %dma_wait3A_245 = tpu.memref_squeeze %dma_wait3A_244 : memref<1x16x128xi32, #tpu.memory_space<vmem>> -> memref<16x128xi32, #tpu.memory_space<vmem>>
        %dma_wait3A_246 = arith.constant 0 : i32
        %dma_wait3A_247 = arith.constant 0 : i32
        %dma_wait3A_248 = tpu.memref_slice %arg4[%dma_wait3A_233, %dma_wait3A_246, %dma_wait3A_247] : memref<32x80x128xi32, #tpu.memory_space<hbm>> -> memref<1x16x128xi32, #tpu.memory_space<hbm>>
        %dma_wait3A_249 = tpu.memref_squeeze %dma_wait3A_248 : memref<1x16x128xi32, #tpu.memory_space<hbm>> -> memref<16x128xi32, #tpu.memory_space<hbm>>
        tpu.wait_dma2 semaphore(%arg14 : memref<!tpu.dma_semaphore, #tpu.memory_space<semaphore_mem>>) src(%dma_wait3A_249 : memref<16x128xi32, #tpu.memory_space<hbm>>) dst(%dma_wait3A_245 : memref<16x128xi32, #tpu.memory_space<vmem>>)
      } else {
      }
      %scan3A_197 = arith.constant 0 : i32
      scf.yield %scan3A_197 : i32
    }
    %scan3A_113 = arith.constant 10 : i32
    %barrier3A_114 = arith.constant 0 : index
    tpu.barrier barrier_id(%barrier3A_114)
    %mul3A_115 = arith.constant 640 : i32
    %mul3A_116 = arith.muli %arg1, %mul3A_115 : i32
    %mul3A_117 = arith.constant 10240 : i32
    %mul3A_118 = arith.muli %arg0, %mul3A_117 : i32
    %mul3A_119 = arith.constant 640 : i32
    %mul3A_120 = arith.muli %arg1, %mul3A_119 : i32
    %add3A_121 = arith.addi %mul3A_118, %mul3A_120 : i32
    "tpu.region"() ({
      %run_scoped3A_122 = tpu.sem_alloc : memref<!tpu.dma_semaphore, #tpu.memory_space<semaphore_mem>>
      %dma_start3A_123 = arith.constant 0 : i32
      %dma_start3A_124 = tpu.memref_slice %arg5[%add3A_121, %dma_start3A_123] : memref<20480x128xf32, #tpu.memory_space<hbm>> -> memref<640x128xf32, #tpu.memory_space<hbm>>
      %dma_start3A_125 = arith.constant 0 : i32
      %dma_start3A_126 = tpu.memref_slice %arg9[%mul3A_116, %dma_start3A_125] : memref<10240x128xf32, #tpu.memory_space<vmem_shared>> -> memref<640x128xf32, #tpu.memory_space<vmem_shared>>
      tpu.enqueue_dma source(%dma_start3A_126 : memref<640x128xf32, #tpu.memory_space<vmem_shared>>) target(%dma_start3A_124 : memref<640x128xf32, #tpu.memory_space<hbm>>) target_semaphore(%run_scoped3A_122 : memref<!tpu.dma_semaphore, #tpu.memory_space<semaphore_mem>>)
      %dma_wait3A_127 = arith.constant 0 : i32
      %dma_wait3A_128 = tpu.memref_slice %arg5[%add3A_121, %dma_wait3A_127] : memref<20480x128xf32, #tpu.memory_space<hbm>> -> memref<640x128xf32, #tpu.memory_space<hbm>>
      %dma_wait3A_129 = arith.constant 0 : i32
      %dma_wait3A_130 = tpu.memref_slice %arg9[%mul3A_116, %dma_wait3A_129] : memref<10240x128xf32, #tpu.memory_space<vmem_shared>> -> memref<640x128xf32, #tpu.memory_space<vmem_shared>>
      tpu.wait_dma2 semaphore(%run_scoped3A_122 : memref<!tpu.dma_semaphore, #tpu.memory_space<semaphore_mem>>) src(%dma_wait3A_130 : memref<640x128xf32, #tpu.memory_space<vmem_shared>>) dst(%dma_wait3A_128 : memref<640x128xf32, #tpu.memory_space<hbm>>)
      tpu.yield
    }) : () -> ()
    return
  }
}

#map = affine_map<(d0, d1) -> (0, 0)>
#map1 = affine_map<(d0, d1) -> (0, 0, 0, 0)>
#map2 = affine_map<(d0, d1) -> (0, 0, 0)>
module attributes {stable_mosaic.version = 14 : i64} {
  func.func @_scat_body(%arg0: i32, %arg1: i32, %arg2: memref<20480x128xf32, #tpu.memory_space<hbm>>, %arg3: memref<2x32x80x128xi32, #tpu.memory_space<hbm>>, %arg4: memref<32x80x128xi32, #tpu.memory_space<hbm>>, %arg5: memref<20480x128xf32, #tpu.memory_space<hbm>>, %arg6: memref<2x16x128xi32, #tpu.memory_space<vmem>>, %arg7: memref<2x16x128xi32, #tpu.memory_space<vmem>>, %arg8: memref<2x128x128xf32, #tpu.memory_space<vmem>>, %arg9: memref<10240x128xf32, #tpu.memory_space<vmem_shared>>, %arg10: memref<!tpu.dma_semaphore, #tpu.memory_space<semaphore_mem>>, %arg11: memref<!tpu.dma_semaphore, #tpu.memory_space<semaphore_mem>>, %arg12: memref<!tpu.dma_semaphore, #tpu.memory_space<semaphore_mem>>, %arg13: memref<!tpu.dma_semaphore, #tpu.memory_space<semaphore_mem>>, %arg14: memref<!tpu.dma_semaphore, #tpu.memory_space<semaphore_mem>>) attributes {dimension_semantics = [#tpu.dimension_semantics<core_parallel>, #tpu.dimension_semantics<subcore_parallel>], iteration_bounds = array<i64: 2, 16>, scalar_prefetch = 0 : i64, scratch_operands = 9 : i64, tpu.core_type = #tpu.core_type<sc_vector_subcore>, window_params = [{transform_indices = #map}, {transform_indices = #map1}, {transform_indices = #map2}, {transform_indices = #map}]} {
    %broadcast_in_dim3A = arith.constant 0.000000e+00 : f32
    %broadcast_in_dim3A_0 = vector.broadcast %broadcast_in_dim3A : f32 to vector<16xf32>
    %scan3A = arith.constant 0 : i32
    %scan3A_1 = arith.constant 0 : i32
    %scan3A_2 = arith.constant 128 : i32
    %scan3A_3 = arith.addi %scan3A_1, %scan3A_2 : i32
    %scan3A_4 = arith.constant 1 : i32
    %scan3A_5 = scf.for %scan3A_122 = %scan3A_1 to %scan3A_3 step %scan3A_4 iter_args(%scan3A_123 = %scan3A) -> (i32)  : i32 {
      %swap3A = arith.constant 0 : i32
      %swap3A_124 = arith.index_cast %swap3A : i32 to index
      %swap3A_125 = arith.index_cast %scan3A_122 : i32 to index
      %swap3A_126 = arith.constant 0 : index
      %swap3A_127 = tpu.vector_load %arg8[%swap3A_124, %swap3A_125, %swap3A_126] {strides = array<i32>} : memref<2x128x128xf32, #tpu.memory_space<vmem>>, vector<1x1x16xf32>,
      %swap3A_128 = vector.shape_cast %swap3A_127 : vector<1x1x16xf32> to vector<16xf32>
      %swap3A_129 = vector.shape_cast %broadcast_in_dim3A_0 : vector<16xf32> to vector<1x1x16xf32>
      tpu.vector_store %arg8[%swap3A_124, %swap3A_125, %swap3A_126], %swap3A_129 {strides = array<i32>} : memref<2x128x128xf32, #tpu.memory_space<vmem>>, vector<1x1x16xf32>,
      %swap3A_130 = arith.constant 0 : i32
      %swap3A_131 = arith.index_cast %swap3A_130 : i32 to index
      %swap3A_132 = arith.index_cast %scan3A_122 : i32 to index
      %swap3A_133 = arith.constant 16 : index
      %swap3A_134 = tpu.vector_load %arg8[%swap3A_131, %swap3A_132, %swap3A_133] {strides = array<i32>} : memref<2x128x128xf32, #tpu.memory_space<vmem>>, vector<1x1x16xf32>,
      %swap3A_135 = vector.shape_cast %swap3A_134 : vector<1x1x16xf32> to vector<16xf32>
      %swap3A_136 = vector.shape_cast %broadcast_in_dim3A_0 : vector<16xf32> to vector<1x1x16xf32>
      tpu.vector_store %arg8[%swap3A_131, %swap3A_132, %swap3A_133], %swap3A_136 {strides = array<i32>} : memref<2x128x128xf32, #tpu.memory_space<vmem>>, vector<1x1x16xf32>,
      %swap3A_137 = arith.constant 0 : i32
      %swap3A_138 = arith.index_cast %swap3A_137 : i32 to index
      %swap3A_139 = arith.index_cast %scan3A_122 : i32 to index
      %swap3A_140 = arith.constant 32 : index
      %swap3A_141 = tpu.vector_load %arg8[%swap3A_138, %swap3A_139, %swap3A_140] {strides = array<i32>} : memref<2x128x128xf32, #tpu.memory_space<vmem>>, vector<1x1x16xf32>,
      %swap3A_142 = vector.shape_cast %swap3A_141 : vector<1x1x16xf32> to vector<16xf32>
      %swap3A_143 = vector.shape_cast %broadcast_in_dim3A_0 : vector<16xf32> to vector<1x1x16xf32>
      tpu.vector_store %arg8[%swap3A_138, %swap3A_139, %swap3A_140], %swap3A_143 {strides = array<i32>} : memref<2x128x128xf32, #tpu.memory_space<vmem>>, vector<1x1x16xf32>,
      %swap3A_144 = arith.constant 0 : i32
      %swap3A_145 = arith.index_cast %swap3A_144 : i32 to index
      %swap3A_146 = arith.index_cast %scan3A_122 : i32 to index
      %swap3A_147 = arith.constant 48 : index
      %swap3A_148 = tpu.vector_load %arg8[%swap3A_145, %swap3A_146, %swap3A_147] {strides = array<i32>} : memref<2x128x128xf32, #tpu.memory_space<vmem>>, vector<1x1x16xf32>,
      %swap3A_149 = vector.shape_cast %swap3A_148 : vector<1x1x16xf32> to vector<16xf32>
      %swap3A_150 = vector.shape_cast %broadcast_in_dim3A_0 : vector<16xf32> to vector<1x1x16xf32>
      tpu.vector_store %arg8[%swap3A_145, %swap3A_146, %swap3A_147], %swap3A_150 {strides = array<i32>} : memref<2x128x128xf32, #tpu.memory_space<vmem>>, vector<1x1x16xf32>,
      %swap3A_151 = arith.constant 0 : i32
      %swap3A_152 = arith.index_cast %swap3A_151 : i32 to index
      %swap3A_153 = arith.index_cast %scan3A_122 : i32 to index
      %swap3A_154 = arith.constant 64 : index
      %swap3A_155 = tpu.vector_load %arg8[%swap3A_152, %swap3A_153, %swap3A_154] {strides = array<i32>} : memref<2x128x128xf32, #tpu.memory_space<vmem>>, vector<1x1x16xf32>,
      %swap3A_156 = vector.shape_cast %swap3A_155 : vector<1x1x16xf32> to vector<16xf32>
      %swap3A_157 = vector.shape_cast %broadcast_in_dim3A_0 : vector<16xf32> to vector<1x1x16xf32>
      tpu.vector_store %arg8[%swap3A_152, %swap3A_153, %swap3A_154], %swap3A_157 {strides = array<i32>} : memref<2x128x128xf32, #tpu.memory_space<vmem>>, vector<1x1x16xf32>,
      %swap3A_158 = arith.constant 0 : i32
      %swap3A_159 = arith.index_cast %swap3A_158 : i32 to index
      %swap3A_160 = arith.index_cast %scan3A_122 : i32 to index
      %swap3A_161 = arith.constant 80 : index
      %swap3A_162 = tpu.vector_load %arg8[%swap3A_159, %swap3A_160, %swap3A_161] {strides = array<i32>} : memref<2x128x128xf32, #tpu.memory_space<vmem>>, vector<1x1x16xf32>,
      %swap3A_163 = vector.shape_cast %swap3A_162 : vector<1x1x16xf32> to vector<16xf32>
      %swap3A_164 = vector.shape_cast %broadcast_in_dim3A_0 : vector<16xf32> to vector<1x1x16xf32>
      tpu.vector_store %arg8[%swap3A_159, %swap3A_160, %swap3A_161], %swap3A_164 {strides = array<i32>} : memref<2x128x128xf32, #tpu.memory_space<vmem>>, vector<1x1x16xf32>,
      %swap3A_165 = arith.constant 0 : i32
      %swap3A_166 = arith.index_cast %swap3A_165 : i32 to index
      %swap3A_167 = arith.index_cast %scan3A_122 : i32 to index
      %swap3A_168 = arith.constant 96 : index
      %swap3A_169 = tpu.vector_load %arg8[%swap3A_166, %swap3A_167, %swap3A_168] {strides = array<i32>} : memref<2x128x128xf32, #tpu.memory_space<vmem>>, vector<1x1x16xf32>,
      %swap3A_170 = vector.shape_cast %swap3A_169 : vector<1x1x16xf32> to vector<16xf32>
      %swap3A_171 = vector.shape_cast %broadcast_in_dim3A_0 : vector<16xf32> to vector<1x1x16xf32>
      tpu.vector_store %arg8[%swap3A_166, %swap3A_167, %swap3A_168], %swap3A_171 {strides = array<i32>} : memref<2x128x128xf32, #tpu.memory_space<vmem>>, vector<1x1x16xf32>,
      %swap3A_172 = arith.constant 0 : i32
      %swap3A_173 = arith.index_cast %swap3A_172 : i32 to index
      %swap3A_174 = arith.index_cast %scan3A_122 : i32 to index
      %swap3A_175 = arith.constant 112 : index
      %swap3A_176 = tpu.vector_load %arg8[%swap3A_173, %swap3A_174, %swap3A_175] {strides = array<i32>} : memref<2x128x128xf32, #tpu.memory_space<vmem>>, vector<1x1x16xf32>,
      %swap3A_177 = vector.shape_cast %swap3A_176 : vector<1x1x16xf32> to vector<16xf32>
      %swap3A_178 = vector.shape_cast %broadcast_in_dim3A_0 : vector<16xf32> to vector<1x1x16xf32>
      tpu.vector_store %arg8[%swap3A_173, %swap3A_174, %swap3A_175], %swap3A_178 {strides = array<i32>} : memref<2x128x128xf32, #tpu.memory_space<vmem>>, vector<1x1x16xf32>,
      %scan3A_179 = arith.constant 0 : i32
      scf.yield %scan3A_179 : i32
    }
    %scan3A_6 = arith.constant 128 : i32
    %mul3A = arith.constant 640 : i32
    %mul3A_7 = arith.muli %arg1, %mul3A : i32
    %add3A = arith.constant 0 : i32
    %add3A_8 = arith.addi %mul3A_7, %add3A : i32
    %run_scoped3A = arith.constant 0 : i32
    "tpu.region"() ({
      %run_scoped3A_122 = tpu.sem_alloc : memref<!tpu.dma_semaphore, #tpu.memory_space<semaphore_mem>>
      %dma_start3A_123 = arith.constant 0 : i32
      %dma_start3A_124 = arith.constant 0 : i32
      %dma_start3A_125 = tpu.memref_slice %arg8[%run_scoped3A, %dma_start3A_123, %dma_start3A_124] : memref<2x128x128xf32, #tpu.memory_space<vmem>> -> memref<1x128x128xf32, #tpu.memory_space<vmem>>
      %dma_start3A_126 = tpu.memref_squeeze %dma_start3A_125 : memref<1x128x128xf32, #tpu.memory_space<vmem>> -> memref<128x128xf32, #tpu.memory_space<vmem>>
      %dma_start3A_127 = arith.constant 0 : i32
      %dma_start3A_128 = tpu.memref_slice %arg9[%add3A_8, %dma_start3A_127] : memref<10240x128xf32, #tpu.memory_space<vmem_shared>> -> memref<128x128xf32, #tpu.memory_space<vmem_shared>>
      %dma_start3A_129 = arith.constant 0 : i32
      %dma_start3A_130 = tpu.memref_slice %arg9[%add3A_8, %dma_start3A_129] : memref<10240x128xf32, #tpu.memory_space<vmem_shared>> -> memref<128x128xf32, #tpu.memory_space<vmem_shared>>
      %dma_start3A_131 = arith.constant 0 : i32
      %dma_start3A_132 = arith.constant 0 : i32
      %dma_start3A_133 = tpu.memref_slice %arg8[%run_scoped3A, %dma_start3A_131, %dma_start3A_132] : memref<2x128x128xf32, #tpu.memory_space<vmem>> -> memref<1x128x128xf32, #tpu.memory_space<vmem>>
      %dma_start3A_134 = tpu.memref_squeeze %dma_start3A_133 : memref<1x128x128xf32, #tpu.memory_space<vmem>> -> memref<128x128xf32, #tpu.memory_space<vmem>>
      tpu.enqueue_dma source(%dma_start3A_134 : memref<128x128xf32, #tpu.memory_space<vmem>>) target(%dma_start3A_130 : memref<128x128xf32, #tpu.memory_space<vmem_shared>>) target_semaphore(%run_scoped3A_122 : memref<!tpu.dma_semaphore, #tpu.memory_space<semaphore_mem>>)
      %dma_wait3A_135 = arith.constant 0 : i32
      %dma_wait3A_136 = arith.constant 0 : i32
      %dma_wait3A_137 = tpu.memref_slice %arg8[%run_scoped3A, %dma_wait3A_135, %dma_wait3A_136] : memref<2x128x128xf32, #tpu.memory_space<vmem>> -> memref<1x128x128xf32, #tpu.memory_space<vmem>>
      %dma_wait3A_138 = tpu.memref_squeeze %dma_wait3A_137 : memref<1x128x128xf32, #tpu.memory_space<vmem>> -> memref<128x128xf32, #tpu.memory_space<vmem>>
      %dma_wait3A_139 = arith.constant 0 : i32
      %dma_wait3A_140 = tpu.memref_slice %arg9[%add3A_8, %dma_wait3A_139] : memref<10240x128xf32, #tpu.memory_space<vmem_shared>> -> memref<128x128xf32, #tpu.memory_space<vmem_shared>>
      %dma_wait3A_141 = arith.constant 0 : i32
      %dma_wait3A_142 = tpu.memref_slice %arg9[%add3A_8, %dma_wait3A_141] : memref<10240x128xf32, #tpu.memory_space<vmem_shared>> -> memref<128x128xf32, #tpu.memory_space<vmem_shared>>
      %dma_wait3A_143 = arith.constant 0 : i32
      %dma_wait3A_144 = arith.constant 0 : i32
      %dma_wait3A_145 = tpu.memref_slice %arg8[%run_scoped3A, %dma_wait3A_143, %dma_wait3A_144] : memref<2x128x128xf32, #tpu.memory_space<vmem>> -> memref<1x128x128xf32, #tpu.memory_space<vmem>>
      %dma_wait3A_146 = tpu.memref_squeeze %dma_wait3A_145 : memref<1x128x128xf32, #tpu.memory_space<vmem>> -> memref<128x128xf32, #tpu.memory_space<vmem>>
      tpu.wait_dma2 semaphore(%run_scoped3A_122 : memref<!tpu.dma_semaphore, #tpu.memory_space<semaphore_mem>>) src(%dma_wait3A_146 : memref<128x128xf32, #tpu.memory_space<vmem>>) dst(%dma_wait3A_142 : memref<128x128xf32, #tpu.memory_space<vmem_shared>>)
      tpu.yield
    }) : () -> ()
    %mul3A_9 = arith.constant 640 : i32
    %mul3A_10 = arith.muli %arg1, %mul3A_9 : i32
    %add3A_11 = arith.constant 128 : i32
    %add3A_12 = arith.addi %mul3A_10, %add3A_11 : i32
    %run_scoped3A_13 = arith.constant 0 : i32
    "tpu.region"() ({
      %run_scoped3A_122 = tpu.sem_alloc : memref<!tpu.dma_semaphore, #tpu.memory_space<semaphore_mem>>
      %dma_start3A_123 = arith.constant 0 : i32
      %dma_start3A_124 = arith.constant 0 : i32
      %dma_start3A_125 = tpu.memref_slice %arg8[%run_scoped3A_13, %dma_start3A_123, %dma_start3A_124] : memref<2x128x128xf32, #tpu.memory_space<vmem>> -> memref<1x128x128xf32, #tpu.memory_space<vmem>>
      %dma_start3A_126 = tpu.memref_squeeze %dma_start3A_125 : memref<1x128x128xf32, #tpu.memory_space<vmem>> -> memref<128x128xf32, #tpu.memory_space<vmem>>
      %dma_start3A_127 = arith.constant 0 : i32
      %dma_start3A_128 = tpu.memref_slice %arg9[%add3A_12, %dma_start3A_127] : memref<10240x128xf32, #tpu.memory_space<vmem_shared>> -> memref<128x128xf32, #tpu.memory_space<vmem_shared>>
      %dma_start3A_129 = arith.constant 0 : i32
      %dma_start3A_130 = tpu.memref_slice %arg9[%add3A_12, %dma_start3A_129] : memref<10240x128xf32, #tpu.memory_space<vmem_shared>> -> memref<128x128xf32, #tpu.memory_space<vmem_shared>>
      %dma_start3A_131 = arith.constant 0 : i32
      %dma_start3A_132 = arith.constant 0 : i32
      %dma_start3A_133 = tpu.memref_slice %arg8[%run_scoped3A_13, %dma_start3A_131, %dma_start3A_132] : memref<2x128x128xf32, #tpu.memory_space<vmem>> -> memref<1x128x128xf32, #tpu.memory_space<vmem>>
      %dma_start3A_134 = tpu.memref_squeeze %dma_start3A_133 : memref<1x128x128xf32, #tpu.memory_space<vmem>> -> memref<128x128xf32, #tpu.memory_space<vmem>>
      tpu.enqueue_dma source(%dma_start3A_134 : memref<128x128xf32, #tpu.memory_space<vmem>>) target(%dma_start3A_130 : memref<128x128xf32, #tpu.memory_space<vmem_shared>>) target_semaphore(%run_scoped3A_122 : memref<!tpu.dma_semaphore, #tpu.memory_space<semaphore_mem>>)
      %dma_wait3A_135 = arith.constant 0 : i32
      %dma_wait3A_136 = arith.constant 0 : i32
      %dma_wait3A_137 = tpu.memref_slice %arg8[%run_scoped3A_13, %dma_wait3A_135, %dma_wait3A_136] : memref<2x128x128xf32, #tpu.memory_space<vmem>> -> memref<1x128x128xf32, #tpu.memory_space<vmem>>
      %dma_wait3A_138 = tpu.memref_squeeze %dma_wait3A_137 : memref<1x128x128xf32, #tpu.memory_space<vmem>> -> memref<128x128xf32, #tpu.memory_space<vmem>>
      %dma_wait3A_139 = arith.constant 0 : i32
      %dma_wait3A_140 = tpu.memref_slice %arg9[%add3A_12, %dma_wait3A_139] : memref<10240x128xf32, #tpu.memory_space<vmem_shared>> -> memref<128x128xf32, #tpu.memory_space<vmem_shared>>
      %dma_wait3A_141 = arith.constant 0 : i32
      %dma_wait3A_142 = tpu.memref_slice %arg9[%add3A_12, %dma_wait3A_141] : memref<10240x128xf32, #tpu.memory_space<vmem_shared>> -> memref<128x128xf32, #tpu.memory_space<vmem_shared>>
      %dma_wait3A_143 = arith.constant 0 : i32
      %dma_wait3A_144 = arith.constant 0 : i32
      %dma_wait3A_145 = tpu.memref_slice %arg8[%run_scoped3A_13, %dma_wait3A_143, %dma_wait3A_144] : memref<2x128x128xf32, #tpu.memory_space<vmem>> -> memref<1x128x128xf32, #tpu.memory_space<vmem>>
      %dma_wait3A_146 = tpu.memref_squeeze %dma_wait3A_145 : memref<1x128x128xf32, #tpu.memory_space<vmem>> -> memref<128x128xf32, #tpu.memory_space<vmem>>
      tpu.wait_dma2 semaphore(%run_scoped3A_122 : memref<!tpu.dma_semaphore, #tpu.memory_space<semaphore_mem>>) src(%dma_wait3A_146 : memref<128x128xf32, #tpu.memory_space<vmem>>) dst(%dma_wait3A_142 : memref<128x128xf32, #tpu.memory_space<vmem_shared>>)
      tpu.yield
    }) : () -> ()
    %mul3A_14 = arith.constant 640 : i32
    %mul3A_15 = arith.muli %arg1, %mul3A_14 : i32
    %add3A_16 = arith.constant 256 : i32
    %add3A_17 = arith.addi %mul3A_15, %add3A_16 : i32
    %run_scoped3A_18 = arith.constant 0 : i32
    "tpu.region"() ({
      %run_scoped3A_122 = tpu.sem_alloc : memref<!tpu.dma_semaphore, #tpu.memory_space<semaphore_mem>>
      %dma_start3A_123 = arith.constant 0 : i32
      %dma_start3A_124 = arith.constant 0 : i32
      %dma_start3A_125 = tpu.memref_slice %arg8[%run_scoped3A_18, %dma_start3A_123, %dma_start3A_124] : memref<2x128x128xf32, #tpu.memory_space<vmem>> -> memref<1x128x128xf32, #tpu.memory_space<vmem>>
      %dma_start3A_126 = tpu.memref_squeeze %dma_start3A_125 : memref<1x128x128xf32, #tpu.memory_space<vmem>> -> memref<128x128xf32, #tpu.memory_space<vmem>>
      %dma_start3A_127 = arith.constant 0 : i32
      %dma_start3A_128 = tpu.memref_slice %arg9[%add3A_17, %dma_start3A_127] : memref<10240x128xf32, #tpu.memory_space<vmem_shared>> -> memref<128x128xf32, #tpu.memory_space<vmem_shared>>
      %dma_start3A_129 = arith.constant 0 : i32
      %dma_start3A_130 = tpu.memref_slice %arg9[%add3A_17, %dma_start3A_129] : memref<10240x128xf32, #tpu.memory_space<vmem_shared>> -> memref<128x128xf32, #tpu.memory_space<vmem_shared>>
      %dma_start3A_131 = arith.constant 0 : i32
      %dma_start3A_132 = arith.constant 0 : i32
      %dma_start3A_133 = tpu.memref_slice %arg8[%run_scoped3A_18, %dma_start3A_131, %dma_start3A_132] : memref<2x128x128xf32, #tpu.memory_space<vmem>> -> memref<1x128x128xf32, #tpu.memory_space<vmem>>
      %dma_start3A_134 = tpu.memref_squeeze %dma_start3A_133 : memref<1x128x128xf32, #tpu.memory_space<vmem>> -> memref<128x128xf32, #tpu.memory_space<vmem>>
      tpu.enqueue_dma source(%dma_start3A_134 : memref<128x128xf32, #tpu.memory_space<vmem>>) target(%dma_start3A_130 : memref<128x128xf32, #tpu.memory_space<vmem_shared>>) target_semaphore(%run_scoped3A_122 : memref<!tpu.dma_semaphore, #tpu.memory_space<semaphore_mem>>)
      %dma_wait3A_135 = arith.constant 0 : i32
      %dma_wait3A_136 = arith.constant 0 : i32
      %dma_wait3A_137 = tpu.memref_slice %arg8[%run_scoped3A_18, %dma_wait3A_135, %dma_wait3A_136] : memref<2x128x128xf32, #tpu.memory_space<vmem>> -> memref<1x128x128xf32, #tpu.memory_space<vmem>>
      %dma_wait3A_138 = tpu.memref_squeeze %dma_wait3A_137 : memref<1x128x128xf32, #tpu.memory_space<vmem>> -> memref<128x128xf32, #tpu.memory_space<vmem>>
      %dma_wait3A_139 = arith.constant 0 : i32
      %dma_wait3A_140 = tpu.memref_slice %arg9[%add3A_17, %dma_wait3A_139] : memref<10240x128xf32, #tpu.memory_space<vmem_shared>> -> memref<128x128xf32, #tpu.memory_space<vmem_shared>>
      %dma_wait3A_141 = arith.constant 0 : i32
      %dma_wait3A_142 = tpu.memref_slice %arg9[%add3A_17, %dma_wait3A_141] : memref<10240x128xf32, #tpu.memory_space<vmem_shared>> -> memref<128x128xf32, #tpu.memory_space<vmem_shared>>
      %dma_wait3A_143 = arith.constant 0 : i32
      %dma_wait3A_144 = arith.constant 0 : i32
      %dma_wait3A_145 = tpu.memref_slice %arg8[%run_scoped3A_18, %dma_wait3A_143, %dma_wait3A_144] : memref<2x128x128xf32, #tpu.memory_space<vmem>> -> memref<1x128x128xf32, #tpu.memory_space<vmem>>
      %dma_wait3A_146 = tpu.memref_squeeze %dma_wait3A_145 : memref<1x128x128xf32, #tpu.memory_space<vmem>> -> memref<128x128xf32, #tpu.memory_space<vmem>>
      tpu.wait_dma2 semaphore(%run_scoped3A_122 : memref<!tpu.dma_semaphore, #tpu.memory_space<semaphore_mem>>) src(%dma_wait3A_146 : memref<128x128xf32, #tpu.memory_space<vmem>>) dst(%dma_wait3A_142 : memref<128x128xf32, #tpu.memory_space<vmem_shared>>)
      tpu.yield
    }) : () -> ()
    %mul3A_19 = arith.constant 640 : i32
    %mul3A_20 = arith.muli %arg1, %mul3A_19 : i32
    %add3A_21 = arith.constant 384 : i32
    %add3A_22 = arith.addi %mul3A_20, %add3A_21 : i32
    %run_scoped3A_23 = arith.constant 0 : i32
    "tpu.region"() ({
      %run_scoped3A_122 = tpu.sem_alloc : memref<!tpu.dma_semaphore, #tpu.memory_space<semaphore_mem>>
      %dma_start3A_123 = arith.constant 0 : i32
      %dma_start3A_124 = arith.constant 0 : i32
      %dma_start3A_125 = tpu.memref_slice %arg8[%run_scoped3A_23, %dma_start3A_123, %dma_start3A_124] : memref<2x128x128xf32, #tpu.memory_space<vmem>> -> memref<1x128x128xf32, #tpu.memory_space<vmem>>
      %dma_start3A_126 = tpu.memref_squeeze %dma_start3A_125 : memref<1x128x128xf32, #tpu.memory_space<vmem>> -> memref<128x128xf32, #tpu.memory_space<vmem>>
      %dma_start3A_127 = arith.constant 0 : i32
      %dma_start3A_128 = tpu.memref_slice %arg9[%add3A_22, %dma_start3A_127] : memref<10240x128xf32, #tpu.memory_space<vmem_shared>> -> memref<128x128xf32, #tpu.memory_space<vmem_shared>>
      %dma_start3A_129 = arith.constant 0 : i32
      %dma_start3A_130 = tpu.memref_slice %arg9[%add3A_22, %dma_start3A_129] : memref<10240x128xf32, #tpu.memory_space<vmem_shared>> -> memref<128x128xf32, #tpu.memory_space<vmem_shared>>
      %dma_start3A_131 = arith.constant 0 : i32
      %dma_start3A_132 = arith.constant 0 : i32
      %dma_start3A_133 = tpu.memref_slice %arg8[%run_scoped3A_23, %dma_start3A_131, %dma_start3A_132] : memref<2x128x128xf32, #tpu.memory_space<vmem>> -> memref<1x128x128xf32, #tpu.memory_space<vmem>>
      %dma_start3A_134 = tpu.memref_squeeze %dma_start3A_133 : memref<1x128x128xf32, #tpu.memory_space<vmem>> -> memref<128x128xf32, #tpu.memory_space<vmem>>
      tpu.enqueue_dma source(%dma_start3A_134 : memref<128x128xf32, #tpu.memory_space<vmem>>) target(%dma_start3A_130 : memref<128x128xf32, #tpu.memory_space<vmem_shared>>) target_semaphore(%run_scoped3A_122 : memref<!tpu.dma_semaphore, #tpu.memory_space<semaphore_mem>>)
      %dma_wait3A_135 = arith.constant 0 : i32
      %dma_wait3A_136 = arith.constant 0 : i32
      %dma_wait3A_137 = tpu.memref_slice %arg8[%run_scoped3A_23, %dma_wait3A_135, %dma_wait3A_136] : memref<2x128x128xf32, #tpu.memory_space<vmem>> -> memref<1x128x128xf32, #tpu.memory_space<vmem>>
      %dma_wait3A_138 = tpu.memref_squeeze %dma_wait3A_137 : memref<1x128x128xf32, #tpu.memory_space<vmem>> -> memref<128x128xf32, #tpu.memory_space<vmem>>
      %dma_wait3A_139 = arith.constant 0 : i32
      %dma_wait3A_140 = tpu.memref_slice %arg9[%add3A_22, %dma_wait3A_139] : memref<10240x128xf32, #tpu.memory_space<vmem_shared>> -> memref<128x128xf32, #tpu.memory_space<vmem_shared>>
      %dma_wait3A_141 = arith.constant 0 : i32
      %dma_wait3A_142 = tpu.memref_slice %arg9[%add3A_22, %dma_wait3A_141] : memref<10240x128xf32, #tpu.memory_space<vmem_shared>> -> memref<128x128xf32, #tpu.memory_space<vmem_shared>>
      %dma_wait3A_143 = arith.constant 0 : i32
      %dma_wait3A_144 = arith.constant 0 : i32
      %dma_wait3A_145 = tpu.memref_slice %arg8[%run_scoped3A_23, %dma_wait3A_143, %dma_wait3A_144] : memref<2x128x128xf32, #tpu.memory_space<vmem>> -> memref<1x128x128xf32, #tpu.memory_space<vmem>>
      %dma_wait3A_146 = tpu.memref_squeeze %dma_wait3A_145 : memref<1x128x128xf32, #tpu.memory_space<vmem>> -> memref<128x128xf32, #tpu.memory_space<vmem>>
      tpu.wait_dma2 semaphore(%run_scoped3A_122 : memref<!tpu.dma_semaphore, #tpu.memory_space<semaphore_mem>>) src(%dma_wait3A_146 : memref<128x128xf32, #tpu.memory_space<vmem>>) dst(%dma_wait3A_142 : memref<128x128xf32, #tpu.memory_space<vmem_shared>>)
      tpu.yield
    }) : () -> ()
    %mul3A_24 = arith.constant 640 : i32
    %mul3A_25 = arith.muli %arg1, %mul3A_24 : i32
    %add3A_26 = arith.constant 512 : i32
    %add3A_27 = arith.addi %mul3A_25, %add3A_26 : i32
    %run_scoped3A_28 = arith.constant 0 : i32
    "tpu.region"() ({
      %run_scoped3A_122 = tpu.sem_alloc : memref<!tpu.dma_semaphore, #tpu.memory_space<semaphore_mem>>
      %dma_start3A_123 = arith.constant 0 : i32
      %dma_start3A_124 = arith.constant 0 : i32
      %dma_start3A_125 = tpu.memref_slice %arg8[%run_scoped3A_28, %dma_start3A_123, %dma_start3A_124] : memref<2x128x128xf32, #tpu.memory_space<vmem>> -> memref<1x128x128xf32, #tpu.memory_space<vmem>>
      %dma_start3A_126 = tpu.memref_squeeze %dma_start3A_125 : memref<1x128x128xf32, #tpu.memory_space<vmem>> -> memref<128x128xf32, #tpu.memory_space<vmem>>
      %dma_start3A_127 = arith.constant 0 : i32
      %dma_start3A_128 = tpu.memref_slice %arg9[%add3A_27, %dma_start3A_127] : memref<10240x128xf32, #tpu.memory_space<vmem_shared>> -> memref<128x128xf32, #tpu.memory_space<vmem_shared>>
      %dma_start3A_129 = arith.constant 0 : i32
      %dma_start3A_130 = tpu.memref_slice %arg9[%add3A_27, %dma_start3A_129] : memref<10240x128xf32, #tpu.memory_space<vmem_shared>> -> memref<128x128xf32, #tpu.memory_space<vmem_shared>>
      %dma_start3A_131 = arith.constant 0 : i32
      %dma_start3A_132 = arith.constant 0 : i32
      %dma_start3A_133 = tpu.memref_slice %arg8[%run_scoped3A_28, %dma_start3A_131, %dma_start3A_132] : memref<2x128x128xf32, #tpu.memory_space<vmem>> -> memref<1x128x128xf32, #tpu.memory_space<vmem>>
      %dma_start3A_134 = tpu.memref_squeeze %dma_start3A_133 : memref<1x128x128xf32, #tpu.memory_space<vmem>> -> memref<128x128xf32, #tpu.memory_space<vmem>>
      tpu.enqueue_dma source(%dma_start3A_134 : memref<128x128xf32, #tpu.memory_space<vmem>>) target(%dma_start3A_130 : memref<128x128xf32, #tpu.memory_space<vmem_shared>>) target_semaphore(%run_scoped3A_122 : memref<!tpu.dma_semaphore, #tpu.memory_space<semaphore_mem>>)
      %dma_wait3A_135 = arith.constant 0 : i32
      %dma_wait3A_136 = arith.constant 0 : i32
      %dma_wait3A_137 = tpu.memref_slice %arg8[%run_scoped3A_28, %dma_wait3A_135, %dma_wait3A_136] : memref<2x128x128xf32, #tpu.memory_space<vmem>> -> memref<1x128x128xf32, #tpu.memory_space<vmem>>
      %dma_wait3A_138 = tpu.memref_squeeze %dma_wait3A_137 : memref<1x128x128xf32, #tpu.memory_space<vmem>> -> memref<128x128xf32, #tpu.memory_space<vmem>>
      %dma_wait3A_139 = arith.constant 0 : i32
      %dma_wait3A_140 = tpu.memref_slice %arg9[%add3A_27, %dma_wait3A_139] : memref<10240x128xf32, #tpu.memory_space<vmem_shared>> -> memref<128x128xf32, #tpu.memory_space<vmem_shared>>
      %dma_wait3A_141 = arith.constant 0 : i32
      %dma_wait3A_142 = tpu.memref_slice %arg9[%add3A_27, %dma_wait3A_141] : memref<10240x128xf32, #tpu.memory_space<vmem_shared>> -> memref<128x128xf32, #tpu.memory_space<vmem_shared>>
      %dma_wait3A_143 = arith.constant 0 : i32
      %dma_wait3A_144 = arith.constant 0 : i32
      %dma_wait3A_145 = tpu.memref_slice %arg8[%run_scoped3A_28, %dma_wait3A_143, %dma_wait3A_144] : memref<2x128x128xf32, #tpu.memory_space<vmem>> -> memref<1x128x128xf32, #tpu.memory_space<vmem>>
      %dma_wait3A_146 = tpu.memref_squeeze %dma_wait3A_145 : memref<1x128x128xf32, #tpu.memory_space<vmem>> -> memref<128x128xf32, #tpu.memory_space<vmem>>
      tpu.wait_dma2 semaphore(%run_scoped3A_122 : memref<!tpu.dma_semaphore, #tpu.memory_space<semaphore_mem>>) src(%dma_wait3A_146 : memref<128x128xf32, #tpu.memory_space<vmem>>) dst(%dma_wait3A_142 : memref<128x128xf32, #tpu.memory_space<vmem_shared>>)
      tpu.yield
    }) : () -> ()
    %barrier3A = arith.constant 0 : index
    tpu.barrier barrier_id(%barrier3A)
    %mul3A_29 = arith.constant 2 : i32
    %mul3A_30 = arith.muli %arg1, %mul3A_29 : i32
    %add3A_31 = arith.constant 0 : i32
    %add3A_32 = arith.addi %mul3A_30, %add3A_31 : i32
    %dma_start3A = arith.constant 0 : i32
    %dma_start3A_33 = arith.constant 0 : i32
    %dma_start3A_34 = arith.constant 0 : i32
    %dma_start3A_35 = tpu.memref_slice %arg6[%dma_start3A, %dma_start3A_33, %dma_start3A_34] : memref<2x16x128xi32, #tpu.memory_space<vmem>> -> memref<1x16x128xi32, #tpu.memory_space<vmem>>
    %dma_start3A_36 = tpu.memref_squeeze %dma_start3A_35 : memref<1x16x128xi32, #tpu.memory_space<vmem>> -> memref<16x128xi32, #tpu.memory_space<vmem>>
    %dma_start3A_37 = arith.constant 0 : i32
    %dma_start3A_38 = arith.constant 0 : i32
    %dma_start3A_39 = tpu.memref_slice %arg3[%arg0, %add3A_32, %dma_start3A_37, %dma_start3A_38] : memref<2x32x80x128xi32, #tpu.memory_space<hbm>> -> memref<1x1x16x128xi32, #tpu.memory_space<hbm>>
    %dma_start3A_40 = tpu.memref_squeeze %dma_start3A_39 : memref<1x1x16x128xi32, #tpu.memory_space<hbm>> -> memref<16x128xi32, #tpu.memory_space<hbm>>
    %dma_start3A_41 = arith.constant 0 : i32
    %dma_start3A_42 = arith.constant 0 : i32
    %dma_start3A_43 = tpu.memref_slice %arg6[%dma_start3A, %dma_start3A_41, %dma_start3A_42] : memref<2x16x128xi32, #tpu.memory_space<vmem>> -> memref<1x16x128xi32, #tpu.memory_space<vmem>>
    %dma_start3A_44 = tpu.memref_squeeze %dma_start3A_43 : memref<1x16x128xi32, #tpu.memory_space<vmem>> -> memref<16x128xi32, #tpu.memory_space<vmem>>
    %dma_start3A_45 = arith.constant 0 : i32
    %dma_start3A_46 = arith.constant 0 : i32
    %dma_start3A_47 = tpu.memref_slice %arg3[%arg0, %add3A_32, %dma_start3A_45, %dma_start3A_46] : memref<2x32x80x128xi32, #tpu.memory_space<hbm>> -> memref<1x1x16x128xi32, #tpu.memory_space<hbm>>
    %dma_start3A_48 = tpu.memref_squeeze %dma_start3A_47 : memref<1x1x16x128xi32, #tpu.memory_space<hbm>> -> memref<16x128xi32, #tpu.memory_space<hbm>>
    tpu.enqueue_dma source(%dma_start3A_48 : memref<16x128xi32, #tpu.memory_space<hbm>>) target(%dma_start3A_44 : memref<16x128xi32, #tpu.memory_space<vmem>>) target_semaphore(%arg14 : memref<!tpu.dma_semaphore, #tpu.memory_space<semaphore_mem>>)
    %mul3A_49 = arith.constant 2 : i32
    %mul3A_50 = arith.muli %arg1, %mul3A_49 : i32
    %add3A_51 = arith.constant 0 : i32
    %add3A_52 = arith.addi %mul3A_50, %add3A_51 : i32
    %dma_start3A_53 = arith.constant 0 : i32
    %dma_start3A_54 = arith.constant 0 : i32
    %dma_start3A_55 = arith.constant 0 : i32
    %dma_start3A_56 = tpu.memref_slice %arg7[%dma_start3A_53, %dma_start3A_54, %dma_start3A_55] : memref<2x16x128xi32, #tpu.memory_space<vmem>> -> memref<1x16x128xi32, #tpu.memory_space<vmem>>
    %dma_start3A_57 = tpu.memref_squeeze %dma_start3A_56 : memref<1x16x128xi32, #tpu.memory_space<vmem>> -> memref<16x128xi32, #tpu.memory_space<vmem>>
    %dma_start3A_58 = arith.constant 0 : i32
    %dma_start3A_59 = arith.constant 0 : i32
    %dma_start3A_60 = tpu.memref_slice %arg4[%add3A_52, %dma_start3A_58, %dma_start3A_59] : memref<32x80x128xi32, #tpu.memory_space<hbm>> -> memref<1x16x128xi32, #tpu.memory_space<hbm>>
    %dma_start3A_61 = tpu.memref_squeeze %dma_start3A_60 : memref<1x16x128xi32, #tpu.memory_space<hbm>> -> memref<16x128xi32, #tpu.memory_space<hbm>>
    %dma_start3A_62 = arith.constant 0 : i32
    %dma_start3A_63 = arith.constant 0 : i32
    %dma_start3A_64 = tpu.memref_slice %arg7[%dma_start3A_53, %dma_start3A_62, %dma_start3A_63] : memref<2x16x128xi32, #tpu.memory_space<vmem>> -> memref<1x16x128xi32, #tpu.memory_space<vmem>>
    %dma_start3A_65 = tpu.memref_squeeze %dma_start3A_64 : memref<1x16x128xi32, #tpu.memory_space<vmem>> -> memref<16x128xi32, #tpu.memory_space<vmem>>
    %dma_start3A_66 = arith.constant 0 : i32
    %dma_start3A_67 = arith.constant 0 : i32
    %dma_start3A_68 = tpu.memref_slice %arg4[%add3A_52, %dma_start3A_66, %dma_start3A_67] : memref<32x80x128xi32, #tpu.memory_space<hbm>> -> memref<1x16x128xi32, #tpu.memory_space<hbm>>
    %dma_start3A_69 = tpu.memref_squeeze %dma_start3A_68 : memref<1x16x128xi32, #tpu.memory_space<hbm>> -> memref<16x128xi32, #tpu.memory_space<hbm>>
    tpu.enqueue_dma source(%dma_start3A_69 : memref<16x128xi32, #tpu.memory_space<hbm>>) target(%dma_start3A_65 : memref<16x128xi32, #tpu.memory_space<vmem>>) target_semaphore(%arg14 : memref<!tpu.dma_semaphore, #tpu.memory_space<semaphore_mem>>)
    %dma_wait3A = arith.constant 0 : i32
    %dma_wait3A_70 = arith.constant 0 : i32
    %dma_wait3A_71 = arith.constant 0 : i32
    %dma_wait3A_72 = arith.constant 0 : i32
    %dma_wait3A_73 = tpu.memref_slice %arg6[%dma_wait3A_70, %dma_wait3A_71, %dma_wait3A_72] : memref<2x16x128xi32, #tpu.memory_space<vmem>> -> memref<1x16x128xi32, #tpu.memory_space<vmem>>
    %dma_wait3A_74 = tpu.memref_squeeze %dma_wait3A_73 : memref<1x16x128xi32, #tpu.memory_space<vmem>> -> memref<16x128xi32, #tpu.memory_space<vmem>>
    %dma_wait3A_75 = arith.constant 0 : i32
    %dma_wait3A_76 = arith.constant 0 : i32
    %dma_wait3A_77 = tpu.memref_slice %arg4[%dma_wait3A, %dma_wait3A_75, %dma_wait3A_76] : memref<32x80x128xi32, #tpu.memory_space<hbm>> -> memref<1x16x128xi32, #tpu.memory_space<hbm>>
    %dma_wait3A_78 = tpu.memref_squeeze %dma_wait3A_77 : memref<1x16x128xi32, #tpu.memory_space<hbm>> -> memref<16x128xi32, #tpu.memory_space<hbm>>
    %dma_wait3A_79 = arith.constant 0 : i32
    %dma_wait3A_80 = arith.constant 0 : i32
    %dma_wait3A_81 = tpu.memref_slice %arg6[%dma_wait3A_70, %dma_wait3A_79, %dma_wait3A_80] : memref<2x16x128xi32, #tpu.memory_space<vmem>> -> memref<1x16x128xi32, #tpu.memory_space<vmem>>
    %dma_wait3A_82 = tpu.memref_squeeze %dma_wait3A_81 : memref<1x16x128xi32, #tpu.memory_space<vmem>> -> memref<16x128xi32, #tpu.memory_space<vmem>>
    %dma_wait3A_83 = arith.constant 0 : i32
    %dma_wait3A_84 = arith.constant 0 : i32
    %dma_wait3A_85 = tpu.memref_slice %arg4[%dma_wait3A, %dma_wait3A_83, %dma_wait3A_84] : memref<32x80x128xi32, #tpu.memory_space<hbm>> -> memref<1x16x128xi32, #tpu.memory_space<hbm>>
    %dma_wait3A_86 = tpu.memref_squeeze %dma_wait3A_85 : memref<1x16x128xi32, #tpu.memory_space<hbm>> -> memref<16x128xi32, #tpu.memory_space<hbm>>
    tpu.wait_dma2 semaphore(%arg14 : memref<!tpu.dma_semaphore, #tpu.memory_space<semaphore_mem>>) src(%dma_wait3A_86 : memref<16x128xi32, #tpu.memory_space<hbm>>) dst(%dma_wait3A_82 : memref<16x128xi32, #tpu.memory_space<vmem>>)
    %dma_wait3A_87 = arith.constant 0 : i32
    %dma_wait3A_88 = arith.constant 0 : i32
    %dma_wait3A_89 = arith.constant 0 : i32
    %dma_wait3A_90 = arith.constant 0 : i32
    %dma_wait3A_91 = tpu.memref_slice %arg7[%dma_wait3A_88, %dma_wait3A_89, %dma_wait3A_90] : memref<2x16x128xi32, #tpu.memory_space<vmem>> -> memref<1x16x128xi32, #tpu.memory_space<vmem>>
    %dma_wait3A_92 = tpu.memref_squeeze %dma_wait3A_91 : memref<1x16x128xi32, #tpu.memory_space<vmem>> -> memref<16x128xi32, #tpu.memory_space<vmem>>
    %dma_wait3A_93 = arith.constant 0 : i32
    %dma_wait3A_94 = arith.constant 0 : i32
    %dma_wait3A_95 = tpu.memref_slice %arg4[%dma_wait3A_87, %dma_wait3A_93, %dma_wait3A_94] : memref<32x80x128xi32, #tpu.memory_space<hbm>> -> memref<1x16x128xi32, #tpu.memory_space<hbm>>
    %dma_wait3A_96 = tpu.memref_squeeze %dma_wait3A_95 : memref<1x16x128xi32, #tpu.memory_space<hbm>> -> memref<16x128xi32, #tpu.memory_space<hbm>>
    %dma_wait3A_97 = arith.constant 0 : i32
    %dma_wait3A_98 = arith.constant 0 : i32
    %dma_wait3A_99 = tpu.memref_slice %arg7[%dma_wait3A_88, %dma_wait3A_97, %dma_wait3A_98] : memref<2x16x128xi32, #tpu.memory_space<vmem>> -> memref<1x16x128xi32, #tpu.memory_space<vmem>>
    %dma_wait3A_100 = tpu.memref_squeeze %dma_wait3A_99 : memref<1x16x128xi32, #tpu.memory_space<vmem>> -> memref<16x128xi32, #tpu.memory_space<vmem>>
    %dma_wait3A_101 = arith.constant 0 : i32
    %dma_wait3A_102 = arith.constant 0 : i32
    %dma_wait3A_103 = tpu.memref_slice %arg4[%dma_wait3A_87, %dma_wait3A_101, %dma_wait3A_102] : memref<32x80x128xi32, #tpu.memory_space<hbm>> -> memref<1x16x128xi32, #tpu.memory_space<hbm>>
    %dma_wait3A_104 = tpu.memref_squeeze %dma_wait3A_103 : memref<1x16x128xi32, #tpu.memory_space<hbm>> -> memref<16x128xi32, #tpu.memory_space<hbm>>
    tpu.wait_dma2 semaphore(%arg14 : memref<!tpu.dma_semaphore, #tpu.memory_space<semaphore_mem>>) src(%dma_wait3A_104 : memref<16x128xi32, #tpu.memory_space<hbm>>) dst(%dma_wait3A_100 : memref<16x128xi32, #tpu.memory_space<vmem>>)
    %scan3A_105 = arith.constant 0 : i32
    %scan3A_106 = arith.constant 1 : i32
    %scan3A_107 = arith.constant 0 : i32
    %scan3A_108 = arith.constant 0 : i32
    %scan3A_109 = arith.constant 10 : i32
    %scan3A_110 = arith.addi %scan3A_108, %scan3A_109 : i32
    %scan3A_111 = arith.constant 1 : i32
    %scan3A_112 = scf.for %scan3A_122 = %scan3A_108 to %scan3A_110 step %scan3A_111 iter_args(%scan3A_123 = %scan3A_107) -> (i32)  : i32 {
      %jit3A = arith.constant 2 : i32
      %eq3A = arith.constant 0 : i32
      %eq3A_124 = arith.cmpi eq, %jit3A, %eq3A : i32
      %jit3A_125 = arith.constant 1 : i32
      %select_n3A = arith.select %eq3A_124, %jit3A_125, %jit3A : i32
      %rem3A = arith.remsi %scan3A_122, %select_n3A : i32
      %ne3A = arith.constant 0 : i32
      %ne3A_126 = arith.cmpi ne, %rem3A, %ne3A : i32
      %lt3A = arith.constant 0 : i32
      %lt3A_127 = arith.cmpi slt, %rem3A, %lt3A : i32
      %lt3A_128 = arith.constant 0 : i32
      %lt3A_129 = arith.cmpi slt, %select_n3A, %lt3A_128 : i32
      %ne3A_130 = arith.xori %lt3A_127, %lt3A_129 : i1
      %and3A = arith.andi %ne3A_130, %ne3A_126 : i1
      %add3A_131 = arith.addi %rem3A, %select_n3A : i32
      %select_n3A_132 = arith.select %and3A, %add3A_131, %rem3A : i32
      %add3A_133 = arith.constant 1 : i32
      %add3A_134 = arith.addi %scan3A_122, %add3A_133 : i32
      %lt3A_135 = arith.constant 10 : i32
      %lt3A_136 = arith.cmpi slt, %add3A_134, %lt3A_135 : i32
      %convert_element_type3A = arith.extui %lt3A_136 : i1 to i32
      %cond3A = arith.constant 0 : i32
      %cond3A_137 = arith.cmpi ne, %convert_element_type3A, %cond3A : i32
      scf.if %cond3A_137 {
        %add3A_198 = arith.constant 1 : i32
        %add3A_199 = arith.addi %scan3A_122, %add3A_198 : i32
        %add3A_200 = arith.constant 1 : i32
        %add3A_201 = arith.addi %scan3A_122, %add3A_200 : i32
        %jit3A_202 = arith.constant 2 : i32
        %eq3A_203 = arith.constant 0 : i32
        %eq3A_204 = arith.cmpi eq, %jit3A_202, %eq3A_203 : i32
        %jit3A_205 = arith.constant 1 : i32
        %select_n3A_206 = arith.select %eq3A_204, %jit3A_205, %jit3A_202 : i32
        %rem3A_207 = arith.remsi %add3A_201, %select_n3A_206 : i32
        %ne3A_208 = arith.constant 0 : i32
        %ne3A_209 = arith.cmpi ne, %rem3A_207, %ne3A_208 : i32
        %lt3A_210 = arith.constant 0 : i32
        %lt3A_211 = arith.cmpi slt, %rem3A_207, %lt3A_210 : i32
        %lt3A_212 = arith.constant 0 : i32
        %lt3A_213 = arith.cmpi slt, %select_n3A_206, %lt3A_212 : i32
        %ne3A_214 = arith.xori %lt3A_211, %lt3A_213 : i1
        %and3A_215 = arith.andi %ne3A_214, %ne3A_209 : i1
        %add3A_216 = arith.addi %rem3A_207, %select_n3A_206 : i32
        %select_n3A_217 = arith.select %and3A_215, %add3A_216, %rem3A_207 : i32
        %jit3A_218 = arith.constant 5 : i32
        %div3A = arith.divsi %add3A_199, %jit3A_218 : i32
        %sign3A = arith.constant 0 : i32
        %sign3A_219 = arith.cmpi sgt, %add3A_199, %sign3A : i32
        %sign3A_220 = arith.extui %sign3A_219 : i1 to i32
        %sign3A_221 = arith.constant 0 : i32
        %sign3A_222 = arith.cmpi slt, %add3A_199, %sign3A_221 : i32
        %sign3A_223 = arith.extui %sign3A_222 : i1 to i32
        %sign3A_224 = arith.subi %sign3A_220, %sign3A_223 : i32
        %sign3A_225 = arith.constant 0 : i32
        %sign3A_226 = arith.cmpi sgt, %jit3A_218, %sign3A_225 : i32
        %sign3A_227 = arith.extui %sign3A_226 : i1 to i32
        %sign3A_228 = arith.constant 0 : i32
        %sign3A_229 = arith.cmpi slt, %jit3A_218, %sign3A_228 : i32
        %sign3A_230 = arith.extui %sign3A_229 : i1 to i32
        %sign3A_231 = arith.subi %sign3A_227, %sign3A_230 : i32
        %ne3A_232 = arith.cmpi ne, %sign3A_224, %sign3A_231 : i32
        %rem3A_233 = arith.remsi %add3A_199, %jit3A_218 : i32
        %ne3A_234 = arith.constant 0 : i32
        %ne3A_235 = arith.cmpi ne, %rem3A_233, %ne3A_234 : i32
        %and3A_236 = arith.andi %ne3A_232, %ne3A_235 : i1
        %sub3A = arith.constant 1 : i32
        %sub3A_237 = arith.subi %div3A, %sub3A : i32
        %select_n3A_238 = arith.select %and3A_236, %sub3A_237, %div3A : i32
        %jit3A_239 = arith.constant 5 : i32
        %eq3A_240 = arith.constant 0 : i32
        %eq3A_241 = arith.cmpi eq, %jit3A_239, %eq3A_240 : i32
        %jit3A_242 = arith.constant 1 : i32
        %select_n3A_243 = arith.select %eq3A_241, %jit3A_242, %jit3A_239 : i32
        %rem3A_244 = arith.remsi %add3A_199, %select_n3A_243 : i32
        %ne3A_245 = arith.constant 0 : i32
        %ne3A_246 = arith.cmpi ne, %rem3A_244, %ne3A_245 : i32
        %lt3A_247 = arith.constant 0 : i32
        %lt3A_248 = arith.cmpi slt, %rem3A_244, %lt3A_247 : i32
        %lt3A_249 = arith.constant 0 : i32
        %lt3A_250 = arith.cmpi slt, %select_n3A_243, %lt3A_249 : i32
        %ne3A_251 = arith.xori %lt3A_248, %lt3A_250 : i1
        %and3A_252 = arith.andi %ne3A_251, %ne3A_246 : i1
        %add3A_253 = arith.addi %rem3A_244, %select_n3A_243 : i32
        %select_n3A_254 = arith.select %and3A_252, %add3A_253, %rem3A_244 : i32
        %mul3A_255 = arith.constant 2 : i32
        %mul3A_256 = arith.muli %arg1, %mul3A_255 : i32
        %add3A_257 = arith.addi %mul3A_256, %select_n3A_238 : i32
        %mul3A_258 = arith.constant 16 : i32
        %mul3A_259 = arith.muli %select_n3A_254, %mul3A_258 : i32
        %dma_start3A_260 = arith.constant 0 : i32
        %dma_start3A_261 = arith.constant 0 : i32
        %dma_start3A_262 = tpu.memref_slice %arg6[%select_n3A_217, %dma_start3A_260, %dma_start3A_261] : memref<2x16x128xi32, #tpu.memory_space<vmem>> -> memref<1x16x128xi32, #tpu.memory_space<vmem>>
        %dma_start3A_263 = tpu.memref_squeeze %dma_start3A_262 : memref<1x16x128xi32, #tpu.memory_space<vmem>> -> memref<16x128xi32, #tpu.memory_space<vmem>>
        %dma_start3A_264 = arith.constant 0 : i32
        %dma_start3A_265 = tpu.memref_slice %arg3[%arg0, %add3A_257, %mul3A_259, %dma_start3A_264] : memref<2x32x80x128xi32, #tpu.memory_space<hbm>> -> memref<1x1x16x128xi32, #tpu.memory_space<hbm>>
        %dma_start3A_266 = tpu.memref_squeeze %dma_start3A_265 : memref<1x1x16x128xi32, #tpu.memory_space<hbm>> -> memref<16x128xi32, #tpu.memory_space<hbm>>
        %dma_start3A_267 = arith.constant 0 : i32
        %dma_start3A_268 = arith.constant 0 : i32
        %dma_start3A_269 = tpu.memref_slice %arg6[%select_n3A_217, %dma_start3A_267, %dma_start3A_268] : memref<2x16x128xi32, #tpu.memory_space<vmem>> -> memref<1x16x128xi32, #tpu.memory_space<vmem>>
        %dma_start3A_270 = tpu.memref_squeeze %dma_start3A_269 : memref<1x16x128xi32, #tpu.memory_space<vmem>> -> memref<16x128xi32, #tpu.memory_space<vmem>>
        %dma_start3A_271 = arith.constant 0 : i32
        %dma_start3A_272 = tpu.memref_slice %arg3[%arg0, %add3A_257, %mul3A_259, %dma_start3A_271] : memref<2x32x80x128xi32, #tpu.memory_space<hbm>> -> memref<1x1x16x128xi32, #tpu.memory_space<hbm>>
        %dma_start3A_273 = tpu.memref_squeeze %dma_start3A_272 : memref<1x1x16x128xi32, #tpu.memory_space<hbm>> -> memref<16x128xi32, #tpu.memory_space<hbm>>
        tpu.enqueue_dma source(%dma_start3A_273 : memref<16x128xi32, #tpu.memory_space<hbm>>) target(%dma_start3A_270 : memref<16x128xi32, #tpu.memory_space<vmem>>) target_semaphore(%arg14 : memref<!tpu.dma_semaphore, #tpu.memory_space<semaphore_mem>>)
        %mul3A_274 = arith.constant 2 : i32
        %mul3A_275 = arith.muli %arg1, %mul3A_274 : i32
        %add3A_276 = arith.addi %mul3A_275, %select_n3A_238 : i32
        %mul3A_277 = arith.constant 16 : i32
        %mul3A_278 = arith.muli %select_n3A_254, %mul3A_277 : i32
        %dma_start3A_279 = arith.constant 0 : i32
        %dma_start3A_280 = arith.constant 0 : i32
        %dma_start3A_281 = tpu.memref_slice %arg7[%select_n3A_217, %dma_start3A_279, %dma_start3A_280] : memref<2x16x128xi32, #tpu.memory_space<vmem>> -> memref<1x16x128xi32, #tpu.memory_space<vmem>>
        %dma_start3A_282 = tpu.memref_squeeze %dma_start3A_281 : memref<1x16x128xi32, #tpu.memory_space<vmem>> -> memref<16x128xi32, #tpu.memory_space<vmem>>
        %dma_start3A_283 = arith.constant 0 : i32
        %dma_start3A_284 = tpu.memref_slice %arg4[%add3A_276, %mul3A_278, %dma_start3A_283] : memref<32x80x128xi32, #tpu.memory_space<hbm>> -> memref<1x16x128xi32, #tpu.memory_space<hbm>>
        %dma_start3A_285 = tpu.memref_squeeze %dma_start3A_284 : memref<1x16x128xi32, #tpu.memory_space<hbm>> -> memref<16x128xi32, #tpu.memory_space<hbm>>
        %dma_start3A_286 = arith.constant 0 : i32
        %dma_start3A_287 = arith.constant 0 : i32
        %dma_start3A_288 = tpu.memref_slice %arg7[%select_n3A_217, %dma_start3A_286, %dma_start3A_287] : memref<2x16x128xi32, #tpu.memory_space<vmem>> -> memref<1x16x128xi32, #tpu.memory_space<vmem>>
        %dma_start3A_289 = tpu.memref_squeeze %dma_start3A_288 : memref<1x16x128xi32, #tpu.memory_space<vmem>> -> memref<16x128xi32, #tpu.memory_space<vmem>>
        %dma_start3A_290 = arith.constant 0 : i32
        %dma_start3A_291 = tpu.memref_slice %arg4[%add3A_276, %mul3A_278, %dma_start3A_290] : memref<32x80x128xi32, #tpu.memory_space<hbm>> -> memref<1x16x128xi32, #tpu.memory_space<hbm>>
        %dma_start3A_292 = tpu.memref_squeeze %dma_start3A_291 : memref<1x16x128xi32, #tpu.memory_space<hbm>> -> memref<16x128xi32, #tpu.memory_space<hbm>>
        tpu.enqueue_dma source(%dma_start3A_292 : memref<16x128xi32, #tpu.memory_space<hbm>>) target(%dma_start3A_289 : memref<16x128xi32, #tpu.memory_space<vmem>>) target_semaphore(%arg14 : memref<!tpu.dma_semaphore, #tpu.memory_space<semaphore_mem>>)
      } else {
      }
      %dma_start3A_138 = arith.constant 0 : i32
      %dma_start3A_139 = arith.constant 0 : i32
      %dma_start3A_140 = arith.constant 0 : i32
      %dma_start3A_141 = tpu.memref_slice %arg8[%scan3A_105, %dma_start3A_139, %dma_start3A_140] : memref<2x128x128xf32, #tpu.memory_space<vmem>> -> memref<1x128x128xf32, #tpu.memory_space<vmem>>
      %dma_start3A_142 = tpu.memref_squeeze %dma_start3A_141 : memref<1x128x128xf32, #tpu.memory_space<vmem>> -> memref<128x128xf32, #tpu.memory_space<vmem>>
      %dma_start3A_143 = arith.constant 0 : i32
      %dma_start3A_144 = arith.constant 0 : i32
      %dma_start3A_145 = tpu.memref_slice %arg6[%select_n3A_132, %dma_start3A_143, %dma_start3A_144] : memref<2x16x128xi32, #tpu.memory_space<vmem>> -> memref<1x16x128xi32, #tpu.memory_space<vmem>>
      %dma_start3A_146 = tpu.memref_squeeze %dma_start3A_145 : memref<1x16x128xi32, #tpu.memory_space<vmem>> -> memref<16x128xi32, #tpu.memory_space<vmem>>
      %dma_start3A_147 = arith.constant 0 : i32
      %dma_start3A_148 = tpu.memref_slice %dma_start3A_146[%dma_start3A_138, %dma_start3A_147] : memref<16x128xi32, #tpu.memory_space<vmem>> -> memref<1x128xi32, #tpu.memory_space<vmem>>
      %dma_start3A_149 = tpu.memref_squeeze %dma_start3A_148 : memref<1x128xi32, #tpu.memory_space<vmem>> -> memref<128xi32, #tpu.memory_space<vmem>>
      %dma_start3A_150 = arith.constant 0 : i32
      %dma_start3A_151 = arith.constant 0 : i32
      %dma_start3A_152 = tpu.memref_slice %arg2[%dma_start3A_150, %dma_start3A_151] : memref<20480x128xf32, #tpu.memory_space<hbm>> -> memref<20480x128xf32, #tpu.memory_space<hbm>>
      tpu.enqueue_indirect_dma source(%dma_start3A_152 : memref<20480x128xf32, #tpu.memory_space<hbm>>) target(%dma_start3A_142 : memref<128x128xf32, #tpu.memory_space<vmem>>) offsets(%dma_start3A_149 : memref<128xi32, #tpu.memory_space<vmem>>) semaphore(%arg10 : memref<!tpu.dma_semaphore, #tpu.memory_space<semaphore_mem>>)
      %scan3A_153 = arith.constant 0 : i32
      %scan3A_154 = arith.constant 0 : i32
      %scan3A_155 = arith.constant 8 : i32
      %scan3A_156 = arith.addi %scan3A_154, %scan3A_155 : i32
      %scan3A_157 = arith.constant 1 : i32
      %scan3A_158 = scf.for %scan3A_198 = %scan3A_154 to %scan3A_156 step %scan3A_157 iter_args(%scan3A_199 = %scan3A_153) -> (i32)  : i32 {
        %mul3A_200 = arith.constant 2 : i32
        %mul3A_201 = arith.muli %mul3A_200, %scan3A_198 : i32
        %ge3A = arith.constant 1 : i32
        %ge3A_202 = arith.cmpi sge, %scan3A_198, %ge3A : i32
        %convert_element_type3A_203 = arith.extui %ge3A_202 : i1 to i32
        %cond3A_204 = arith.constant 0 : i32
        %cond3A_205 = arith.cmpi ne, %convert_element_type3A_203, %cond3A_204 : i32
        scf.if %cond3A_205 {
          %sub3A = arith.constant 1 : i32
          %sub3A_288 = arith.subi %mul3A_201, %sub3A : i32
          %dma_wait3A_289 = arith.constant 0 : i32
          %dma_wait3A_290 = arith.constant 0 : i32
          %dma_wait3A_291 = tpu.memref_slice %arg8[%scan3A_106, %dma_wait3A_289, %dma_wait3A_290] : memref<2x128x128xf32, #tpu.memory_space<vmem>> -> memref<1x128x128xf32, #tpu.memory_space<vmem>>
          %dma_wait3A_292 = tpu.memref_squeeze %dma_wait3A_291 : memref<1x128x128xf32, #tpu.memory_space<vmem>> -> memref<128x128xf32, #tpu.memory_space<vmem>>
          %dma_wait3A_293 = arith.constant 0 : i32
          %dma_wait3A_294 = arith.constant 0 : i32
          %dma_wait3A_295 = tpu.memref_slice %arg7[%select_n3A_132, %dma_wait3A_293, %dma_wait3A_294] : memref<2x16x128xi32, #tpu.memory_space<vmem>> -> memref<1x16x128xi32, #tpu.memory_space<vmem>>
          %dma_wait3A_296 = tpu.memref_squeeze %dma_wait3A_295 : memref<1x16x128xi32, #tpu.memory_space<vmem>> -> memref<16x128xi32, #tpu.memory_space<vmem>>
          %dma_wait3A_297 = arith.constant 0 : i32
          %dma_wait3A_298 = tpu.memref_slice %dma_wait3A_296[%sub3A_288, %dma_wait3A_297] : memref<16x128xi32, #tpu.memory_space<vmem>> -> memref<1x128xi32, #tpu.memory_space<vmem>>
          %dma_wait3A_299 = tpu.memref_squeeze %dma_wait3A_298 : memref<1x128xi32, #tpu.memory_space<vmem>> -> memref<128xi32, #tpu.memory_space<vmem>>
          %dma_wait3A_300 = arith.constant 0 : i32
          %dma_wait3A_301 = arith.constant 0 : i32
          %dma_wait3A_302 = tpu.memref_slice %arg9[%dma_wait3A_300, %dma_wait3A_301] : memref<10240x128xf32, #tpu.memory_space<vmem_shared>> -> memref<10240x128xf32, #tpu.memory_space<vmem_shared>>
          tpu.wait_indirect_dma semaphore(%arg13 : memref<!tpu.dma_semaphore, #tpu.memory_space<semaphore_mem>>) src(%dma_wait3A_292 : memref<128x128xf32, #tpu.memory_space<vmem>>) dst(%dma_wait3A_302 : memref<10240x128xf32, #tpu.memory_space<vmem_shared>>)
        } else {
        }
        %add3A_206 = arith.constant 1 : i32
        %add3A_207 = arith.addi %mul3A_201, %add3A_206 : i32
        %dma_start3A_208 = arith.constant 0 : i32
        %dma_start3A_209 = arith.constant 0 : i32
        %dma_start3A_210 = tpu.memref_slice %arg8[%scan3A_106, %dma_start3A_208, %dma_start3A_209] : memref<2x128x128xf32, #tpu.memory_space<vmem>> -> memref<1x128x128xf32, #tpu.memory_space<vmem>>
        %dma_start3A_211 = tpu.memref_squeeze %dma_start3A_210 : memref<1x128x128xf32, #tpu.memory_space<vmem>> -> memref<128x128xf32, #tpu.memory_space<vmem>>
        %dma_start3A_212 = arith.constant 0 : i32
        %dma_start3A_213 = arith.constant 0 : i32
        %dma_start3A_214 = tpu.memref_slice %arg6[%select_n3A_132, %dma_start3A_212, %dma_start3A_213] : memref<2x16x128xi32, #tpu.memory_space<vmem>> -> memref<1x16x128xi32, #tpu.memory_space<vmem>>
        %dma_start3A_215 = tpu.memref_squeeze %dma_start3A_214 : memref<1x16x128xi32, #tpu.memory_space<vmem>> -> memref<16x128xi32, #tpu.memory_space<vmem>>
        %dma_start3A_216 = arith.constant 0 : i32
        %dma_start3A_217 = tpu.memref_slice %dma_start3A_215[%add3A_207, %dma_start3A_216] : memref<16x128xi32, #tpu.memory_space<vmem>> -> memref<1x128xi32, #tpu.memory_space<vmem>>
        %dma_start3A_218 = tpu.memref_squeeze %dma_start3A_217 : memref<1x128xi32, #tpu.memory_space<vmem>> -> memref<128xi32, #tpu.memory_space<vmem>>
        %dma_start3A_219 = arith.constant 0 : i32
        %dma_start3A_220 = arith.constant 0 : i32
        %dma_start3A_221 = tpu.memref_slice %arg2[%dma_start3A_219, %dma_start3A_220] : memref<20480x128xf32, #tpu.memory_space<hbm>> -> memref<20480x128xf32, #tpu.memory_space<hbm>>
        tpu.enqueue_indirect_dma source(%dma_start3A_221 : memref<20480x128xf32, #tpu.memory_space<hbm>>) target(%dma_start3A_211 : memref<128x128xf32, #tpu.memory_space<vmem>>) offsets(%dma_start3A_218 : memref<128xi32, #tpu.memory_space<vmem>>) semaphore(%arg11 : memref<!tpu.dma_semaphore, #tpu.memory_space<semaphore_mem>>)
        %dma_wait3A_222 = arith.constant 0 : i32
        %dma_wait3A_223 = arith.constant 0 : i32
        %dma_wait3A_224 = tpu.memref_slice %arg8[%scan3A_105, %dma_wait3A_222, %dma_wait3A_223] : memref<2x128x128xf32, #tpu.memory_space<vmem>> -> memref<1x128x128xf32, #tpu.memory_space<vmem>>
        %dma_wait3A_225 = tpu.memref_squeeze %dma_wait3A_224 : memref<1x128x128xf32, #tpu.memory_space<vmem>> -> memref<128x128xf32, #tpu.memory_space<vmem>>
        %dma_wait3A_226 = arith.constant 0 : i32
        %dma_wait3A_227 = arith.constant 0 : i32
        %dma_wait3A_228 = tpu.memref_slice %arg6[%select_n3A_132, %dma_wait3A_226, %dma_wait3A_227] : memref<2x16x128xi32, #tpu.memory_space<vmem>> -> memref<1x16x128xi32, #tpu.memory_space<vmem>>
        %dma_wait3A_229 = tpu.memref_squeeze %dma_wait3A_228 : memref<1x16x128xi32, #tpu.memory_space<vmem>> -> memref<16x128xi32, #tpu.memory_space<vmem>>
        %dma_wait3A_230 = arith.constant 0 : i32
        %dma_wait3A_231 = tpu.memref_slice %dma_wait3A_229[%mul3A_201, %dma_wait3A_230] : memref<16x128xi32, #tpu.memory_space<vmem>> -> memref<1x128xi32, #tpu.memory_space<vmem>>
        %dma_wait3A_232 = tpu.memref_squeeze %dma_wait3A_231 : memref<1x128xi32, #tpu.memory_space<vmem>> -> memref<128xi32, #tpu.memory_space<vmem>>
        %dma_wait3A_233 = arith.constant 0 : i32
        %dma_wait3A_234 = arith.constant 0 : i32
        %dma_wait3A_235 = tpu.memref_slice %arg2[%dma_wait3A_233, %dma_wait3A_234] : memref<20480x128xf32, #tpu.memory_space<hbm>> -> memref<20480x128xf32, #tpu.memory_space<hbm>>
        tpu.wait_indirect_dma semaphore(%arg10 : memref<!tpu.dma_semaphore, #tpu.memory_space<semaphore_mem>>) src(%dma_wait3A_235 : memref<20480x128xf32, #tpu.memory_space<hbm>>) dst(%dma_wait3A_225 : memref<128x128xf32, #tpu.memory_space<vmem>>)
        %dma_start3A_236 = arith.constant 0 : i32
        %dma_start3A_237 = arith.constant 0 : i32
        %dma_start3A_238 = tpu.memref_slice %arg8[%scan3A_105, %dma_start3A_236, %dma_start3A_237] : memref<2x128x128xf32, #tpu.memory_space<vmem>> -> memref<1x128x128xf32, #tpu.memory_space<vmem>>
        %dma_start3A_239 = tpu.memref_squeeze %dma_start3A_238 : memref<1x128x128xf32, #tpu.memory_space<vmem>> -> memref<128x128xf32, #tpu.memory_space<vmem>>
        %dma_start3A_240 = arith.constant 0 : i32
        %dma_start3A_241 = arith.constant 0 : i32
        %dma_start3A_242 = tpu.memref_slice %arg7[%select_n3A_132, %dma_start3A_240, %dma_start3A_241] : memref<2x16x128xi32, #tpu.memory_space<vmem>> -> memref<1x16x128xi32, #tpu.memory_space<vmem>>
        %dma_start3A_243 = tpu.memref_squeeze %dma_start3A_242 : memref<1x16x128xi32, #tpu.memory_space<vmem>> -> memref<16x128xi32, #tpu.memory_space<vmem>>
        %dma_start3A_244 = arith.constant 0 : i32
        %dma_start3A_245 = tpu.memref_slice %dma_start3A_243[%mul3A_201, %dma_start3A_244] : memref<16x128xi32, #tpu.memory_space<vmem>> -> memref<1x128xi32, #tpu.memory_space<vmem>>
        %dma_start3A_246 = tpu.memref_squeeze %dma_start3A_245 : memref<1x128xi32, #tpu.memory_space<vmem>> -> memref<128xi32, #tpu.memory_space<vmem>>
        %dma_start3A_247 = arith.constant 0 : i32
        %dma_start3A_248 = arith.constant 0 : i32
        %dma_start3A_249 = tpu.memref_slice %arg9[%dma_start3A_247, %dma_start3A_248] : memref<10240x128xf32, #tpu.memory_space<vmem_shared>> -> memref<10240x128xf32, #tpu.memory_space<vmem_shared>>
        tpu.enqueue_indirect_dma source(%dma_start3A_239 : memref<128x128xf32, #tpu.memory_space<vmem>>) target(%dma_start3A_249 : memref<10240x128xf32, #tpu.memory_space<vmem_shared>>) offsets(%dma_start3A_246 : memref<128xi32, #tpu.memory_space<vmem>>) semaphore(%arg12 : memref<!tpu.dma_semaphore, #tpu.memory_space<semaphore_mem>>) {add = true}
        %lt3A_250 = arith.constant 7 : i32
        %lt3A_251 = arith.cmpi slt, %scan3A_198, %lt3A_250 : i32
        %convert_element_type3A_252 = arith.extui %lt3A_251 : i1 to i32
        %cond3A_253 = arith.constant 0 : i32
        %cond3A_254 = arith.cmpi ne, %convert_element_type3A_252, %cond3A_253 : i32
        scf.if %cond3A_254 {
          %dma_wait3A_288 = arith.constant 0 : i32
          %dma_wait3A_289 = arith.constant 0 : i32
          %dma_wait3A_290 = tpu.memref_slice %arg8[%scan3A_105, %dma_wait3A_288, %dma_wait3A_289] : memref<2x128x128xf32, #tpu.memory_space<vmem>> -> memref<1x128x128xf32, #tpu.memory_space<vmem>>
          %dma_wait3A_291 = tpu.memref_squeeze %dma_wait3A_290 : memref<1x128x128xf32, #tpu.memory_space<vmem>> -> memref<128x128xf32, #tpu.memory_space<vmem>>
          %dma_wait3A_292 = arith.constant 0 : i32
          %dma_wait3A_293 = arith.constant 0 : i32
          %dma_wait3A_294 = tpu.memref_slice %arg7[%select_n3A_132, %dma_wait3A_292, %dma_wait3A_293] : memref<2x16x128xi32, #tpu.memory_space<vmem>> -> memref<1x16x128xi32, #tpu.memory_space<vmem>>
          %dma_wait3A_295 = tpu.memref_squeeze %dma_wait3A_294 : memref<1x16x128xi32, #tpu.memory_space<vmem>> -> memref<16x128xi32, #tpu.memory_space<vmem>>
          %dma_wait3A_296 = arith.constant 0 : i32
          %dma_wait3A_297 = tpu.memref_slice %dma_wait3A_295[%mul3A_201, %dma_wait3A_296] : memref<16x128xi32, #tpu.memory_space<vmem>> -> memref<1x128xi32, #tpu.memory_space<vmem>>
          %dma_wait3A_298 = tpu.memref_squeeze %dma_wait3A_297 : memref<1x128xi32, #tpu.memory_space<vmem>> -> memref<128xi32, #tpu.memory_space<vmem>>
          %dma_wait3A_299 = arith.constant 0 : i32
          %dma_wait3A_300 = arith.constant 0 : i32
          %dma_wait3A_301 = tpu.memref_slice %arg9[%dma_wait3A_299, %dma_wait3A_300] : memref<10240x128xf32, #tpu.memory_space<vmem_shared>> -> memref<10240x128xf32, #tpu.memory_space<vmem_shared>>
          tpu.wait_indirect_dma semaphore(%arg12 : memref<!tpu.dma_semaphore, #tpu.memory_space<semaphore_mem>>) src(%dma_wait3A_291 : memref<128x128xf32, #tpu.memory_space<vmem>>) dst(%dma_wait3A_301 : memref<10240x128xf32, #tpu.memory_space<vmem_shared>>)
          %add3A_302 = arith.constant 2 : i32
          %add3A_303 = arith.addi %mul3A_201, %add3A_302 : i32
          %dma_start3A_304 = arith.constant 0 : i32
          %dma_start3A_305 = arith.constant 0 : i32
          %dma_start3A_306 = tpu.memref_slice %arg8[%scan3A_105, %dma_start3A_304, %dma_start3A_305] : memref<2x128x128xf32, #tpu.memory_space<vmem>> -> memref<1x128x128xf32, #tpu.memory_space<vmem>>
          %dma_start3A_307 = tpu.memref_squeeze %dma_start3A_306 : memref<1x128x128xf32, #tpu.memory_space<vmem>> -> memref<128x128xf32, #tpu.memory_space<vmem>>
          %dma_start3A_308 = arith.constant 0 : i32
          %dma_start3A_309 = arith.constant 0 : i32
          %dma_start3A_310 = tpu.memref_slice %arg6[%select_n3A_132, %dma_start3A_308, %dma_start3A_309] : memref<2x16x128xi32, #tpu.memory_space<vmem>> -> memref<1x16x128xi32, #tpu.memory_space<vmem>>
          %dma_start3A_311 = tpu.memref_squeeze %dma_start3A_310 : memref<1x16x128xi32, #tpu.memory_space<vmem>> -> memref<16x128xi32, #tpu.memory_space<vmem>>
          %dma_start3A_312 = arith.constant 0 : i32
          %dma_start3A_313 = tpu.memref_slice %dma_start3A_311[%add3A_303, %dma_start3A_312] : memref<16x128xi32, #tpu.memory_space<vmem>> -> memref<1x128xi32, #tpu.memory_space<vmem>>
          %dma_start3A_314 = tpu.memref_squeeze %dma_start3A_313 : memref<1x128xi32, #tpu.memory_space<vmem>> -> memref<128xi32, #tpu.memory_space<vmem>>
          %dma_start3A_315 = arith.constant 0 : i32
          %dma_start3A_316 = arith.constant 0 : i32
          %dma_start3A_317 = tpu.memref_slice %arg2[%dma_start3A_315, %dma_start3A_316] : memref<20480x128xf32, #tpu.memory_space<hbm>> -> memref<20480x128xf32, #tpu.memory_space<hbm>>
          tpu.enqueue_indirect_dma source(%dma_start3A_317 : memref<20480x128xf32, #tpu.memory_space<hbm>>) target(%dma_start3A_307 : memref<128x128xf32, #tpu.memory_space<vmem>>) offsets(%dma_start3A_314 : memref<128xi32, #tpu.memory_space<vmem>>) semaphore(%arg10 : memref<!tpu.dma_semaphore, #tpu.memory_space<semaphore_mem>>)
        } else {
        }
        %add3A_255 = arith.constant 1 : i32
        %add3A_256 = arith.addi %mul3A_201, %add3A_255 : i32
        %dma_wait3A_257 = arith.constant 0 : i32
        %dma_wait3A_258 = arith.constant 0 : i32
        %dma_wait3A_259 = tpu.memref_slice %arg8[%scan3A_106, %dma_wait3A_257, %dma_wait3A_258] : memref<2x128x128xf32, #tpu.memory_space<vmem>> -> memref<1x128x128xf32, #tpu.memory_space<vmem>>
        %dma_wait3A_260 = tpu.memref_squeeze %dma_wait3A_259 : memref<1x128x128xf32, #tpu.memory_space<vmem>> -> memref<128x128xf32, #tpu.memory_space<vmem>>
        %dma_wait3A_261 = arith.constant 0 : i32
        %dma_wait3A_262 = arith.constant 0 : i32
        %dma_wait3A_263 = tpu.memref_slice %arg6[%select_n3A_132, %dma_wait3A_261, %dma_wait3A_262] : memref<2x16x128xi32, #tpu.memory_space<vmem>> -> memref<1x16x128xi32, #tpu.memory_space<vmem>>
        %dma_wait3A_264 = tpu.memref_squeeze %dma_wait3A_263 : memref<1x16x128xi32, #tpu.memory_space<vmem>> -> memref<16x128xi32, #tpu.memory_space<vmem>>
        %dma_wait3A_265 = arith.constant 0 : i32
        %dma_wait3A_266 = tpu.memref_slice %dma_wait3A_264[%add3A_256, %dma_wait3A_265] : memref<16x128xi32, #tpu.memory_space<vmem>> -> memref<1x128xi32, #tpu.memory_space<vmem>>
        %dma_wait3A_267 = tpu.memref_squeeze %dma_wait3A_266 : memref<1x128xi32, #tpu.memory_space<vmem>> -> memref<128xi32, #tpu.memory_space<vmem>>
        %dma_wait3A_268 = arith.constant 0 : i32
        %dma_wait3A_269 = arith.constant 0 : i32
        %dma_wait3A_270 = tpu.memref_slice %arg2[%dma_wait3A_268, %dma_wait3A_269] : memref<20480x128xf32, #tpu.memory_space<hbm>> -> memref<20480x128xf32, #tpu.memory_space<hbm>>
        tpu.wait_indirect_dma semaphore(%arg11 : memref<!tpu.dma_semaphore, #tpu.memory_space<semaphore_mem>>) src(%dma_wait3A_270 : memref<20480x128xf32, #tpu.memory_space<hbm>>) dst(%dma_wait3A_260 : memref<128x128xf32, #tpu.memory_space<vmem>>)
        %add3A_271 = arith.constant 1 : i32
        %add3A_272 = arith.addi %mul3A_201, %add3A_271 : i32
        %dma_start3A_273 = arith.constant 0 : i32
        %dma_start3A_274 = arith.constant 0 : i32
        %dma_start3A_275 = tpu.memref_slice %arg8[%scan3A_106, %dma_start3A_273, %dma_start3A_274] : memref<2x128x128xf32, #tpu.memory_space<vmem>> -> memref<1x128x128xf32, #tpu.memory_space<vmem>>
        %dma_start3A_276 = tpu.memref_squeeze %dma_start3A_275 : memref<1x128x128xf32, #tpu.memory_space<vmem>> -> memref<128x128xf32, #tpu.memory_space<vmem>>
        %dma_start3A_277 = arith.constant 0 : i32
        %dma_start3A_278 = arith.constant 0 : i32
        %dma_start3A_279 = tpu.memref_slice %arg7[%select_n3A_132, %dma_start3A_277, %dma_start3A_278] : memref<2x16x128xi32, #tpu.memory_space<vmem>> -> memref<1x16x128xi32, #tpu.memory_space<vmem>>
        %dma_start3A_280 = tpu.memref_squeeze %dma_start3A_279 : memref<1x16x128xi32, #tpu.memory_space<vmem>> -> memref<16x128xi32, #tpu.memory_space<vmem>>
        %dma_start3A_281 = arith.constant 0 : i32
        %dma_start3A_282 = tpu.memref_slice %dma_start3A_280[%add3A_272, %dma_start3A_281] : memref<16x128xi32, #tpu.memory_space<vmem>> -> memref<1x128xi32, #tpu.memory_space<vmem>>
        %dma_start3A_283 = tpu.memref_squeeze %dma_start3A_282 : memref<1x128xi32, #tpu.memory_space<vmem>> -> memref<128xi32, #tpu.memory_space<vmem>>
        %dma_start3A_284 = arith.constant 0 : i32
        %dma_start3A_285 = arith.constant 0 : i32
        %dma_start3A_286 = tpu.memref_slice %arg9[%dma_start3A_284, %dma_start3A_285] : memref<10240x128xf32, #tpu.memory_space<vmem_shared>> -> memref<10240x128xf32, #tpu.memory_space<vmem_shared>>
        tpu.enqueue_indirect_dma source(%dma_start3A_276 : memref<128x128xf32, #tpu.memory_space<vmem>>) target(%dma_start3A_286 : memref<10240x128xf32, #tpu.memory_space<vmem_shared>>) offsets(%dma_start3A_283 : memref<128xi32, #tpu.memory_space<vmem>>) semaphore(%arg13 : memref<!tpu.dma_semaphore, #tpu.memory_space<semaphore_mem>>) {add = true}
        %scan3A_287 = arith.constant 0 : i32
        scf.yield %scan3A_287 : i32
      }
      %scan3A_159 = arith.constant 8 : i32
      %dma_wait3A_160 = arith.constant 14 : i32
      %dma_wait3A_161 = arith.constant 0 : i32
      %dma_wait3A_162 = arith.constant 0 : i32
      %dma_wait3A_163 = tpu.memref_slice %arg8[%scan3A_105, %dma_wait3A_161, %dma_wait3A_162] : memref<2x128x128xf32, #tpu.memory_space<vmem>> -> memref<1x128x128xf32, #tpu.memory_space<vmem>>
      %dma_wait3A_164 = tpu.memref_squeeze %dma_wait3A_163 : memref<1x128x128xf32, #tpu.memory_space<vmem>> -> memref<128x128xf32, #tpu.memory_space<vmem>>
      %dma_wait3A_165 = arith.constant 0 : i32
      %dma_wait3A_166 = arith.constant 0 : i32
      %dma_wait3A_167 = tpu.memref_slice %arg7[%select_n3A_132, %dma_wait3A_165, %dma_wait3A_166] : memref<2x16x128xi32, #tpu.memory_space<vmem>> -> memref<1x16x128xi32, #tpu.memory_space<vmem>>
      %dma_wait3A_168 = tpu.memref_squeeze %dma_wait3A_167 : memref<1x16x128xi32, #tpu.memory_space<vmem>> -> memref<16x128xi32, #tpu.memory_space<vmem>>
      %dma_wait3A_169 = arith.constant 0 : i32
      %dma_wait3A_170 = tpu.memref_slice %dma_wait3A_168[%dma_wait3A_160, %dma_wait3A_169] : memref<16x128xi32, #tpu.memory_space<vmem>> -> memref<1x128xi32, #tpu.memory_space<vmem>>
      %dma_wait3A_171 = tpu.memref_squeeze %dma_wait3A_170 : memref<1x128xi32, #tpu.memory_space<vmem>> -> memref<128xi32, #tpu.memory_space<vmem>>
      %dma_wait3A_172 = arith.constant 0 : i32
      %dma_wait3A_173 = arith.constant 0 : i32
      %dma_wait3A_174 = tpu.memref_slice %arg9[%dma_wait3A_172, %dma_wait3A_173] : memref<10240x128xf32, #tpu.memory_space<vmem_shared>> -> memref<10240x128xf32, #tpu.memory_space<vmem_shared>>
      tpu.wait_indirect_dma semaphore(%arg12 : memref<!tpu.dma_semaphore, #tpu.memory_space<semaphore_mem>>) src(%dma_wait3A_164 : memref<128x128xf32, #tpu.memory_space<vmem>>) dst(%dma_wait3A_174 : memref<10240x128xf32, #tpu.memory_space<vmem_shared>>)
      %dma_wait3A_175 = arith.constant 15 : i32
      %dma_wait3A_176 = arith.constant 0 : i32
      %dma_wait3A_177 = arith.constant 0 : i32
      %dma_wait3A_178 = tpu.memref_slice %arg8[%scan3A_106, %dma_wait3A_176, %dma_wait3A_177] : memref<2x128x128xf32, #tpu.memory_space<vmem>> -> memref<1x128x128xf32, #tpu.memory_space<vmem>>
      %dma_wait3A_179 = tpu.memref_squeeze %dma_wait3A_178 : memref<1x128x128xf32, #tpu.memory_space<vmem>> -> memref<128x128xf32, #tpu.memory_space<vmem>>
      %dma_wait3A_180 = arith.constant 0 : i32
      %dma_wait3A_181 = arith.constant 0 : i32
      %dma_wait3A_182 = tpu.memref_slice %arg7[%select_n3A_132, %dma_wait3A_180, %dma_wait3A_181] : memref<2x16x128xi32, #tpu.memory_space<vmem>> -> memref<1x16x128xi32, #tpu.memory_space<vmem>>
      %dma_wait3A_183 = tpu.memref_squeeze %dma_wait3A_182 : memref<1x16x128xi32, #tpu.memory_space<vmem>> -> memref<16x128xi32, #tpu.memory_space<vmem>>
      %dma_wait3A_184 = arith.constant 0 : i32
      %dma_wait3A_185 = tpu.memref_slice %dma_wait3A_183[%dma_wait3A_175, %dma_wait3A_184] : memref<16x128xi32, #tpu.memory_space<vmem>> -> memref<1x128xi32, #tpu.memory_space<vmem>>
      %dma_wait3A_186 = tpu.memref_squeeze %dma_wait3A_185 : memref<1x128xi32, #tpu.memory_space<vmem>> -> memref<128xi32, #tpu.memory_space<vmem>>
      %dma_wait3A_187 = arith.constant 0 : i32
      %dma_wait3A_188 = arith.constant 0 : i32
      %dma_wait3A_189 = tpu.memref_slice %arg9[%dma_wait3A_187, %dma_wait3A_188] : memref<10240x128xf32, #tpu.memory_space<vmem_shared>> -> memref<10240x128xf32, #tpu.memory_space<vmem_shared>>
      tpu.wait_indirect_dma semaphore(%arg13 : memref<!tpu.dma_semaphore, #tpu.memory_space<semaphore_mem>>) src(%dma_wait3A_179 : memref<128x128xf32, #tpu.memory_space<vmem>>) dst(%dma_wait3A_189 : memref<10240x128xf32, #tpu.memory_space<vmem_shared>>)
      %add3A_190 = arith.constant 1 : i32
      %add3A_191 = arith.addi %scan3A_122, %add3A_190 : i32
      %lt3A_192 = arith.constant 10 : i32
      %lt3A_193 = arith.cmpi slt, %add3A_191, %lt3A_192 : i32
      %convert_element_type3A_194 = arith.extui %lt3A_193 : i1 to i32
      %cond3A_195 = arith.constant 0 : i32
      %cond3A_196 = arith.cmpi ne, %convert_element_type3A_194, %cond3A_195 : i32
      scf.if %cond3A_196 {
        %add3A_198 = arith.constant 1 : i32
        %add3A_199 = arith.addi %scan3A_122, %add3A_198 : i32
        %jit3A_200 = arith.constant 2 : i32
        %eq3A_201 = arith.constant 0 : i32
        %eq3A_202 = arith.cmpi eq, %jit3A_200, %eq3A_201 : i32
        %jit3A_203 = arith.constant 1 : i32
        %select_n3A_204 = arith.select %eq3A_202, %jit3A_203, %jit3A_200 : i32
        %rem3A_205 = arith.remsi %add3A_199, %select_n3A_204 : i32
        %ne3A_206 = arith.constant 0 : i32
        %ne3A_207 = arith.cmpi ne, %rem3A_205, %ne3A_206 : i32
        %lt3A_208 = arith.constant 0 : i32
        %lt3A_209 = arith.cmpi slt, %rem3A_205, %lt3A_208 : i32
        %lt3A_210 = arith.constant 0 : i32
        %lt3A_211 = arith.cmpi slt, %select_n3A_204, %lt3A_210 : i32
        %ne3A_212 = arith.xori %lt3A_209, %lt3A_211 : i1
        %and3A_213 = arith.andi %ne3A_212, %ne3A_207 : i1
        %add3A_214 = arith.addi %rem3A_205, %select_n3A_204 : i32
        %select_n3A_215 = arith.select %and3A_213, %add3A_214, %rem3A_205 : i32
        %dma_wait3A_216 = arith.constant 0 : i32
        %dma_wait3A_217 = arith.constant 0 : i32
        %dma_wait3A_218 = arith.constant 0 : i32
        %dma_wait3A_219 = tpu.memref_slice %arg6[%select_n3A_215, %dma_wait3A_217, %dma_wait3A_218] : memref<2x16x128xi32, #tpu.memory_space<vmem>> -> memref<1x16x128xi32, #tpu.memory_space<vmem>>
        %dma_wait3A_220 = tpu.memref_squeeze %dma_wait3A_219 : memref<1x16x128xi32, #tpu.memory_space<vmem>> -> memref<16x128xi32, #tpu.memory_space<vmem>>
        %dma_wait3A_221 = arith.constant 0 : i32
        %dma_wait3A_222 = arith.constant 0 : i32
        %dma_wait3A_223 = tpu.memref_slice %arg4[%dma_wait3A_216, %dma_wait3A_221, %dma_wait3A_222] : memref<32x80x128xi32, #tpu.memory_space<hbm>> -> memref<1x16x128xi32, #tpu.memory_space<hbm>>
        %dma_wait3A_224 = tpu.memref_squeeze %dma_wait3A_223 : memref<1x16x128xi32, #tpu.memory_space<hbm>> -> memref<16x128xi32, #tpu.memory_space<hbm>>
        %dma_wait3A_225 = arith.constant 0 : i32
        %dma_wait3A_226 = arith.constant 0 : i32
        %dma_wait3A_227 = tpu.memref_slice %arg6[%select_n3A_215, %dma_wait3A_225, %dma_wait3A_226] : memref<2x16x128xi32, #tpu.memory_space<vmem>> -> memref<1x16x128xi32, #tpu.memory_space<vmem>>
        %dma_wait3A_228 = tpu.memref_squeeze %dma_wait3A_227 : memref<1x16x128xi32, #tpu.memory_space<vmem>> -> memref<16x128xi32, #tpu.memory_space<vmem>>
        %dma_wait3A_229 = arith.constant 0 : i32
        %dma_wait3A_230 = arith.constant 0 : i32
        %dma_wait3A_231 = tpu.memref_slice %arg4[%dma_wait3A_216, %dma_wait3A_229, %dma_wait3A_230] : memref<32x80x128xi32, #tpu.memory_space<hbm>> -> memref<1x16x128xi32, #tpu.memory_space<hbm>>
        %dma_wait3A_232 = tpu.memref_squeeze %dma_wait3A_231 : memref<1x16x128xi32, #tpu.memory_space<hbm>> -> memref<16x128xi32, #tpu.memory_space<hbm>>
        tpu.wait_dma2 semaphore(%arg14 : memref<!tpu.dma_semaphore, #tpu.memory_space<semaphore_mem>>) src(%dma_wait3A_232 : memref<16x128xi32, #tpu.memory_space<hbm>>) dst(%dma_wait3A_228 : memref<16x128xi32, #tpu.memory_space<vmem>>)
        %dma_wait3A_233 = arith.constant 0 : i32
        %dma_wait3A_234 = arith.constant 0 : i32
        %dma_wait3A_235 = arith.constant 0 : i32
        %dma_wait3A_236 = tpu.memref_slice %arg7[%select_n3A_215, %dma_wait3A_234, %dma_wait3A_235] : memref<2x16x128xi32, #tpu.memory_space<vmem>> -> memref<1x16x128xi32, #tpu.memory_space<vmem>>
        %dma_wait3A_237 = tpu.memref_squeeze %dma_wait3A_236 : memref<1x16x128xi32, #tpu.memory_space<vmem>> -> memref<16x128xi32, #tpu.memory_space<vmem>>
        %dma_wait3A_238 = arith.constant 0 : i32
        %dma_wait3A_239 = arith.constant 0 : i32
        %dma_wait3A_240 = tpu.memref_slice %arg4[%dma_wait3A_233, %dma_wait3A_238, %dma_wait3A_239] : memref<32x80x128xi32, #tpu.memory_space<hbm>> -> memref<1x16x128xi32, #tpu.memory_space<hbm>>
        %dma_wait3A_241 = tpu.memref_squeeze %dma_wait3A_240 : memref<1x16x128xi32, #tpu.memory_space<hbm>> -> memref<16x128xi32, #tpu.memory_space<hbm>>
        %dma_wait3A_242 = arith.constant 0 : i32
        %dma_wait3A_243 = arith.constant 0 : i32
        %dma_wait3A_244 = tpu.memref_slice %arg7[%select_n3A_215, %dma_wait3A_242, %dma_wait3A_243] : memref<2x16x128xi32, #tpu.memory_space<vmem>> -> memref<1x16x128xi32, #tpu.memory_space<vmem>>
        %dma_wait3A_245 = tpu.memref_squeeze %dma_wait3A_244 : memref<1x16x128xi32, #tpu.memory_space<vmem>> -> memref<16x128xi32, #tpu.memory_space<vmem>>
        %dma_wait3A_246 = arith.constant 0 : i32
        %dma_wait3A_247 = arith.constant 0 : i32
        %dma_wait3A_248 = tpu.memref_slice %arg4[%dma_wait3A_233, %dma_wait3A_246, %dma_wait3A_247] : memref<32x80x128xi32, #tpu.memory_space<hbm>> -> memref<1x16x128xi32, #tpu.memory_space<hbm>>
        %dma_wait3A_249 = tpu.memref_squeeze %dma_wait3A_248 : memref<1x16x128xi32, #tpu.memory_space<hbm>> -> memref<16x128xi32, #tpu.memory_space<hbm>>
        tpu.wait_dma2 semaphore(%arg14 : memref<!tpu.dma_semaphore, #tpu.memory_space<semaphore_mem>>) src(%dma_wait3A_249 : memref<16x128xi32, #tpu.memory_space<hbm>>) dst(%dma_wait3A_245 : memref<16x128xi32, #tpu.memory_space<vmem>>)
      } else {
      }
      %scan3A_197 = arith.constant 0 : i32
      scf.yield %scan3A_197 : i32
    }
    %scan3A_113 = arith.constant 10 : i32
    %barrier3A_114 = arith.constant 0 : index
    tpu.barrier barrier_id(%barrier3A_114)
    %mul3A_115 = arith.constant 640 : i32
    %mul3A_116 = arith.muli %arg1, %mul3A_115 : i32
    %mul3A_117 = arith.constant 10240 : i32
    %mul3A_118 = arith.muli %arg0, %mul3A_117 : i32
    %mul3A_119 = arith.constant 640 : i32
    %mul3A_120 = arith.muli %arg1, %mul3A_119 : i32
    %add3A_121 = arith.addi %mul3A_118, %mul3A_120 : i32
    "tpu.region"() ({
      %run_scoped3A_122 = tpu.sem_alloc : memref<!tpu.dma_semaphore, #tpu.memory_space<semaphore_mem>>
      %dma_start3A_123 = arith.constant 0 : i32
      %dma_start3A_124 = tpu.memref_slice %arg5[%add3A_121, %dma_start3A_123] : memref<20480x128xf32, #tpu.memory_space<hbm>> -> memref<640x128xf32, #tpu.memory_space<hbm>>
      %dma_start3A_125 = arith.constant 0 : i32
      %dma_start3A_126 = tpu.memref_slice %arg9[%mul3A_116, %dma_start3A_125] : memref<10240x128xf32, #tpu.memory_space<vmem_shared>> -> memref<640x128xf32, #tpu.memory_space<vmem_shared>>
      tpu.enqueue_dma source(%dma_start3A_126 : memref<640x128xf32, #tpu.memory_space<vmem_shared>>) target(%dma_start3A_124 : memref<640x128xf32, #tpu.memory_space<hbm>>) target_semaphore(%run_scoped3A_122 : memref<!tpu.dma_semaphore, #tpu.memory_space<semaphore_mem>>)
      %dma_wait3A_127 = arith.constant 0 : i32
      %dma_wait3A_128 = tpu.memref_slice %arg5[%add3A_121, %dma_wait3A_127] : memref<20480x128xf32, #tpu.memory_space<hbm>> -> memref<640x128xf32, #tpu.memory_space<hbm>>
      %dma_wait3A_129 = arith.constant 0 : i32
      %dma_wait3A_130 = tpu.memref_slice %arg9[%mul3A_116, %dma_wait3A_129] : memref<10240x128xf32, #tpu.memory_space<vmem_shared>> -> memref<640x128xf32, #tpu.memory_space<vmem_shared>>
      tpu.wait_dma2 semaphore(%run_scoped3A_122 : memref<!tpu.dma_semaphore, #tpu.memory_space<semaphore_mem>>) src(%dma_wait3A_130 : memref<640x128xf32, #tpu.memory_space<vmem_shared>>) dst(%dma_wait3A_128 : memref<640x128xf32, #tpu.memory_space<hbm>>)
      tpu.yield
    }) : () -> ()
    return
  }
}

#map = affine_map<(d0, d1) -> (0, 0)>
#map1 = affine_map<(d0, d1) -> (0, 0, 0, 0)>
#map2 = affine_map<(d0, d1) -> (0, 0, 0)>
module attributes {stable_mosaic.version = 14 : i64} {
  func.func @_scat_body(%arg0: i32, %arg1: i32, %arg2: memref<20480x128xf32, #tpu.memory_space<hbm>>, %arg3: memref<2x32x80x128xi32, #tpu.memory_space<hbm>>, %arg4: memref<32x80x128xi32, #tpu.memory_space<hbm>>, %arg5: memref<20480x128xf32, #tpu.memory_space<hbm>>, %arg6: memref<2x16x128xi32, #tpu.memory_space<vmem>>, %arg7: memref<2x16x128xi32, #tpu.memory_space<vmem>>, %arg8: memref<2x128x128xf32, #tpu.memory_space<vmem>>, %arg9: memref<10240x128xf32, #tpu.memory_space<vmem_shared>>, %arg10: memref<!tpu.dma_semaphore, #tpu.memory_space<semaphore_mem>>, %arg11: memref<!tpu.dma_semaphore, #tpu.memory_space<semaphore_mem>>, %arg12: memref<!tpu.dma_semaphore, #tpu.memory_space<semaphore_mem>>, %arg13: memref<!tpu.dma_semaphore, #tpu.memory_space<semaphore_mem>>, %arg14: memref<!tpu.dma_semaphore, #tpu.memory_space<semaphore_mem>>) attributes {dimension_semantics = [#tpu.dimension_semantics<core_parallel>, #tpu.dimension_semantics<subcore_parallel>], iteration_bounds = array<i64: 2, 16>, scalar_prefetch = 0 : i64, scratch_operands = 9 : i64, tpu.core_type = #tpu.core_type<sc_vector_subcore>, window_params = [{transform_indices = #map}, {transform_indices = #map1}, {transform_indices = #map2}, {transform_indices = #map}]} {
    %broadcast_in_dim3A = arith.constant 0.000000e+00 : f32
    %broadcast_in_dim3A_0 = vector.broadcast %broadcast_in_dim3A : f32 to vector<16xf32>
    %scan3A = arith.constant 0 : i32
    %scan3A_1 = arith.constant 0 : i32
    %scan3A_2 = arith.constant 128 : i32
    %scan3A_3 = arith.addi %scan3A_1, %scan3A_2 : i32
    %scan3A_4 = arith.constant 1 : i32
    %scan3A_5 = scf.for %scan3A_122 = %scan3A_1 to %scan3A_3 step %scan3A_4 iter_args(%scan3A_123 = %scan3A) -> (i32)  : i32 {
      %swap3A = arith.constant 0 : i32
      %swap3A_124 = arith.index_cast %swap3A : i32 to index
      %swap3A_125 = arith.index_cast %scan3A_122 : i32 to index
      %swap3A_126 = arith.constant 0 : index
      %swap3A_127 = tpu.vector_load %arg8[%swap3A_124, %swap3A_125, %swap3A_126] {strides = array<i32>} : memref<2x128x128xf32, #tpu.memory_space<vmem>>, vector<1x1x16xf32>,
      %swap3A_128 = vector.shape_cast %swap3A_127 : vector<1x1x16xf32> to vector<16xf32>
      %swap3A_129 = vector.shape_cast %broadcast_in_dim3A_0 : vector<16xf32> to vector<1x1x16xf32>
      tpu.vector_store %arg8[%swap3A_124, %swap3A_125, %swap3A_126], %swap3A_129 {strides = array<i32>} : memref<2x128x128xf32, #tpu.memory_space<vmem>>, vector<1x1x16xf32>,
      %swap3A_130 = arith.constant 0 : i32
      %swap3A_131 = arith.index_cast %swap3A_130 : i32 to index
      %swap3A_132 = arith.index_cast %scan3A_122 : i32 to index
      %swap3A_133 = arith.constant 16 : index
      %swap3A_134 = tpu.vector_load %arg8[%swap3A_131, %swap3A_132, %swap3A_133] {strides = array<i32>} : memref<2x128x128xf32, #tpu.memory_space<vmem>>, vector<1x1x16xf32>,
      %swap3A_135 = vector.shape_cast %swap3A_134 : vector<1x1x16xf32> to vector<16xf32>
      %swap3A_136 = vector.shape_cast %broadcast_in_dim3A_0 : vector<16xf32> to vector<1x1x16xf32>
      tpu.vector_store %arg8[%swap3A_131, %swap3A_132, %swap3A_133], %swap3A_136 {strides = array<i32>} : memref<2x128x128xf32, #tpu.memory_space<vmem>>, vector<1x1x16xf32>,
      %swap3A_137 = arith.constant 0 : i32
      %swap3A_138 = arith.index_cast %swap3A_137 : i32 to index
      %swap3A_139 = arith.index_cast %scan3A_122 : i32 to index
      %swap3A_140 = arith.constant 32 : index
      %swap3A_141 = tpu.vector_load %arg8[%swap3A_138, %swap3A_139, %swap3A_140] {strides = array<i32>} : memref<2x128x128xf32, #tpu.memory_space<vmem>>, vector<1x1x16xf32>,
      %swap3A_142 = vector.shape_cast %swap3A_141 : vector<1x1x16xf32> to vector<16xf32>
      %swap3A_143 = vector.shape_cast %broadcast_in_dim3A_0 : vector<16xf32> to vector<1x1x16xf32>
      tpu.vector_store %arg8[%swap3A_138, %swap3A_139, %swap3A_140], %swap3A_143 {strides = array<i32>} : memref<2x128x128xf32, #tpu.memory_space<vmem>>, vector<1x1x16xf32>,
      %swap3A_144 = arith.constant 0 : i32
      %swap3A_145 = arith.index_cast %swap3A_144 : i32 to index
      %swap3A_146 = arith.index_cast %scan3A_122 : i32 to index
      %swap3A_147 = arith.constant 48 : index
      %swap3A_148 = tpu.vector_load %arg8[%swap3A_145, %swap3A_146, %swap3A_147] {strides = array<i32>} : memref<2x128x128xf32, #tpu.memory_space<vmem>>, vector<1x1x16xf32>,
      %swap3A_149 = vector.shape_cast %swap3A_148 : vector<1x1x16xf32> to vector<16xf32>
      %swap3A_150 = vector.shape_cast %broadcast_in_dim3A_0 : vector<16xf32> to vector<1x1x16xf32>
      tpu.vector_store %arg8[%swap3A_145, %swap3A_146, %swap3A_147], %swap3A_150 {strides = array<i32>} : memref<2x128x128xf32, #tpu.memory_space<vmem>>, vector<1x1x16xf32>,
      %swap3A_151 = arith.constant 0 : i32
      %swap3A_152 = arith.index_cast %swap3A_151 : i32 to index
      %swap3A_153 = arith.index_cast %scan3A_122 : i32 to index
      %swap3A_154 = arith.constant 64 : index
      %swap3A_155 = tpu.vector_load %arg8[%swap3A_152, %swap3A_153, %swap3A_154] {strides = array<i32>} : memref<2x128x128xf32, #tpu.memory_space<vmem>>, vector<1x1x16xf32>,
      %swap3A_156 = vector.shape_cast %swap3A_155 : vector<1x1x16xf32> to vector<16xf32>
      %swap3A_157 = vector.shape_cast %broadcast_in_dim3A_0 : vector<16xf32> to vector<1x1x16xf32>
      tpu.vector_store %arg8[%swap3A_152, %swap3A_153, %swap3A_154], %swap3A_157 {strides = array<i32>} : memref<2x128x128xf32, #tpu.memory_space<vmem>>, vector<1x1x16xf32>,
      %swap3A_158 = arith.constant 0 : i32
      %swap3A_159 = arith.index_cast %swap3A_158 : i32 to index
      %swap3A_160 = arith.index_cast %scan3A_122 : i32 to index
      %swap3A_161 = arith.constant 80 : index
      %swap3A_162 = tpu.vector_load %arg8[%swap3A_159, %swap3A_160, %swap3A_161] {strides = array<i32>} : memref<2x128x128xf32, #tpu.memory_space<vmem>>, vector<1x1x16xf32>,
      %swap3A_163 = vector.shape_cast %swap3A_162 : vector<1x1x16xf32> to vector<16xf32>
      %swap3A_164 = vector.shape_cast %broadcast_in_dim3A_0 : vector<16xf32> to vector<1x1x16xf32>
      tpu.vector_store %arg8[%swap3A_159, %swap3A_160, %swap3A_161], %swap3A_164 {strides = array<i32>} : memref<2x128x128xf32, #tpu.memory_space<vmem>>, vector<1x1x16xf32>,
      %swap3A_165 = arith.constant 0 : i32
      %swap3A_166 = arith.index_cast %swap3A_165 : i32 to index
      %swap3A_167 = arith.index_cast %scan3A_122 : i32 to index
      %swap3A_168 = arith.constant 96 : index
      %swap3A_169 = tpu.vector_load %arg8[%swap3A_166, %swap3A_167, %swap3A_168] {strides = array<i32>} : memref<2x128x128xf32, #tpu.memory_space<vmem>>, vector<1x1x16xf32>,
      %swap3A_170 = vector.shape_cast %swap3A_169 : vector<1x1x16xf32> to vector<16xf32>
      %swap3A_171 = vector.shape_cast %broadcast_in_dim3A_0 : vector<16xf32> to vector<1x1x16xf32>
      tpu.vector_store %arg8[%swap3A_166, %swap3A_167, %swap3A_168], %swap3A_171 {strides = array<i32>} : memref<2x128x128xf32, #tpu.memory_space<vmem>>, vector<1x1x16xf32>,
      %swap3A_172 = arith.constant 0 : i32
      %swap3A_173 = arith.index_cast %swap3A_172 : i32 to index
      %swap3A_174 = arith.index_cast %scan3A_122 : i32 to index
      %swap3A_175 = arith.constant 112 : index
      %swap3A_176 = tpu.vector_load %arg8[%swap3A_173, %swap3A_174, %swap3A_175] {strides = array<i32>} : memref<2x128x128xf32, #tpu.memory_space<vmem>>, vector<1x1x16xf32>,
      %swap3A_177 = vector.shape_cast %swap3A_176 : vector<1x1x16xf32> to vector<16xf32>
      %swap3A_178 = vector.shape_cast %broadcast_in_dim3A_0 : vector<16xf32> to vector<1x1x16xf32>
      tpu.vector_store %arg8[%swap3A_173, %swap3A_174, %swap3A_175], %swap3A_178 {strides = array<i32>} : memref<2x128x128xf32, #tpu.memory_space<vmem>>, vector<1x1x16xf32>,
      %scan3A_179 = arith.constant 0 : i32
      scf.yield %scan3A_179 : i32
    }
    %scan3A_6 = arith.constant 128 : i32
    %mul3A = arith.constant 640 : i32
    %mul3A_7 = arith.muli %arg1, %mul3A : i32
    %add3A = arith.constant 0 : i32
    %add3A_8 = arith.addi %mul3A_7, %add3A : i32
    %run_scoped3A = arith.constant 0 : i32
    "tpu.region"() ({
      %run_scoped3A_122 = tpu.sem_alloc : memref<!tpu.dma_semaphore, #tpu.memory_space<semaphore_mem>>
      %dma_start3A_123 = arith.constant 0 : i32
      %dma_start3A_124 = arith.constant 0 : i32
      %dma_start3A_125 = tpu.memref_slice %arg8[%run_scoped3A, %dma_start3A_123, %dma_start3A_124] : memref<2x128x128xf32, #tpu.memory_space<vmem>> -> memref<1x128x128xf32, #tpu.memory_space<vmem>>
      %dma_start3A_126 = tpu.memref_squeeze %dma_start3A_125 : memref<1x128x128xf32, #tpu.memory_space<vmem>> -> memref<128x128xf32, #tpu.memory_space<vmem>>
      %dma_start3A_127 = arith.constant 0 : i32
      %dma_start3A_128 = tpu.memref_slice %arg9[%add3A_8, %dma_start3A_127] : memref<10240x128xf32, #tpu.memory_space<vmem_shared>> -> memref<128x128xf32, #tpu.memory_space<vmem_shared>>
      %dma_start3A_129 = arith.constant 0 : i32
      %dma_start3A_130 = tpu.memref_slice %arg9[%add3A_8, %dma_start3A_129] : memref<10240x128xf32, #tpu.memory_space<vmem_shared>> -> memref<128x128xf32, #tpu.memory_space<vmem_shared>>
      %dma_start3A_131 = arith.constant 0 : i32
      %dma_start3A_132 = arith.constant 0 : i32
      %dma_start3A_133 = tpu.memref_slice %arg8[%run_scoped3A, %dma_start3A_131, %dma_start3A_132] : memref<2x128x128xf32, #tpu.memory_space<vmem>> -> memref<1x128x128xf32, #tpu.memory_space<vmem>>
      %dma_start3A_134 = tpu.memref_squeeze %dma_start3A_133 : memref<1x128x128xf32, #tpu.memory_space<vmem>> -> memref<128x128xf32, #tpu.memory_space<vmem>>
      tpu.enqueue_dma source(%dma_start3A_134 : memref<128x128xf32, #tpu.memory_space<vmem>>) target(%dma_start3A_130 : memref<128x128xf32, #tpu.memory_space<vmem_shared>>) target_semaphore(%run_scoped3A_122 : memref<!tpu.dma_semaphore, #tpu.memory_space<semaphore_mem>>)
      %dma_wait3A_135 = arith.constant 0 : i32
      %dma_wait3A_136 = arith.constant 0 : i32
      %dma_wait3A_137 = tpu.memref_slice %arg8[%run_scoped3A, %dma_wait3A_135, %dma_wait3A_136] : memref<2x128x128xf32, #tpu.memory_space<vmem>> -> memref<1x128x128xf32, #tpu.memory_space<vmem>>
      %dma_wait3A_138 = tpu.memref_squeeze %dma_wait3A_137 : memref<1x128x128xf32, #tpu.memory_space<vmem>> -> memref<128x128xf32, #tpu.memory_space<vmem>>
      %dma_wait3A_139 = arith.constant 0 : i32
      %dma_wait3A_140 = tpu.memref_slice %arg9[%add3A_8, %dma_wait3A_139] : memref<10240x128xf32, #tpu.memory_space<vmem_shared>> -> memref<128x128xf32, #tpu.memory_space<vmem_shared>>
      %dma_wait3A_141 = arith.constant 0 : i32
      %dma_wait3A_142 = tpu.memref_slice %arg9[%add3A_8, %dma_wait3A_141] : memref<10240x128xf32, #tpu.memory_space<vmem_shared>> -> memref<128x128xf32, #tpu.memory_space<vmem_shared>>
      %dma_wait3A_143 = arith.constant 0 : i32
      %dma_wait3A_144 = arith.constant 0 : i32
      %dma_wait3A_145 = tpu.memref_slice %arg8[%run_scoped3A, %dma_wait3A_143, %dma_wait3A_144] : memref<2x128x128xf32, #tpu.memory_space<vmem>> -> memref<1x128x128xf32, #tpu.memory_space<vmem>>
      %dma_wait3A_146 = tpu.memref_squeeze %dma_wait3A_145 : memref<1x128x128xf32, #tpu.memory_space<vmem>> -> memref<128x128xf32, #tpu.memory_space<vmem>>
      tpu.wait_dma2 semaphore(%run_scoped3A_122 : memref<!tpu.dma_semaphore, #tpu.memory_space<semaphore_mem>>) src(%dma_wait3A_146 : memref<128x128xf32, #tpu.memory_space<vmem>>) dst(%dma_wait3A_142 : memref<128x128xf32, #tpu.memory_space<vmem_shared>>)
      tpu.yield
    }) : () -> ()
    %mul3A_9 = arith.constant 640 : i32
    %mul3A_10 = arith.muli %arg1, %mul3A_9 : i32
    %add3A_11 = arith.constant 128 : i32
    %add3A_12 = arith.addi %mul3A_10, %add3A_11 : i32
    %run_scoped3A_13 = arith.constant 0 : i32
    "tpu.region"() ({
      %run_scoped3A_122 = tpu.sem_alloc : memref<!tpu.dma_semaphore, #tpu.memory_space<semaphore_mem>>
      %dma_start3A_123 = arith.constant 0 : i32
      %dma_start3A_124 = arith.constant 0 : i32
      %dma_start3A_125 = tpu.memref_slice %arg8[%run_scoped3A_13, %dma_start3A_123, %dma_start3A_124] : memref<2x128x128xf32, #tpu.memory_space<vmem>> -> memref<1x128x128xf32, #tpu.memory_space<vmem>>
      %dma_start3A_126 = tpu.memref_squeeze %dma_start3A_125 : memref<1x128x128xf32, #tpu.memory_space<vmem>> -> memref<128x128xf32, #tpu.memory_space<vmem>>
      %dma_start3A_127 = arith.constant 0 : i32
      %dma_start3A_128 = tpu.memref_slice %arg9[%add3A_12, %dma_start3A_127] : memref<10240x128xf32, #tpu.memory_space<vmem_shared>> -> memref<128x128xf32, #tpu.memory_space<vmem_shared>>
      %dma_start3A_129 = arith.constant 0 : i32
      %dma_start3A_130 = tpu.memref_slice %arg9[%add3A_12, %dma_start3A_129] : memref<10240x128xf32, #tpu.memory_space<vmem_shared>> -> memref<128x128xf32, #tpu.memory_space<vmem_shared>>
      %dma_start3A_131 = arith.constant 0 : i32
      %dma_start3A_132 = arith.constant 0 : i32
      %dma_start3A_133 = tpu.memref_slice %arg8[%run_scoped3A_13, %dma_start3A_131, %dma_start3A_132] : memref<2x128x128xf32, #tpu.memory_space<vmem>> -> memref<1x128x128xf32, #tpu.memory_space<vmem>>
      %dma_start3A_134 = tpu.memref_squeeze %dma_start3A_133 : memref<1x128x128xf32, #tpu.memory_space<vmem>> -> memref<128x128xf32, #tpu.memory_space<vmem>>
      tpu.enqueue_dma source(%dma_start3A_134 : memref<128x128xf32, #tpu.memory_space<vmem>>) target(%dma_start3A_130 : memref<128x128xf32, #tpu.memory_space<vmem_shared>>) target_semaphore(%run_scoped3A_122 : memref<!tpu.dma_semaphore, #tpu.memory_space<semaphore_mem>>)
      %dma_wait3A_135 = arith.constant 0 : i32
      %dma_wait3A_136 = arith.constant 0 : i32
      %dma_wait3A_137 = tpu.memref_slice %arg8[%run_scoped3A_13, %dma_wait3A_135, %dma_wait3A_136] : memref<2x128x128xf32, #tpu.memory_space<vmem>> -> memref<1x128x128xf32, #tpu.memory_space<vmem>>
      %dma_wait3A_138 = tpu.memref_squeeze %dma_wait3A_137 : memref<1x128x128xf32, #tpu.memory_space<vmem>> -> memref<128x128xf32, #tpu.memory_space<vmem>>
      %dma_wait3A_139 = arith.constant 0 : i32
      %dma_wait3A_140 = tpu.memref_slice %arg9[%add3A_12, %dma_wait3A_139] : memref<10240x128xf32, #tpu.memory_space<vmem_shared>> -> memref<128x128xf32, #tpu.memory_space<vmem_shared>>
      %dma_wait3A_141 = arith.constant 0 : i32
      %dma_wait3A_142 = tpu.memref_slice %arg9[%add3A_12, %dma_wait3A_141] : memref<10240x128xf32, #tpu.memory_space<vmem_shared>> -> memref<128x128xf32, #tpu.memory_space<vmem_shared>>
      %dma_wait3A_143 = arith.constant 0 : i32
      %dma_wait3A_144 = arith.constant 0 : i32
      %dma_wait3A_145 = tpu.memref_slice %arg8[%run_scoped3A_13, %dma_wait3A_143, %dma_wait3A_144] : memref<2x128x128xf32, #tpu.memory_space<vmem>> -> memref<1x128x128xf32, #tpu.memory_space<vmem>>
      %dma_wait3A_146 = tpu.memref_squeeze %dma_wait3A_145 : memref<1x128x128xf32, #tpu.memory_space<vmem>> -> memref<128x128xf32, #tpu.memory_space<vmem>>
      tpu.wait_dma2 semaphore(%run_scoped3A_122 : memref<!tpu.dma_semaphore, #tpu.memory_space<semaphore_mem>>) src(%dma_wait3A_146 : memref<128x128xf32, #tpu.memory_space<vmem>>) dst(%dma_wait3A_142 : memref<128x128xf32, #tpu.memory_space<vmem_shared>>)
      tpu.yield
    }) : () -> ()
    %mul3A_14 = arith.constant 640 : i32
    %mul3A_15 = arith.muli %arg1, %mul3A_14 : i32
    %add3A_16 = arith.constant 256 : i32
    %add3A_17 = arith.addi %mul3A_15, %add3A_16 : i32
    %run_scoped3A_18 = arith.constant 0 : i32
    "tpu.region"() ({
      %run_scoped3A_122 = tpu.sem_alloc : memref<!tpu.dma_semaphore, #tpu.memory_space<semaphore_mem>>
      %dma_start3A_123 = arith.constant 0 : i32
      %dma_start3A_124 = arith.constant 0 : i32
      %dma_start3A_125 = tpu.memref_slice %arg8[%run_scoped3A_18, %dma_start3A_123, %dma_start3A_124] : memref<2x128x128xf32, #tpu.memory_space<vmem>> -> memref<1x128x128xf32, #tpu.memory_space<vmem>>
      %dma_start3A_126 = tpu.memref_squeeze %dma_start3A_125 : memref<1x128x128xf32, #tpu.memory_space<vmem>> -> memref<128x128xf32, #tpu.memory_space<vmem>>
      %dma_start3A_127 = arith.constant 0 : i32
      %dma_start3A_128 = tpu.memref_slice %arg9[%add3A_17, %dma_start3A_127] : memref<10240x128xf32, #tpu.memory_space<vmem_shared>> -> memref<128x128xf32, #tpu.memory_space<vmem_shared>>
      %dma_start3A_129 = arith.constant 0 : i32
      %dma_start3A_130 = tpu.memref_slice %arg9[%add3A_17, %dma_start3A_129] : memref<10240x128xf32, #tpu.memory_space<vmem_shared>> -> memref<128x128xf32, #tpu.memory_space<vmem_shared>>
      %dma_start3A_131 = arith.constant 0 : i32
      %dma_start3A_132 = arith.constant 0 : i32
      %dma_start3A_133 = tpu.memref_slice %arg8[%run_scoped3A_18, %dma_start3A_131, %dma_start3A_132] : memref<2x128x128xf32, #tpu.memory_space<vmem>> -> memref<1x128x128xf32, #tpu.memory_space<vmem>>
      %dma_start3A_134 = tpu.memref_squeeze %dma_start3A_133 : memref<1x128x128xf32, #tpu.memory_space<vmem>> -> memref<128x128xf32, #tpu.memory_space<vmem>>
      tpu.enqueue_dma source(%dma_start3A_134 : memref<128x128xf32, #tpu.memory_space<vmem>>) target(%dma_start3A_130 : memref<128x128xf32, #tpu.memory_space<vmem_shared>>) target_semaphore(%run_scoped3A_122 : memref<!tpu.dma_semaphore, #tpu.memory_space<semaphore_mem>>)
      %dma_wait3A_135 = arith.constant 0 : i32
      %dma_wait3A_136 = arith.constant 0 : i32
      %dma_wait3A_137 = tpu.memref_slice %arg8[%run_scoped3A_18, %dma_wait3A_135, %dma_wait3A_136] : memref<2x128x128xf32, #tpu.memory_space<vmem>> -> memref<1x128x128xf32, #tpu.memory_space<vmem>>
      %dma_wait3A_138 = tpu.memref_squeeze %dma_wait3A_137 : memref<1x128x128xf32, #tpu.memory_space<vmem>> -> memref<128x128xf32, #tpu.memory_space<vmem>>
      %dma_wait3A_139 = arith.constant 0 : i32
      %dma_wait3A_140 = tpu.memref_slice %arg9[%add3A_17, %dma_wait3A_139] : memref<10240x128xf32, #tpu.memory_space<vmem_shared>> -> memref<128x128xf32, #tpu.memory_space<vmem_shared>>
      %dma_wait3A_141 = arith.constant 0 : i32
      %dma_wait3A_142 = tpu.memref_slice %arg9[%add3A_17, %dma_wait3A_141] : memref<10240x128xf32, #tpu.memory_space<vmem_shared>> -> memref<128x128xf32, #tpu.memory_space<vmem_shared>>
      %dma_wait3A_143 = arith.constant 0 : i32
      %dma_wait3A_144 = arith.constant 0 : i32
      %dma_wait3A_145 = tpu.memref_slice %arg8[%run_scoped3A_18, %dma_wait3A_143, %dma_wait3A_144] : memref<2x128x128xf32, #tpu.memory_space<vmem>> -> memref<1x128x128xf32, #tpu.memory_space<vmem>>
      %dma_wait3A_146 = tpu.memref_squeeze %dma_wait3A_145 : memref<1x128x128xf32, #tpu.memory_space<vmem>> -> memref<128x128xf32, #tpu.memory_space<vmem>>
      tpu.wait_dma2 semaphore(%run_scoped3A_122 : memref<!tpu.dma_semaphore, #tpu.memory_space<semaphore_mem>>) src(%dma_wait3A_146 : memref<128x128xf32, #tpu.memory_space<vmem>>) dst(%dma_wait3A_142 : memref<128x128xf32, #tpu.memory_space<vmem_shared>>)
      tpu.yield
    }) : () -> ()
    %mul3A_19 = arith.constant 640 : i32
    %mul3A_20 = arith.muli %arg1, %mul3A_19 : i32
    %add3A_21 = arith.constant 384 : i32
    %add3A_22 = arith.addi %mul3A_20, %add3A_21 : i32
    %run_scoped3A_23 = arith.constant 0 : i32
    "tpu.region"() ({
      %run_scoped3A_122 = tpu.sem_alloc : memref<!tpu.dma_semaphore, #tpu.memory_space<semaphore_mem>>
      %dma_start3A_123 = arith.constant 0 : i32
      %dma_start3A_124 = arith.constant 0 : i32
      %dma_start3A_125 = tpu.memref_slice %arg8[%run_scoped3A_23, %dma_start3A_123, %dma_start3A_124] : memref<2x128x128xf32, #tpu.memory_space<vmem>> -> memref<1x128x128xf32, #tpu.memory_space<vmem>>
      %dma_start3A_126 = tpu.memref_squeeze %dma_start3A_125 : memref<1x128x128xf32, #tpu.memory_space<vmem>> -> memref<128x128xf32, #tpu.memory_space<vmem>>
      %dma_start3A_127 = arith.constant 0 : i32
      %dma_start3A_128 = tpu.memref_slice %arg9[%add3A_22, %dma_start3A_127] : memref<10240x128xf32, #tpu.memory_space<vmem_shared>> -> memref<128x128xf32, #tpu.memory_space<vmem_shared>>
      %dma_start3A_129 = arith.constant 0 : i32
      %dma_start3A_130 = tpu.memref_slice %arg9[%add3A_22, %dma_start3A_129] : memref<10240x128xf32, #tpu.memory_space<vmem_shared>> -> memref<128x128xf32, #tpu.memory_space<vmem_shared>>
      %dma_start3A_131 = arith.constant 0 : i32
      %dma_start3A_132 = arith.constant 0 : i32
      %dma_start3A_133 = tpu.memref_slice %arg8[%run_scoped3A_23, %dma_start3A_131, %dma_start3A_132] : memref<2x128x128xf32, #tpu.memory_space<vmem>> -> memref<1x128x128xf32, #tpu.memory_space<vmem>>
      %dma_start3A_134 = tpu.memref_squeeze %dma_start3A_133 : memref<1x128x128xf32, #tpu.memory_space<vmem>> -> memref<128x128xf32, #tpu.memory_space<vmem>>
      tpu.enqueue_dma source(%dma_start3A_134 : memref<128x128xf32, #tpu.memory_space<vmem>>) target(%dma_start3A_130 : memref<128x128xf32, #tpu.memory_space<vmem_shared>>) target_semaphore(%run_scoped3A_122 : memref<!tpu.dma_semaphore, #tpu.memory_space<semaphore_mem>>)
      %dma_wait3A_135 = arith.constant 0 : i32
      %dma_wait3A_136 = arith.constant 0 : i32
      %dma_wait3A_137 = tpu.memref_slice %arg8[%run_scoped3A_23, %dma_wait3A_135, %dma_wait3A_136] : memref<2x128x128xf32, #tpu.memory_space<vmem>> -> memref<1x128x128xf32, #tpu.memory_space<vmem>>
      %dma_wait3A_138 = tpu.memref_squeeze %dma_wait3A_137 : memref<1x128x128xf32, #tpu.memory_space<vmem>> -> memref<128x128xf32, #tpu.memory_space<vmem>>
      %dma_wait3A_139 = arith.constant 0 : i32
      %dma_wait3A_140 = tpu.memref_slice %arg9[%add3A_22, %dma_wait3A_139] : memref<10240x128xf32, #tpu.memory_space<vmem_shared>> -> memref<128x128xf32, #tpu.memory_space<vmem_shared>>
      %dma_wait3A_141 = arith.constant 0 : i32
      %dma_wait3A_142 = tpu.memref_slice %arg9[%add3A_22, %dma_wait3A_141] : memref<10240x128xf32, #tpu.memory_space<vmem_shared>> -> memref<128x128xf32, #tpu.memory_space<vmem_shared>>
      %dma_wait3A_143 = arith.constant 0 : i32
      %dma_wait3A_144 = arith.constant 0 : i32
      %dma_wait3A_145 = tpu.memref_slice %arg8[%run_scoped3A_23, %dma_wait3A_143, %dma_wait3A_144] : memref<2x128x128xf32, #tpu.memory_space<vmem>> -> memref<1x128x128xf32, #tpu.memory_space<vmem>>
      %dma_wait3A_146 = tpu.memref_squeeze %dma_wait3A_145 : memref<1x128x128xf32, #tpu.memory_space<vmem>> -> memref<128x128xf32, #tpu.memory_space<vmem>>
      tpu.wait_dma2 semaphore(%run_scoped3A_122 : memref<!tpu.dma_semaphore, #tpu.memory_space<semaphore_mem>>) src(%dma_wait3A_146 : memref<128x128xf32, #tpu.memory_space<vmem>>) dst(%dma_wait3A_142 : memref<128x128xf32, #tpu.memory_space<vmem_shared>>)
      tpu.yield
    }) : () -> ()
    %mul3A_24 = arith.constant 640 : i32
    %mul3A_25 = arith.muli %arg1, %mul3A_24 : i32
    %add3A_26 = arith.constant 512 : i32
    %add3A_27 = arith.addi %mul3A_25, %add3A_26 : i32
    %run_scoped3A_28 = arith.constant 0 : i32
    "tpu.region"() ({
      %run_scoped3A_122 = tpu.sem_alloc : memref<!tpu.dma_semaphore, #tpu.memory_space<semaphore_mem>>
      %dma_start3A_123 = arith.constant 0 : i32
      %dma_start3A_124 = arith.constant 0 : i32
      %dma_start3A_125 = tpu.memref_slice %arg8[%run_scoped3A_28, %dma_start3A_123, %dma_start3A_124] : memref<2x128x128xf32, #tpu.memory_space<vmem>> -> memref<1x128x128xf32, #tpu.memory_space<vmem>>
      %dma_start3A_126 = tpu.memref_squeeze %dma_start3A_125 : memref<1x128x128xf32, #tpu.memory_space<vmem>> -> memref<128x128xf32, #tpu.memory_space<vmem>>
      %dma_start3A_127 = arith.constant 0 : i32
      %dma_start3A_128 = tpu.memref_slice %arg9[%add3A_27, %dma_start3A_127] : memref<10240x128xf32, #tpu.memory_space<vmem_shared>> -> memref<128x128xf32, #tpu.memory_space<vmem_shared>>
      %dma_start3A_129 = arith.constant 0 : i32
      %dma_start3A_130 = tpu.memref_slice %arg9[%add3A_27, %dma_start3A_129] : memref<10240x128xf32, #tpu.memory_space<vmem_shared>> -> memref<128x128xf32, #tpu.memory_space<vmem_shared>>
      %dma_start3A_131 = arith.constant 0 : i32
      %dma_start3A_132 = arith.constant 0 : i32
      %dma_start3A_133 = tpu.memref_slice %arg8[%run_scoped3A_28, %dma_start3A_131, %dma_start3A_132] : memref<2x128x128xf32, #tpu.memory_space<vmem>> -> memref<1x128x128xf32, #tpu.memory_space<vmem>>
      %dma_start3A_134 = tpu.memref_squeeze %dma_start3A_133 : memref<1x128x128xf32, #tpu.memory_space<vmem>> -> memref<128x128xf32, #tpu.memory_space<vmem>>
      tpu.enqueue_dma source(%dma_start3A_134 : memref<128x128xf32, #tpu.memory_space<vmem>>) target(%dma_start3A_130 : memref<128x128xf32, #tpu.memory_space<vmem_shared>>) target_semaphore(%run_scoped3A_122 : memref<!tpu.dma_semaphore, #tpu.memory_space<semaphore_mem>>)
      %dma_wait3A_135 = arith.constant 0 : i32
      %dma_wait3A_136 = arith.constant 0 : i32
      %dma_wait3A_137 = tpu.memref_slice %arg8[%run_scoped3A_28, %dma_wait3A_135, %dma_wait3A_136] : memref<2x128x128xf32, #tpu.memory_space<vmem>> -> memref<1x128x128xf32, #tpu.memory_space<vmem>>
      %dma_wait3A_138 = tpu.memref_squeeze %dma_wait3A_137 : memref<1x128x128xf32, #tpu.memory_space<vmem>> -> memref<128x128xf32, #tpu.memory_space<vmem>>
      %dma_wait3A_139 = arith.constant 0 : i32
      %dma_wait3A_140 = tpu.memref_slice %arg9[%add3A_27, %dma_wait3A_139] : memref<10240x128xf32, #tpu.memory_space<vmem_shared>> -> memref<128x128xf32, #tpu.memory_space<vmem_shared>>
      %dma_wait3A_141 = arith.constant 0 : i32
      %dma_wait3A_142 = tpu.memref_slice %arg9[%add3A_27, %dma_wait3A_141] : memref<10240x128xf32, #tpu.memory_space<vmem_shared>> -> memref<128x128xf32, #tpu.memory_space<vmem_shared>>
      %dma_wait3A_143 = arith.constant 0 : i32
      %dma_wait3A_144 = arith.constant 0 : i32
      %dma_wait3A_145 = tpu.memref_slice %arg8[%run_scoped3A_28, %dma_wait3A_143, %dma_wait3A_144] : memref<2x128x128xf32, #tpu.memory_space<vmem>> -> memref<1x128x128xf32, #tpu.memory_space<vmem>>
      %dma_wait3A_146 = tpu.memref_squeeze %dma_wait3A_145 : memref<1x128x128xf32, #tpu.memory_space<vmem>> -> memref<128x128xf32, #tpu.memory_space<vmem>>
      tpu.wait_dma2 semaphore(%run_scoped3A_122 : memref<!tpu.dma_semaphore, #tpu.memory_space<semaphore_mem>>) src(%dma_wait3A_146 : memref<128x128xf32, #tpu.memory_space<vmem>>) dst(%dma_wait3A_142 : memref<128x128xf32, #tpu.memory_space<vmem_shared>>)
      tpu.yield
    }) : () -> ()
    %barrier3A = arith.constant 0 : index
    tpu.barrier barrier_id(%barrier3A)
    %mul3A_29 = arith.constant 2 : i32
    %mul3A_30 = arith.muli %arg1, %mul3A_29 : i32
    %add3A_31 = arith.constant 0 : i32
    %add3A_32 = arith.addi %mul3A_30, %add3A_31 : i32
    %dma_start3A = arith.constant 0 : i32
    %dma_start3A_33 = arith.constant 0 : i32
    %dma_start3A_34 = arith.constant 0 : i32
    %dma_start3A_35 = tpu.memref_slice %arg6[%dma_start3A, %dma_start3A_33, %dma_start3A_34] : memref<2x16x128xi32, #tpu.memory_space<vmem>> -> memref<1x16x128xi32, #tpu.memory_space<vmem>>
    %dma_start3A_36 = tpu.memref_squeeze %dma_start3A_35 : memref<1x16x128xi32, #tpu.memory_space<vmem>> -> memref<16x128xi32, #tpu.memory_space<vmem>>
    %dma_start3A_37 = arith.constant 0 : i32
    %dma_start3A_38 = arith.constant 0 : i32
    %dma_start3A_39 = tpu.memref_slice %arg3[%arg0, %add3A_32, %dma_start3A_37, %dma_start3A_38] : memref<2x32x80x128xi32, #tpu.memory_space<hbm>> -> memref<1x1x16x128xi32, #tpu.memory_space<hbm>>
    %dma_start3A_40 = tpu.memref_squeeze %dma_start3A_39 : memref<1x1x16x128xi32, #tpu.memory_space<hbm>> -> memref<16x128xi32, #tpu.memory_space<hbm>>
    %dma_start3A_41 = arith.constant 0 : i32
    %dma_start3A_42 = arith.constant 0 : i32
    %dma_start3A_43 = tpu.memref_slice %arg6[%dma_start3A, %dma_start3A_41, %dma_start3A_42] : memref<2x16x128xi32, #tpu.memory_space<vmem>> -> memref<1x16x128xi32, #tpu.memory_space<vmem>>
    %dma_start3A_44 = tpu.memref_squeeze %dma_start3A_43 : memref<1x16x128xi32, #tpu.memory_space<vmem>> -> memref<16x128xi32, #tpu.memory_space<vmem>>
    %dma_start3A_45 = arith.constant 0 : i32
    %dma_start3A_46 = arith.constant 0 : i32
    %dma_start3A_47 = tpu.memref_slice %arg3[%arg0, %add3A_32, %dma_start3A_45, %dma_start3A_46] : memref<2x32x80x128xi32, #tpu.memory_space<hbm>> -> memref<1x1x16x128xi32, #tpu.memory_space<hbm>>
    %dma_start3A_48 = tpu.memref_squeeze %dma_start3A_47 : memref<1x1x16x128xi32, #tpu.memory_space<hbm>> -> memref<16x128xi32, #tpu.memory_space<hbm>>
    tpu.enqueue_dma source(%dma_start3A_48 : memref<16x128xi32, #tpu.memory_space<hbm>>) target(%dma_start3A_44 : memref<16x128xi32, #tpu.memory_space<vmem>>) target_semaphore(%arg14 : memref<!tpu.dma_semaphore, #tpu.memory_space<semaphore_mem>>)
    %mul3A_49 = arith.constant 2 : i32
    %mul3A_50 = arith.muli %arg1, %mul3A_49 : i32
    %add3A_51 = arith.constant 0 : i32
    %add3A_52 = arith.addi %mul3A_50, %add3A_51 : i32
    %dma_start3A_53 = arith.constant 0 : i32
    %dma_start3A_54 = arith.constant 0 : i32
    %dma_start3A_55 = arith.constant 0 : i32
    %dma_start3A_56 = tpu.memref_slice %arg7[%dma_start3A_53, %dma_start3A_54, %dma_start3A_55] : memref<2x16x128xi32, #tpu.memory_space<vmem>> -> memref<1x16x128xi32, #tpu.memory_space<vmem>>
    %dma_start3A_57 = tpu.memref_squeeze %dma_start3A_56 : memref<1x16x128xi32, #tpu.memory_space<vmem>> -> memref<16x128xi32, #tpu.memory_space<vmem>>
    %dma_start3A_58 = arith.constant 0 : i32
    %dma_start3A_59 = arith.constant 0 : i32
    %dma_start3A_60 = tpu.memref_slice %arg4[%add3A_52, %dma_start3A_58, %dma_start3A_59] : memref<32x80x128xi32, #tpu.memory_space<hbm>> -> memref<1x16x128xi32, #tpu.memory_space<hbm>>
    %dma_start3A_61 = tpu.memref_squeeze %dma_start3A_60 : memref<1x16x128xi32, #tpu.memory_space<hbm>> -> memref<16x128xi32, #tpu.memory_space<hbm>>
    %dma_start3A_62 = arith.constant 0 : i32
    %dma_start3A_63 = arith.constant 0 : i32
    %dma_start3A_64 = tpu.memref_slice %arg7[%dma_start3A_53, %dma_start3A_62, %dma_start3A_63] : memref<2x16x128xi32, #tpu.memory_space<vmem>> -> memref<1x16x128xi32, #tpu.memory_space<vmem>>
    %dma_start3A_65 = tpu.memref_squeeze %dma_start3A_64 : memref<1x16x128xi32, #tpu.memory_space<vmem>> -> memref<16x128xi32, #tpu.memory_space<vmem>>
    %dma_start3A_66 = arith.constant 0 : i32
    %dma_start3A_67 = arith.constant 0 : i32
    %dma_start3A_68 = tpu.memref_slice %arg4[%add3A_52, %dma_start3A_66, %dma_start3A_67] : memref<32x80x128xi32, #tpu.memory_space<hbm>> -> memref<1x16x128xi32, #tpu.memory_space<hbm>>
    %dma_start3A_69 = tpu.memref_squeeze %dma_start3A_68 : memref<1x16x128xi32, #tpu.memory_space<hbm>> -> memref<16x128xi32, #tpu.memory_space<hbm>>
    tpu.enqueue_dma source(%dma_start3A_69 : memref<16x128xi32, #tpu.memory_space<hbm>>) target(%dma_start3A_65 : memref<16x128xi32, #tpu.memory_space<vmem>>) target_semaphore(%arg14 : memref<!tpu.dma_semaphore, #tpu.memory_space<semaphore_mem>>)
    %dma_wait3A = arith.constant 0 : i32
    %dma_wait3A_70 = arith.constant 0 : i32
    %dma_wait3A_71 = arith.constant 0 : i32
    %dma_wait3A_72 = arith.constant 0 : i32
    %dma_wait3A_73 = tpu.memref_slice %arg6[%dma_wait3A_70, %dma_wait3A_71, %dma_wait3A_72] : memref<2x16x128xi32, #tpu.memory_space<vmem>> -> memref<1x16x128xi32, #tpu.memory_space<vmem>>
    %dma_wait3A_74 = tpu.memref_squeeze %dma_wait3A_73 : memref<1x16x128xi32, #tpu.memory_space<vmem>> -> memref<16x128xi32, #tpu.memory_space<vmem>>
    %dma_wait3A_75 = arith.constant 0 : i32
    %dma_wait3A_76 = arith.constant 0 : i32
    %dma_wait3A_77 = tpu.memref_slice %arg4[%dma_wait3A, %dma_wait3A_75, %dma_wait3A_76] : memref<32x80x128xi32, #tpu.memory_space<hbm>> -> memref<1x16x128xi32, #tpu.memory_space<hbm>>
    %dma_wait3A_78 = tpu.memref_squeeze %dma_wait3A_77 : memref<1x16x128xi32, #tpu.memory_space<hbm>> -> memref<16x128xi32, #tpu.memory_space<hbm>>
    %dma_wait3A_79 = arith.constant 0 : i32
    %dma_wait3A_80 = arith.constant 0 : i32
    %dma_wait3A_81 = tpu.memref_slice %arg6[%dma_wait3A_70, %dma_wait3A_79, %dma_wait3A_80] : memref<2x16x128xi32, #tpu.memory_space<vmem>> -> memref<1x16x128xi32, #tpu.memory_space<vmem>>
    %dma_wait3A_82 = tpu.memref_squeeze %dma_wait3A_81 : memref<1x16x128xi32, #tpu.memory_space<vmem>> -> memref<16x128xi32, #tpu.memory_space<vmem>>
    %dma_wait3A_83 = arith.constant 0 : i32
    %dma_wait3A_84 = arith.constant 0 : i32
    %dma_wait3A_85 = tpu.memref_slice %arg4[%dma_wait3A, %dma_wait3A_83, %dma_wait3A_84] : memref<32x80x128xi32, #tpu.memory_space<hbm>> -> memref<1x16x128xi32, #tpu.memory_space<hbm>>
    %dma_wait3A_86 = tpu.memref_squeeze %dma_wait3A_85 : memref<1x16x128xi32, #tpu.memory_space<hbm>> -> memref<16x128xi32, #tpu.memory_space<hbm>>
    tpu.wait_dma2 semaphore(%arg14 : memref<!tpu.dma_semaphore, #tpu.memory_space<semaphore_mem>>) src(%dma_wait3A_86 : memref<16x128xi32, #tpu.memory_space<hbm>>) dst(%dma_wait3A_82 : memref<16x128xi32, #tpu.memory_space<vmem>>)
    %dma_wait3A_87 = arith.constant 0 : i32
    %dma_wait3A_88 = arith.constant 0 : i32
    %dma_wait3A_89 = arith.constant 0 : i32
    %dma_wait3A_90 = arith.constant 0 : i32
    %dma_wait3A_91 = tpu.memref_slice %arg7[%dma_wait3A_88, %dma_wait3A_89, %dma_wait3A_90] : memref<2x16x128xi32, #tpu.memory_space<vmem>> -> memref<1x16x128xi32, #tpu.memory_space<vmem>>
    %dma_wait3A_92 = tpu.memref_squeeze %dma_wait3A_91 : memref<1x16x128xi32, #tpu.memory_space<vmem>> -> memref<16x128xi32, #tpu.memory_space<vmem>>
    %dma_wait3A_93 = arith.constant 0 : i32
    %dma_wait3A_94 = arith.constant 0 : i32
    %dma_wait3A_95 = tpu.memref_slice %arg4[%dma_wait3A_87, %dma_wait3A_93, %dma_wait3A_94] : memref<32x80x128xi32, #tpu.memory_space<hbm>> -> memref<1x16x128xi32, #tpu.memory_space<hbm>>
    %dma_wait3A_96 = tpu.memref_squeeze %dma_wait3A_95 : memref<1x16x128xi32, #tpu.memory_space<hbm>> -> memref<16x128xi32, #tpu.memory_space<hbm>>
    %dma_wait3A_97 = arith.constant 0 : i32
    %dma_wait3A_98 = arith.constant 0 : i32
    %dma_wait3A_99 = tpu.memref_slice %arg7[%dma_wait3A_88, %dma_wait3A_97, %dma_wait3A_98] : memref<2x16x128xi32, #tpu.memory_space<vmem>> -> memref<1x16x128xi32, #tpu.memory_space<vmem>>
    %dma_wait3A_100 = tpu.memref_squeeze %dma_wait3A_99 : memref<1x16x128xi32, #tpu.memory_space<vmem>> -> memref<16x128xi32, #tpu.memory_space<vmem>>
    %dma_wait3A_101 = arith.constant 0 : i32
    %dma_wait3A_102 = arith.constant 0 : i32
    %dma_wait3A_103 = tpu.memref_slice %arg4[%dma_wait3A_87, %dma_wait3A_101, %dma_wait3A_102] : memref<32x80x128xi32, #tpu.memory_space<hbm>> -> memref<1x16x128xi32, #tpu.memory_space<hbm>>
    %dma_wait3A_104 = tpu.memref_squeeze %dma_wait3A_103 : memref<1x16x128xi32, #tpu.memory_space<hbm>> -> memref<16x128xi32, #tpu.memory_space<hbm>>
    tpu.wait_dma2 semaphore(%arg14 : memref<!tpu.dma_semaphore, #tpu.memory_space<semaphore_mem>>) src(%dma_wait3A_104 : memref<16x128xi32, #tpu.memory_space<hbm>>) dst(%dma_wait3A_100 : memref<16x128xi32, #tpu.memory_space<vmem>>)
    %scan3A_105 = arith.constant 0 : i32
    %scan3A_106 = arith.constant 1 : i32
    %scan3A_107 = arith.constant 0 : i32
    %scan3A_108 = arith.constant 0 : i32
    %scan3A_109 = arith.constant 10 : i32
    %scan3A_110 = arith.addi %scan3A_108, %scan3A_109 : i32
    %scan3A_111 = arith.constant 1 : i32
    %scan3A_112 = scf.for %scan3A_122 = %scan3A_108 to %scan3A_110 step %scan3A_111 iter_args(%scan3A_123 = %scan3A_107) -> (i32)  : i32 {
      %jit3A = arith.constant 2 : i32
      %eq3A = arith.constant 0 : i32
      %eq3A_124 = arith.cmpi eq, %jit3A, %eq3A : i32
      %jit3A_125 = arith.constant 1 : i32
      %select_n3A = arith.select %eq3A_124, %jit3A_125, %jit3A : i32
      %rem3A = arith.remsi %scan3A_122, %select_n3A : i32
      %ne3A = arith.constant 0 : i32
      %ne3A_126 = arith.cmpi ne, %rem3A, %ne3A : i32
      %lt3A = arith.constant 0 : i32
      %lt3A_127 = arith.cmpi slt, %rem3A, %lt3A : i32
      %lt3A_128 = arith.constant 0 : i32
      %lt3A_129 = arith.cmpi slt, %select_n3A, %lt3A_128 : i32
      %ne3A_130 = arith.xori %lt3A_127, %lt3A_129 : i1
      %and3A = arith.andi %ne3A_130, %ne3A_126 : i1
      %add3A_131 = arith.addi %rem3A, %select_n3A : i32
      %select_n3A_132 = arith.select %and3A, %add3A_131, %rem3A : i32
      %add3A_133 = arith.constant 1 : i32
      %add3A_134 = arith.addi %scan3A_122, %add3A_133 : i32
      %lt3A_135 = arith.constant 10 : i32
      %lt3A_136 = arith.cmpi slt, %add3A_134, %lt3A_135 : i32
      %convert_element_type3A = arith.extui %lt3A_136 : i1 to i32
      %cond3A = arith.constant 0 : i32
      %cond3A_137 = arith.cmpi ne, %convert_element_type3A, %cond3A : i32
      scf.if %cond3A_137 {
        %add3A_198 = arith.constant 1 : i32
        %add3A_199 = arith.addi %scan3A_122, %add3A_198 : i32
        %add3A_200 = arith.constant 1 : i32
        %add3A_201 = arith.addi %scan3A_122, %add3A_200 : i32
        %jit3A_202 = arith.constant 2 : i32
        %eq3A_203 = arith.constant 0 : i32
        %eq3A_204 = arith.cmpi eq, %jit3A_202, %eq3A_203 : i32
        %jit3A_205 = arith.constant 1 : i32
        %select_n3A_206 = arith.select %eq3A_204, %jit3A_205, %jit3A_202 : i32
        %rem3A_207 = arith.remsi %add3A_201, %select_n3A_206 : i32
        %ne3A_208 = arith.constant 0 : i32
        %ne3A_209 = arith.cmpi ne, %rem3A_207, %ne3A_208 : i32
        %lt3A_210 = arith.constant 0 : i32
        %lt3A_211 = arith.cmpi slt, %rem3A_207, %lt3A_210 : i32
        %lt3A_212 = arith.constant 0 : i32
        %lt3A_213 = arith.cmpi slt, %select_n3A_206, %lt3A_212 : i32
        %ne3A_214 = arith.xori %lt3A_211, %lt3A_213 : i1
        %and3A_215 = arith.andi %ne3A_214, %ne3A_209 : i1
        %add3A_216 = arith.addi %rem3A_207, %select_n3A_206 : i32
        %select_n3A_217 = arith.select %and3A_215, %add3A_216, %rem3A_207 : i32
        %jit3A_218 = arith.constant 5 : i32
        %div3A = arith.divsi %add3A_199, %jit3A_218 : i32
        %sign3A = arith.constant 0 : i32
        %sign3A_219 = arith.cmpi sgt, %add3A_199, %sign3A : i32
        %sign3A_220 = arith.extui %sign3A_219 : i1 to i32
        %sign3A_221 = arith.constant 0 : i32
        %sign3A_222 = arith.cmpi slt, %add3A_199, %sign3A_221 : i32
        %sign3A_223 = arith.extui %sign3A_222 : i1 to i32
        %sign3A_224 = arith.subi %sign3A_220, %sign3A_223 : i32
        %sign3A_225 = arith.constant 0 : i32
        %sign3A_226 = arith.cmpi sgt, %jit3A_218, %sign3A_225 : i32
        %sign3A_227 = arith.extui %sign3A_226 : i1 to i32
        %sign3A_228 = arith.constant 0 : i32
        %sign3A_229 = arith.cmpi slt, %jit3A_218, %sign3A_228 : i32
        %sign3A_230 = arith.extui %sign3A_229 : i1 to i32
        %sign3A_231 = arith.subi %sign3A_227, %sign3A_230 : i32
        %ne3A_232 = arith.cmpi ne, %sign3A_224, %sign3A_231 : i32
        %rem3A_233 = arith.remsi %add3A_199, %jit3A_218 : i32
        %ne3A_234 = arith.constant 0 : i32
        %ne3A_235 = arith.cmpi ne, %rem3A_233, %ne3A_234 : i32
        %and3A_236 = arith.andi %ne3A_232, %ne3A_235 : i1
        %sub3A = arith.constant 1 : i32
        %sub3A_237 = arith.subi %div3A, %sub3A : i32
        %select_n3A_238 = arith.select %and3A_236, %sub3A_237, %div3A : i32
        %jit3A_239 = arith.constant 5 : i32
        %eq3A_240 = arith.constant 0 : i32
        %eq3A_241 = arith.cmpi eq, %jit3A_239, %eq3A_240 : i32
        %jit3A_242 = arith.constant 1 : i32
        %select_n3A_243 = arith.select %eq3A_241, %jit3A_242, %jit3A_239 : i32
        %rem3A_244 = arith.remsi %add3A_199, %select_n3A_243 : i32
        %ne3A_245 = arith.constant 0 : i32
        %ne3A_246 = arith.cmpi ne, %rem3A_244, %ne3A_245 : i32
        %lt3A_247 = arith.constant 0 : i32
        %lt3A_248 = arith.cmpi slt, %rem3A_244, %lt3A_247 : i32
        %lt3A_249 = arith.constant 0 : i32
        %lt3A_250 = arith.cmpi slt, %select_n3A_243, %lt3A_249 : i32
        %ne3A_251 = arith.xori %lt3A_248, %lt3A_250 : i1
        %and3A_252 = arith.andi %ne3A_251, %ne3A_246 : i1
        %add3A_253 = arith.addi %rem3A_244, %select_n3A_243 : i32
        %select_n3A_254 = arith.select %and3A_252, %add3A_253, %rem3A_244 : i32
        %mul3A_255 = arith.constant 2 : i32
        %mul3A_256 = arith.muli %arg1, %mul3A_255 : i32
        %add3A_257 = arith.addi %mul3A_256, %select_n3A_238 : i32
        %mul3A_258 = arith.constant 16 : i32
        %mul3A_259 = arith.muli %select_n3A_254, %mul3A_258 : i32
        %dma_start3A_260 = arith.constant 0 : i32
        %dma_start3A_261 = arith.constant 0 : i32
        %dma_start3A_262 = tpu.memref_slice %arg6[%select_n3A_217, %dma_start3A_260, %dma_start3A_261] : memref<2x16x128xi32, #tpu.memory_space<vmem>> -> memref<1x16x128xi32, #tpu.memory_space<vmem>>
        %dma_start3A_263 = tpu.memref_squeeze %dma_start3A_262 : memref<1x16x128xi32, #tpu.memory_space<vmem>> -> memref<16x128xi32, #tpu.memory_space<vmem>>
        %dma_start3A_264 = arith.constant 0 : i32
        %dma_start3A_265 = tpu.memref_slice %arg3[%arg0, %add3A_257, %mul3A_259, %dma_start3A_264] : memref<2x32x80x128xi32, #tpu.memory_space<hbm>> -> memref<1x1x16x128xi32, #tpu.memory_space<hbm>>
        %dma_start3A_266 = tpu.memref_squeeze %dma_start3A_265 : memref<1x1x16x128xi32, #tpu.memory_space<hbm>> -> memref<16x128xi32, #tpu.memory_space<hbm>>
        %dma_start3A_267 = arith.constant 0 : i32
        %dma_start3A_268 = arith.constant 0 : i32
        %dma_start3A_269 = tpu.memref_slice %arg6[%select_n3A_217, %dma_start3A_267, %dma_start3A_268] : memref<2x16x128xi32, #tpu.memory_space<vmem>> -> memref<1x16x128xi32, #tpu.memory_space<vmem>>
        %dma_start3A_270 = tpu.memref_squeeze %dma_start3A_269 : memref<1x16x128xi32, #tpu.memory_space<vmem>> -> memref<16x128xi32, #tpu.memory_space<vmem>>
        %dma_start3A_271 = arith.constant 0 : i32
        %dma_start3A_272 = tpu.memref_slice %arg3[%arg0, %add3A_257, %mul3A_259, %dma_start3A_271] : memref<2x32x80x128xi32, #tpu.memory_space<hbm>> -> memref<1x1x16x128xi32, #tpu.memory_space<hbm>>
        %dma_start3A_273 = tpu.memref_squeeze %dma_start3A_272 : memref<1x1x16x128xi32, #tpu.memory_space<hbm>> -> memref<16x128xi32, #tpu.memory_space<hbm>>
        tpu.enqueue_dma source(%dma_start3A_273 : memref<16x128xi32, #tpu.memory_space<hbm>>) target(%dma_start3A_270 : memref<16x128xi32, #tpu.memory_space<vmem>>) target_semaphore(%arg14 : memref<!tpu.dma_semaphore, #tpu.memory_space<semaphore_mem>>)
        %mul3A_274 = arith.constant 2 : i32
        %mul3A_275 = arith.muli %arg1, %mul3A_274 : i32
        %add3A_276 = arith.addi %mul3A_275, %select_n3A_238 : i32
        %mul3A_277 = arith.constant 16 : i32
        %mul3A_278 = arith.muli %select_n3A_254, %mul3A_277 : i32
        %dma_start3A_279 = arith.constant 0 : i32
        %dma_start3A_280 = arith.constant 0 : i32
        %dma_start3A_281 = tpu.memref_slice %arg7[%select_n3A_217, %dma_start3A_279, %dma_start3A_280] : memref<2x16x128xi32, #tpu.memory_space<vmem>> -> memref<1x16x128xi32, #tpu.memory_space<vmem>>
        %dma_start3A_282 = tpu.memref_squeeze %dma_start3A_281 : memref<1x16x128xi32, #tpu.memory_space<vmem>> -> memref<16x128xi32, #tpu.memory_space<vmem>>
        %dma_start3A_283 = arith.constant 0 : i32
        %dma_start3A_284 = tpu.memref_slice %arg4[%add3A_276, %mul3A_278, %dma_start3A_283] : memref<32x80x128xi32, #tpu.memory_space<hbm>> -> memref<1x16x128xi32, #tpu.memory_space<hbm>>
        %dma_start3A_285 = tpu.memref_squeeze %dma_start3A_284 : memref<1x16x128xi32, #tpu.memory_space<hbm>> -> memref<16x128xi32, #tpu.memory_space<hbm>>
        %dma_start3A_286 = arith.constant 0 : i32
        %dma_start3A_287 = arith.constant 0 : i32
        %dma_start3A_288 = tpu.memref_slice %arg7[%select_n3A_217, %dma_start3A_286, %dma_start3A_287] : memref<2x16x128xi32, #tpu.memory_space<vmem>> -> memref<1x16x128xi32, #tpu.memory_space<vmem>>
        %dma_start3A_289 = tpu.memref_squeeze %dma_start3A_288 : memref<1x16x128xi32, #tpu.memory_space<vmem>> -> memref<16x128xi32, #tpu.memory_space<vmem>>
        %dma_start3A_290 = arith.constant 0 : i32
        %dma_start3A_291 = tpu.memref_slice %arg4[%add3A_276, %mul3A_278, %dma_start3A_290] : memref<32x80x128xi32, #tpu.memory_space<hbm>> -> memref<1x16x128xi32, #tpu.memory_space<hbm>>
        %dma_start3A_292 = tpu.memref_squeeze %dma_start3A_291 : memref<1x16x128xi32, #tpu.memory_space<hbm>> -> memref<16x128xi32, #tpu.memory_space<hbm>>
        tpu.enqueue_dma source(%dma_start3A_292 : memref<16x128xi32, #tpu.memory_space<hbm>>) target(%dma_start3A_289 : memref<16x128xi32, #tpu.memory_space<vmem>>) target_semaphore(%arg14 : memref<!tpu.dma_semaphore, #tpu.memory_space<semaphore_mem>>)
      } else {
      }
      %dma_start3A_138 = arith.constant 0 : i32
      %dma_start3A_139 = arith.constant 0 : i32
      %dma_start3A_140 = arith.constant 0 : i32
      %dma_start3A_141 = tpu.memref_slice %arg8[%scan3A_105, %dma_start3A_139, %dma_start3A_140] : memref<2x128x128xf32, #tpu.memory_space<vmem>> -> memref<1x128x128xf32, #tpu.memory_space<vmem>>
      %dma_start3A_142 = tpu.memref_squeeze %dma_start3A_141 : memref<1x128x128xf32, #tpu.memory_space<vmem>> -> memref<128x128xf32, #tpu.memory_space<vmem>>
      %dma_start3A_143 = arith.constant 0 : i32
      %dma_start3A_144 = arith.constant 0 : i32
      %dma_start3A_145 = tpu.memref_slice %arg6[%select_n3A_132, %dma_start3A_143, %dma_start3A_144] : memref<2x16x128xi32, #tpu.memory_space<vmem>> -> memref<1x16x128xi32, #tpu.memory_space<vmem>>
      %dma_start3A_146 = tpu.memref_squeeze %dma_start3A_145 : memref<1x16x128xi32, #tpu.memory_space<vmem>> -> memref<16x128xi32, #tpu.memory_space<vmem>>
      %dma_start3A_147 = arith.constant 0 : i32
      %dma_start3A_148 = tpu.memref_slice %dma_start3A_146[%dma_start3A_138, %dma_start3A_147] : memref<16x128xi32, #tpu.memory_space<vmem>> -> memref<1x128xi32, #tpu.memory_space<vmem>>
      %dma_start3A_149 = tpu.memref_squeeze %dma_start3A_148 : memref<1x128xi32, #tpu.memory_space<vmem>> -> memref<128xi32, #tpu.memory_space<vmem>>
      %dma_start3A_150 = arith.constant 0 : i32
      %dma_start3A_151 = arith.constant 0 : i32
      %dma_start3A_152 = tpu.memref_slice %arg2[%dma_start3A_150, %dma_start3A_151] : memref<20480x128xf32, #tpu.memory_space<hbm>> -> memref<20480x128xf32, #tpu.memory_space<hbm>>
      tpu.enqueue_indirect_dma source(%dma_start3A_152 : memref<20480x128xf32, #tpu.memory_space<hbm>>) target(%dma_start3A_142 : memref<128x128xf32, #tpu.memory_space<vmem>>) offsets(%dma_start3A_149 : memref<128xi32, #tpu.memory_space<vmem>>) semaphore(%arg10 : memref<!tpu.dma_semaphore, #tpu.memory_space<semaphore_mem>>)
      %scan3A_153 = arith.constant 0 : i32
      %scan3A_154 = arith.constant 0 : i32
      %scan3A_155 = arith.constant 8 : i32
      %scan3A_156 = arith.addi %scan3A_154, %scan3A_155 : i32
      %scan3A_157 = arith.constant 1 : i32
      %scan3A_158 = scf.for %scan3A_198 = %scan3A_154 to %scan3A_156 step %scan3A_157 iter_args(%scan3A_199 = %scan3A_153) -> (i32)  : i32 {
        %mul3A_200 = arith.constant 2 : i32
        %mul3A_201 = arith.muli %mul3A_200, %scan3A_198 : i32
        %ge3A = arith.constant 1 : i32
        %ge3A_202 = arith.cmpi sge, %scan3A_198, %ge3A : i32
        %convert_element_type3A_203 = arith.extui %ge3A_202 : i1 to i32
        %cond3A_204 = arith.constant 0 : i32
        %cond3A_205 = arith.cmpi ne, %convert_element_type3A_203, %cond3A_204 : i32
        scf.if %cond3A_205 {
          %sub3A = arith.constant 1 : i32
          %sub3A_288 = arith.subi %mul3A_201, %sub3A : i32
          %dma_wait3A_289 = arith.constant 0 : i32
          %dma_wait3A_290 = arith.constant 0 : i32
          %dma_wait3A_291 = tpu.memref_slice %arg8[%scan3A_106, %dma_wait3A_289, %dma_wait3A_290] : memref<2x128x128xf32, #tpu.memory_space<vmem>> -> memref<1x128x128xf32, #tpu.memory_space<vmem>>
          %dma_wait3A_292 = tpu.memref_squeeze %dma_wait3A_291 : memref<1x128x128xf32, #tpu.memory_space<vmem>> -> memref<128x128xf32, #tpu.memory_space<vmem>>
          %dma_wait3A_293 = arith.constant 0 : i32
          %dma_wait3A_294 = arith.constant 0 : i32
          %dma_wait3A_295 = tpu.memref_slice %arg7[%select_n3A_132, %dma_wait3A_293, %dma_wait3A_294] : memref<2x16x128xi32, #tpu.memory_space<vmem>> -> memref<1x16x128xi32, #tpu.memory_space<vmem>>
          %dma_wait3A_296 = tpu.memref_squeeze %dma_wait3A_295 : memref<1x16x128xi32, #tpu.memory_space<vmem>> -> memref<16x128xi32, #tpu.memory_space<vmem>>
          %dma_wait3A_297 = arith.constant 0 : i32
          %dma_wait3A_298 = tpu.memref_slice %dma_wait3A_296[%sub3A_288, %dma_wait3A_297] : memref<16x128xi32, #tpu.memory_space<vmem>> -> memref<1x128xi32, #tpu.memory_space<vmem>>
          %dma_wait3A_299 = tpu.memref_squeeze %dma_wait3A_298 : memref<1x128xi32, #tpu.memory_space<vmem>> -> memref<128xi32, #tpu.memory_space<vmem>>
          %dma_wait3A_300 = arith.constant 0 : i32
          %dma_wait3A_301 = arith.constant 0 : i32
          %dma_wait3A_302 = tpu.memref_slice %arg9[%dma_wait3A_300, %dma_wait3A_301] : memref<10240x128xf32, #tpu.memory_space<vmem_shared>> -> memref<10240x128xf32, #tpu.memory_space<vmem_shared>>
          tpu.wait_indirect_dma semaphore(%arg13 : memref<!tpu.dma_semaphore, #tpu.memory_space<semaphore_mem>>) src(%dma_wait3A_292 : memref<128x128xf32, #tpu.memory_space<vmem>>) dst(%dma_wait3A_302 : memref<10240x128xf32, #tpu.memory_space<vmem_shared>>)
        } else {
        }
        %add3A_206 = arith.constant 1 : i32
        %add3A_207 = arith.addi %mul3A_201, %add3A_206 : i32
        %dma_start3A_208 = arith.constant 0 : i32
        %dma_start3A_209 = arith.constant 0 : i32
        %dma_start3A_210 = tpu.memref_slice %arg8[%scan3A_106, %dma_start3A_208, %dma_start3A_209] : memref<2x128x128xf32, #tpu.memory_space<vmem>> -> memref<1x128x128xf32, #tpu.memory_space<vmem>>
        %dma_start3A_211 = tpu.memref_squeeze %dma_start3A_210 : memref<1x128x128xf32, #tpu.memory_space<vmem>> -> memref<128x128xf32, #tpu.memory_space<vmem>>
        %dma_start3A_212 = arith.constant 0 : i32
        %dma_start3A_213 = arith.constant 0 : i32
        %dma_start3A_214 = tpu.memref_slice %arg6[%select_n3A_132, %dma_start3A_212, %dma_start3A_213] : memref<2x16x128xi32, #tpu.memory_space<vmem>> -> memref<1x16x128xi32, #tpu.memory_space<vmem>>
        %dma_start3A_215 = tpu.memref_squeeze %dma_start3A_214 : memref<1x16x128xi32, #tpu.memory_space<vmem>> -> memref<16x128xi32, #tpu.memory_space<vmem>>
        %dma_start3A_216 = arith.constant 0 : i32
        %dma_start3A_217 = tpu.memref_slice %dma_start3A_215[%add3A_207, %dma_start3A_216] : memref<16x128xi32, #tpu.memory_space<vmem>> -> memref<1x128xi32, #tpu.memory_space<vmem>>
        %dma_start3A_218 = tpu.memref_squeeze %dma_start3A_217 : memref<1x128xi32, #tpu.memory_space<vmem>> -> memref<128xi32, #tpu.memory_space<vmem>>
        %dma_start3A_219 = arith.constant 0 : i32
        %dma_start3A_220 = arith.constant 0 : i32
        %dma_start3A_221 = tpu.memref_slice %arg2[%dma_start3A_219, %dma_start3A_220] : memref<20480x128xf32, #tpu.memory_space<hbm>> -> memref<20480x128xf32, #tpu.memory_space<hbm>>
        tpu.enqueue_indirect_dma source(%dma_start3A_221 : memref<20480x128xf32, #tpu.memory_space<hbm>>) target(%dma_start3A_211 : memref<128x128xf32, #tpu.memory_space<vmem>>) offsets(%dma_start3A_218 : memref<128xi32, #tpu.memory_space<vmem>>) semaphore(%arg11 : memref<!tpu.dma_semaphore, #tpu.memory_space<semaphore_mem>>)
        %dma_wait3A_222 = arith.constant 0 : i32
        %dma_wait3A_223 = arith.constant 0 : i32
        %dma_wait3A_224 = tpu.memref_slice %arg8[%scan3A_105, %dma_wait3A_222, %dma_wait3A_223] : memref<2x128x128xf32, #tpu.memory_space<vmem>> -> memref<1x128x128xf32, #tpu.memory_space<vmem>>
        %dma_wait3A_225 = tpu.memref_squeeze %dma_wait3A_224 : memref<1x128x128xf32, #tpu.memory_space<vmem>> -> memref<128x128xf32, #tpu.memory_space<vmem>>
        %dma_wait3A_226 = arith.constant 0 : i32
        %dma_wait3A_227 = arith.constant 0 : i32
        %dma_wait3A_228 = tpu.memref_slice %arg6[%select_n3A_132, %dma_wait3A_226, %dma_wait3A_227] : memref<2x16x128xi32, #tpu.memory_space<vmem>> -> memref<1x16x128xi32, #tpu.memory_space<vmem>>
        %dma_wait3A_229 = tpu.memref_squeeze %dma_wait3A_228 : memref<1x16x128xi32, #tpu.memory_space<vmem>> -> memref<16x128xi32, #tpu.memory_space<vmem>>
        %dma_wait3A_230 = arith.constant 0 : i32
        %dma_wait3A_231 = tpu.memref_slice %dma_wait3A_229[%mul3A_201, %dma_wait3A_230] : memref<16x128xi32, #tpu.memory_space<vmem>> -> memref<1x128xi32, #tpu.memory_space<vmem>>
        %dma_wait3A_232 = tpu.memref_squeeze %dma_wait3A_231 : memref<1x128xi32, #tpu.memory_space<vmem>> -> memref<128xi32, #tpu.memory_space<vmem>>
        %dma_wait3A_233 = arith.constant 0 : i32
        %dma_wait3A_234 = arith.constant 0 : i32
        %dma_wait3A_235 = tpu.memref_slice %arg2[%dma_wait3A_233, %dma_wait3A_234] : memref<20480x128xf32, #tpu.memory_space<hbm>> -> memref<20480x128xf32, #tpu.memory_space<hbm>>
        tpu.wait_indirect_dma semaphore(%arg10 : memref<!tpu.dma_semaphore, #tpu.memory_space<semaphore_mem>>) src(%dma_wait3A_235 : memref<20480x128xf32, #tpu.memory_space<hbm>>) dst(%dma_wait3A_225 : memref<128x128xf32, #tpu.memory_space<vmem>>)
        %dma_start3A_236 = arith.constant 0 : i32
        %dma_start3A_237 = arith.constant 0 : i32
        %dma_start3A_238 = tpu.memref_slice %arg8[%scan3A_105, %dma_start3A_236, %dma_start3A_237] : memref<2x128x128xf32, #tpu.memory_space<vmem>> -> memref<1x128x128xf32, #tpu.memory_space<vmem>>
        %dma_start3A_239 = tpu.memref_squeeze %dma_start3A_238 : memref<1x128x128xf32, #tpu.memory_space<vmem>> -> memref<128x128xf32, #tpu.memory_space<vmem>>
        %dma_start3A_240 = arith.constant 0 : i32
        %dma_start3A_241 = arith.constant 0 : i32
        %dma_start3A_242 = tpu.memref_slice %arg7[%select_n3A_132, %dma_start3A_240, %dma_start3A_241] : memref<2x16x128xi32, #tpu.memory_space<vmem>> -> memref<1x16x128xi32, #tpu.memory_space<vmem>>
        %dma_start3A_243 = tpu.memref_squeeze %dma_start3A_242 : memref<1x16x128xi32, #tpu.memory_space<vmem>> -> memref<16x128xi32, #tpu.memory_space<vmem>>
        %dma_start3A_244 = arith.constant 0 : i32
        %dma_start3A_245 = tpu.memref_slice %dma_start3A_243[%mul3A_201, %dma_start3A_244] : memref<16x128xi32, #tpu.memory_space<vmem>> -> memref<1x128xi32, #tpu.memory_space<vmem>>
        %dma_start3A_246 = tpu.memref_squeeze %dma_start3A_245 : memref<1x128xi32, #tpu.memory_space<vmem>> -> memref<128xi32, #tpu.memory_space<vmem>>
        %dma_start3A_247 = arith.constant 0 : i32
        %dma_start3A_248 = arith.constant 0 : i32
        %dma_start3A_249 = tpu.memref_slice %arg9[%dma_start3A_247, %dma_start3A_248] : memref<10240x128xf32, #tpu.memory_space<vmem_shared>> -> memref<10240x128xf32, #tpu.memory_space<vmem_shared>>
        tpu.enqueue_indirect_dma source(%dma_start3A_239 : memref<128x128xf32, #tpu.memory_space<vmem>>) target(%dma_start3A_249 : memref<10240x128xf32, #tpu.memory_space<vmem_shared>>) offsets(%dma_start3A_246 : memref<128xi32, #tpu.memory_space<vmem>>) semaphore(%arg12 : memref<!tpu.dma_semaphore, #tpu.memory_space<semaphore_mem>>) {add = true}
        %lt3A_250 = arith.constant 7 : i32
        %lt3A_251 = arith.cmpi slt, %scan3A_198, %lt3A_250 : i32
        %convert_element_type3A_252 = arith.extui %lt3A_251 : i1 to i32
        %cond3A_253 = arith.constant 0 : i32
        %cond3A_254 = arith.cmpi ne, %convert_element_type3A_252, %cond3A_253 : i32
        scf.if %cond3A_254 {
          %dma_wait3A_288 = arith.constant 0 : i32
          %dma_wait3A_289 = arith.constant 0 : i32
          %dma_wait3A_290 = tpu.memref_slice %arg8[%scan3A_105, %dma_wait3A_288, %dma_wait3A_289] : memref<2x128x128xf32, #tpu.memory_space<vmem>> -> memref<1x128x128xf32, #tpu.memory_space<vmem>>
          %dma_wait3A_291 = tpu.memref_squeeze %dma_wait3A_290 : memref<1x128x128xf32, #tpu.memory_space<vmem>> -> memref<128x128xf32, #tpu.memory_space<vmem>>
          %dma_wait3A_292 = arith.constant 0 : i32
          %dma_wait3A_293 = arith.constant 0 : i32
          %dma_wait3A_294 = tpu.memref_slice %arg7[%select_n3A_132, %dma_wait3A_292, %dma_wait3A_293] : memref<2x16x128xi32, #tpu.memory_space<vmem>> -> memref<1x16x128xi32, #tpu.memory_space<vmem>>
          %dma_wait3A_295 = tpu.memref_squeeze %dma_wait3A_294 : memref<1x16x128xi32, #tpu.memory_space<vmem>> -> memref<16x128xi32, #tpu.memory_space<vmem>>
          %dma_wait3A_296 = arith.constant 0 : i32
          %dma_wait3A_297 = tpu.memref_slice %dma_wait3A_295[%mul3A_201, %dma_wait3A_296] : memref<16x128xi32, #tpu.memory_space<vmem>> -> memref<1x128xi32, #tpu.memory_space<vmem>>
          %dma_wait3A_298 = tpu.memref_squeeze %dma_wait3A_297 : memref<1x128xi32, #tpu.memory_space<vmem>> -> memref<128xi32, #tpu.memory_space<vmem>>
          %dma_wait3A_299 = arith.constant 0 : i32
          %dma_wait3A_300 = arith.constant 0 : i32
          %dma_wait3A_301 = tpu.memref_slice %arg9[%dma_wait3A_299, %dma_wait3A_300] : memref<10240x128xf32, #tpu.memory_space<vmem_shared>> -> memref<10240x128xf32, #tpu.memory_space<vmem_shared>>
          tpu.wait_indirect_dma semaphore(%arg12 : memref<!tpu.dma_semaphore, #tpu.memory_space<semaphore_mem>>) src(%dma_wait3A_291 : memref<128x128xf32, #tpu.memory_space<vmem>>) dst(%dma_wait3A_301 : memref<10240x128xf32, #tpu.memory_space<vmem_shared>>)
          %add3A_302 = arith.constant 2 : i32
          %add3A_303 = arith.addi %mul3A_201, %add3A_302 : i32
          %dma_start3A_304 = arith.constant 0 : i32
          %dma_start3A_305 = arith.constant 0 : i32
          %dma_start3A_306 = tpu.memref_slice %arg8[%scan3A_105, %dma_start3A_304, %dma_start3A_305] : memref<2x128x128xf32, #tpu.memory_space<vmem>> -> memref<1x128x128xf32, #tpu.memory_space<vmem>>
          %dma_start3A_307 = tpu.memref_squeeze %dma_start3A_306 : memref<1x128x128xf32, #tpu.memory_space<vmem>> -> memref<128x128xf32, #tpu.memory_space<vmem>>
          %dma_start3A_308 = arith.constant 0 : i32
          %dma_start3A_309 = arith.constant 0 : i32
          %dma_start3A_310 = tpu.memref_slice %arg6[%select_n3A_132, %dma_start3A_308, %dma_start3A_309] : memref<2x16x128xi32, #tpu.memory_space<vmem>> -> memref<1x16x128xi32, #tpu.memory_space<vmem>>
          %dma_start3A_311 = tpu.memref_squeeze %dma_start3A_310 : memref<1x16x128xi32, #tpu.memory_space<vmem>> -> memref<16x128xi32, #tpu.memory_space<vmem>>
          %dma_start3A_312 = arith.constant 0 : i32
          %dma_start3A_313 = tpu.memref_slice %dma_start3A_311[%add3A_303, %dma_start3A_312] : memref<16x128xi32, #tpu.memory_space<vmem>> -> memref<1x128xi32, #tpu.memory_space<vmem>>
          %dma_start3A_314 = tpu.memref_squeeze %dma_start3A_313 : memref<1x128xi32, #tpu.memory_space<vmem>> -> memref<128xi32, #tpu.memory_space<vmem>>
          %dma_start3A_315 = arith.constant 0 : i32
          %dma_start3A_316 = arith.constant 0 : i32
          %dma_start3A_317 = tpu.memref_slice %arg2[%dma_start3A_315, %dma_start3A_316] : memref<20480x128xf32, #tpu.memory_space<hbm>> -> memref<20480x128xf32, #tpu.memory_space<hbm>>
          tpu.enqueue_indirect_dma source(%dma_start3A_317 : memref<20480x128xf32, #tpu.memory_space<hbm>>) target(%dma_start3A_307 : memref<128x128xf32, #tpu.memory_space<vmem>>) offsets(%dma_start3A_314 : memref<128xi32, #tpu.memory_space<vmem>>) semaphore(%arg10 : memref<!tpu.dma_semaphore, #tpu.memory_space<semaphore_mem>>)
        } else {
        }
        %add3A_255 = arith.constant 1 : i32
        %add3A_256 = arith.addi %mul3A_201, %add3A_255 : i32
        %dma_wait3A_257 = arith.constant 0 : i32
        %dma_wait3A_258 = arith.constant 0 : i32
        %dma_wait3A_259 = tpu.memref_slice %arg8[%scan3A_106, %dma_wait3A_257, %dma_wait3A_258] : memref<2x128x128xf32, #tpu.memory_space<vmem>> -> memref<1x128x128xf32, #tpu.memory_space<vmem>>
        %dma_wait3A_260 = tpu.memref_squeeze %dma_wait3A_259 : memref<1x128x128xf32, #tpu.memory_space<vmem>> -> memref<128x128xf32, #tpu.memory_space<vmem>>
        %dma_wait3A_261 = arith.constant 0 : i32
        %dma_wait3A_262 = arith.constant 0 : i32
        %dma_wait3A_263 = tpu.memref_slice %arg6[%select_n3A_132, %dma_wait3A_261, %dma_wait3A_262] : memref<2x16x128xi32, #tpu.memory_space<vmem>> -> memref<1x16x128xi32, #tpu.memory_space<vmem>>
        %dma_wait3A_264 = tpu.memref_squeeze %dma_wait3A_263 : memref<1x16x128xi32, #tpu.memory_space<vmem>> -> memref<16x128xi32, #tpu.memory_space<vmem>>
        %dma_wait3A_265 = arith.constant 0 : i32
        %dma_wait3A_266 = tpu.memref_slice %dma_wait3A_264[%add3A_256, %dma_wait3A_265] : memref<16x128xi32, #tpu.memory_space<vmem>> -> memref<1x128xi32, #tpu.memory_space<vmem>>
        %dma_wait3A_267 = tpu.memref_squeeze %dma_wait3A_266 : memref<1x128xi32, #tpu.memory_space<vmem>> -> memref<128xi32, #tpu.memory_space<vmem>>
        %dma_wait3A_268 = arith.constant 0 : i32
        %dma_wait3A_269 = arith.constant 0 : i32
        %dma_wait3A_270 = tpu.memref_slice %arg2[%dma_wait3A_268, %dma_wait3A_269] : memref<20480x128xf32, #tpu.memory_space<hbm>> -> memref<20480x128xf32, #tpu.memory_space<hbm>>
        tpu.wait_indirect_dma semaphore(%arg11 : memref<!tpu.dma_semaphore, #tpu.memory_space<semaphore_mem>>) src(%dma_wait3A_270 : memref<20480x128xf32, #tpu.memory_space<hbm>>) dst(%dma_wait3A_260 : memref<128x128xf32, #tpu.memory_space<vmem>>)
        %add3A_271 = arith.constant 1 : i32
        %add3A_272 = arith.addi %mul3A_201, %add3A_271 : i32
        %dma_start3A_273 = arith.constant 0 : i32
        %dma_start3A_274 = arith.constant 0 : i32
        %dma_start3A_275 = tpu.memref_slice %arg8[%scan3A_106, %dma_start3A_273, %dma_start3A_274] : memref<2x128x128xf32, #tpu.memory_space<vmem>> -> memref<1x128x128xf32, #tpu.memory_space<vmem>>
        %dma_start3A_276 = tpu.memref_squeeze %dma_start3A_275 : memref<1x128x128xf32, #tpu.memory_space<vmem>> -> memref<128x128xf32, #tpu.memory_space<vmem>>
        %dma_start3A_277 = arith.constant 0 : i32
        %dma_start3A_278 = arith.constant 0 : i32
        %dma_start3A_279 = tpu.memref_slice %arg7[%select_n3A_132, %dma_start3A_277, %dma_start3A_278] : memref<2x16x128xi32, #tpu.memory_space<vmem>> -> memref<1x16x128xi32, #tpu.memory_space<vmem>>
        %dma_start3A_280 = tpu.memref_squeeze %dma_start3A_279 : memref<1x16x128xi32, #tpu.memory_space<vmem>> -> memref<16x128xi32, #tpu.memory_space<vmem>>
        %dma_start3A_281 = arith.constant 0 : i32
        %dma_start3A_282 = tpu.memref_slice %dma_start3A_280[%add3A_272, %dma_start3A_281] : memref<16x128xi32, #tpu.memory_space<vmem>> -> memref<1x128xi32, #tpu.memory_space<vmem>>
        %dma_start3A_283 = tpu.memref_squeeze %dma_start3A_282 : memref<1x128xi32, #tpu.memory_space<vmem>> -> memref<128xi32, #tpu.memory_space<vmem>>
        %dma_start3A_284 = arith.constant 0 : i32
        %dma_start3A_285 = arith.constant 0 : i32
        %dma_start3A_286 = tpu.memref_slice %arg9[%dma_start3A_284, %dma_start3A_285] : memref<10240x128xf32, #tpu.memory_space<vmem_shared>> -> memref<10240x128xf32, #tpu.memory_space<vmem_shared>>
        tpu.enqueue_indirect_dma source(%dma_start3A_276 : memref<128x128xf32, #tpu.memory_space<vmem>>) target(%dma_start3A_286 : memref<10240x128xf32, #tpu.memory_space<vmem_shared>>) offsets(%dma_start3A_283 : memref<128xi32, #tpu.memory_space<vmem>>) semaphore(%arg13 : memref<!tpu.dma_semaphore, #tpu.memory_space<semaphore_mem>>) {add = true}
        %scan3A_287 = arith.constant 0 : i32
        scf.yield %scan3A_287 : i32
      }
      %scan3A_159 = arith.constant 8 : i32
      %dma_wait3A_160 = arith.constant 14 : i32
      %dma_wait3A_161 = arith.constant 0 : i32
      %dma_wait3A_162 = arith.constant 0 : i32
      %dma_wait3A_163 = tpu.memref_slice %arg8[%scan3A_105, %dma_wait3A_161, %dma_wait3A_162] : memref<2x128x128xf32, #tpu.memory_space<vmem>> -> memref<1x128x128xf32, #tpu.memory_space<vmem>>
      %dma_wait3A_164 = tpu.memref_squeeze %dma_wait3A_163 : memref<1x128x128xf32, #tpu.memory_space<vmem>> -> memref<128x128xf32, #tpu.memory_space<vmem>>
      %dma_wait3A_165 = arith.constant 0 : i32
      %dma_wait3A_166 = arith.constant 0 : i32
      %dma_wait3A_167 = tpu.memref_slice %arg7[%select_n3A_132, %dma_wait3A_165, %dma_wait3A_166] : memref<2x16x128xi32, #tpu.memory_space<vmem>> -> memref<1x16x128xi32, #tpu.memory_space<vmem>>
      %dma_wait3A_168 = tpu.memref_squeeze %dma_wait3A_167 : memref<1x16x128xi32, #tpu.memory_space<vmem>> -> memref<16x128xi32, #tpu.memory_space<vmem>>
      %dma_wait3A_169 = arith.constant 0 : i32
      %dma_wait3A_170 = tpu.memref_slice %dma_wait3A_168[%dma_wait3A_160, %dma_wait3A_169] : memref<16x128xi32, #tpu.memory_space<vmem>> -> memref<1x128xi32, #tpu.memory_space<vmem>>
      %dma_wait3A_171 = tpu.memref_squeeze %dma_wait3A_170 : memref<1x128xi32, #tpu.memory_space<vmem>> -> memref<128xi32, #tpu.memory_space<vmem>>
      %dma_wait3A_172 = arith.constant 0 : i32
      %dma_wait3A_173 = arith.constant 0 : i32
      %dma_wait3A_174 = tpu.memref_slice %arg9[%dma_wait3A_172, %dma_wait3A_173] : memref<10240x128xf32, #tpu.memory_space<vmem_shared>> -> memref<10240x128xf32, #tpu.memory_space<vmem_shared>>
      tpu.wait_indirect_dma semaphore(%arg12 : memref<!tpu.dma_semaphore, #tpu.memory_space<semaphore_mem>>) src(%dma_wait3A_164 : memref<128x128xf32, #tpu.memory_space<vmem>>) dst(%dma_wait3A_174 : memref<10240x128xf32, #tpu.memory_space<vmem_shared>>)
      %dma_wait3A_175 = arith.constant 15 : i32
      %dma_wait3A_176 = arith.constant 0 : i32
      %dma_wait3A_177 = arith.constant 0 : i32
      %dma_wait3A_178 = tpu.memref_slice %arg8[%scan3A_106, %dma_wait3A_176, %dma_wait3A_177] : memref<2x128x128xf32, #tpu.memory_space<vmem>> -> memref<1x128x128xf32, #tpu.memory_space<vmem>>
      %dma_wait3A_179 = tpu.memref_squeeze %dma_wait3A_178 : memref<1x128x128xf32, #tpu.memory_space<vmem>> -> memref<128x128xf32, #tpu.memory_space<vmem>>
      %dma_wait3A_180 = arith.constant 0 : i32
      %dma_wait3A_181 = arith.constant 0 : i32
      %dma_wait3A_182 = tpu.memref_slice %arg7[%select_n3A_132, %dma_wait3A_180, %dma_wait3A_181] : memref<2x16x128xi32, #tpu.memory_space<vmem>> -> memref<1x16x128xi32, #tpu.memory_space<vmem>>
      %dma_wait3A_183 = tpu.memref_squeeze %dma_wait3A_182 : memref<1x16x128xi32, #tpu.memory_space<vmem>> -> memref<16x128xi32, #tpu.memory_space<vmem>>
      %dma_wait3A_184 = arith.constant 0 : i32
      %dma_wait3A_185 = tpu.memref_slice %dma_wait3A_183[%dma_wait3A_175, %dma_wait3A_184] : memref<16x128xi32, #tpu.memory_space<vmem>> -> memref<1x128xi32, #tpu.memory_space<vmem>>
      %dma_wait3A_186 = tpu.memref_squeeze %dma_wait3A_185 : memref<1x128xi32, #tpu.memory_space<vmem>> -> memref<128xi32, #tpu.memory_space<vmem>>
      %dma_wait3A_187 = arith.constant 0 : i32
      %dma_wait3A_188 = arith.constant 0 : i32
      %dma_wait3A_189 = tpu.memref_slice %arg9[%dma_wait3A_187, %dma_wait3A_188] : memref<10240x128xf32, #tpu.memory_space<vmem_shared>> -> memref<10240x128xf32, #tpu.memory_space<vmem_shared>>
      tpu.wait_indirect_dma semaphore(%arg13 : memref<!tpu.dma_semaphore, #tpu.memory_space<semaphore_mem>>) src(%dma_wait3A_179 : memref<128x128xf32, #tpu.memory_space<vmem>>) dst(%dma_wait3A_189 : memref<10240x128xf32, #tpu.memory_space<vmem_shared>>)
      %add3A_190 = arith.constant 1 : i32
      %add3A_191 = arith.addi %scan3A_122, %add3A_190 : i32
      %lt3A_192 = arith.constant 10 : i32
      %lt3A_193 = arith.cmpi slt, %add3A_191, %lt3A_192 : i32
      %convert_element_type3A_194 = arith.extui %lt3A_193 : i1 to i32
      %cond3A_195 = arith.constant 0 : i32
      %cond3A_196 = arith.cmpi ne, %convert_element_type3A_194, %cond3A_195 : i32
      scf.if %cond3A_196 {
        %add3A_198 = arith.constant 1 : i32
        %add3A_199 = arith.addi %scan3A_122, %add3A_198 : i32
        %jit3A_200 = arith.constant 2 : i32
        %eq3A_201 = arith.constant 0 : i32
        %eq3A_202 = arith.cmpi eq, %jit3A_200, %eq3A_201 : i32
        %jit3A_203 = arith.constant 1 : i32
        %select_n3A_204 = arith.select %eq3A_202, %jit3A_203, %jit3A_200 : i32
        %rem3A_205 = arith.remsi %add3A_199, %select_n3A_204 : i32
        %ne3A_206 = arith.constant 0 : i32
        %ne3A_207 = arith.cmpi ne, %rem3A_205, %ne3A_206 : i32
        %lt3A_208 = arith.constant 0 : i32
        %lt3A_209 = arith.cmpi slt, %rem3A_205, %lt3A_208 : i32
        %lt3A_210 = arith.constant 0 : i32
        %lt3A_211 = arith.cmpi slt, %select_n3A_204, %lt3A_210 : i32
        %ne3A_212 = arith.xori %lt3A_209, %lt3A_211 : i1
        %and3A_213 = arith.andi %ne3A_212, %ne3A_207 : i1
        %add3A_214 = arith.addi %rem3A_205, %select_n3A_204 : i32
        %select_n3A_215 = arith.select %and3A_213, %add3A_214, %rem3A_205 : i32
        %dma_wait3A_216 = arith.constant 0 : i32
        %dma_wait3A_217 = arith.constant 0 : i32
        %dma_wait3A_218 = arith.constant 0 : i32
        %dma_wait3A_219 = tpu.memref_slice %arg6[%select_n3A_215, %dma_wait3A_217, %dma_wait3A_218] : memref<2x16x128xi32, #tpu.memory_space<vmem>> -> memref<1x16x128xi32, #tpu.memory_space<vmem>>
        %dma_wait3A_220 = tpu.memref_squeeze %dma_wait3A_219 : memref<1x16x128xi32, #tpu.memory_space<vmem>> -> memref<16x128xi32, #tpu.memory_space<vmem>>
        %dma_wait3A_221 = arith.constant 0 : i32
        %dma_wait3A_222 = arith.constant 0 : i32
        %dma_wait3A_223 = tpu.memref_slice %arg4[%dma_wait3A_216, %dma_wait3A_221, %dma_wait3A_222] : memref<32x80x128xi32, #tpu.memory_space<hbm>> -> memref<1x16x128xi32, #tpu.memory_space<hbm>>
        %dma_wait3A_224 = tpu.memref_squeeze %dma_wait3A_223 : memref<1x16x128xi32, #tpu.memory_space<hbm>> -> memref<16x128xi32, #tpu.memory_space<hbm>>
        %dma_wait3A_225 = arith.constant 0 : i32
        %dma_wait3A_226 = arith.constant 0 : i32
        %dma_wait3A_227 = tpu.memref_slice %arg6[%select_n3A_215, %dma_wait3A_225, %dma_wait3A_226] : memref<2x16x128xi32, #tpu.memory_space<vmem>> -> memref<1x16x128xi32, #tpu.memory_space<vmem>>
        %dma_wait3A_228 = tpu.memref_squeeze %dma_wait3A_227 : memref<1x16x128xi32, #tpu.memory_space<vmem>> -> memref<16x128xi32, #tpu.memory_space<vmem>>
        %dma_wait3A_229 = arith.constant 0 : i32
        %dma_wait3A_230 = arith.constant 0 : i32
        %dma_wait3A_231 = tpu.memref_slice %arg4[%dma_wait3A_216, %dma_wait3A_229, %dma_wait3A_230] : memref<32x80x128xi32, #tpu.memory_space<hbm>> -> memref<1x16x128xi32, #tpu.memory_space<hbm>>
        %dma_wait3A_232 = tpu.memref_squeeze %dma_wait3A_231 : memref<1x16x128xi32, #tpu.memory_space<hbm>> -> memref<16x128xi32, #tpu.memory_space<hbm>>
        tpu.wait_dma2 semaphore(%arg14 : memref<!tpu.dma_semaphore, #tpu.memory_space<semaphore_mem>>) src(%dma_wait3A_232 : memref<16x128xi32, #tpu.memory_space<hbm>>) dst(%dma_wait3A_228 : memref<16x128xi32, #tpu.memory_space<vmem>>)
        %dma_wait3A_233 = arith.constant 0 : i32
        %dma_wait3A_234 = arith.constant 0 : i32
        %dma_wait3A_235 = arith.constant 0 : i32
        %dma_wait3A_236 = tpu.memref_slice %arg7[%select_n3A_215, %dma_wait3A_234, %dma_wait3A_235] : memref<2x16x128xi32, #tpu.memory_space<vmem>> -> memref<1x16x128xi32, #tpu.memory_space<vmem>>
        %dma_wait3A_237 = tpu.memref_squeeze %dma_wait3A_236 : memref<1x16x128xi32, #tpu.memory_space<vmem>> -> memref<16x128xi32, #tpu.memory_space<vmem>>
        %dma_wait3A_238 = arith.constant 0 : i32
        %dma_wait3A_239 = arith.constant 0 : i32
        %dma_wait3A_240 = tpu.memref_slice %arg4[%dma_wait3A_233, %dma_wait3A_238, %dma_wait3A_239] : memref<32x80x128xi32, #tpu.memory_space<hbm>> -> memref<1x16x128xi32, #tpu.memory_space<hbm>>
        %dma_wait3A_241 = tpu.memref_squeeze %dma_wait3A_240 : memref<1x16x128xi32, #tpu.memory_space<hbm>> -> memref<16x128xi32, #tpu.memory_space<hbm>>
        %dma_wait3A_242 = arith.constant 0 : i32
        %dma_wait3A_243 = arith.constant 0 : i32
        %dma_wait3A_244 = tpu.memref_slice %arg7[%select_n3A_215, %dma_wait3A_242, %dma_wait3A_243] : memref<2x16x128xi32, #tpu.memory_space<vmem>> -> memref<1x16x128xi32, #tpu.memory_space<vmem>>
        %dma_wait3A_245 = tpu.memref_squeeze %dma_wait3A_244 : memref<1x16x128xi32, #tpu.memory_space<vmem>> -> memref<16x128xi32, #tpu.memory_space<vmem>>
        %dma_wait3A_246 = arith.constant 0 : i32
        %dma_wait3A_247 = arith.constant 0 : i32
        %dma_wait3A_248 = tpu.memref_slice %arg4[%dma_wait3A_233, %dma_wait3A_246, %dma_wait3A_247] : memref<32x80x128xi32, #tpu.memory_space<hbm>> -> memref<1x16x128xi32, #tpu.memory_space<hbm>>
        %dma_wait3A_249 = tpu.memref_squeeze %dma_wait3A_248 : memref<1x16x128xi32, #tpu.memory_space<hbm>> -> memref<16x128xi32, #tpu.memory_space<hbm>>
        tpu.wait_dma2 semaphore(%arg14 : memref<!tpu.dma_semaphore, #tpu.memory_space<semaphore_mem>>) src(%dma_wait3A_249 : memref<16x128xi32, #tpu.memory_space<hbm>>) dst(%dma_wait3A_245 : memref<16x128xi32, #tpu.memory_space<vmem>>)
      } else {
      }
      %scan3A_197 = arith.constant 0 : i32
      scf.yield %scan3A_197 : i32
    }
    %scan3A_113 = arith.constant 10 : i32
    %barrier3A_114 = arith.constant 0 : index
    tpu.barrier barrier_id(%barrier3A_114)
    %mul3A_115 = arith.constant 640 : i32
    %mul3A_116 = arith.muli %arg1, %mul3A_115 : i32
    %mul3A_117 = arith.constant 10240 : i32
    %mul3A_118 = arith.muli %arg0, %mul3A_117 : i32
    %mul3A_119 = arith.constant 640 : i32
    %mul3A_120 = arith.muli %arg1, %mul3A_119 : i32
    %add3A_121 = arith.addi %mul3A_118, %mul3A_120 : i32
    "tpu.region"() ({
      %run_scoped3A_122 = tpu.sem_alloc : memref<!tpu.dma_semaphore, #tpu.memory_space<semaphore_mem>>
      %dma_start3A_123 = arith.constant 0 : i32
      %dma_start3A_124 = tpu.memref_slice %arg5[%add3A_121, %dma_start3A_123] : memref<20480x128xf32, #tpu.memory_space<hbm>> -> memref<640x128xf32, #tpu.memory_space<hbm>>
      %dma_start3A_125 = arith.constant 0 : i32
      %dma_start3A_126 = tpu.memref_slice %arg9[%mul3A_116, %dma_start3A_125] : memref<10240x128xf32, #tpu.memory_space<vmem_shared>> -> memref<640x128xf32, #tpu.memory_space<vmem_shared>>
      tpu.enqueue_dma source(%dma_start3A_126 : memref<640x128xf32, #tpu.memory_space<vmem_shared>>) target(%dma_start3A_124 : memref<640x128xf32, #tpu.memory_space<hbm>>) target_semaphore(%run_scoped3A_122 : memref<!tpu.dma_semaphore, #tpu.memory_space<semaphore_mem>>)
      %dma_wait3A_127 = arith.constant 0 : i32
      %dma_wait3A_128 = tpu.memref_slice %arg5[%add3A_121, %dma_wait3A_127] : memref<20480x128xf32, #tpu.memory_space<hbm>> -> memref<640x128xf32, #tpu.memory_space<hbm>>
      %dma_wait3A_129 = arith.constant 0 : i32
      %dma_wait3A_130 = tpu.memref_slice %arg9[%mul3A_116, %dma_wait3A_129] : memref<10240x128xf32, #tpu.memory_space<vmem_shared>> -> memref<640x128xf32, #tpu.memory_space<vmem_shared>>
      tpu.wait_dma2 semaphore(%run_scoped3A_122 : memref<!tpu.dma_semaphore, #tpu.memory_space<semaphore_mem>>) src(%dma_wait3A_130 : memref<640x128xf32, #tpu.memory_space<vmem_shared>>) dst(%dma_wait3A_128 : memref<640x128xf32, #tpu.memory_space<hbm>>)
      tpu.yield
    }) : () -> ()
    return
  }
}

module attributes {stable_mosaic.version = 14 : i64} {
  func.func @_pre_body(%arg0: i32, %arg1: memref<1280x128xf32, #tpu.memory_space<vmem>>, %arg2: memref<128x256xf32, #tpu.memory_space<vmem>>, %arg3: memref<1x256xf32, #tpu.memory_space<vmem>>, %arg4: memref<2x1280x128xf32, #tpu.memory_space<vmem>>) attributes {dimension_semantics = [#tpu.dimension_semantics<arbitrary>], iteration_bounds = array<i64: 8>, scalar_prefetch = 0 : i64, scratch_operands = 0 : i64, tpu.core_type = #tpu.core_type<tc>, window_params = [{transform_indices = @transform_0, window_bounds = array<i64: 1280, 128>}, {pipeline_mode = #tpu.pipeline_mode<synchronous>, transform_indices = @transform_1, window_bounds = array<i64: 128, 256>}, {pipeline_mode = #tpu.pipeline_mode<synchronous>, transform_indices = @transform_2, window_bounds = array<i64: 1, 256>}, {transform_indices = @transform_3, window_bounds = array<i64: 2, 1280, 128>}]} {
    %get3A = arith.constant 0 : index
    %get3A_0 = arith.constant 0 : index
    %get3A_1 = vector.load %arg1[%get3A, %get3A_0] : memref<1280x128xf32, #tpu.memory_space<vmem>>, vector<1280x128xf32>
    %get3A_2 = arith.constant 0 : index
    %get3A_3 = arith.constant 0 : index
    %get3A_4 = vector.load %arg2[%get3A_2, %get3A_3] : memref<128x256xf32, #tpu.memory_space<vmem>>, vector<128x256xf32>
    %dot_general3A = arith.constant dense<0.000000e+00> : vector<1280x256xf32>
    %dot_general3A_5 = tpu.matmul %get3A_1, %get3A_4, %dot_general3A {dimension_numbers = #tpu.dot_dimension_numbers<[1], [0], [0], [1], [0, 0, 1, 1], [], []>, precision = #tpu.contract_precision<fp32>, transpose_lhs_hint = false} : vector<1280x128xf32>, vector<128x256xf32>, vector<1280x256xf32> -> vector<1280x256xf32>
    %get3A_6 = arith.constant 0 : index
    %get3A_7 = arith.constant 0 : index
    %get3A_8 = vector.load %arg3[%get3A_6, %get3A_7] : memref<1x256xf32, #tpu.memory_space<vmem>>, vector<1x256xf32>
    %get3A_9 = vector.shape_cast %get3A_8 : vector<1x256xf32> to vector<256xf32>
    %broadcast_in_dim3A = vector.shape_cast %get3A_9 : vector<256xf32> to vector<1x256xf32>
    %add3A = vector.broadcast %broadcast_in_dim3A : vector<1x256xf32> to vector<1280x256xf32>
    %add3A_10 = arith.addf %dot_general3A_5, %add3A : vector<1280x256xf32>
    %slice3A = vector.extract_strided_slice %add3A_10 {offsets = [0, 0], sizes = [1280, 128], strides = [1, 1]} : vector<1280x256xf32> to vector<1280x128xf32>
    %swap3A = arith.constant 0 : index
    %swap3A_11 = arith.constant 0 : index
    %swap3A_12 = arith.constant 0 : index
    %swap3A_13 = vector.load %arg4[%swap3A, %swap3A_11, %swap3A_12] : memref<2x1280x128xf32, #tpu.memory_space<vmem>>, vector<1x1280x128xf32>
    %swap3A_14 = vector.shape_cast %swap3A_13 : vector<1x1280x128xf32> to vector<1280x128xf32>
    %swap3A_15 = vector.shape_cast %slice3A : vector<1280x128xf32> to vector<1x1280x128xf32>
    tpu.vector_store %arg4[%swap3A, %swap3A_11, %swap3A_12], %swap3A_15 {strides = array<i32>} : memref<2x1280x128xf32, #tpu.memory_space<vmem>>, vector<1x1280x128xf32>,
    %slice3A_16 = vector.extract_strided_slice %add3A_10 {offsets = [0, 128], sizes = [1280, 128], strides = [1, 1]} : vector<1280x256xf32> to vector<1280x128xf32>
    %swap3A_17 = arith.constant 1 : index
    %swap3A_18 = arith.constant 0 : index
    %swap3A_19 = arith.constant 0 : index
    %swap3A_20 = vector.load %arg4[%swap3A_17, %swap3A_18, %swap3A_19] : memref<2x1280x128xf32, #tpu.memory_space<vmem>>, vector<1x1280x128xf32>
    %swap3A_21 = vector.shape_cast %swap3A_20 : vector<1x1280x128xf32> to vector<1280x128xf32>
    %swap3A_22 = vector.shape_cast %slice3A_16 : vector<1280x128xf32> to vector<1x1280x128xf32>
    tpu.vector_store %arg4[%swap3A_17, %swap3A_18, %swap3A_19], %swap3A_22 {strides = array<i32>} : memref<2x1280x128xf32, #tpu.memory_space<vmem>>, vector<1x1280x128xf32>,
    return
  }
  func.func @transform_0(%arg0: i32) -> (i32, i32) {
    %c0_i32 = arith.constant 0 : i32
    %c0_i32_0 = arith.constant 0 : i32
    return %arg0, %c0_i32 : i32, i32
  }
  func.func @transform_1(%arg0: i32) -> (i32, i32) {
    %c0_i32 = arith.constant 0 : i32
    %c0_i32_0 = arith.constant 0 : i32
    %c0_i32_1 = arith.constant 0 : i32
    return %c0_i32, %c0_i32_0 : i32, i32
  }
  func.func @transform_2(%arg0: i32) -> (i32, i32) {
    %c0_i32 = arith.constant 0 : i32
    %c0_i32_0 = arith.constant 0 : i32
    %c0_i32_1 = arith.constant 0 : i32
    return %c0_i32, %c0_i32_0 : i32, i32
  }
  func.func @transform_3(%arg0: i32) -> (i32, i32, i32) {
    %c0_i32 = arith.constant 0 : i32
    %c0_i32_0 = arith.constant 0 : i32
    %c0_i32_1 = arith.constant 0 : i32
    return %c0_i32, %arg0, %c0_i32_0 : i32, i32, i32
  }
}

module attributes {stable_mosaic.version = 14 : i64} {
  func.func @_prep_body(%arg0: i32, %arg1: memref<2x1280x128xf32, #tpu.memory_space<vmem>>, %arg2: memref<1280x128xf32, #tpu.memory_space<vmem>>) attributes {dimension_semantics = [#tpu.dimension_semantics<arbitrary>], iteration_bounds = array<i64: 8>, scalar_prefetch = 0 : i64, scratch_operands = 0 : i64, tpu.core_type = #tpu.core_type<tc>, window_params = [{transform_indices = @transform_0, window_bounds = array<i64: 2, 1280, 128>}, {transform_indices = @transform_1, window_bounds = array<i64: 1280, 128>}]} {
    %get3A = arith.constant 0 : index
    %get3A_0 = arith.constant 0 : index
    %get3A_1 = arith.constant 0 : index
    %get3A_2 = vector.load %arg1[%get3A, %get3A_0, %get3A_1] : memref<2x1280x128xf32, #tpu.memory_space<vmem>>, vector<1x1280x1xf32>
    %get3A_3 = vector.shape_cast %get3A_2 : vector<1x1280x1xf32> to vector<1280x1xf32>
    %get3A_4 = arith.constant 1 : index
    %get3A_5 = arith.constant 0 : index
    %get3A_6 = arith.constant 0 : index
    %get3A_7 = vector.load %arg1[%get3A_4, %get3A_5, %get3A_6] : memref<2x1280x128xf32, #tpu.memory_space<vmem>>, vector<1x1280x1xf32>
    %get3A_8 = vector.shape_cast %get3A_7 : vector<1x1280x1xf32> to vector<1280x1xf32>
    %add3A = arith.addf %get3A_3, %get3A_8 : vector<1280x1xf32>
    %iota3A = tpu.iota {dimensions = array<i32: 0>} : vector<1280x1xi32>
    %mul3A = arith.constant 1280 : i32
    %mul3A_9 = arith.muli %arg0, %mul3A : i32
    %add3A_10 = vector.broadcast %mul3A_9 : i32 to vector<1280x1xi32>
    %add3A_11 = arith.addi %iota3A, %add3A_10 : vector<1280x1xi32>
    %lt3A = arith.constant 10000 : i32
    %lt3A_12 = vector.broadcast %lt3A : i32 to vector<1280x1xi32>
    %lt3A_13 = arith.cmpi slt, %add3A_11, %lt3A_12 : vector<1280x1xi32>
    %add3A_14 = arith.constant 1.000000e+00 : f32
    %add3A_15 = vector.broadcast %add3A_14 : f32 to vector<1280x1xf32>
    %add3A_16 = arith.addf %add3A, %add3A_15 : vector<1280x1xf32>
    %rsqrt3A = math.rsqrt %add3A_16 : vector<1280x1xf32>
    %jit3A = arith.constant 0.000000e+00 : f32
    %broadcast_in_dim3A = vector.broadcast %jit3A : f32 to vector<1280x1xf32>
    %select_n3A = arith.select %lt3A_13, %rsqrt3A, %broadcast_in_dim3A : vector<1280x1xi1>, vector<1280x1xf32>
    %broadcast_in_dim3A_17 = vector.shape_cast %select_n3A : vector<1280x1xf32> to vector<1280x1xf32>
    %broadcast_in_dim3A_18 = vector.broadcast %broadcast_in_dim3A_17 : vector<1280x1xf32> to vector<1280x128xf32>
    %swap3A = arith.constant 0 : index
    %swap3A_19 = arith.constant 0 : index
    %swap3A_20 = vector.load %arg2[%swap3A, %swap3A_19] : memref<1280x128xf32, #tpu.memory_space<vmem>>, vector<1280x128xf32>
    tpu.vector_store %arg2[%swap3A, %swap3A_19], %broadcast_in_dim3A_18 {strides = array<i32>} : memref<1280x128xf32, #tpu.memory_space<vmem>>, vector<1280x128xf32>,
    return
  }
  func.func @transform_0(%arg0: i32) -> (i32, i32, i32) {
    %c0_i32 = arith.constant 0 : i32
    %c0_i32_0 = arith.constant 0 : i32
    %c0_i32_1 = arith.constant 0 : i32
    return %c0_i32, %arg0, %c0_i32_0 : i32, i32, i32
  }
  func.func @transform_1(%arg0: i32) -> (i32, i32) {
    %c0_i32 = arith.constant 0 : i32
    %c0_i32_0 = arith.constant 0 : i32
    return %arg0, %c0_i32 : i32, i32
  }
}

module attributes {stable_mosaic.version = 14 : i64} {
  func.func @_mm1_body(%arg0: i32, %arg1: memref<2x1280x128xf32, #tpu.memory_space<vmem>>, %arg2: memref<1280x128xf32, #tpu.memory_space<vmem>>, %arg3: memref<256x256xf32, #tpu.memory_space<vmem>>, %arg4: memref<2x1280x128xf32, #tpu.memory_space<vmem>>) attributes {dimension_semantics = [#tpu.dimension_semantics<arbitrary>], iteration_bounds = array<i64: 8>, scalar_prefetch = 0 : i64, scratch_operands = 0 : i64, tpu.core_type = #tpu.core_type<tc>, window_params = [{transform_indices = @transform_0, window_bounds = array<i64: 2, 1280, 128>}, {transform_indices = @transform_1, window_bounds = array<i64: 1280, 128>}, {pipeline_mode = #tpu.pipeline_mode<synchronous>, transform_indices = @transform_2, window_bounds = array<i64: 256, 256>}, {transform_indices = @transform_3, window_bounds = array<i64: 2, 1280, 128>}]} {
    %get3A = arith.constant 0 : index
    %get3A_0 = arith.constant 0 : index
    %get3A_1 = vector.load %arg2[%get3A, %get3A_0] : memref<1280x128xf32, #tpu.memory_space<vmem>>, vector<1280x128xf32>
    %get3A_2 = arith.constant 0 : index
    %get3A_3 = arith.constant 0 : index
    %get3A_4 = arith.constant 0 : index
    %get3A_5 = vector.load %arg1[%get3A_2, %get3A_3, %get3A_4] : memref<2x1280x128xf32, #tpu.memory_space<vmem>>, vector<1x1280x128xf32>
    %get3A_6 = vector.shape_cast %get3A_5 : vector<1x1280x128xf32> to vector<1280x128xf32>
    %mul3A = arith.mulf %get3A_6, %get3A_1 : vector<1280x128xf32>
    %get3A_7 = arith.constant 0 : index
    %get3A_8 = arith.constant 0 : index
    %get3A_9 = vector.load %arg3[%get3A_7, %get3A_8] : memref<256x256xf32, #tpu.memory_space<vmem>>, vector<128x256xf32>
    %dot_general3A = arith.constant dense<0.000000e+00> : vector<1280x256xf32>
    %dot_general3A_10 = tpu.matmul %mul3A, %get3A_9, %dot_general3A {dimension_numbers = #tpu.dot_dimension_numbers<[1], [0], [0], [1], [0, 0, 1, 1], [], []>, precision = #tpu.contract_precision<fp32>, transpose_lhs_hint = false} : vector<1280x128xf32>, vector<128x256xf32>, vector<1280x256xf32> -> vector<1280x256xf32>
    %get3A_11 = arith.constant 1 : index
    %get3A_12 = arith.constant 0 : index
    %get3A_13 = arith.constant 0 : index
    %get3A_14 = vector.load %arg1[%get3A_11, %get3A_12, %get3A_13] : memref<2x1280x128xf32, #tpu.memory_space<vmem>>, vector<1x1280x128xf32>
    %get3A_15 = vector.shape_cast %get3A_14 : vector<1x1280x128xf32> to vector<1280x128xf32>
    %mul3A_16 = arith.mulf %get3A_15, %get3A_1 : vector<1280x128xf32>
    %get3A_17 = arith.constant 128 : index
    %get3A_18 = arith.constant 0 : index
    %get3A_19 = vector.load %arg3[%get3A_17, %get3A_18] : memref<256x256xf32, #tpu.memory_space<vmem>>, vector<128x256xf32>
    %dot_general3A_20 = arith.constant dense<0.000000e+00> : vector<1280x256xf32>
    %dot_general3A_21 = tpu.matmul %mul3A_16, %get3A_19, %dot_general3A_20 {dimension_numbers = #tpu.dot_dimension_numbers<[1], [0], [0], [1], [0, 0, 1, 1], [], []>, precision = #tpu.contract_precision<fp32>, transpose_lhs_hint = false} : vector<1280x128xf32>, vector<128x256xf32>, vector<1280x256xf32> -> vector<1280x256xf32>
    %add3A = arith.addf %dot_general3A_10, %dot_general3A_21 : vector<1280x256xf32>
    %slice3A = vector.extract_strided_slice %add3A {offsets = [0, 0], sizes = [1280, 128], strides = [1, 1]} : vector<1280x256xf32> to vector<1280x128xf32>
    %swap3A = arith.constant 0 : index
    %swap3A_22 = arith.constant 0 : index
    %swap3A_23 = arith.constant 0 : index
    %swap3A_24 = vector.load %arg4[%swap3A, %swap3A_22, %swap3A_23] : memref<2x1280x128xf32, #tpu.memory_space<vmem>>, vector<1x1280x128xf32>
    %swap3A_25 = vector.shape_cast %swap3A_24 : vector<1x1280x128xf32> to vector<1280x128xf32>
    %swap3A_26 = vector.shape_cast %slice3A : vector<1280x128xf32> to vector<1x1280x128xf32>
    tpu.vector_store %arg4[%swap3A, %swap3A_22, %swap3A_23], %swap3A_26 {strides = array<i32>} : memref<2x1280x128xf32, #tpu.memory_space<vmem>>, vector<1x1280x128xf32>,
    %slice3A_27 = vector.extract_strided_slice %add3A {offsets = [0, 128], sizes = [1280, 128], strides = [1, 1]} : vector<1280x256xf32> to vector<1280x128xf32>
    %swap3A_28 = arith.constant 1 : index
    %swap3A_29 = arith.constant 0 : index
    %swap3A_30 = arith.constant 0 : index
    %swap3A_31 = vector.load %arg4[%swap3A_28, %swap3A_29, %swap3A_30] : memref<2x1280x128xf32, #tpu.memory_space<vmem>>, vector<1x1280x128xf32>
    %swap3A_32 = vector.shape_cast %swap3A_31 : vector<1x1280x128xf32> to vector<1280x128xf32>
    %swap3A_33 = vector.shape_cast %slice3A_27 : vector<1280x128xf32> to vector<1x1280x128xf32>
    tpu.vector_store %arg4[%swap3A_28, %swap3A_29, %swap3A_30], %swap3A_33 {strides = array<i32>} : memref<2x1280x128xf32, #tpu.memory_space<vmem>>, vector<1x1280x128xf32>,
    return
  }
  func.func @transform_0(%arg0: i32) -> (i32, i32, i32) {
    %c0_i32 = arith.constant 0 : i32
    %c0_i32_0 = arith.constant 0 : i32
    %c0_i32_1 = arith.constant 0 : i32
    return %c0_i32, %arg0, %c0_i32_0 : i32, i32, i32
  }
  func.func @transform_1(%arg0: i32) -> (i32, i32) {
    %c0_i32 = arith.constant 0 : i32
    %c0_i32_0 = arith.constant 0 : i32
    return %arg0, %c0_i32 : i32, i32
  }
  func.func @transform_2(%arg0: i32) -> (i32, i32) {
    %c0_i32 = arith.constant 0 : i32
    %c0_i32_0 = arith.constant 0 : i32
    %c0_i32_1 = arith.constant 0 : i32
    return %c0_i32, %c0_i32_0 : i32, i32
  }
  func.func @transform_3(%arg0: i32) -> (i32, i32, i32) {
    %c0_i32 = arith.constant 0 : i32
    %c0_i32_0 = arith.constant 0 : i32
    %c0_i32_1 = arith.constant 0 : i32
    return %c0_i32, %arg0, %c0_i32_0 : i32, i32, i32
  }
}

module attributes {stable_mosaic.version = 14 : i64} {
  func.func @_fuse_body(%arg0: i32, %arg1: memref<2x1280x128xf32, #tpu.memory_space<vmem>>, %arg2: memref<2x1280x128xf32, #tpu.memory_space<vmem>>, %arg3: memref<1280x128xf32, #tpu.memory_space<vmem>>, %arg4: memref<1x256xf32, #tpu.memory_space<vmem>>, %arg5: memref<256x256xf32, #tpu.memory_space<vmem>>, %arg6: memref<2x1280x128xf32, #tpu.memory_space<vmem>>) attributes {dimension_semantics = [#tpu.dimension_semantics<arbitrary>], iteration_bounds = array<i64: 8>, scalar_prefetch = 0 : i64, scratch_operands = 0 : i64, tpu.core_type = #tpu.core_type<tc>, window_params = [{transform_indices = @transform_0, window_bounds = array<i64: 2, 1280, 128>}, {transform_indices = @transform_1, window_bounds = array<i64: 2, 1280, 128>}, {transform_indices = @transform_2, window_bounds = array<i64: 1280, 128>}, {pipeline_mode = #tpu.pipeline_mode<synchronous>, transform_indices = @transform_3, window_bounds = array<i64: 1, 256>}, {pipeline_mode = #tpu.pipeline_mode<synchronous>, transform_indices = @transform_4, window_bounds = array<i64: 256, 256>}, {transform_indices = @transform_5, window_bounds = array<i64: 2, 1280, 128>}]} {
    %get3A = arith.constant 0 : index
    %get3A_0 = arith.constant 0 : index
    %get3A_1 = vector.load %arg3[%get3A, %get3A_0] : memref<1280x128xf32, #tpu.memory_space<vmem>>, vector<1280x128xf32>
    %get3A_2 = arith.constant 0 : index
    %get3A_3 = arith.constant 0 : index
    %get3A_4 = arith.constant 0 : index
    %get3A_5 = vector.load %arg1[%get3A_2, %get3A_3, %get3A_4] : memref<2x1280x128xf32, #tpu.memory_space<vmem>>, vector<1x1280x128xf32>
    %get3A_6 = vector.shape_cast %get3A_5 : vector<1x1280x128xf32> to vector<1280x128xf32>
    %get3A_7 = arith.constant 0 : index
    %get3A_8 = arith.constant 0 : index
    %get3A_9 = arith.constant 0 : index
    %get3A_10 = vector.load %arg2[%get3A_7, %get3A_8, %get3A_9] : memref<2x1280x128xf32, #tpu.memory_space<vmem>>, vector<1x1280x128xf32>
    %get3A_11 = vector.shape_cast %get3A_10 : vector<1x1280x128xf32> to vector<1280x128xf32>
    %add3A = arith.addf %get3A_6, %get3A_11 : vector<1280x128xf32>
    %mul3A = arith.mulf %get3A_1, %add3A : vector<1280x128xf32>
    %get3A_12 = arith.constant 0 : index
    %get3A_13 = arith.constant 0 : index
    %get3A_14 = vector.load %arg4[%get3A_12, %get3A_13] : memref<1x256xf32, #tpu.memory_space<vmem>>, vector<1x128xf32>
    %get3A_15 = vector.shape_cast %get3A_14 : vector<1x128xf32> to vector<128xf32>
    %broadcast_in_dim3A = vector.shape_cast %get3A_15 : vector<128xf32> to vector<1x128xf32>
    %add3A_16 = vector.broadcast %broadcast_in_dim3A : vector<1x128xf32> to vector<1280x128xf32>
    %add3A_17 = arith.addf %mul3A, %add3A_16 : vector<1280x128xf32>
    %max3A = arith.constant 0.000000e+00 : f32
    %max3A_18 = vector.broadcast %max3A : f32 to vector<1280x128xf32>
    %max3A_19 = arith.maximumf %add3A_17, %max3A_18 : vector<1280x128xf32>
    %mul3A_20 = arith.mulf %get3A_1, %max3A_19 : vector<1280x128xf32>
    %get3A_21 = arith.constant 1 : index
    %get3A_22 = arith.constant 0 : index
    %get3A_23 = arith.constant 0 : index
    %get3A_24 = vector.load %arg1[%get3A_21, %get3A_22, %get3A_23] : memref<2x1280x128xf32, #tpu.memory_space<vmem>>, vector<1x1280x128xf32>
    %get3A_25 = vector.shape_cast %get3A_24 : vector<1x1280x128xf32> to vector<1280x128xf32>
    %get3A_26 = arith.constant 1 : index
    %get3A_27 = arith.constant 0 : index
    %get3A_28 = arith.constant 0 : index
    %get3A_29 = vector.load %arg2[%get3A_26, %get3A_27, %get3A_28] : memref<2x1280x128xf32, #tpu.memory_space<vmem>>, vector<1x1280x128xf32>
    %get3A_30 = vector.shape_cast %get3A_29 : vector<1x1280x128xf32> to vector<1280x128xf32>
    %add3A_31 = arith.addf %get3A_25, %get3A_30 : vector<1280x128xf32>
    %mul3A_32 = arith.mulf %get3A_1, %add3A_31 : vector<1280x128xf32>
    %get3A_33 = arith.constant 0 : index
    %get3A_34 = arith.constant 128 : index
    %get3A_35 = vector.load %arg4[%get3A_33, %get3A_34] : memref<1x256xf32, #tpu.memory_space<vmem>>, vector<1x128xf32>
    %get3A_36 = vector.shape_cast %get3A_35 : vector<1x128xf32> to vector<128xf32>
    %broadcast_in_dim3A_37 = vector.shape_cast %get3A_36 : vector<128xf32> to vector<1x128xf32>
    %add3A_38 = vector.broadcast %broadcast_in_dim3A_37 : vector<1x128xf32> to vector<1280x128xf32>
    %add3A_39 = arith.addf %mul3A_32, %add3A_38 : vector<1280x128xf32>
    %max3A_40 = arith.constant 0.000000e+00 : f32
    %max3A_41 = vector.broadcast %max3A_40 : f32 to vector<1280x128xf32>
    %max3A_42 = arith.maximumf %add3A_39, %max3A_41 : vector<1280x128xf32>
    %mul3A_43 = arith.mulf %get3A_1, %max3A_42 : vector<1280x128xf32>
    %get3A_44 = arith.constant 0 : index
    %get3A_45 = arith.constant 0 : index
    %get3A_46 = vector.load %arg5[%get3A_44, %get3A_45] : memref<256x256xf32, #tpu.memory_space<vmem>>, vector<128x256xf32>
    %dot_general3A = arith.constant dense<0.000000e+00> : vector<1280x256xf32>
    %dot_general3A_47 = tpu.matmul %mul3A_20, %get3A_46, %dot_general3A {dimension_numbers = #tpu.dot_dimension_numbers<[1], [0], [0], [1], [0, 0, 1, 1], [], []>, precision = #tpu.contract_precision<fp32>, transpose_lhs_hint = false} : vector<1280x128xf32>, vector<128x256xf32>, vector<1280x256xf32> -> vector<1280x256xf32>
    %get3A_48 = arith.constant 128 : index
    %get3A_49 = arith.constant 0 : index
    %get3A_50 = vector.load %arg5[%get3A_48, %get3A_49] : memref<256x256xf32, #tpu.memory_space<vmem>>, vector<128x256xf32>
    %dot_general3A_51 = arith.constant dense<0.000000e+00> : vector<1280x256xf32>
    %dot_general3A_52 = tpu.matmul %mul3A_43, %get3A_50, %dot_general3A_51 {dimension_numbers = #tpu.dot_dimension_numbers<[1], [0], [0], [1], [0, 0, 1, 1], [], []>, precision = #tpu.contract_precision<fp32>, transpose_lhs_hint = false} : vector<1280x128xf32>, vector<128x256xf32>, vector<1280x256xf32> -> vector<1280x256xf32>
    %add3A_53 = arith.addf %dot_general3A_47, %dot_general3A_52 : vector<1280x256xf32>
    %slice3A = vector.extract_strided_slice %add3A_53 {offsets = [0, 0], sizes = [1280, 128], strides = [1, 1]} : vector<1280x256xf32> to vector<1280x128xf32>
    %swap3A = arith.constant 0 : index
    %swap3A_54 = arith.constant 0 : index
    %swap3A_55 = arith.constant 0 : index
    %swap3A_56 = vector.load %arg6[%swap3A, %swap3A_54, %swap3A_55] : memref<2x1280x128xf32, #tpu.memory_space<vmem>>, vector<1x1280x128xf32>
    %swap3A_57 = vector.shape_cast %swap3A_56 : vector<1x1280x128xf32> to vector<1280x128xf32>
    %swap3A_58 = vector.shape_cast %slice3A : vector<1280x128xf32> to vector<1x1280x128xf32>
    tpu.vector_store %arg6[%swap3A, %swap3A_54, %swap3A_55], %swap3A_58 {strides = array<i32>} : memref<2x1280x128xf32, #tpu.memory_space<vmem>>, vector<1x1280x128xf32>,
    %slice3A_59 = vector.extract_strided_slice %add3A_53 {offsets = [0, 128], sizes = [1280, 128], strides = [1, 1]} : vector<1280x256xf32> to vector<1280x128xf32>
    %swap3A_60 = arith.constant 1 : index
    %swap3A_61 = arith.constant 0 : index
    %swap3A_62 = arith.constant 0 : index
    %swap3A_63 = vector.load %arg6[%swap3A_60, %swap3A_61, %swap3A_62] : memref<2x1280x128xf32, #tpu.memory_space<vmem>>, vector<1x1280x128xf32>
    %swap3A_64 = vector.shape_cast %swap3A_63 : vector<1x1280x128xf32> to vector<1280x128xf32>
    %swap3A_65 = vector.shape_cast %slice3A_59 : vector<1280x128xf32> to vector<1x1280x128xf32>
    tpu.vector_store %arg6[%swap3A_60, %swap3A_61, %swap3A_62], %swap3A_65 {strides = array<i32>} : memref<2x1280x128xf32, #tpu.memory_space<vmem>>, vector<1x1280x128xf32>,
    return
  }
  func.func @transform_0(%arg0: i32) -> (i32, i32, i32) {
    %c0_i32 = arith.constant 0 : i32
    %c0_i32_0 = arith.constant 0 : i32
    %c0_i32_1 = arith.constant 0 : i32
    return %c0_i32, %arg0, %c0_i32_0 : i32, i32, i32
  }
  func.func @transform_1(%arg0: i32) -> (i32, i32, i32) {
    %c0_i32 = arith.constant 0 : i32
    %c0_i32_0 = arith.constant 0 : i32
    %c0_i32_1 = arith.constant 0 : i32
    return %c0_i32, %arg0, %c0_i32_0 : i32, i32, i32
  }
  func.func @transform_2(%arg0: i32) -> (i32, i32) {
    %c0_i32 = arith.constant 0 : i32
    %c0_i32_0 = arith.constant 0 : i32
    return %arg0, %c0_i32 : i32, i32
  }
  func.func @transform_3(%arg0: i32) -> (i32, i32) {
    %c0_i32 = arith.constant 0 : i32
    %c0_i32_0 = arith.constant 0 : i32
    %c0_i32_1 = arith.constant 0 : i32
    return %c0_i32, %c0_i32_0 : i32, i32
  }
  func.func @transform_4(%arg0: i32) -> (i32, i32) {
    %c0_i32 = arith.constant 0 : i32
    %c0_i32_0 = arith.constant 0 : i32
    %c0_i32_1 = arith.constant 0 : i32
    return %c0_i32, %c0_i32_0 : i32, i32
  }
  func.func @transform_5(%arg0: i32) -> (i32, i32, i32) {
    %c0_i32 = arith.constant 0 : i32
    %c0_i32_0 = arith.constant 0 : i32
    %c0_i32_1 = arith.constant 0 : i32
    return %c0_i32, %arg0, %c0_i32_0 : i32, i32, i32
  }
}

module attributes {stable_mosaic.version = 14 : i64} {
  func.func @_postepi_body(%arg0: i32, %arg1: memref<2x1280x128xf32, #tpu.memory_space<vmem>>, %arg2: memref<2x1280x128xf32, #tpu.memory_space<vmem>>, %arg3: memref<1280x128xf32, #tpu.memory_space<vmem>>, %arg4: memref<1x256xf32, #tpu.memory_space<vmem>>, %arg5: memref<256x64xf32, #tpu.memory_space<vmem>>, %arg6: memref<1x64xf32, #tpu.memory_space<vmem>>, %arg7: memref<1280x256xf32, #tpu.memory_space<vmem>>, %arg8: memref<1280x64xf32, #tpu.memory_space<vmem>>) attributes {dimension_semantics = [#tpu.dimension_semantics<arbitrary>], iteration_bounds = array<i64: 8>, scalar_prefetch = 0 : i64, scratch_operands = 0 : i64, tpu.core_type = #tpu.core_type<tc>, window_params = [{transform_indices = @transform_0, window_bounds = array<i64: 2, 1280, 128>}, {transform_indices = @transform_1, window_bounds = array<i64: 2, 1280, 128>}, {transform_indices = @transform_2, window_bounds = array<i64: 1280, 128>}, {pipeline_mode = #tpu.pipeline_mode<synchronous>, transform_indices = @transform_3, window_bounds = array<i64: 1, 256>}, {pipeline_mode = #tpu.pipeline_mode<synchronous>, transform_indices = @transform_4, window_bounds = array<i64: 256, 64>}, {pipeline_mode = #tpu.pipeline_mode<synchronous>, transform_indices = @transform_5, window_bounds = array<i64: 1, 64>}, {transform_indices = @transform_6, window_bounds = array<i64: 1280, 256>}, {transform_indices = @transform_7, window_bounds = array<i64: 1280, 64>}]} {
    %get3A = arith.constant 0 : index
    %get3A_0 = arith.constant 0 : index
    %get3A_1 = vector.load %arg3[%get3A, %get3A_0] : memref<1280x128xf32, #tpu.memory_space<vmem>>, vector<1280x128xf32>
    %get3A_2 = arith.constant 0 : index
    %get3A_3 = arith.constant 0 : index
    %get3A_4 = arith.constant 0 : index
    %get3A_5 = vector.load %arg1[%get3A_2, %get3A_3, %get3A_4] : memref<2x1280x128xf32, #tpu.memory_space<vmem>>, vector<1x1280x128xf32>
    %get3A_6 = vector.shape_cast %get3A_5 : vector<1x1280x128xf32> to vector<1280x128xf32>
    %get3A_7 = arith.constant 0 : index
    %get3A_8 = arith.constant 0 : index
    %get3A_9 = arith.constant 0 : index
    %get3A_10 = vector.load %arg2[%get3A_7, %get3A_8, %get3A_9] : memref<2x1280x128xf32, #tpu.memory_space<vmem>>, vector<1x1280x128xf32>
    %get3A_11 = vector.shape_cast %get3A_10 : vector<1x1280x128xf32> to vector<1280x128xf32>
    %add3A = arith.addf %get3A_6, %get3A_11 : vector<1280x128xf32>
    %mul3A = arith.mulf %get3A_1, %add3A : vector<1280x128xf32>
    %get3A_12 = arith.constant 0 : index
    %get3A_13 = arith.constant 0 : index
    %get3A_14 = vector.load %arg4[%get3A_12, %get3A_13] : memref<1x256xf32, #tpu.memory_space<vmem>>, vector<1x128xf32>
    %get3A_15 = vector.shape_cast %get3A_14 : vector<1x128xf32> to vector<128xf32>
    %broadcast_in_dim3A = vector.shape_cast %get3A_15 : vector<128xf32> to vector<1x128xf32>
    %add3A_16 = vector.broadcast %broadcast_in_dim3A : vector<1x128xf32> to vector<1280x128xf32>
    %add3A_17 = arith.addf %mul3A, %add3A_16 : vector<1280x128xf32>
    %max3A = arith.constant 0.000000e+00 : f32
    %max3A_18 = vector.broadcast %max3A : f32 to vector<1280x128xf32>
    %max3A_19 = arith.maximumf %add3A_17, %max3A_18 : vector<1280x128xf32>
    %swap3A = arith.constant 0 : index
    %swap3A_20 = arith.constant 0 : index
    %swap3A_21 = vector.load %arg7[%swap3A, %swap3A_20] : memref<1280x256xf32, #tpu.memory_space<vmem>>, vector<1280x128xf32>
    tpu.vector_store %arg7[%swap3A, %swap3A_20], %max3A_19 {strides = array<i32>} : memref<1280x256xf32, #tpu.memory_space<vmem>>, vector<1280x128xf32>,
    %get3A_22 = arith.constant 1 : index
    %get3A_23 = arith.constant 0 : index
    %get3A_24 = arith.constant 0 : index
    %get3A_25 = vector.load %arg1[%get3A_22, %get3A_23, %get3A_24] : memref<2x1280x128xf32, #tpu.memory_space<vmem>>, vector<1x1280x128xf32>
    %get3A_26 = vector.shape_cast %get3A_25 : vector<1x1280x128xf32> to vector<1280x128xf32>
    %get3A_27 = arith.constant 1 : index
    %get3A_28 = arith.constant 0 : index
    %get3A_29 = arith.constant 0 : index
    %get3A_30 = vector.load %arg2[%get3A_27, %get3A_28, %get3A_29] : memref<2x1280x128xf32, #tpu.memory_space<vmem>>, vector<1x1280x128xf32>
    %get3A_31 = vector.shape_cast %get3A_30 : vector<1x1280x128xf32> to vector<1280x128xf32>
    %add3A_32 = arith.addf %get3A_26, %get3A_31 : vector<1280x128xf32>
    %mul3A_33 = arith.mulf %get3A_1, %add3A_32 : vector<1280x128xf32>
    %get3A_34 = arith.constant 0 : index
    %get3A_35 = arith.constant 128 : index
    %get3A_36 = vector.load %arg4[%get3A_34, %get3A_35] : memref<1x256xf32, #tpu.memory_space<vmem>>, vector<1x128xf32>
    %get3A_37 = vector.shape_cast %get3A_36 : vector<1x128xf32> to vector<128xf32>
    %broadcast_in_dim3A_38 = vector.shape_cast %get3A_37 : vector<128xf32> to vector<1x128xf32>
    %add3A_39 = vector.broadcast %broadcast_in_dim3A_38 : vector<1x128xf32> to vector<1280x128xf32>
    %add3A_40 = arith.addf %mul3A_33, %add3A_39 : vector<1280x128xf32>
    %max3A_41 = arith.constant 0.000000e+00 : f32
    %max3A_42 = vector.broadcast %max3A_41 : f32 to vector<1280x128xf32>
    %max3A_43 = arith.maximumf %add3A_40, %max3A_42 : vector<1280x128xf32>
    %swap3A_44 = arith.constant 0 : index
    %swap3A_45 = arith.constant 128 : index
    %swap3A_46 = vector.load %arg7[%swap3A_44, %swap3A_45] : memref<1280x256xf32, #tpu.memory_space<vmem>>, vector<1280x128xf32>
    tpu.vector_store %arg7[%swap3A_44, %swap3A_45], %max3A_43 {strides = array<i32>} : memref<1280x256xf32, #tpu.memory_space<vmem>>, vector<1280x128xf32>,
    %get3A_47 = arith.constant 0 : index
    %get3A_48 = arith.constant 0 : index
    %get3A_49 = vector.load %arg5[%get3A_47, %get3A_48] : memref<256x64xf32, #tpu.memory_space<vmem>>, vector<128x64xf32>
    %dot_general3A = arith.constant dense<0.000000e+00> : vector<1280x64xf32>
    %dot_general3A_50 = tpu.matmul %max3A_19, %get3A_49, %dot_general3A {dimension_numbers = #tpu.dot_dimension_numbers<[1], [0], [0], [1], [0, 0, 1, 1], [], []>, precision = #tpu.contract_precision<fp32>, transpose_lhs_hint = false} : vector<1280x128xf32>, vector<128x64xf32>, vector<1280x64xf32> -> vector<1280x64xf32>
    %get3A_51 = arith.constant 128 : index
    %get3A_52 = arith.constant 0 : index
    %get3A_53 = vector.load %arg5[%get3A_51, %get3A_52] : memref<256x64xf32, #tpu.memory_space<vmem>>, vector<128x64xf32>
    %dot_general3A_54 = arith.constant dense<0.000000e+00> : vector<1280x64xf32>
    %dot_general3A_55 = tpu.matmul %max3A_43, %get3A_53, %dot_general3A_54 {dimension_numbers = #tpu.dot_dimension_numbers<[1], [0], [0], [1], [0, 0, 1, 1], [], []>, precision = #tpu.contract_precision<fp32>, transpose_lhs_hint = false} : vector<1280x128xf32>, vector<128x64xf32>, vector<1280x64xf32> -> vector<1280x64xf32>
    %add3A_56 = arith.addf %dot_general3A_50, %dot_general3A_55 : vector<1280x64xf32>
    %get3A_57 = arith.constant 0 : index
    %get3A_58 = arith.constant 0 : index
    %get3A_59 = vector.load %arg6[%get3A_57, %get3A_58] : memref<1x64xf32, #tpu.memory_space<vmem>>, vector<1x64xf32>
    %get3A_60 = vector.shape_cast %get3A_59 : vector<1x64xf32> to vector<64xf32>
    %broadcast_in_dim3A_61 = vector.shape_cast %get3A_60 : vector<64xf32> to vector<1x64xf32>
    %add3A_62 = vector.broadcast %broadcast_in_dim3A_61 : vector<1x64xf32> to vector<1280x64xf32>
    %add3A_63 = arith.addf %add3A_56, %add3A_62 : vector<1280x64xf32>
    %reduce_max3A = arith.constant dense<0xFF800000> : vector<1280xf32>
    %reduce_max3A_64 = vector.multi_reduction <maximumf>, %add3A_63, %reduce_max3A [1] : vector<1280x64xf32> to vector<1280xf32>
    %broadcast_in_dim3A_65 = vector.shape_cast %reduce_max3A_64 : vector<1280xf32> to vector<1280x1xf32>
    %sub3A = vector.broadcast %broadcast_in_dim3A_65 : vector<1280x1xf32> to vector<1280x64xf32>
    %sub3A_66 = arith.subf %add3A_63, %sub3A : vector<1280x64xf32>
    %exp3A = math.exp %sub3A_66 : vector<1280x64xf32>
    %reduce_sum3A = arith.constant dense<0.000000e+00> : vector<1280xf32>
    %reduce_sum3A_67 = vector.multi_reduction <add>, %exp3A, %reduce_sum3A [1] : vector<1280x64xf32> to vector<1280xf32>
    %broadcast_in_dim3A_68 = vector.shape_cast %reduce_sum3A_67 : vector<1280xf32> to vector<1280x1xf32>
    %log3A = math.log %broadcast_in_dim3A_68 : vector<1280x1xf32>
    %add3A_69 = arith.addf %log3A, %broadcast_in_dim3A_65 : vector<1280x1xf32>
    %sub3A_70 = vector.broadcast %add3A_69 : vector<1280x1xf32> to vector<1280x64xf32>
    %sub3A_71 = arith.subf %add3A_63, %sub3A_70 : vector<1280x64xf32>
    %swap3A_72 = arith.constant 0 : index
    %swap3A_73 = arith.constant 0 : index
    %swap3A_74 = vector.load %arg8[%swap3A_72, %swap3A_73] : memref<1280x64xf32, #tpu.memory_space<vmem>>, vector<1280x64xf32>
    tpu.vector_store %arg8[%swap3A_72, %swap3A_73], %sub3A_71 {strides = array<i32>} : memref<1280x64xf32, #tpu.memory_space<vmem>>, vector<1280x64xf32>,
    return
  }
  func.func @transform_0(%arg0: i32) -> (i32, i32, i32) {
    %c0_i32 = arith.constant 0 : i32
    %c0_i32_0 = arith.constant 0 : i32
    %c0_i32_1 = arith.constant 0 : i32
    return %c0_i32, %arg0, %c0_i32_0 : i32, i32, i32
  }
  func.func @transform_1(%arg0: i32) -> (i32, i32, i32) {
    %c0_i32 = arith.constant 0 : i32
    %c0_i32_0 = arith.constant 0 : i32
    %c0_i32_1 = arith.constant 0 : i32
    return %c0_i32, %arg0, %c0_i32_0 : i32, i32, i32
  }
  func.func @transform_2(%arg0: i32) -> (i32, i32) {
    %c0_i32 = arith.constant 0 : i32
    %c0_i32_0 = arith.constant 0 : i32
    return %arg0, %c0_i32 : i32, i32
  }
  func.func @transform_3(%arg0: i32) -> (i32, i32) {
    %c0_i32 = arith.constant 0 : i32
    %c0_i32_0 = arith.constant 0 : i32
    %c0_i32_1 = arith.constant 0 : i32
    return %c0_i32, %c0_i32_0 : i32, i32
  }
  func.func @transform_4(%arg0: i32) -> (i32, i32) {
    %c0_i32 = arith.constant 0 : i32
    %c0_i32_0 = arith.constant 0 : i32
    %c0_i32_1 = arith.constant 0 : i32
    return %c0_i32, %c0_i32_0 : i32, i32
  }
  func.func @transform_5(%arg0: i32) -> (i32, i32) {
    %c0_i32 = arith.constant 0 : i32
    %c0_i32_0 = arith.constant 0 : i32
    %c0_i32_1 = arith.constant 0 : i32
    return %c0_i32, %c0_i32_0 : i32, i32
  }
  func.func @transform_6(%arg0: i32) -> (i32, i32) {
    %c0_i32 = arith.constant 0 : i32
    %c0_i32_0 = arith.constant 0 : i32
    return %arg0, %c0_i32 : i32, i32
  }
  func.func @transform_7(%arg0: i32) -> (i32, i32) {
    %c0_i32 = arith.constant 0 : i32
    %c0_i32_0 = arith.constant 0 : i32
    return %arg0, %c0_i32 : i32, i32
  }
}

</mosaic_0001>

<sc_bundles>
// kernel: kernel.12.cloned.1.call-start
scs
__scs_entry_jumppad:
0x0: {  	(pc) =	sbr.rel $0x88, $3  }
0x1: {  	(tag) =	ssettag $0x0;
	lr =	simm.s32 $0x1  }
0x2: {  	[smem:$0x3F99] =	sst lr;
	_ =	strace $0xD0000000  }
0x3: {  	_ = 	snop  }
0x4: {  	_ = 	snop  }
0x5: {  	_ = 	snop  }
0x6: {  	_ = 	snop  }
0x7: {  	_ = 	snop  }
__scs_overlays_trampoline_lowered:
0x8: {  	[smem:$0x3FA8] =	sst s0  }
0x9: {  	[smem:$0x3FA9] =	sst s1  }
0xa: {  	[smem:$0x3FAA] =	sst s2  }
0xb: {  	[smem:$0x3FAB] =	sst s3  }
0xc: {  	[smem:$0x3FAC] =	sst s4  }
0xd: {  	[smem:$0x3FAD] =	sst s5  }
0xe: {  	[smem:$0x3FAE] =	sst s6  }
0xf: {  	[smem:$0x3FAF] =	sst s7  }
0x10: {  	[smem:$0x3FB0] =	sst s8  }
0x11: {  	[smem:$0x3FB1] =	sst s9;
	s0 =	simm.s32 @!p0 $0x0  }
0x12: {  	s1 =	sld [smem:$0x3F97];
	s0 =	simm.s32 @p0 $0x1  }
0x13: {  	[smem:$0x3FB2] =	sst s0;
	s0 =	simm.s32 @!p1 $0x0  }
0x14: {  	s2 =	sld [smem:$0x3F96];
	s0 =	simm.s32 @p1 $0x1  }
0x15: {  	[smem:$0x3FB3] =	sst s0;
	s0 =	simm.s32 @!p2 $0x0  }
0x16: {  	s3 =	sld [smem:$0x3FDB];
	s0 =	simm.s32 @p2 $0x1  }
0x17: {  	s4 =	simm.s32 $0x1BF5;
	[smem:$0x3FB5] =	sst s0  }
0x18: {  	s0 =	sld [smem:$0x3F98];
	_ =	swait.ge [sflag:s4], $0x0  }
0x19: {  	s7 =	sld [smem:$0x3F99]  }
0x1a: {  	s8 =	sadd.s32 $0xFFFFE003, lr  }
0x1b: {  	s9 =	sadd.s32 $0xFFFFFEF7, lr;
	s5 =	simm.s32 $0xFFFFFFFF;
	p2 =	slt.u32 s8, $0xFFFFF086  }
0x1c: {  	p1 =	slt.u32 s9, $0xF7A;
	s5 =	simm.s32 @!p2 $0x0  }
0x1d: {  	s5 =	simm.s32 @p1 $0x1;
	p0 =	seq.s32 s7, s2  }
0x1e: {  	s7 =	smul.u32 @!p0 $0xF7A, s2;
	p2 =	seq.s32 @!p0 s5, $0x0  }
0x1f: {  	s9 =	smul.u32 $0xF7A, s1;
	s8 =	simm.s32 @!p0 $0x1BF5;
	p2 =	por !p2, p0  }
0x20: {  	[sflag:s8] =	ssyncset.s32 @!p0 $0xFFFFF086;
	s6 =	sadd.s32 @!p0 s3, s7;
	s7 =	simm.s32 @!p0 $0x108  }
0x21: {  	s3 =	sadd.s32 s3, s9;
	s6 =	sadd.s32 @!p0 $0x88, s6;
	s7 =	simm.s32 @p2 $0x1082  }
0x22: {  	[simem:s7], [sflag:s8] =	dma.local @!p0 [hbm:s6], $0xF7A  }
0x23: {  	s9 =	sor.u32 $0xD0000000, s2;
	s6 =	simm.s32 $0x108;
	_ =	swait.ge @!p0 [sflag:s8], $0x0  }
0x24: {  	s3 =	sadd.s32 $0x88, s3;
	s6 =	simm.s32 @!p1 $0x1082;
	[sflag:s4] =	ssyncset.s32 $0xFFFFF086  }
0x25: {  	[simem:s6], [sflag:s4] =	dma.local [hbm:s3], $0xF7A  }
0x26: {  	[smem:$0x3F99] =	sst s1;
	(tag) =	ssettag s2;
	_ =	strace s9  }
0x27: {  	s1 =	sld [smem:$0x3FA9]  }
0x28: {  	s2 =	sld [smem:$0x3FAA]  }
0x29: {  	s4 =	sld [smem:$0x3FAC]  }
0x2a: {  	p0 =	seq.s32 s5, $0x0;
	s5 =	sld [smem:$0x3FAD]  }
0x2b: {  	s6 =	sld [smem:$0x3FAE]  }
0x2c: {  	s7 =	sld [smem:$0x3FAF]  }
0x2d: {  	s3 =	simm.s32 $0x108;
	s8 =	sld [smem:$0x3FB0]  }
0x2e: {  	s3 =	simm.s32 @!p0 $0x1082;
	s9 =	sld [smem:$0x3FB1]  }
0x2f: {  	lr =	sadd.s32 s0, s3;
	s0 =	sld [smem:$0x3FA8]  }
0x30: {  	s3 =	sld [smem:$0x3FAB]  }
0x31: {  	[smem:$0x3FB4] =	sst s10  }
0x32: {  	s10 =	sld [smem:$0x3FB2];
	_ =	sdelay $0x3  }
0x33: {  	p0 =	seq.s32 s10, $0x1;
	s10 =	sld [smem:$0x3FB4];
	_ =	sdelay $0x3  }
0x34: {  	[smem:$0x3FB4] =	sst s10  }
0x35: {  	s10 =	sld [smem:$0x3FB3];
	_ =	sdelay $0x3  }
0x36: {  	p1 =	seq.s32 s10, $0x1;
	s10 =	sld [smem:$0x3FB4];
	_ =	sdelay $0x3  }
0x37: {  	[smem:$0x3FB4] =	sst s10  }
0x38: {  	s10 =	sld [smem:$0x3FB5]  }
0x39: {  	_ = 	snop;
	(pc) =	sbr.ind lr, $3  }
0x3a: {  	_ = 	snop  }
0x3b: {  	_ = 	snop  }
0x3c: {  	p2 =	seq.s32 s10, $0x1;
	s10 =	sld [smem:$0x3FB4]  }
0x3d: {  	_ =	shalt  }
0x3e: {  	_ =	shalt  }
0x3f: {  	_ =	shalt  }
0x40: {  	_ =	shalt  }
0x41: {  	_ =	shalt  }
0x42: {  	_ =	shalt  }
0x43: {  	_ =	shalt  }
0x44: {  	_ =	shalt  }
0x45: {  	_ =	shalt  }
0x46: {  	_ =	shalt  }
0x47: {  	_ =	shalt  }
0x48: {  	_ =	shalt  }
0x49: {  	_ =	shalt  }
0x4a: {  	_ =	shalt  }
0x4b: {  	_ =	shalt  }
0x4c: {  	_ =	shalt  }
0x4d: {  	_ =	shalt  }
0x4e: {  	_ =	shalt  }
0x4f: {  	_ =	shalt  }
0x50: {  	_ =	shalt  }
0x51: {  	_ =	shalt  }
0x52: {  	_ =	shalt  }
0x53: {  	_ =	shalt  }
0x54: {  	_ =	shalt  }
0x55: {  	_ =	shalt  }
0x56: {  	_ =	shalt  }
0x57: {  	_ =	shalt  }
0x58: {  	_ =	shalt  }
0x59: {  	_ =	shalt  }
0x5a: {  	_ =	shalt  }
0x5b: {  	_ =	shalt  }
0x5c: {  	_ =	shalt  }
0x5d: {  	_ =	shalt  }
0x5e: {  	_ =	shalt  }
0x5f: {  	_ =	shalt  }
0x60: {  	_ =	shalt  }
0x61: {  	_ =	shalt  }
0x62: {  	_ =	shalt  }
0x63: {  	_ =	shalt  }
0x64: {  	_ =	shalt  }
0x65: {  	_ =	shalt  }
0x66: {  	_ =	shalt  }
0x67: {  	_ =	shalt  }
0x68: {  	_ =	shalt  }
0x69: {  	_ =	shalt  }
0x6a: {  	_ =	shalt  }
0x6b: {  	_ =	shalt  }
0x6c: {  	_ =	shalt  }
0x6d: {  	_ =	shalt  }
0x6e: {  	_ =	shalt  }
0x6f: {  	_ =	shalt  }
0x70: {  	_ =	shalt  }
0x71: {  	_ =	shalt  }
0x72: {  	_ =	shalt  }
0x73: {  	_ =	shalt  }
0x74: {  	_ =	shalt  }
0x75: {  	_ =	shalt  }
0x76: {  	_ =	shalt  }
0x77: {  	_ =	shalt  }
0x78: {  	_ =	shalt  }
0x79: {  	_ =	shalt  }
0x7a: {  	_ =	shalt  }
0x7b: {  	_ =	shalt  }
0x7c: {  	_ =	shalt  }
0x7d: {  	_ =	shalt  }
0x7e: {  	_ =	shalt  }
0x7f: {  	_ =	shalt  }
0x80: {  	_ =	shalt  }
0x81: {  	_ =	shalt  }
0x82: {  	_ =	shalt  }
0x83: {  	_ =	shalt  }
0x84: {  	_ =	shalt  }
0x85: {  	_ =	shalt  }
0x86: {  	_ =	shalt  }
0x87: {  	_ =	shalt  }
.Lfunc_end0:
.L_simem_size_0:
called_computation_lowered:
.L_overlay_start_0:
0x88: {  	s2 =	sld [smem:$0x3FD9]  }
0x89: {  	s3 =	sld [smem:$0x3FFE];
	_ =	sdelay $0x1  }
0x8a: {  	s1 =	srdreg.scid  }
0x8b: {  	s0 =	sand.u32 $0x1, s1  }
0x8c: {  	s14 =	sshll.u32 s0, $0xA;
	s2 =	sadd.s32 s3, s2  }
0x8d: {  	s2 =	sadd.s32 s2, s14  }
0x8e: {  	[smem:$0x3FC0] =	sst s2  }
0x8f: {  	_ = 	snop  }
0x90: {  	s2 =	sld [smem:$0x3FD0];
	_ =	sdelay $0x2  }
0x91: {  	s15 =	simm.s32 $0xA;
	s4 =	simm.s32 $0x10  }
0x92: {  	[smem:s4], [sflag:s15] =	dma.local [hbm:s2], $0x1  }
0x93: {  	_ =	swait.eq [sflag:s15], $0x1  }
0x94: {  	[sflag:s15] =	ssyncset.done $0x0  }
0x95: {  	[sflag:s15] =	ssyncadd.s32 $0xFFFFFFFF  }
0x96: {  	s16 =	sld [smem:$0x10];
	(tm) =	ssettm $0x1  }
0x97: {  	s17 =	sld [smem:$0x3FFB];
	_ =	sdelay $0x3  }
0x98: {  	_ =	strace s17  }
0x99: {  	s3 =	sld [smem:$0x3FFC];
	_ =	sdelay $0x3  }
0x9a: {  	_ =	strace s3  }
0x9b: {  	s3 =	sld [smem:$0x3FFD];
	_ =	sdelay $0x3  }
0x9c: {  	_ =	strace s3  }
0x9d: {  	_ =	strace $0x8FFFFFFF  }
0x9e: {  	s18 =	sld [smem:$0x3FDB];
	_ =	sdelay $0x1  }
0x9f: {  	s19 =	simm.s32 $_scs_section_size  }
0xa0: {  	s5 =	simm.s32 $_size__tile_overlayer_lowered;
	s6 =	simm.s32 $_tile_overlayer_lowered  }
0xa1: {  	s22 =	simm.s32 $0x1BFF;
	s21 =	sshll.u32 s6, $0x1;
	s3 =	sadd.s32 s19, s18  }
0xa2: {  	s7 =	simm.s32 $0x0;
	s20 =	sshll.u32 s5, $0x1;
	s5 =	sadd.s32 s21, s3  }
0xa3: {  	[timem:s7], [sflag:s22] =	dma.local [hbm:s5], s20  }
0xa4: {  	_ =	swait.ge [sflag:s22], s20  }
0xa5: {  	s4 =	ssub.s32 $0x0, s20;
	[sflag:s22] =	ssyncset.done $0x0  }
0xa6: {  	[sflag:s22] =	ssyncadd.s32 s4;
	_ =	sdelay $0x1  }
0xa7: {  	s23 =	simm.s32 $0x1B8B  }
0xa8: {  	_ =	swait.ge [sflag:s23], $0x1  }
0xa9: {  	[sflag:s23] =	ssyncset.done $0x0  }
0xaa: {  	s25 =	simm.s32 $0x1B8E;
	s24 =	sld [smem:$0x3FFE];
	[sflag:s23] =	ssyncadd.s32 $0xFFFFFFFF  }
0xab: {  	s26 =	simm.s32 $execute0_lowered;
	[smem:$0x3FD2] =	sst s25  }
0xac: {  	s5 =	sshll.u32 s26, $0x1;
	_ =	strace $0x80000046;
	[dreg:$0x1] =	wrdreg $0xFFFFFFFF  }
0xad: {  	s28 =	simm.s32 $_size_execute0_lowered;
	s3 =	sadd.s32 s3, s5;
	[dreg:$0x0] =	wrdreg $0x0  }
0xae: {  	s5 =	sshll.u32 s28, $0x1;
	[dreg:$0x2] =	wrdreg s3  }
0xaf: {  	[dreg:$0x3] =	wrdreg s5  }
0xb0: {  	[dreg:$0x4] =	wrdreg $0xC0  }
0xb1: {  	_ =	task [dreg:s7], $0x5FFFF  }
0xb2: {  	[dreg:$0x1] =	wrdreg $0xFFFFFFFF  }
0xb3: {  	[dreg:$0x0] =	wrdreg $0x60  }
0xb4: {  	[dreg:$0x2] =	wrdreg s16  }
0xb5: {  	[dreg:$0x3] =	wrdreg s24  }
0xb6: {  	[dreg:$0x4] =	wrdreg $0x68000  }
0xb7: {  	[dreg:$0x5] =	wrdreg $0x9  }
0xb8: {  	_ =	task.clear_ibuf [dreg:s7], $0x6FFFF;
	_ =	strace $0x90000046  }
0xb9: {  	s29 =	simm.s32 $0x9;
	_ =	strace $0x80000048  }
0xba: {  	_ =	swait.ge [sflag:s29], $0x1  }
0xbb: {  	[sflag:s29] =	ssyncadd.s32 $0xFFFFFFFF  }
0xbc: {  	_ =	strace $0x90000048  }
0xbd: {  	_ =	sfence  }
0xbe: {  	s30 =	sld [smem:$0x0];
	_ =	sdelay $0x2  }
0xbf: {  	s31 =	sshll.u32 s1, $0xD;
	s1 =	sshrl.u32 s1, $0x2  }
0xc0: {  	s3 =	sand.u32 $0x4000, s31;
	s1 =	sadd.s32 s1, s30  }
0xc1: {  	s0 =	sor.u32 s3, s0;
	s1 =	sshll.u32 s1, $0x11  }
0xc2: {  	s0 =	sor.u32 s1, s0  }
0xc3: {  	s0 =	sadd.s32 $0x8F2B, s0  }
0xc4: {  	[sflag:s0] =	ssyncadd.remote.s32 $0x1  }
0xc5: {  	_ =	sfence.sel $0xFFFF  }
0xc6: {  	[dreg:$0x0] =	wrdreg $0xFFFFFFFF;
	(pc) =	sbr.abs _section_cstart, $3  }
0xc7: {  	[dreg:$0x1] =	wrdreg $0xFFFFFFFF  }
0xc8: {  	_ =	task.clear_ibuf [dreg:s7], $0x2FFFF;
	_ =	strace $0x9FFFFFFF  }
0xc9: {  	(tm) =	ssettm $0x7FFFFFFF  }
tec
execute0_lowered:
.L_overlay_start_1:
0x0: {  	(tag) =	ssettag $0x1  }
0x1: {  	s9 =	rddreg [dreg:$0x0];
	s1 =	srdreg.scid  }
0x2: {  	s0 =	stileid.u32;
	s4 =	rddreg [dreg:$0x1]  }
0x3: {  	s2 =	rddreg [dreg:$0x2];
	s3 =	simm.s32 $0x0;
	s13 =	simm.s32 $0x2  }
0x4: {  	s14 =	simm.s32 $0x80;
	s15 =	simm.s32 $0x100;
	s16 =	simm.s32 $0x180  }
0x5: {  	s17 =	simm.s32 $0x200;
	s18 =	simm.s32 $0x280;
	s19 =	simm.s32 $0x300  }
0x6: {  	s20 =	simm.s32 $0x380;
	s5 =	sand.u32 $0x1, s1;
	s1 =	rddreg [dreg:$0x3]  }
0x7: {  	s21 =	simm.s32 $0x1;
	s6 =	smul.u32 $0x2800, s0;
	[smem:$0x7FF] =	sst s3  }
0x8: {  	s29 =	smul.u32 $0x50000, s0;
	s30 =	sshll.u32 s0, $0x1;
	s22 =	sshll.u32 s0, $0x6  }
0x9: {  	s7 =	smul.u32 $0x28000, s5;
	_ =	strace $0x80000047;
	s31 =	ssub.s32 $0x2, s5  }
0xa: {  	s5 =	sor.u32 s5, s30;
	s22 =	sor.u32 $0x1C02, s22;
	s8 =	sshrl.u32 s31, $0x1  }
0xb: {  	s11 =	smul.u32 $0x500, s5;
	s6 =	sadd.s32 s6, s7;
	s7 =	sshrl.u32 s29, $0x2  }
0xc: {  	s12 =	ssub.s32 s31, s8;
	s10 =	sadd.s32 s6, s4;
	s4 =	sadd.s32 s7, s2  }
0xd: {  	s9 =	sadd.s32 s9, s11;
	s11 =	smax.u32 s12, $0x1;
	s12 =	simm.s32 $0x2800  }
0xe: {  	s5 =	sadd.s32 $0x4000, s4;
	s6 =	sadd.s32 $0x8000, s4;
	s7 =	sadd.s32 $0xC000, s4  }
0xf: {  	v0 =	vimm.f32 $0.0e+00;
	v1 =	vimm.f32 $1.000000000e+00;
	s8 =	sadd.s32 $0x10000, s4;
	s10 =	sadd.s32 $0x3800, s10;
	s23 =	sshrl.u32 s4, $0x3  }
.LBB2_1:
0x10: {  	s24 =	simm.s32 $0x0;
	s25 =	simm.s32 $0x200  }
.LBB2_2:
0x11: {  	p0 =	sne.s32 s25, $0xFE00;
	[tilespmem:s24+$0x2870] =	vst v0  }
0x12: {  	[tilespmem:s24+$0x2800] =	vst v0  }
0x13: {  	[tilespmem:s24+$0x2810] =	vst v0  }
.Ltmp0:
0x14: {  	[tilespmem:s24+$0x2820] =	vst v0;
	(pc) =	sbr.rel @p0 .LBB2_2-.Ltmp0, $4  }
0x15: {  	[tilespmem:s24+$0x2830] =	vst v0  }
0x16: {  	[tilespmem:s24+$0x2840] =	vst v0  }
0x17: {  	[tilespmem:s24+$0x2850] =	vst v0  }
0x18: {  	[tilespmem:s24+$0x2860] =	vst v0;
	s24 =	sshra.s32 s25, $0x2;
	s25 =	sadd.s32 $0x200, s25  }
0x19: {  	[tilespmem:s24+$0x2870] =	vst v0  }
0x1a: {  	[tilespmem:s24+$0x2800] =	vst v0  }
0x1b: {  	[tilespmem:s24+$0x2810] =	vst v0  }
0x1c: {  	[tilespmem:s24+$0x2820] =	vst v0  }
0x1d: {  	[tilespmem:s24+$0x2830] =	vst v0  }
0x1e: {  	[tilespmem:s24+$0x2840] =	vst v0  }
0x1f: {  	[tilespmem:s24+$0x2850] =	vst v0  }
0x20: {  	[tilespmem:s24+$0x2860] =	vst v0  }
0x21: {  	[spmem:s4] =	stream.linear.scatter [tilespmem:s12], [sflag:$0x2], $0x4000, $0x38;
	[tilespmem:$0x1A800] =	vst v63  }
0x22: {  	_ =	swait.ge [sflag:s13], $0x4000  }
0x23: {  	[sflag:s13] =	ssyncset.done $0x0  }
0x24: {  	[sflag:s13] =	ssyncadd.s32 $0xFFFFC000  }
0x25: {  	[spmem:s5] =	stream.linear.scatter [tilespmem:s12], [sflag:$0x2], $0x4000, $0x38;
	[tilespmem:$0x1A800] =	vst v63  }
0x26: {  	_ =	swait.ge [sflag:s13], $0x4000  }
0x27: {  	[sflag:s13] =	ssyncset.done $0x0  }
0x28: {  	[sflag:s13] =	ssyncadd.s32 $0xFFFFC000  }
0x29: {  	[spmem:s6] =	stream.linear.scatter [tilespmem:s12], [sflag:$0x2], $0x4000, $0x38;
	[tilespmem:$0x1A800] =	vst v63  }
0x2a: {  	_ =	swait.ge [sflag:s13], $0x4000  }
0x2b: {  	[sflag:s13] =	ssyncset.done $0x0  }
0x2c: {  	[sflag:s13] =	ssyncadd.s32 $0xFFFFC000  }
0x2d: {  	[spmem:s7] =	stream.linear.scatter [tilespmem:s12], [sflag:$0x2], $0x4000, $0x38;
	[tilespmem:$0x1A800] =	vst v63  }
0x2e: {  	_ =	swait.ge [sflag:s13], $0x4000  }
0x2f: {  	[sflag:s13] =	ssyncset.done $0x0  }
0x30: {  	[sflag:s13] =	ssyncadd.s32 $0xFFFFC000  }
0x31: {  	[spmem:s8] =	stream.linear.scatter [tilespmem:s12], [sflag:$0x2], $0x4000, $0x38;
	[tilespmem:$0x1A800] =	vst v63  }
0x32: {  	_ =	swait.ge [sflag:s13], $0x4000  }
0x33: {  	[sflag:s13] =	ssyncset.done $0x0  }
0x34: {  	s24 =	simm.s32 $0x0;
	s25 =	simm.s32 $0x200;
	[sflag:s13] =	ssyncadd.s32 $0xFFFFC000  }
.LBB2_4:
0x35: {  	p0 =	sne.s32 s25, $0xFE00;
	[tilespmem:s24+$0x2870] =	vst v1  }
0x36: {  	[tilespmem:s24+$0x2800] =	vst v1  }
0x37: {  	[tilespmem:s24+$0x2810] =	vst v1  }
.Ltmp1:
0x38: {  	[tilespmem:s24+$0x2820] =	vst v1;
	(pc) =	sbr.rel @p0 .LBB2_4-.Ltmp1, $4  }
0x39: {  	[tilespmem:s24+$0x2830] =	vst v1  }
0x3a: {  	[tilespmem:s24+$0x2840] =	vst v1  }
0x3b: {  	[tilespmem:s24+$0x2850] =	vst v1  }
0x3c: {  	[tilespmem:s24+$0x2860] =	vst v1;
	s24 =	sshra.s32 s25, $0x2;
	s25 =	sadd.s32 $0x200, s25  }
0x3d: {  	[tilespmem:s24+$0x2870] =	vst v1  }
0x3e: {  	[tilespmem:s24+$0x2800] =	vst v1  }
0x3f: {  	[tilespmem:s24+$0x2810] =	vst v1  }
0x40: {  	[tilespmem:s24+$0x2820] =	vst v1  }
0x41: {  	[tilespmem:s24+$0x2830] =	vst v1  }
0x42: {  	[tilespmem:s24+$0x2840] =	vst v1  }
0x43: {  	[tilespmem:s24+$0x2850] =	vst v1  }
0x44: {  	[tilespmem:s24+$0x2860] =	vst v1;
	s26 =	simm.s32 $0x0  }
0x45: {  	[tilespmem:s26], [sflag:$0x2] =	stream.linear.gather [hbm4b:s9+s26], $0x2800, $0x38;
	[tilespmem:$0x1A800] =	vst v63  }
0x46: {  	_ =	swait.ge [sflag:s13], $0x2800  }
0x47: {  	[sflag:s13] =	ssyncset.done $0x0  }
0x48: {  	[sflag:s13] =	ssyncadd.s32 $0xFFFFD800  }
0x49: {  	[bflag:$0x0] =	sbarrier.arrive $0xFFFF  }
0x4a: {  	[spmem:s2] =	stream.indirect.scatter.add.f32 [tilespmem:s12], [sflag:$0x1], $0x80, s26, s14, $0xb8;
	[tilespmem:$0x1A800] =	vst v63  }
0x4b: {  	_ = 	snop  }
0x4c: {  	[spmem:s2] =	stream.indirect.scatter.add.f32 [tilespmem:s12], [sflag:$0x1], $0x80, s14, s14, $0xb8;
	[tilespmem:$0x1A800] =	vst v63  }
0x4d: {  	_ = 	snop  }
0x4e: {  	[spmem:s2] =	stream.indirect.scatter.add.f32 [tilespmem:s12], [sflag:$0x1], $0x80, s15, s14, $0xb8;
	[tilespmem:$0x1A800] =	vst v63  }
0x4f: {  	_ = 	snop  }
0x50: {  	[spmem:s2] =	stream.indirect.scatter.add.f32 [tilespmem:s12], [sflag:$0x1], $0x80, s16, s14, $0xb8;
	[tilespmem:$0x1A800] =	vst v63  }
0x51: {  	_ = 	snop  }
0x52: {  	[spmem:s2] =	stream.indirect.scatter.add.f32 [tilespmem:s12], [sflag:$0x1], $0x80, s17, s14, $0xb8;
	[tilespmem:$0x1A800] =	vst v63  }
0x53: {  	_ = 	snop  }
0x54: {  	[spmem:s2] =	stream.indirect.scatter.add.f32 [tilespmem:s12], [sflag:$0x1], $0x80, s18, s14, $0xb8;
	[tilespmem:$0x1A800] =	vst v63  }
0x55: {  	_ = 	snop  }
0x56: {  	[spmem:s2] =	stream.indirect.scatter.add.f32 [tilespmem:s12], [sflag:$0x1], $0x80, s19, s14, $0xb8;
	[tilespmem:$0x1A800] =	vst v63  }
0x57: {  	_ = 	snop  }
0x58: {  	[spmem:s2] =	stream.indirect.scatter.add.f32 [tilespmem:s12], [sflag:$0x1], $0x80, s20, s14, $0xb8;
	[tilespmem:$0x1A800] =	vst v63  }
0x59: {  	s29 =	simm.s32 $0x400  }
0x5a: {  	[spmem:s2] =	stream.indirect.scatter.add.f32 [tilespmem:s12], [sflag:$0x1], $0x80, s29, s14, $0xb8;
	[tilespmem:$0x1A800] =	vst v63  }
0x5b: {  	s30 =	simm.s32 $0x480  }
0x5c: {  	[spmem:s2] =	stream.indirect.scatter.add.f32 [tilespmem:s12], [sflag:$0x1], $0x80, s30, s14, $0xb8;
	[tilespmem:$0x1A800] =	vst v63  }
0x5d: {  	s31 =	simm.s32 $0x500  }
0x5e: {  	[spmem:s2] =	stream.indirect.scatter.add.f32 [tilespmem:s12], [sflag:$0x1], $0x80, s31, s14, $0xb8;
	[tilespmem:$0x1A800] =	vst v63  }
0x5f: {  	s25 =	simm.s32 $0x580  }
0x60: {  	[spmem:s2] =	stream.indirect.scatter.add.f32 [tilespmem:s12], [sflag:$0x1], $0x80, s25, s14, $0xb8;
	[tilespmem:$0x1A800] =	vst v63  }
0x61: {  	s26 =	simm.s32 $0x600  }
0x62: {  	[spmem:s2] =	stream.indirect.scatter.add.f32 [tilespmem:s12], [sflag:$0x1], $0x80, s26, s14, $0xb8;
	[tilespmem:$0x1A800] =	vst v63  }
0x63: {  	s29 =	simm.s32 $0x680  }
0x64: {  	[spmem:s2] =	stream.indirect.scatter.add.f32 [tilespmem:s12], [sflag:$0x1], $0x80, s29, s14, $0xb8;
	[tilespmem:$0x1A800] =	vst v63  }
0x65: {  	s30 =	simm.s32 $0x700  }
0x66: {  	[spmem:s2] =	stream.indirect.scatter.add.f32 [tilespmem:s12], [sflag:$0x1], $0x80, s30, s14, $0xb8;
	[tilespmem:$0x1A800] =	vst v63  }
0x67: {  	s31 =	simm.s32 $0x780  }
0x68: {  	[spmem:s2] =	stream.indirect.scatter.add.f32 [tilespmem:s12], [sflag:$0x1], $0x80, s31, s14, $0xb8;
	[tilespmem:$0x1A800] =	vst v63  }
0x69: {  	_ =	swait.ge [sflag:s21], $0x4000  }
0x6a: {  	[sflag:s21] =	ssyncset.done $0x0  }
0x6b: {  	[sflag:s21] =	ssyncadd.s32 $0xFFFFC000  }
0x6c: {  	_ =	swait.ge [sflag:s21], $0x4000  }
0x6d: {  	[sflag:s21] =	ssyncset.done $0x0  }
0x6e: {  	[sflag:s21] =	ssyncadd.s32 $0xFFFFC000  }
0x6f: {  	_ =	swait.ge [sflag:s21], $0x4000  }
0x70: {  	[sflag:s21] =	ssyncset.done $0x0  }
0x71: {  	[sflag:s21] =	ssyncadd.s32 $0xFFFFC000  }
0x72: {  	_ =	swait.ge [sflag:s21], $0x4000  }
0x73: {  	[sflag:s21] =	ssyncset.done $0x0  }
0x74: {  	[sflag:s21] =	ssyncadd.s32 $0xFFFFC000  }
0x75: {  	_ =	swait.ge [sflag:s21], $0x4000  }
0x76: {  	[sflag:s21] =	ssyncset.done $0x0  }
0x77: {  	[sflag:s21] =	ssyncadd.s32 $0xFFFFC000  }
0x78: {  	_ =	swait.ge [sflag:s21], $0x4000  }
0x79: {  	[sflag:s21] =	ssyncset.done $0x0  }
0x7a: {  	[sflag:s21] =	ssyncadd.s32 $0xFFFFC000  }
0x7b: {  	_ =	swait.ge [sflag:s21], $0x4000  }
0x7c: {  	[sflag:s21] =	ssyncset.done $0x0  }
0x7d: {  	[sflag:s21] =	ssyncadd.s32 $0xFFFFC000  }
0x7e: {  	_ =	swait.ge [sflag:s21], $0x4000  }
0x7f: {  	s28 =	simm.s32 $0x2000;
	s26 =	simm.s32 $0x400;
	[sflag:s21] =	ssyncset.done $0x0  }
.LBB2_6:
0x80: {  	s29 =	sadd.s32 $0x400, s26  }
0x81: {  	[sflag:s21] =	ssyncadd.s32 $0xFFFFC000;
	s25 =	smov.u32 s28;
	s24 =	sadd.s32 $0x1000, s28  }
0x82: {  	[spmem:s2] =	stream.indirect.scatter.add.f32 [tilespmem:s12], [sflag:$0x1], $0x80, s29, s14, $0xb8;
	[tilespmem:$0x1A800] =	vst v63  }
0x83: {  	p0 =	sne.s32 s28, $0x8000;
	s28 =	sadd.s32 $0x480, s26  }
0x84: {  	[spmem:s2] =	stream.indirect.scatter.add.f32 [tilespmem:s12], [sflag:$0x1], $0x80, s28, s14, $0xb8;
	[tilespmem:$0x1A800] =	vst v63  }
0x85: {  	s28 =	sadd.s32 $0x500, s26  }
0x86: {  	[spmem:s2] =	stream.indirect.scatter.add.f32 [tilespmem:s12], [sflag:$0x1], $0x80, s28, s14, $0xb8;
	[tilespmem:$0x1A800] =	vst v63  }
0x87: {  	s28 =	sadd.s32 $0x580, s26  }
0x88: {  	[spmem:s2] =	stream.indirect.scatter.add.f32 [tilespmem:s12], [sflag:$0x1], $0x80, s28, s14, $0xb8;
	[tilespmem:$0x1A800] =	vst v63  }
0x89: {  	s28 =	sadd.s32 $0x600, s26  }
0x8a: {  	[spmem:s2] =	stream.indirect.scatter.add.f32 [tilespmem:s12], [sflag:$0x1], $0x80, s28, s14, $0xb8;
	[tilespmem:$0x1A800] =	vst v63  }
0x8b: {  	s28 =	sadd.s32 $0x680, s26  }
0x8c: {  	[spmem:s2] =	stream.indirect.scatter.add.f32 [tilespmem:s12], [sflag:$0x1], $0x80, s28, s14, $0xb8;
	[tilespmem:$0x1A800] =	vst v63  }
0x8d: {  	s28 =	sadd.s32 $0x700, s26  }
0x8e: {  	[spmem:s2] =	stream.indirect.scatter.add.f32 [tilespmem:s12], [sflag:$0x1], $0x80, s28, s14, $0xb8;
	[tilespmem:$0x1A800] =	vst v63  }
0x8f: {  	s26 =	sadd.s32 $0x780, s26  }
0x90: {  	[spmem:s2] =	stream.indirect.scatter.add.f32 [tilespmem:s12], [sflag:$0x1], $0x80, s26, s14, $0xb8;
	[tilespmem:$0x1A800] =	vst v63  }
0x91: {  	_ =	swait.ge [sflag:s21], $0x4000  }
0x92: {  	[sflag:s21] =	ssyncset.done $0x0  }
0x93: {  	[sflag:s21] =	ssyncadd.s32 $0xFFFFC000  }
0x94: {  	_ =	swait.ge [sflag:s21], $0x4000  }
0x95: {  	[sflag:s21] =	ssyncset.done $0x0  }
0x96: {  	[sflag:s21] =	ssyncadd.s32 $0xFFFFC000  }
0x97: {  	_ =	swait.ge [sflag:s21], $0x4000  }
0x98: {  	[sflag:s21] =	ssyncset.done $0x0  }
0x99: {  	[sflag:s21] =	ssyncadd.s32 $0xFFFFC000  }
0x9a: {  	_ =	swait.ge [sflag:s21], $0x4000  }
0x9b: {  	[sflag:s21] =	ssyncset.done $0x0  }
0x9c: {  	[sflag:s21] =	ssyncadd.s32 $0xFFFFC000  }
0x9d: {  	_ =	swait.ge [sflag:s21], $0x4000  }
0x9e: {  	[sflag:s21] =	ssyncset.done $0x0  }
0x9f: {  	[sflag:s21] =	ssyncadd.s32 $0xFFFFC000  }
0xa0: {  	_ =	swait.ge [sflag:s21], $0x4000  }
0xa1: {  	[sflag:s21] =	ssyncset.done $0x0  }
0xa2: {  	[sflag:s21] =	ssyncadd.s32 $0xFFFFC000  }
.Ltmp2:
0xa3: {  	_ =	swait.ge [sflag:s21], $0x4000;
	(pc) =	sbr.rel @p0 .LBB2_6-.Ltmp2, $4  }
0xa4: {  	[sflag:s21] =	ssyncset.done $0x0  }
0xa5: {  	[sflag:s21] =	ssyncadd.s32 $0xFFFFC000  }
0xa6: {  	_ =	swait.ge [sflag:s21], $0x4000  }
0xa7: {  	s28 =	smov.u32 s24;
	s26 =	sshra.s32 s25, $0x2;
	[sflag:s21] =	ssyncset.done $0x0  }
0xa8: {  	s24 =	sadd.s32 $0x400, s26;
	[sflag:s21] =	ssyncadd.s32 $0xFFFFC000  }
0xa9: {  	[spmem:s2] =	stream.indirect.scatter.add.f32 [tilespmem:s12], [sflag:$0x1], $0x80, s24, s14, $0xb8;
	[tilespmem:$0x1A800] =	vst v63  }
0xaa: {  	s30 =	sadd.s32 $0x480, s26  }
0xab: {  	[spmem:s2] =	stream.indirect.scatter.add.f32 [tilespmem:s12], [sflag:$0x1], $0x80, s30, s14, $0xb8;
	[tilespmem:$0x1A800] =	vst v63  }
0xac: {  	s31 =	sadd.s32 $0x500, s26  }
0xad: {  	[spmem:s2] =	stream.indirect.scatter.add.f32 [tilespmem:s12], [sflag:$0x1], $0x80, s31, s14, $0xb8;
	[tilespmem:$0x1A800] =	vst v63  }
0xae: {  	s25 =	sadd.s32 $0x580, s26  }
0xaf: {  	[spmem:s2] =	stream.indirect.scatter.add.f32 [tilespmem:s12], [sflag:$0x1], $0x80, s25, s14, $0xb8;
	[tilespmem:$0x1A800] =	vst v63  }
0xb0: {  	s28 =	sadd.s32 $0x600, s26  }
0xb1: {  	[spmem:s2] =	stream.indirect.scatter.add.f32 [tilespmem:s12], [sflag:$0x1], $0x80, s28, s14, $0xb8;
	[tilespmem:$0x1A800] =	vst v63  }
0xb2: {  	s29 =	sadd.s32 $0x680, s26  }
0xb3: {  	[spmem:s2] =	stream.indirect.scatter.add.f32 [tilespmem:s12], [sflag:$0x1], $0x80, s29, s14, $0xb8;
	[tilespmem:$0x1A800] =	vst v63  }
0xb4: {  	s30 =	sadd.s32 $0x700, s26  }
0xb5: {  	[spmem:s2] =	stream.indirect.scatter.add.f32 [tilespmem:s12], [sflag:$0x1], $0x80, s30, s14, $0xb8;
	[tilespmem:$0x1A800] =	vst v63  }
0xb6: {  	s31 =	sadd.s32 $0x780, s26  }
0xb7: {  	[spmem:s2] =	stream.indirect.scatter.add.f32 [tilespmem:s12], [sflag:$0x1], $0x80, s31, s14, $0xb8;
	[tilespmem:$0x1A800] =	vst v63  }
0xb8: {  	_ =	swait.ge [sflag:s21], $0x4000  }
0xb9: {  	[sflag:s21] =	ssyncset.done $0x0  }
0xba: {  	[sflag:s21] =	ssyncadd.s32 $0xFFFFC000  }
0xbb: {  	_ =	swait.ge [sflag:s21], $0x4000  }
0xbc: {  	[sflag:s21] =	ssyncset.done $0x0  }
0xbd: {  	[sflag:s21] =	ssyncadd.s32 $0xFFFFC000  }
0xbe: {  	_ =	swait.ge [sflag:s21], $0x4000  }
0xbf: {  	[sflag:s21] =	ssyncset.done $0x0  }
0xc0: {  	[sflag:s21] =	ssyncadd.s32 $0xFFFFC000  }
0xc1: {  	_ =	swait.ge [sflag:s21], $0x4000  }
0xc2: {  	[sflag:s21] =	ssyncset.done $0x0  }
0xc3: {  	[sflag:s21] =	ssyncadd.s32 $0xFFFFC000  }
0xc4: {  	_ =	swait.ge [sflag:s21], $0x4000  }
0xc5: {  	[sflag:s21] =	ssyncset.done $0x0  }
0xc6: {  	[sflag:s21] =	ssyncadd.s32 $0xFFFFC000  }
0xc7: {  	_ =	swait.ge [sflag:s21], $0x4000  }
0xc8: {  	[sflag:s21] =	ssyncset.done $0x0  }
0xc9: {  	[sflag:s21] =	ssyncadd.s32 $0xFFFFC000  }
0xca: {  	_ =	swait.ge [sflag:s21], $0x4000  }
0xcb: {  	[sflag:s21] =	ssyncset.done $0x0  }
0xcc: {  	[sflag:s21] =	ssyncadd.s32 $0xFFFFC000  }
0xcd: {  	_ =	swait.ge [sflag:s21], $0x4000  }
0xce: {  	[sflag:s21] =	ssyncset.done $0x0  }
0xcf: {  	[sflag:s21] =	ssyncadd.s32 $0xFFFFC000  }
0xd0: {  	_ =	swait.ge [sflag:s21], $0x4000  }
0xd1: {  	[sflag:s21] =	ssyncset.done $0x0  }
0xd2: {  	[sflag:s21] =	ssyncadd.s32 $0xFFFFC000  }
0xd3: {  	_ =	swait.ge [sflag:s21], $0x4000  }
0xd4: {  	[sflag:s21] =	ssyncset.done $0x0  }
0xd5: {  	[sflag:s21] =	ssyncadd.s32 $0xFFFFC000  }
0xd6: {  	_ =	swait.ge [sflag:s21], $0x4000  }
0xd7: {  	[sflag:s21] =	ssyncset.done $0x0  }
0xd8: {  	[sflag:s21] =	ssyncadd.s32 $0xFFFFC000  }
0xd9: {  	_ =	swait.ge [sflag:s21], $0x4000  }
0xda: {  	[sflag:s21] =	ssyncset.done $0x0  }
0xdb: {  	[sflag:s21] =	ssyncadd.s32 $0xFFFFC000  }
0xdc: {  	_ =	swait.ge [sflag:s21], $0x4000  }
0xdd: {  	[sflag:s21] =	ssyncset.done $0x0  }
0xde: {  	[sflag:s21] =	ssyncadd.s32 $0xFFFFC000  }
0xdf: {  	_ =	swait.ge [sflag:s21], $0x4000  }
0xe0: {  	[sflag:s21] =	ssyncset.done $0x0  }
0xe1: {  	[sflag:s21] =	ssyncadd.s32 $0xFFFFC000  }
0xe2: {  	_ =	swait.ge [sflag:s21], $0x4000  }
0xe3: {  	[sflag:s21] =	ssyncset.done $0x0  }
0xe4: {  	[sflag:s21] =	ssyncadd.s32 $0xFFFFC000  }
0xe5: {  	_ =	swait.ge [sflag:s21], $0x4000  }
0xe6: {  	s3 =	sadd.s32 $0x1, s3;
	[sflag:s21] =	ssyncset.done $0x0  }
0xe7: {  	p0 =	sne.s32 s3, s11;
	[sflag:s21] =	ssyncadd.s32 $0xFFFFC000  }
.Ltmp3:
0xe8: {  	[bflag:$0x0] =	sbarrier.arrive $0xFFFF;
	(pc) =	sbr.rel @p0 .LBB2_1-.Ltmp3, $4  }
0xe9: {  	[hbm:s10], [sflag:s22] =	dma.local [spmem:s23], $0x2800  }
0xea: {  	_ =	swait.ge [sflag:s13], $0x2800  }
0xeb: {  	[sflag:s13] =	ssyncset.done $0x0  }
0xec: {  	[sflag:s13] =	ssyncadd.s32 $0xFFFFD800  }
0xed: {  	_ =	sfence.sel $0x180000  }
0xee: {  	[bflag:$0x0] =	sbarrier.arrive $0xFFFF  }
0xef: {  	p0 =	sne.s32 s0, $0x0;
	_ =	strace $0x90000047  }
0xf0: {  	s0 =	sadd.s32 @!p0 $0x100000, s1;
	[bflag:$0x2] =	sbarrier.arrive $0xFFFF  }
0xf1: {  	[sflag:s0] =	ssyncadd.tile.s32 @!p0 $0x1;
	_ =	shalt  }
.Lfunc_end2:
_tile_overlayer_lowered:
.L_overlay_start_2:
0xf2: {  	(tag) =	ssettag $0x2  }
0xf3: {  	s0 =	rddreg [dreg:$0x0];
	s2 =	stileid.u32  }
0xf4: {  	s1 =	rddreg [dreg:$0x1];
	p0 =	sne.s32 s2, $0x0  }
0xf5: {  	s3 =	rddreg [dreg:$0x2];
	[bflag:$0x3] =	sbarrier.arrive $0xFFFF;
	s2 =	simm.s32 @!p0 $0x1C02  }
0xf6: {  	[timem:s3], [sflag:s2] =	dma.local @!p0 [hbm:s0], s1  }
0xf7: {  	s0 =	simm.s32 @!p0 $0x2  }
0xf8: {  	_ =	swait.ge @!p0 [sflag:s0], s1  }
0xf9: {  	s1 =	ssub.s32 @!p0 $0x0, s1;
	[sflag:s0] =	ssyncset.done @!p0 $0x0  }
0xfa: {  	[sflag:s0] =	ssyncadd.s32 @!p0 s1  }
0xfb: {  	[bflag:$0x3] =	sbarrier.arrive $0xFFFF  }
0xfc: {  	_ =	shalt  }

// kernel: kernel.15.cloned.1.call-start
scs
__scs_entry_jumppad:
0x0: {  	(pc) =	sbr.rel $0x88, $3  }
0x1: {  	(tag) =	ssettag $0x0;
	lr =	simm.s32 $0x1  }
0x2: {  	[smem:$0x3F99] =	sst lr;
	_ =	strace $0xD0000000  }
0x3: {  	_ = 	snop  }
0x4: {  	_ = 	snop  }
0x5: {  	_ = 	snop  }
0x6: {  	_ = 	snop  }
0x7: {  	_ = 	snop  }
__scs_overlays_trampoline_lowered:
0x8: {  	[smem:$0x3FA8] =	sst s0  }
0x9: {  	[smem:$0x3FA9] =	sst s1  }
0xa: {  	[smem:$0x3FAA] =	sst s2  }
0xb: {  	[smem:$0x3FAB] =	sst s3  }
0xc: {  	[smem:$0x3FAC] =	sst s4  }
0xd: {  	[smem:$0x3FAD] =	sst s5  }
0xe: {  	[smem:$0x3FAE] =	sst s6  }
0xf: {  	[smem:$0x3FAF] =	sst s7  }
0x10: {  	[smem:$0x3FB0] =	sst s8  }
0x11: {  	[smem:$0x3FB1] =	sst s9;
	s0 =	simm.s32 @!p0 $0x0  }
0x12: {  	s1 =	sld [smem:$0x3F97];
	s0 =	simm.s32 @p0 $0x1  }
0x13: {  	[smem:$0x3FB2] =	sst s0;
	s0 =	simm.s32 @!p1 $0x0  }
0x14: {  	s2 =	sld [smem:$0x3F96];
	s0 =	simm.s32 @p1 $0x1  }
0x15: {  	[smem:$0x3FB3] =	sst s0;
	s0 =	simm.s32 @!p2 $0x0  }
0x16: {  	s3 =	sld [smem:$0x3FDB];
	s0 =	simm.s32 @p2 $0x1  }
0x17: {  	s4 =	simm.s32 $0x1BF5;
	[smem:$0x3FB5] =	sst s0  }
0x18: {  	s0 =	sld [smem:$0x3F98];
	_ =	swait.ge [sflag:s4], $0x0  }
0x19: {  	s7 =	sld [smem:$0x3F99]  }
0x1a: {  	s8 =	sadd.s32 $0xFFFFE003, lr  }
0x1b: {  	s9 =	sadd.s32 $0xFFFFFEF7, lr;
	s5 =	simm.s32 $0xFFFFFFFF;
	p2 =	slt.u32 s8, $0xFFFFF086  }
0x1c: {  	p1 =	slt.u32 s9, $0xF7A;
	s5 =	simm.s32 @!p2 $0x0  }
0x1d: {  	s5 =	simm.s32 @p1 $0x1;
	p0 =	seq.s32 s7, s2  }
0x1e: {  	s7 =	smul.u32 @!p0 $0xF7A, s2;
	p2 =	seq.s32 @!p0 s5, $0x0  }
0x1f: {  	s9 =	smul.u32 $0xF7A, s1;
	s8 =	simm.s32 @!p0 $0x1BF5;
	p2 =	por !p2, p0  }
0x20: {  	[sflag:s8] =	ssyncset.s32 @!p0 $0xFFFFF086;
	s6 =	sadd.s32 @!p0 s3, s7;
	s7 =	simm.s32 @!p0 $0x108  }
0x21: {  	s3 =	sadd.s32 s3, s9;
	s6 =	sadd.s32 @!p0 $0x88, s6;
	s7 =	simm.s32 @p2 $0x1082  }
0x22: {  	[simem:s7], [sflag:s8] =	dma.local @!p0 [hbm:s6], $0xF7A  }
0x23: {  	s9 =	sor.u32 $0xD0000000, s2;
	s6 =	simm.s32 $0x108;
	_ =	swait.ge @!p0 [sflag:s8], $0x0  }
0x24: {  	s3 =	sadd.s32 $0x88, s3;
	s6 =	simm.s32 @!p1 $0x1082;
	[sflag:s4] =	ssyncset.s32 $0xFFFFF086  }
0x25: {  	[simem:s6], [sflag:s4] =	dma.local [hbm:s3], $0xF7A  }
0x26: {  	[smem:$0x3F99] =	sst s1;
	(tag) =	ssettag s2;
	_ =	strace s9  }
0x27: {  	s1 =	sld [smem:$0x3FA9]  }
0x28: {  	s2 =	sld [smem:$0x3FAA]  }
0x29: {  	s4 =	sld [smem:$0x3FAC]  }
0x2a: {  	p0 =	seq.s32 s5, $0x0;
	s5 =	sld [smem:$0x3FAD]  }
0x2b: {  	s6 =	sld [smem:$0x3FAE]  }
0x2c: {  	s7 =	sld [smem:$0x3FAF]  }
0x2d: {  	s3 =	simm.s32 $0x108;
	s8 =	sld [smem:$0x3FB0]  }
0x2e: {  	s3 =	simm.s32 @!p0 $0x1082;
	s9 =	sld [smem:$0x3FB1]  }
0x2f: {  	lr =	sadd.s32 s0, s3;
	s0 =	sld [smem:$0x3FA8]  }
0x30: {  	s3 =	sld [smem:$0x3FAB]  }
0x31: {  	[smem:$0x3FB4] =	sst s10  }
0x32: {  	s10 =	sld [smem:$0x3FB2];
	_ =	sdelay $0x3  }
0x33: {  	p0 =	seq.s32 s10, $0x1;
	s10 =	sld [smem:$0x3FB4];
	_ =	sdelay $0x3  }
0x34: {  	[smem:$0x3FB4] =	sst s10  }
0x35: {  	s10 =	sld [smem:$0x3FB3];
	_ =	sdelay $0x3  }
0x36: {  	p1 =	seq.s32 s10, $0x1;
	s10 =	sld [smem:$0x3FB4];
	_ =	sdelay $0x3  }
0x37: {  	[smem:$0x3FB4] =	sst s10  }
0x38: {  	s10 =	sld [smem:$0x3FB5]  }
0x39: {  	_ = 	snop;
	(pc) =	sbr.ind lr, $3  }
0x3a: {  	_ = 	snop  }
0x3b: {  	_ = 	snop  }
0x3c: {  	p2 =	seq.s32 s10, $0x1;
	s10 =	sld [smem:$0x3FB4]  }
0x3d: {  	_ =	shalt  }
0x3e: {  	_ =	shalt  }
0x3f: {  	_ =	shalt  }
0x40: {  	_ =	shalt  }
0x41: {  	_ =	shalt  }
0x42: {  	_ =	shalt  }
0x43: {  	_ =	shalt  }
0x44: {  	_ =	shalt  }
0x45: {  	_ =	shalt  }
0x46: {  	_ =	shalt  }
0x47: {  	_ =	shalt  }
0x48: {  	_ =	shalt  }
0x49: {  	_ =	shalt  }
0x4a: {  	_ =	shalt  }
0x4b: {  	_ =	shalt  }
0x4c: {  	_ =	shalt  }
0x4d: {  	_ =	shalt  }
0x4e: {  	_ =	shalt  }
0x4f: {  	_ =	shalt  }
0x50: {  	_ =	shalt  }
0x51: {  	_ =	shalt  }
0x52: {  	_ =	shalt  }
0x53: {  	_ =	shalt  }
0x54: {  	_ =	shalt  }
0x55: {  	_ =	shalt  }
0x56: {  	_ =	shalt  }
0x57: {  	_ =	shalt  }
0x58: {  	_ =	shalt  }
0x59: {  	_ =	shalt  }
0x5a: {  	_ =	shalt  }
0x5b: {  	_ =	shalt  }
0x5c: {  	_ =	shalt  }
0x5d: {  	_ =	shalt  }
0x5e: {  	_ =	shalt  }
0x5f: {  	_ =	shalt  }
0x60: {  	_ =	shalt  }
0x61: {  	_ =	shalt  }
0x62: {  	_ =	shalt  }
0x63: {  	_ =	shalt  }
0x64: {  	_ =	shalt  }
0x65: {  	_ =	shalt  }
0x66: {  	_ =	shalt  }
0x67: {  	_ =	shalt  }
0x68: {  	_ =	shalt  }
0x69: {  	_ =	shalt  }
0x6a: {  	_ =	shalt  }
0x6b: {  	_ =	shalt  }
0x6c: {  	_ =	shalt  }
0x6d: {  	_ =	shalt  }
0x6e: {  	_ =	shalt  }
0x6f: {  	_ =	shalt  }
0x70: {  	_ =	shalt  }
0x71: {  	_ =	shalt  }
0x72: {  	_ =	shalt  }
0x73: {  	_ =	shalt  }
0x74: {  	_ =	shalt  }
0x75: {  	_ =	shalt  }
0x76: {  	_ =	shalt  }
0x77: {  	_ =	shalt  }
0x78: {  	_ =	shalt  }
0x79: {  	_ =	shalt  }
0x7a: {  	_ =	shalt  }
0x7b: {  	_ =	shalt  }
0x7c: {  	_ =	shalt  }
0x7d: {  	_ =	shalt  }
0x7e: {  	_ =	shalt  }
0x7f: {  	_ =	shalt  }
0x80: {  	_ =	shalt  }
0x81: {  	_ =	shalt  }
0x82: {  	_ =	shalt  }
0x83: {  	_ =	shalt  }
0x84: {  	_ =	shalt  }
0x85: {  	_ =	shalt  }
0x86: {  	_ =	shalt  }
0x87: {  	_ =	shalt  }
.Lfunc_end0:
.L_simem_size_0:
called_computation.1_lowered:
.L_overlay_start_0:
0x88: {  	s2 =	sld [smem:$0x3FD9]  }
0x89: {  	s3 =	sld [smem:$0x3FFE];
	_ =	sdelay $0x1  }
0x8a: {  	s1 =	srdreg.scid  }
0x8b: {  	s0 =	sand.u32 $0x1, s1  }
0x8c: {  	s14 =	sshll.u32 s0, $0xA;
	s2 =	sadd.s32 s3, s2  }
0x8d: {  	s2 =	sadd.s32 s2, s14  }
0x8e: {  	[smem:$0x3FC0] =	sst s2  }
0x8f: {  	_ = 	snop  }
0x90: {  	s2 =	sld [smem:$0x3FD0];
	_ =	sdelay $0x2  }
0x91: {  	s15 =	simm.s32 $0xA;
	s4 =	simm.s32 $0x10  }
0x92: {  	[smem:s4], [sflag:s15] =	dma.local [hbm:s2], $0x1  }
0x93: {  	_ =	swait.eq [sflag:s15], $0x1  }
0x94: {  	[sflag:s15] =	ssyncset.done $0x0  }
0x95: {  	s16 =	sld [smem:$0x10];
	[sflag:s15] =	ssyncadd.s32 $0xFFFFFFFF  }
0x96: {  	s17 =	sld [smem:$0x12];
	(tm) =	ssettm $0x1  }
0x97: {  	s18 =	sld [smem:$0x3FFB];
	_ =	sdelay $0x3  }
0x98: {  	_ =	strace s18  }
0x99: {  	s4 =	sld [smem:$0x3FFC];
	_ =	sdelay $0x3  }
0x9a: {  	_ =	strace s4  }
0x9b: {  	s4 =	sld [smem:$0x3FFD];
	_ =	sdelay $0x3  }
0x9c: {  	_ =	strace s4  }
0x9d: {  	_ =	strace $0x8FFFFFFF  }
0x9e: {  	s19 =	sld [smem:$0x3FDB];
	_ =	sdelay $0x1  }
0x9f: {  	s5 =	simm.s32 $_scs_section_size  }
0xa0: {  	s6 =	simm.s32 $_size__tile_overlayer_lowered;
	s7 =	simm.s32 $_tile_overlayer_lowered  }
0xa1: {  	s22 =	simm.s32 $0x1BFF;
	s21 =	sshll.u32 s7, $0x1;
	s4 =	sadd.s32 s5, s19  }
0xa2: {  	s8 =	simm.s32 $0x0;
	s20 =	sshll.u32 s6, $0x1;
	s6 =	sadd.s32 s21, s4  }
0xa3: {  	[timem:s8], [sflag:s22] =	dma.local [hbm:s6], s20  }
0xa4: {  	_ =	swait.ge [sflag:s22], s20  }
0xa5: {  	s5 =	ssub.s32 $0x0, s20;
	[sflag:s22] =	ssyncset.done $0x0  }
0xa6: {  	[sflag:s22] =	ssyncadd.s32 s5;
	_ =	sdelay $0x1  }
0xa7: {  	s23 =	simm.s32 $0x1B8B  }
0xa8: {  	_ =	swait.ge [sflag:s23], $0x1  }
0xa9: {  	[sflag:s23] =	ssyncset.done $0x0  }
0xaa: {  	s25 =	simm.s32 $0x1B8E;
	s24 =	sld [smem:$0x3FFE];
	[sflag:s23] =	ssyncadd.s32 $0xFFFFFFFF  }
0xab: {  	s26 =	simm.s32 $execute0_lowered;
	[smem:$0x3FD2] =	sst s25  }
0xac: {  	s6 =	sshll.u32 s26, $0x1;
	_ =	strace $0x80000049;
	[dreg:$0x1] =	wrdreg $0xFFFFFFFF  }
0xad: {  	s28 =	simm.s32 $_size_execute0_lowered;
	s4 =	sadd.s32 s4, s6;
	[dreg:$0x0] =	wrdreg $0x0  }
0xae: {  	s6 =	sshll.u32 s28, $0x1;
	[dreg:$0x2] =	wrdreg s4  }
0xaf: {  	[dreg:$0x3] =	wrdreg s6  }
0xb0: {  	[dreg:$0x4] =	wrdreg $0xC0  }
0xb1: {  	_ =	task [dreg:s8], $0x5FFFF  }
0xb2: {  	[dreg:$0x1] =	wrdreg $0xFFFFFFFF  }
0xb3: {  	[dreg:$0x0] =	wrdreg $0x60  }
0xb4: {  	[dreg:$0x2] =	wrdreg s24  }
0xb5: {  	[dreg:$0x3] =	wrdreg s17  }
0xb6: {  	[dreg:$0x4] =	wrdreg s16  }
0xb7: {  	[dreg:$0x5] =	wrdreg $0xA0000  }
0xb8: {  	[dreg:$0x6] =	wrdreg $0x9  }
0xb9: {  	_ =	task.clear_ibuf [dreg:s8], $0x7FFFF;
	_ =	strace $0x90000049  }
0xba: {  	s29 =	simm.s32 $0x9;
	_ =	strace $0x8000004B  }
0xbb: {  	_ =	swait.ge [sflag:s29], $0x1  }
0xbc: {  	[sflag:s29] =	ssyncadd.s32 $0xFFFFFFFF  }
0xbd: {  	_ =	strace $0x9000004B  }
0xbe: {  	_ =	sfence  }
0xbf: {  	s30 =	sld [smem:$0x0];
	_ =	sdelay $0x2  }
0xc0: {  	s31 =	sshll.u32 s1, $0xD;
	s1 =	sshrl.u32 s1, $0x2  }
0xc1: {  	s3 =	sand.u32 $0x4000, s31;
	s1 =	sadd.s32 s1, s30  }
0xc2: {  	s0 =	sor.u32 s3, s0;
	s1 =	sshll.u32 s1, $0x11  }
0xc3: {  	s0 =	sor.u32 s1, s0  }
0xc4: {  	s0 =	sadd.s32 $0x8F2B, s0  }
0xc5: {  	[sflag:s0] =	ssyncadd.remote.s32 $0x1  }
0xc6: {  	_ =	sfence.sel $0xFFFF  }
0xc7: {  	[dreg:$0x0] =	wrdreg $0xFFFFFFFF;
	(pc) =	sbr.abs _section_cstart, $3  }
0xc8: {  	[dreg:$0x1] =	wrdreg $0xFFFFFFFF  }
0xc9: {  	_ =	task.clear_ibuf [dreg:s8], $0x2FFFF;
	_ =	strace $0x9FFFFFFF  }
0xca: {  	(tm) =	ssettm $0x7FFFFFFF  }
0xcb: {  	_ =	shalt  }
tec
execute0_lowered:
.L_overlay_start_1:
0x0: {  	(tag) =	ssettag $0x1  }
0x1: {  	s9 =	rddreg [dreg:$0x0]  }
0x2: {  	s1 =	rddreg [dreg:$0x1]  }
0x3: {  	s3 =	rddreg [dreg:$0x2]  }
0x4: {  	s2 =	srdreg.scid;
	s0 =	stileid.u32  }
0x5: {  	s4 =	rddreg [dreg:$0x3];
	s5 =	simm.s32 $0x0;
	s18 =	simm.s32 $0x2000  }
0x6: {  	s19 =	simm.s32 $0x6;
	s21 =	simm.s32 $0x5;
	s22 =	simm.s32 $0x80  }
0x7: {  	s23 =	simm.s32 $0x6000;
	s24 =	simm.s32 $0x1;
	s8 =	smul.u32 $0x2800, s0  }
0x8: {  	s25 =	simm.s32 $0x3;
	s26 =	simm.s32 $0x2;
	s11 =	smul.u32 $0x50000, s0  }
0x9: {  	s28 =	simm.s32 $0x4;
	s7 =	sand.u32 $0x1, s2;
	s13 =	smul.u32 $0x5000, s0  }
0xa: {  	[smem:$0x7FF] =	sst s5;
	s6 =	sadd.s32 $0x3800, s9;
	s10 =	smul.u32 $0x28000, s7  }
0xb: {  	_ =	strace $0x8000004A;
	s12 =	ssub.s32 $0x2, s7;
	s7 =	smul.u32 $0x50000, s7  }
0xc: {  	s30 =	sshrl.u32 s11, $0x2;
	s31 =	sshrl.u32 s12, $0x1;
	s15 =	sshrl.u32 s13, $0x3  }
0xd: {  	s10 =	sadd.s32 s8, s10;
	s8 =	sadd.s32 s30, s4;
	s17 =	ssub.s32 s12, s31  }
0xe: {  	s14 =	sadd.s32 s13, s7;
	s13 =	sshll.u32 s0, $0x1;
	s15 =	sadd.s32 s3, s15  }
0xf: {  	s16 =	sadd.s32 s10, s9;
	s9 =	sadd.s32 $0x4000, s8;
	s10 =	sadd.s32 $0x8000, s8  }
0x10: {  	s11 =	sadd.s32 $0xC000, s8;
	s12 =	sadd.s32 $0x10000, s8;
	s14 =	sshrl.u32 s14, $0x3  }
0x11: {  	v0 =	vimm.f32 $0.0e+00;
	s17 =	smax.u32 s17, $0x1;
	s14 =	sadd.s32 s1, s14;
	s16 =	sadd.s32 $0x53800, s16  }
.LBB2_1:
0x12: {  	s29 =	simm.s32 $0x0;
	s30 =	simm.s32 $0x200  }
.LBB2_2:
0x13: {  	p0 =	sne.s32 s30, $0xFE00;
	[tilespmem:s29+$0x2070] =	vst v0  }
0x14: {  	[tilespmem:s29+$0x2000] =	vst v0  }
0x15: {  	[tilespmem:s29+$0x2010] =	vst v0  }
.Ltmp0:
0x16: {  	[tilespmem:s29+$0x2020] =	vst v0;
	(pc) =	sbr.rel @p0 .LBB2_2-.Ltmp0, $4  }
0x17: {  	[tilespmem:s29+$0x2030] =	vst v0  }
0x18: {  	[tilespmem:s29+$0x2040] =	vst v0  }
0x19: {  	[tilespmem:s29+$0x2050] =	vst v0  }
0x1a: {  	[tilespmem:s29+$0x2060] =	vst v0;
	s29 =	sshra.s32 s30, $0x2;
	s30 =	sadd.s32 $0x200, s30  }
0x1b: {  	[tilespmem:s29+$0x2070] =	vst v0  }
0x1c: {  	[tilespmem:s29+$0x2000] =	vst v0  }
0x1d: {  	[tilespmem:s29+$0x2010] =	vst v0  }
0x1e: {  	[tilespmem:s29+$0x2020] =	vst v0  }
0x1f: {  	[tilespmem:s29+$0x2030] =	vst v0  }
0x20: {  	[tilespmem:s29+$0x2040] =	vst v0  }
0x21: {  	[tilespmem:s29+$0x2050] =	vst v0  }
0x22: {  	[tilespmem:s29+$0x2060] =	vst v0  }
0x23: {  	[spmem:s8] =	stream.linear.scatter [tilespmem:s18], [sflag:$0x6], $0x4000, $0x38;
	[tilespmem:$0x1E000] =	vst v63  }
0x24: {  	_ =	swait.ge [sflag:s19], $0x4000  }
0x25: {  	[sflag:s19] =	ssyncset.done $0x0  }
0x26: {  	[sflag:s19] =	ssyncadd.s32 $0xFFFFC000  }
0x27: {  	[spmem:s9] =	stream.linear.scatter [tilespmem:s18], [sflag:$0x6], $0x4000, $0x38;
	[tilespmem:$0x1E000] =	vst v63  }
0x28: {  	_ =	swait.ge [sflag:s19], $0x4000  }
0x29: {  	[sflag:s19] =	ssyncset.done $0x0  }
0x2a: {  	[sflag:s19] =	ssyncadd.s32 $0xFFFFC000  }
0x2b: {  	[spmem:s10] =	stream.linear.scatter [tilespmem:s18], [sflag:$0x6], $0x4000, $0x38;
	[tilespmem:$0x1E000] =	vst v63  }
0x2c: {  	_ =	swait.ge [sflag:s19], $0x4000  }
0x2d: {  	[sflag:s19] =	ssyncset.done $0x0  }
0x2e: {  	[sflag:s19] =	ssyncadd.s32 $0xFFFFC000  }
0x2f: {  	[spmem:s11] =	stream.linear.scatter [tilespmem:s18], [sflag:$0x6], $0x4000, $0x38;
	[tilespmem:$0x1E000] =	vst v63  }
0x30: {  	_ =	swait.ge [sflag:s19], $0x4000  }
0x31: {  	[sflag:s19] =	ssyncset.done $0x0  }
0x32: {  	[sflag:s19] =	ssyncadd.s32 $0xFFFFC000  }
0x33: {  	[spmem:s12] =	stream.linear.scatter [tilespmem:s18], [sflag:$0x6], $0x4000, $0x38;
	[tilespmem:$0x1E000] =	vst v63  }
0x34: {  	_ =	swait.ge [sflag:s19], $0x4000  }
0x35: {  	[sflag:s19] =	ssyncset.done $0x0  }
0x36: {  	[sflag:s19] =	ssyncadd.s32 $0xFFFFC000  }
0x37: {  	s20 =	simm.s32 $0x0;
	[bflag:$0x0] =	sbarrier.arrive $0xFFFF  }
0x38: {  	[tilespmem:s20], [sflag:$0x5] =	stream.linear.gather [hbm4b:s14+s20], $0x800, $0x38;
	[tilespmem:$0x1E000] =	vst v63  }
0x39: {  	s0 =	simm.s32 $0x1000  }
0x3a: {  	[tilespmem:s0], [sflag:$0x5] =	stream.linear.gather [hbm4b:s15+s20], $0x800, $0x38;
	[tilespmem:$0x1E000] =	vst v63  }
0x3b: {  	_ =	swait.ge [sflag:s21], $0x800  }
0x3c: {  	[sflag:s21] =	ssyncset.done $0x0  }
0x3d: {  	[sflag:s21] =	ssyncadd.s32 $0xFFFFF800  }
0x3e: {  	_ =	swait.ge [sflag:s21], $0x800  }
0x3f: {  	[sflag:s21] =	ssyncset.done $0x0  }
0x40: {  	s30 =	simm.s32 $0x0;
	[sflag:s21] =	ssyncadd.s32 $0xFFFFF800  }
.LBB2_4:
0x41: {  	p0 =	seq.s32 s20, $0x9  }
0x42: {  	s31 =	smov.u32 s20;
	p1 =	sgt.u32 @!p0 s20, $0x3  }
0x43: {  	s2 =	simm.s32 @!p0 $0x1;
	s20 =	sadd.s32 $0x1, s20;
	p1 =	por !p1, p0  }
0x44: {  	s29 =	smov.u32 s20;
	s2 =	simm.s32 @p1 $0x0;
	p1 =	slt.u32 @!p0 s31, $0x4  }
0x45: {  	s31 =	sadd.s32 @!p0 $0xFFFFFFFC, s31;
	s2 =	sor.u32 @!p0 s2, s13;
	p1 =	por !p1, p0  }
0x46: {  	s2 =	smul.u32 @!p0 $0x2800, s2;
	s29 =	smov.u32 @p1 s31  }
0x47: {  	s29 =	sshll.u32 @!p0 s29, $0xB  }
0x48: {  	s2 =	sadd.s32 @!p0 s29, s2  }
0x49: {  	s29 =	sadd.s32 @!p0 s7, s2  }
0x4a: {  	s0 =	simm.s32 @!p0 $0x0;
	s31 =	sxor.u32 @!p0 $0xFFFFFFFF, s30;
	s29 =	sshrl.u32 @!p0 s29, $0x3  }
0x4b: {  	s31 =	sand.u32 @!p0 $0x800, s31;
	s2 =	sshrl.u32 @!p0 s2, $0x3;
	s29 =	sadd.s32 @!p0 s1, s29  }
0x4c: {  	[tilespmem:s31], [sflag:$0x5] =	stream.linear.gather @!p0 [hbm4b:s29+s0], $0x800, $0x38;
	[tilespmem:$0x1E000] =	vst v63  }
0x4d: {  	s2 =	sadd.s32 @!p0 s3, s2;
	s29 =	sor.u32 @!p0 $0x1000, s31  }
0x4e: {  	[tilespmem:s29], [sflag:$0x5] =	stream.linear.gather @!p0 [hbm4b:s2+s0], $0x800, $0x38;
	[tilespmem:$0x1E000] =	vst v63  }
0x4f: {  	s31 =	sand.u32 $0x800, s30  }
0x50: {  	[tilespmem:s18], [sflag:$0x1] =	stream.indirect.gather [hbm4b:s6+s22], $0x80, s31, s22, $0xb8;
	[tilespmem:$0x1E000] =	vst v63  }
0x51: {  	s2 =	sor.u32 $0x80, s31  }
0x52: {  	[tilespmem:s23], [sflag:$0x2] =	stream.indirect.gather [hbm4b:s6+s22], $0x80, s2, s22, $0xb8;
	[tilespmem:$0x1E000] =	vst v63  }
0x53: {  	_ =	swait.ge [sflag:s24], $0x4000  }
0x54: {  	[sflag:s24] =	ssyncset.done $0x0  }
0x55: {  	s29 =	sor.u32 $0x1000, s31;
	[sflag:s24] =	ssyncadd.s32 $0xFFFFC000  }
0x56: {  	[spmem:s4] =	stream.indirect.scatter.add.f32 [tilespmem:s18], [sflag:$0x3], $0x80, s29, s22, $0xb8;
	[tilespmem:$0x1E000] =	vst v63  }
0x57: {  	_ =	swait.ge [sflag:s25], $0x4000  }
0x58: {  	[sflag:s25] =	ssyncset.done $0x0  }
0x59: {  	s2 =	sor.u32 $0x100, s31;
	[sflag:s25] =	ssyncadd.s32 $0xFFFFC000  }
0x5a: {  	[tilespmem:s18], [sflag:$0x1] =	stream.indirect.gather [hbm4b:s6+s22], $0x80, s2, s22, $0xb8;
	[tilespmem:$0x1E000] =	vst v63  }
0x5b: {  	_ =	swait.ge [sflag:s26], $0x4000  }
0x5c: {  	[sflag:s26] =	ssyncset.done $0x0  }
0x5d: {  	s29 =	sor.u32 $0x1080, s31;
	[sflag:s26] =	ssyncadd.s32 $0xFFFFC000  }
0x5e: {  	[spmem:s4] =	stream.indirect.scatter.add.f32 [tilespmem:s23], [sflag:$0x4], $0x80, s29, s22, $0xb8;
	[tilespmem:$0x1E000] =	vst v63  }
0x5f: {  	_ =	swait.ge [sflag:s28], $0x4000  }
0x60: {  	[sflag:s28] =	ssyncset.done $0x0  }
0x61: {  	s2 =	sor.u32 $0x180, s31;
	[sflag:s28] =	ssyncadd.s32 $0xFFFFC000  }
0x62: {  	[tilespmem:s23], [sflag:$0x2] =	stream.indirect.gather [hbm4b:s6+s22], $0x80, s2, s22, $0xb8;
	[tilespmem:$0x1E000] =	vst v63  }
0x63: {  	_ =	swait.ge [sflag:s24], $0x4000  }
0x64: {  	[sflag:s24] =	ssyncset.done $0x0  }
0x65: {  	s29 =	sor.u32 $0x1100, s31;
	[sflag:s24] =	ssyncadd.s32 $0xFFFFC000  }
0x66: {  	[spmem:s4] =	stream.indirect.scatter.add.f32 [tilespmem:s18], [sflag:$0x3], $0x80, s29, s22, $0xb8;
	[tilespmem:$0x1E000] =	vst v63  }
0x67: {  	_ =	swait.ge [sflag:s25], $0x4000  }
0x68: {  	[sflag:s25] =	ssyncset.done $0x0  }
0x69: {  	s2 =	sor.u32 $0x200, s31;
	[sflag:s25] =	ssyncadd.s32 $0xFFFFC000  }
0x6a: {  	[tilespmem:s18], [sflag:$0x1] =	stream.indirect.gather [hbm4b:s6+s22], $0x80, s2, s22, $0xb8;
	[tilespmem:$0x1E000] =	vst v63  }
0x6b: {  	_ =	swait.ge [sflag:s26], $0x4000  }
0x6c: {  	[sflag:s26] =	ssyncset.done $0x0  }
0x6d: {  	s29 =	sor.u32 $0x1180, s31;
	[sflag:s26] =	ssyncadd.s32 $0xFFFFC000  }
0x6e: {  	[spmem:s4] =	stream.indirect.scatter.add.f32 [tilespmem:s23], [sflag:$0x4], $0x80, s29, s22, $0xb8;
	[tilespmem:$0x1E000] =	vst v63  }
0x6f: {  	_ =	swait.ge [sflag:s28], $0x4000  }
0x70: {  	[sflag:s28] =	ssyncset.done $0x0  }
0x71: {  	s2 =	sor.u32 $0x280, s31;
	[sflag:s28] =	ssyncadd.s32 $0xFFFFC000  }
0x72: {  	[tilespmem:s23], [sflag:$0x2] =	stream.indirect.gather [hbm4b:s6+s22], $0x80, s2, s22, $0xb8;
	[tilespmem:$0x1E000] =	vst v63  }
0x73: {  	_ =	swait.ge [sflag:s24], $0x4000  }
0x74: {  	[sflag:s24] =	ssyncset.done $0x0  }
0x75: {  	s29 =	sor.u32 $0x1200, s31;
	[sflag:s24] =	ssyncadd.s32 $0xFFFFC000  }
0x76: {  	[spmem:s4] =	stream.indirect.scatter.add.f32 [tilespmem:s18], [sflag:$0x3], $0x80, s29, s22, $0xb8;
	[tilespmem:$0x1E000] =	vst v63  }
0x77: {  	_ =	swait.ge [sflag:s25], $0x4000  }
0x78: {  	[sflag:s25] =	ssyncset.done $0x0  }
0x79: {  	s2 =	sor.u32 $0x300, s31;
	[sflag:s25] =	ssyncadd.s32 $0xFFFFC000  }
0x7a: {  	[tilespmem:s18], [sflag:$0x1] =	stream.indirect.gather [hbm4b:s6+s22], $0x80, s2, s22, $0xb8;
	[tilespmem:$0x1E000] =	vst v63  }
0x7b: {  	_ =	swait.ge [sflag:s26], $0x4000  }
0x7c: {  	[sflag:s26] =	ssyncset.done $0x0  }
0x7d: {  	s29 =	sor.u32 $0x1280, s31;
	[sflag:s26] =	ssyncadd.s32 $0xFFFFC000  }
0x7e: {  	[spmem:s4] =	stream.indirect.scatter.add.f32 [tilespmem:s23], [sflag:$0x4], $0x80, s29, s22, $0xb8;
	[tilespmem:$0x1E000] =	vst v63  }
0x7f: {  	_ =	swait.ge [sflag:s28], $0x4000  }
0x80: {  	[sflag:s28] =	ssyncset.done $0x0  }
0x81: {  	s2 =	sor.u32 $0x380, s31;
	[sflag:s28] =	ssyncadd.s32 $0xFFFFC000  }
0x82: {  	[tilespmem:s23], [sflag:$0x2] =	stream.indirect.gather [hbm4b:s6+s22], $0x80, s2, s22, $0xb8;
	[tilespmem:$0x1E000] =	vst v63  }
0x83: {  	_ =	swait.ge [sflag:s24], $0x4000  }
0x84: {  	[sflag:s24] =	ssyncset.done $0x0  }
0x85: {  	s29 =	sor.u32 $0x1300, s31;
	[sflag:s24] =	ssyncadd.s32 $0xFFFFC000  }
0x86: {  	[spmem:s4] =	stream.indirect.scatter.add.f32 [tilespmem:s18], [sflag:$0x3], $0x80, s29, s22, $0xb8;
	[tilespmem:$0x1E000] =	vst v63  }
0x87: {  	_ =	swait.ge [sflag:s25], $0x4000  }
0x88: {  	[sflag:s25] =	ssyncset.done $0x0  }
0x89: {  	s2 =	sor.u32 $0x400, s31;
	[sflag:s25] =	ssyncadd.s32 $0xFFFFC000  }
0x8a: {  	[tilespmem:s18], [sflag:$0x1] =	stream.indirect.gather [hbm4b:s6+s22], $0x80, s2, s22, $0xb8;
	[tilespmem:$0x1E000] =	vst v63  }
0x8b: {  	_ =	swait.ge [sflag:s26], $0x4000  }
0x8c: {  	[sflag:s26] =	ssyncset.done $0x0  }
0x8d: {  	s29 =	sor.u32 $0x1380, s31;
	[sflag:s26] =	ssyncadd.s32 $0xFFFFC000  }
0x8e: {  	[spmem:s4] =	stream.indirect.scatter.add.f32 [tilespmem:s23], [sflag:$0x4], $0x80, s29, s22, $0xb8;
	[tilespmem:$0x1E000] =	vst v63  }
0x8f: {  	_ =	swait.ge [sflag:s28], $0x4000  }
0x90: {  	[sflag:s28] =	ssyncset.done $0x0  }
0x91: {  	s2 =	sor.u32 $0x480, s31;
	[sflag:s28] =	ssyncadd.s32 $0xFFFFC000  }
0x92: {  	[tilespmem:s23], [sflag:$0x2] =	stream.indirect.gather [hbm4b:s6+s22], $0x80, s2, s22, $0xb8;
	[tilespmem:$0x1E000] =	vst v63  }
0x93: {  	_ =	swait.ge [sflag:s24], $0x4000  }
0x94: {  	[sflag:s24] =	ssyncset.done $0x0  }
0x95: {  	s29 =	sor.u32 $0x1400, s31;
	[sflag:s24] =	ssyncadd.s32 $0xFFFFC000  }
0x96: {  	[spmem:s4] =	stream.indirect.scatter.add.f32 [tilespmem:s18], [sflag:$0x3], $0x80, s29, s22, $0xb8;
	[tilespmem:$0x1E000] =	vst v63  }
0x97: {  	_ =	swait.ge [sflag:s25], $0x4000  }
0x98: {  	[sflag:s25] =	ssyncset.done $0x0  }
0x99: {  	s2 =	sor.u32 $0x500, s31;
	[sflag:s25] =	ssyncadd.s32 $0xFFFFC000  }
0x9a: {  	[tilespmem:s18], [sflag:$0x1] =	stream.indirect.gather [hbm4b:s6+s22], $0x80, s2, s22, $0xb8;
	[tilespmem:$0x1E000] =	vst v63  }
0x9b: {  	_ =	swait.ge [sflag:s26], $0x4000  }
0x9c: {  	[sflag:s26] =	ssyncset.done $0x0  }
0x9d: {  	s29 =	sor.u32 $0x1480, s31;
	[sflag:s26] =	ssyncadd.s32 $0xFFFFC000  }
0x9e: {  	[spmem:s4] =	stream.indirect.scatter.add.f32 [tilespmem:s23], [sflag:$0x4], $0x80, s29, s22, $0xb8;
	[tilespmem:$0x1E000] =	vst v63  }
0x9f: {  	_ =	swait.ge [sflag:s28], $0x4000  }
0xa0: {  	[sflag:s28] =	ssyncset.done $0x0  }
0xa1: {  	s2 =	sor.u32 $0x580, s31;
	[sflag:s28] =	ssyncadd.s32 $0xFFFFC000  }
0xa2: {  	[tilespmem:s23], [sflag:$0x2] =	stream.indirect.gather [hbm4b:s6+s22], $0x80, s2, s22, $0xb8;
	[tilespmem:$0x1E000] =	vst v63  }
0xa3: {  	_ =	swait.ge [sflag:s24], $0x4000  }
0xa4: {  	[sflag:s24] =	ssyncset.done $0x0  }
0xa5: {  	s29 =	sor.u32 $0x1500, s31;
	[sflag:s24] =	ssyncadd.s32 $0xFFFFC000  }
0xa6: {  	[spmem:s4] =	stream.indirect.scatter.add.f32 [tilespmem:s18], [sflag:$0x3], $0x80, s29, s22, $0xb8;
	[tilespmem:$0x1E000] =	vst v63  }
0xa7: {  	_ =	swait.ge [sflag:s25], $0x4000  }
0xa8: {  	[sflag:s25] =	ssyncset.done $0x0  }
0xa9: {  	s2 =	sor.u32 $0x600, s31;
	[sflag:s25] =	ssyncadd.s32 $0xFFFFC000  }
0xaa: {  	[tilespmem:s18], [sflag:$0x1] =	stream.indirect.gather [hbm4b:s6+s22], $0x80, s2, s22, $0xb8;
	[tilespmem:$0x1E000] =	vst v63  }
0xab: {  	_ =	swait.ge [sflag:s26], $0x4000  }
0xac: {  	[sflag:s26] =	ssyncset.done $0x0  }
0xad: {  	s29 =	sor.u32 $0x1580, s31;
	[sflag:s26] =	ssyncadd.s32 $0xFFFFC000  }
0xae: {  	[spmem:s4] =	stream.indirect.scatter.add.f32 [tilespmem:s23], [sflag:$0x4], $0x80, s29, s22, $0xb8;
	[tilespmem:$0x1E000] =	vst v63  }
0xaf: {  	_ =	swait.ge [sflag:s28], $0x4000  }
0xb0: {  	[sflag:s28] =	ssyncset.done $0x0  }
0xb1: {  	s2 =	sor.u32 $0x680, s31;
	[sflag:s28] =	ssyncadd.s32 $0xFFFFC000  }
0xb2: {  	[tilespmem:s23], [sflag:$0x2] =	stream.indirect.gather [hbm4b:s6+s22], $0x80, s2, s22, $0xb8;
	[tilespmem:$0x1E000] =	vst v63  }
0xb3: {  	_ =	swait.ge [sflag:s24], $0x4000  }
0xb4: {  	[sflag:s24] =	ssyncset.done $0x0  }
0xb5: {  	s29 =	sor.u32 $0x1600, s31;
	[sflag:s24] =	ssyncadd.s32 $0xFFFFC000  }
0xb6: {  	[spmem:s4] =	stream.indirect.scatter.add.f32 [tilespmem:s18], [sflag:$0x3], $0x80, s29, s22, $0xb8;
	[tilespmem:$0x1E000] =	vst v63  }
0xb7: {  	_ =	swait.ge [sflag:s25], $0x4000  }
0xb8: {  	[sflag:s25] =	ssyncset.done $0x0  }
0xb9: {  	s2 =	sor.u32 $0x700, s31;
	[sflag:s25] =	ssyncadd.s32 $0xFFFFC000  }
0xba: {  	[tilespmem:s18], [sflag:$0x1] =	stream.indirect.gather [hbm4b:s6+s22], $0x80, s2, s22, $0xb8;
	[tilespmem:$0x1E000] =	vst v63  }
0xbb: {  	_ =	swait.ge [sflag:s26], $0x4000  }
0xbc: {  	[sflag:s26] =	ssyncset.done $0x0  }
0xbd: {  	s29 =	sor.u32 $0x1680, s31;
	[sflag:s26] =	ssyncadd.s32 $0xFFFFC000  }
0xbe: {  	[spmem:s4] =	stream.indirect.scatter.add.f32 [tilespmem:s23], [sflag:$0x4], $0x80, s29, s22, $0xb8;
	[tilespmem:$0x1E000] =	vst v63  }
0xbf: {  	_ =	swait.ge [sflag:s28], $0x4000  }
0xc0: {  	[sflag:s28] =	ssyncset.done $0x0  }
0xc1: {  	s2 =	sor.u32 $0x780, s31;
	[sflag:s28] =	ssyncadd.s32 $0xFFFFC000  }
0xc2: {  	[tilespmem:s23], [sflag:$0x2] =	stream.indirect.gather [hbm4b:s6+s22], $0x80, s2, s22, $0xb8;
	[tilespmem:$0x1E000] =	vst v63  }
0xc3: {  	_ =	swait.ge [sflag:s24], $0x4000  }
0xc4: {  	[sflag:s24] =	ssyncset.done $0x0  }
0xc5: {  	s29 =	sor.u32 $0x1700, s31;
	[sflag:s24] =	ssyncadd.s32 $0xFFFFC000  }
0xc6: {  	[spmem:s4] =	stream.indirect.scatter.add.f32 [tilespmem:s18], [sflag:$0x3], $0x80, s29, s22, $0xb8;
	[tilespmem:$0x1E000] =	vst v63  }
0xc7: {  	_ =	swait.ge [sflag:s26], $0x4000  }
0xc8: {  	[sflag:s26] =	ssyncset.done $0x0  }
0xc9: {  	s31 =	sor.u32 $0x1780, s31;
	[sflag:s26] =	ssyncadd.s32 $0xFFFFC000  }
0xca: {  	[spmem:s4] =	stream.indirect.scatter.add.f32 [tilespmem:s23], [sflag:$0x4], $0x80, s31, s22, $0xb8;
	[tilespmem:$0x1E000] =	vst v63  }
0xcb: {  	_ =	swait.ge [sflag:s25], $0x4000  }
0xcc: {  	[sflag:s25] =	ssyncset.done $0x0  }
0xcd: {  	[sflag:s25] =	ssyncadd.s32 $0xFFFFC000  }
0xce: {  	_ =	swait.ge [sflag:s28], $0x4000  }
0xcf: {  	[sflag:s28] =	ssyncset.done $0x0  }
0xd0: {  	p1 =	sne.s32 @!p0 s20, $0xA;
	s0 =	simm.s32 @!p0 $0x5;
	[sflag:s28] =	ssyncadd.s32 $0xFFFFC000  }
0xd1: {  	p1 =	por p0, !p1;
	_ =	swait.ge @!p0 [sflag:s0], $0x800  }
.Ltmp1:
0xd2: {  	[sflag:s0] =	ssyncset.done @!p0 $0x0;
	(pc) =	sbr.rel @!p1 .LBB2_4-.Ltmp1, $4  }
0xd3: {  	[sflag:s0] =	ssyncadd.s32 @!p0 $0xFFFFF800  }
0xd4: {  	_ =	swait.ge @!p0 [sflag:s0], $0x800  }
0xd5: {  	[sflag:s0] =	ssyncset.done @!p0 $0x0  }
0xd6: {  	s30 =	sadd.s32 @!p0 $0x800, s30;
	[sflag:s0] =	ssyncadd.s32 @!p0 $0xFFFFF800  }
0xd7: {  	s0 =	stileid.u32;
	s5 =	sadd.s32 $0x1, s5  }
0xd8: {  	[bflag:$0x0] =	sbarrier.arrive $0xFFFF;
	s0 =	sshll.u32 s0, $0x6;
	p0 =	sne.s32 s5, s17  }
.Ltmp2:
0xd9: {  	s2 =	sshrl.u32 s8, $0x3;
	s0 =	sor.u32 $0x1C06, s0;
	(pc) =	sbr.rel @p0 .LBB2_1-.Ltmp2, $4  }
0xda: {  	[hbm:s16], [sflag:s0] =	dma.local [spmem:s2], $0x2800  }
0xdb: {  	_ =	swait.ge [sflag:s19], $0x2800  }
0xdc: {  	[sflag:s19] =	ssyncset.done $0x0  }
0xdd: {  	[sflag:s19] =	ssyncadd.s32 $0xFFFFD800  }
0xde: {  	_ =	sfence.sel $0x180000  }
0xdf: {  	[bflag:$0x0] =	sbarrier.arrive $0xFFFF  }
0xe0: {  	_ =	strace $0x9000004A  }
0xe1: {  	s0 =	stileid.u32;
	[bflag:$0x2] =	sbarrier.arrive $0xFFFF  }
0xe2: {  	p0 =	sne.s32 s0, $0x0;
	s0 =	rddreg [dreg:$0x4]  }
0xe3: {  	s0 =	sadd.s32 @!p0 $0x100000, s0  }
0xe4: {  	[sflag:s0] =	ssyncadd.tile.s32 @!p0 $0x1;
	_ =	shalt  }
.Lfunc_end2:
_tile_overlayer_lowered:
.L_overlay_start_2:
0xe5: {  	(tag) =	ssettag $0x2  }
0xe6: {  	s0 =	rddreg [dreg:$0x0];
	s2 =	stileid.u32  }
0xe7: {  	s1 =	rddreg [dreg:$0x1];
	p0 =	sne.s32 s2, $0x0  }
0xe8: {  	s3 =	rddreg [dreg:$0x2];
	[bflag:$0x3] =	sbarrier.arrive $0xFFFF;
	s2 =	simm.s32 @!p0 $0x1C06  }
0xe9: {  	[timem:s3], [sflag:s2] =	dma.local @!p0 [hbm:s0], s1  }
0xea: {  	s0 =	simm.s32 @!p0 $0x6  }
0xeb: {  	_ =	swait.ge @!p0 [sflag:s0], s1  }
0xec: {  	s1 =	ssub.s32 @!p0 $0x0, s1;
	[sflag:s0] =	ssyncset.done @!p0 $0x0  }
0xed: {  	[sflag:s0] =	ssyncadd.s32 @!p0 s1  }
0xee: {  	[bflag:$0x3] =	sbarrier.arrive $0xFFFF  }
0xef: {  	_ =	shalt  }

// kernel: kernel.18.cloned.1.call-start
scs
__scs_entry_jumppad:
0x0: {  	(pc) =	sbr.rel $0x88, $3  }
0x1: {  	(tag) =	ssettag $0x0;
	lr =	simm.s32 $0x1  }
0x2: {  	[smem:$0x3F99] =	sst lr;
	_ =	strace $0xD0000000  }
0x3: {  	_ = 	snop  }
0x4: {  	_ = 	snop  }
0x5: {  	_ = 	snop  }
0x6: {  	_ = 	snop  }
0x7: {  	_ = 	snop  }
__scs_overlays_trampoline_lowered:
0x8: {  	[smem:$0x3FA8] =	sst s0  }
0x9: {  	[smem:$0x3FA9] =	sst s1  }
0xa: {  	[smem:$0x3FAA] =	sst s2  }
0xb: {  	[smem:$0x3FAB] =	sst s3  }
0xc: {  	[smem:$0x3FAC] =	sst s4  }
0xd: {  	[smem:$0x3FAD] =	sst s5  }
0xe: {  	[smem:$0x3FAE] =	sst s6  }
0xf: {  	[smem:$0x3FAF] =	sst s7  }
0x10: {  	[smem:$0x3FB0] =	sst s8  }
0x11: {  	[smem:$0x3FB1] =	sst s9;
	s0 =	simm.s32 @!p0 $0x0  }
0x12: {  	s1 =	sld [smem:$0x3F97];
	s0 =	simm.s32 @p0 $0x1  }
0x13: {  	[smem:$0x3FB2] =	sst s0;
	s0 =	simm.s32 @!p1 $0x0  }
0x14: {  	s2 =	sld [smem:$0x3F96];
	s0 =	simm.s32 @p1 $0x1  }
0x15: {  	[smem:$0x3FB3] =	sst s0;
	s0 =	simm.s32 @!p2 $0x0  }
0x16: {  	s3 =	sld [smem:$0x3FDB];
	s0 =	simm.s32 @p2 $0x1  }
0x17: {  	s4 =	simm.s32 $0x1BF5;
	[smem:$0x3FB5] =	sst s0  }
0x18: {  	s0 =	sld [smem:$0x3F98];
	_ =	swait.ge [sflag:s4], $0x0  }
0x19: {  	s7 =	sld [smem:$0x3F99]  }
0x1a: {  	s8 =	sadd.s32 $0xFFFFE003, lr  }
0x1b: {  	s9 =	sadd.s32 $0xFFFFFEF7, lr;
	s5 =	simm.s32 $0xFFFFFFFF;
	p2 =	slt.u32 s8, $0xFFFFF086  }
0x1c: {  	p1 =	slt.u32 s9, $0xF7A;
	s5 =	simm.s32 @!p2 $0x0  }
0x1d: {  	s5 =	simm.s32 @p1 $0x1;
	p0 =	seq.s32 s7, s2  }
0x1e: {  	s7 =	smul.u32 @!p0 $0xF7A, s2;
	p2 =	seq.s32 @!p0 s5, $0x0  }
0x1f: {  	s9 =	smul.u32 $0xF7A, s1;
	s8 =	simm.s32 @!p0 $0x1BF5;
	p2 =	por !p2, p0  }
0x20: {  	[sflag:s8] =	ssyncset.s32 @!p0 $0xFFFFF086;
	s6 =	sadd.s32 @!p0 s3, s7;
	s7 =	simm.s32 @!p0 $0x108  }
0x21: {  	s3 =	sadd.s32 s3, s9;
	s6 =	sadd.s32 @!p0 $0x88, s6;
	s7 =	simm.s32 @p2 $0x1082  }
0x22: {  	[simem:s7], [sflag:s8] =	dma.local @!p0 [hbm:s6], $0xF7A  }
0x23: {  	s9 =	sor.u32 $0xD0000000, s2;
	s6 =	simm.s32 $0x108;
	_ =	swait.ge @!p0 [sflag:s8], $0x0  }
0x24: {  	s3 =	sadd.s32 $0x88, s3;
	s6 =	simm.s32 @!p1 $0x1082;
	[sflag:s4] =	ssyncset.s32 $0xFFFFF086  }
0x25: {  	[simem:s6], [sflag:s4] =	dma.local [hbm:s3], $0xF7A  }
0x26: {  	[smem:$0x3F99] =	sst s1;
	(tag) =	ssettag s2;
	_ =	strace s9  }
0x27: {  	s1 =	sld [smem:$0x3FA9]  }
0x28: {  	s2 =	sld [smem:$0x3FAA]  }
0x29: {  	s4 =	sld [smem:$0x3FAC]  }
0x2a: {  	p0 =	seq.s32 s5, $0x0;
	s5 =	sld [smem:$0x3FAD]  }
0x2b: {  	s6 =	sld [smem:$0x3FAE]  }
0x2c: {  	s7 =	sld [smem:$0x3FAF]  }
0x2d: {  	s3 =	simm.s32 $0x108;
	s8 =	sld [smem:$0x3FB0]  }
0x2e: {  	s3 =	simm.s32 @!p0 $0x1082;
	s9 =	sld [smem:$0x3FB1]  }
0x2f: {  	lr =	sadd.s32 s0, s3;
	s0 =	sld [smem:$0x3FA8]  }
0x30: {  	s3 =	sld [smem:$0x3FAB]  }
0x31: {  	[smem:$0x3FB4] =	sst s10  }
0x32: {  	s10 =	sld [smem:$0x3FB2];
	_ =	sdelay $0x3  }
0x33: {  	p0 =	seq.s32 s10, $0x1;
	s10 =	sld [smem:$0x3FB4];
	_ =	sdelay $0x3  }
0x34: {  	[smem:$0x3FB4] =	sst s10  }
0x35: {  	s10 =	sld [smem:$0x3FB3];
	_ =	sdelay $0x3  }
0x36: {  	p1 =	seq.s32 s10, $0x1;
	s10 =	sld [smem:$0x3FB4];
	_ =	sdelay $0x3  }
0x37: {  	[smem:$0x3FB4] =	sst s10  }
0x38: {  	s10 =	sld [smem:$0x3FB5]  }
0x39: {  	_ = 	snop;
	(pc) =	sbr.ind lr, $3  }
0x3a: {  	_ = 	snop  }
0x3b: {  	_ = 	snop  }
0x3c: {  	p2 =	seq.s32 s10, $0x1;
	s10 =	sld [smem:$0x3FB4]  }
0x3d: {  	_ =	shalt  }
0x3e: {  	_ =	shalt  }
0x3f: {  	_ =	shalt  }
0x40: {  	_ =	shalt  }
0x41: {  	_ =	shalt  }
0x42: {  	_ =	shalt  }
0x43: {  	_ =	shalt  }
0x44: {  	_ =	shalt  }
0x45: {  	_ =	shalt  }
0x46: {  	_ =	shalt  }
0x47: {  	_ =	shalt  }
0x48: {  	_ =	shalt  }
0x49: {  	_ =	shalt  }
0x4a: {  	_ =	shalt  }
0x4b: {  	_ =	shalt  }
0x4c: {  	_ =	shalt  }
0x4d: {  	_ =	shalt  }
0x4e: {  	_ =	shalt  }
0x4f: {  	_ =	shalt  }
0x50: {  	_ =	shalt  }
0x51: {  	_ =	shalt  }
0x52: {  	_ =	shalt  }
0x53: {  	_ =	shalt  }
0x54: {  	_ =	shalt  }
0x55: {  	_ =	shalt  }
0x56: {  	_ =	shalt  }
0x57: {  	_ =	shalt  }
0x58: {  	_ =	shalt  }
0x59: {  	_ =	shalt  }
0x5a: {  	_ =	shalt  }
0x5b: {  	_ =	shalt  }
0x5c: {  	_ =	shalt  }
0x5d: {  	_ =	shalt  }
0x5e: {  	_ =	shalt  }
0x5f: {  	_ =	shalt  }
0x60: {  	_ =	shalt  }
0x61: {  	_ =	shalt  }
0x62: {  	_ =	shalt  }
0x63: {  	_ =	shalt  }
0x64: {  	_ =	shalt  }
0x65: {  	_ =	shalt  }
0x66: {  	_ =	shalt  }
0x67: {  	_ =	shalt  }
0x68: {  	_ =	shalt  }
0x69: {  	_ =	shalt  }
0x6a: {  	_ =	shalt  }
0x6b: {  	_ =	shalt  }
0x6c: {  	_ =	shalt  }
0x6d: {  	_ =	shalt  }
0x6e: {  	_ =	shalt  }
0x6f: {  	_ =	shalt  }
0x70: {  	_ =	shalt  }
0x71: {  	_ =	shalt  }
0x72: {  	_ =	shalt  }
0x73: {  	_ =	shalt  }
0x74: {  	_ =	shalt  }
0x75: {  	_ =	shalt  }
0x76: {  	_ =	shalt  }
0x77: {  	_ =	shalt  }
0x78: {  	_ =	shalt  }
0x79: {  	_ =	shalt  }
0x7a: {  	_ =	shalt  }
0x7b: {  	_ =	shalt  }
0x7c: {  	_ =	shalt  }
0x7d: {  	_ =	shalt  }
0x7e: {  	_ =	shalt  }
0x7f: {  	_ =	shalt  }
0x80: {  	_ =	shalt  }
0x81: {  	_ =	shalt  }
0x82: {  	_ =	shalt  }
0x83: {  	_ =	shalt  }
0x84: {  	_ =	shalt  }
0x85: {  	_ =	shalt  }
0x86: {  	_ =	shalt  }
0x87: {  	_ =	shalt  }
.Lfunc_end0:
.L_simem_size_0:
called_computation.2_lowered:
.L_overlay_start_0:
0x88: {  	s2 =	sld [smem:$0x3FD9]  }
0x89: {  	s3 =	sld [smem:$0x3FFE];
	_ =	sdelay $0x1  }
0x8a: {  	s1 =	srdreg.scid  }
0x8b: {  	s0 =	sand.u32 $0x1, s1  }
0x8c: {  	s14 =	sshll.u32 s0, $0xA;
	s2 =	sadd.s32 s3, s2  }
0x8d: {  	s2 =	sadd.s32 s2, s14  }
0x8e: {  	[smem:$0x3FC0] =	sst s2  }
0x8f: {  	_ = 	snop  }
0x90: {  	s2 =	sld [smem:$0x3FD0];
	_ =	sdelay $0x2  }
0x91: {  	s15 =	simm.s32 $0xA;
	s4 =	simm.s32 $0x10  }
0x92: {  	[smem:s4], [sflag:s15] =	dma.local [hbm:s2], $0x1  }
0x93: {  	_ =	swait.eq [sflag:s15], $0x1  }
0x94: {  	[sflag:s15] =	ssyncset.done $0x0  }
0x95: {  	s16 =	sld [smem:$0x10];
	[sflag:s15] =	ssyncadd.s32 $0xFFFFFFFF  }
0x96: {  	s17 =	sld [smem:$0x12];
	(tm) =	ssettm $0x1  }
0x97: {  	s18 =	sld [smem:$0x3FFB];
	_ =	sdelay $0x3  }
0x98: {  	_ =	strace s18  }
0x99: {  	s4 =	sld [smem:$0x3FFC];
	_ =	sdelay $0x3  }
0x9a: {  	_ =	strace s4  }
0x9b: {  	s4 =	sld [smem:$0x3FFD];
	_ =	sdelay $0x3  }
0x9c: {  	_ =	strace s4  }
0x9d: {  	_ =	strace $0x8FFFFFFF  }
0x9e: {  	s19 =	sld [smem:$0x3FDB];
	_ =	sdelay $0x1  }
0x9f: {  	s5 =	simm.s32 $_scs_section_size  }
0xa0: {  	s6 =	simm.s32 $_size__tile_overlayer_lowered;
	s7 =	simm.s32 $_tile_overlayer_lowered  }
0xa1: {  	s22 =	simm.s32 $0x1BFF;
	s21 =	sshll.u32 s7, $0x1;
	s4 =	sadd.s32 s5, s19  }
0xa2: {  	s8 =	simm.s32 $0x0;
	s20 =	sshll.u32 s6, $0x1;
	s6 =	sadd.s32 s21, s4  }
0xa3: {  	[timem:s8], [sflag:s22] =	dma.local [hbm:s6], s20  }
0xa4: {  	_ =	swait.ge [sflag:s22], s20  }
0xa5: {  	s5 =	ssub.s32 $0x0, s20;
	[sflag:s22] =	ssyncset.done $0x0  }
0xa6: {  	[sflag:s22] =	ssyncadd.s32 s5;
	_ =	sdelay $0x1  }
0xa7: {  	s23 =	simm.s32 $0x1B8B  }
0xa8: {  	_ =	swait.ge [sflag:s23], $0x1  }
0xa9: {  	[sflag:s23] =	ssyncset.done $0x0  }
0xaa: {  	s25 =	simm.s32 $0x1B8E;
	s24 =	sld [smem:$0x3FFE];
	[sflag:s23] =	ssyncadd.s32 $0xFFFFFFFF  }
0xab: {  	s26 =	simm.s32 $execute0_lowered;
	[smem:$0x3FD2] =	sst s25  }
0xac: {  	s6 =	sshll.u32 s26, $0x1;
	_ =	strace $0x8000004C;
	[dreg:$0x1] =	wrdreg $0xFFFFFFFF  }
0xad: {  	s28 =	simm.s32 $_size_execute0_lowered;
	s4 =	sadd.s32 s4, s6;
	[dreg:$0x0] =	wrdreg $0x0  }
0xae: {  	s6 =	sshll.u32 s28, $0x1;
	[dreg:$0x2] =	wrdreg s4  }
0xaf: {  	[dreg:$0x3] =	wrdreg s6  }
0xb0: {  	[dreg:$0x4] =	wrdreg $0xC0  }
0xb1: {  	_ =	task [dreg:s8], $0x5FFFF  }
0xb2: {  	[dreg:$0x1] =	wrdreg $0xFFFFFFFF  }
0xb3: {  	[dreg:$0x0] =	wrdreg $0x60  }
0xb4: {  	[dreg:$0x2] =	wrdreg s24  }
0xb5: {  	[dreg:$0x3] =	wrdreg s17  }
0xb6: {  	[dreg:$0x4] =	wrdreg s16  }
0xb7: {  	[dreg:$0x5] =	wrdreg $0xA0000  }
0xb8: {  	[dreg:$0x6] =	wrdreg $0x9  }
0xb9: {  	_ =	task.clear_ibuf [dreg:s8], $0x7FFFF;
	_ =	strace $0x9000004C  }
0xba: {  	s29 =	simm.s32 $0x9;
	_ =	strace $0x8000004E  }
0xbb: {  	_ =	swait.ge [sflag:s29], $0x1  }
0xbc: {  	[sflag:s29] =	ssyncadd.s32 $0xFFFFFFFF  }
0xbd: {  	_ =	strace $0x9000004E  }
0xbe: {  	_ =	sfence  }
0xbf: {  	s30 =	sld [smem:$0x0];
	_ =	sdelay $0x2  }
0xc0: {  	s31 =	sshll.u32 s1, $0xD;
	s1 =	sshrl.u32 s1, $0x2  }
0xc1: {  	s3 =	sand.u32 $0x4000, s31;
	s1 =	sadd.s32 s1, s30  }
0xc2: {  	s0 =	sor.u32 s3, s0;
	s1 =	sshll.u32 s1, $0x11  }
0xc3: {  	s0 =	sor.u32 s1, s0  }
0xc4: {  	s0 =	sadd.s32 $0x8F2B, s0  }
0xc5: {  	[sflag:s0] =	ssyncadd.remote.s32 $0x1  }
0xc6: {  	_ =	sfence.sel $0xFFFF  }
0xc7: {  	[dreg:$0x0] =	wrdreg $0xFFFFFFFF;
	(pc) =	sbr.abs _section_cstart, $3  }
0xc8: {  	[dreg:$0x1] =	wrdreg $0xFFFFFFFF  }
0xc9: {  	_ =	task.clear_ibuf [dreg:s8], $0x2FFFF;
	_ =	strace $0x9FFFFFFF  }
0xca: {  	(tm) =	ssettm $0x7FFFFFFF  }
0xcb: {  	_ =	shalt  }
tec
execute0_lowered:
.L_overlay_start_1:
0x0: {  	(tag) =	ssettag $0x1  }
0x1: {  	s9 =	rddreg [dreg:$0x0]  }
0x2: {  	s1 =	rddreg [dreg:$0x1]  }
0x3: {  	s3 =	rddreg [dreg:$0x2]  }
0x4: {  	s2 =	srdreg.scid;
	s0 =	stileid.u32  }
0x5: {  	s4 =	rddreg [dreg:$0x3];
	s5 =	simm.s32 $0x0;
	s18 =	simm.s32 $0x2000  }
0x6: {  	s19 =	simm.s32 $0x6;
	s21 =	simm.s32 $0x5;
	s22 =	simm.s32 $0x80  }
0x7: {  	s23 =	simm.s32 $0x6000;
	s24 =	simm.s32 $0x1;
	s8 =	smul.u32 $0x2800, s0  }
0x8: {  	s25 =	simm.s32 $0x3;
	s26 =	simm.s32 $0x2;
	s11 =	smul.u32 $0x50000, s0  }
0x9: {  	s28 =	simm.s32 $0x4;
	s7 =	sand.u32 $0x1, s2;
	s13 =	smul.u32 $0x5000, s0  }
0xa: {  	[smem:$0x7FF] =	sst s5;
	s6 =	sadd.s32 $0x3800, s9;
	s10 =	smul.u32 $0x28000, s7  }
0xb: {  	_ =	strace $0x8000004D;
	s12 =	ssub.s32 $0x2, s7;
	s7 =	smul.u32 $0x50000, s7  }
0xc: {  	s30 =	sshrl.u32 s11, $0x2;
	s31 =	sshrl.u32 s12, $0x1;
	s15 =	sshrl.u32 s13, $0x3  }
0xd: {  	s10 =	sadd.s32 s8, s10;
	s8 =	sadd.s32 s30, s4;
	s17 =	ssub.s32 s12, s31  }
0xe: {  	s14 =	sadd.s32 s13, s7;
	s13 =	sshll.u32 s0, $0x1;
	s15 =	sadd.s32 s3, s15  }
0xf: {  	s16 =	sadd.s32 s10, s9;
	s9 =	sadd.s32 $0x4000, s8;
	s10 =	sadd.s32 $0x8000, s8  }
0x10: {  	s11 =	sadd.s32 $0xC000, s8;
	s12 =	sadd.s32 $0x10000, s8;
	s14 =	sshrl.u32 s14, $0x3  }
0x11: {  	v0 =	vimm.f32 $0.0e+00;
	s17 =	smax.u32 s17, $0x1;
	s14 =	sadd.s32 s1, s14;
	s16 =	sadd.s32 $0x53800, s16  }
.LBB2_1:
0x12: {  	s29 =	simm.s32 $0x0;
	s30 =	simm.s32 $0x200  }
.LBB2_2:
0x13: {  	p0 =	sne.s32 s30, $0xFE00;
	[tilespmem:s29+$0x2070] =	vst v0  }
0x14: {  	[tilespmem:s29+$0x2000] =	vst v0  }
0x15: {  	[tilespmem:s29+$0x2010] =	vst v0  }
.Ltmp0:
0x16: {  	[tilespmem:s29+$0x2020] =	vst v0;
	(pc) =	sbr.rel @p0 .LBB2_2-.Ltmp0, $4  }
0x17: {  	[tilespmem:s29+$0x2030] =	vst v0  }
0x18: {  	[tilespmem:s29+$0x2040] =	vst v0  }
0x19: {  	[tilespmem:s29+$0x2050] =	vst v0  }
0x1a: {  	[tilespmem:s29+$0x2060] =	vst v0;
	s29 =	sshra.s32 s30, $0x2;
	s30 =	sadd.s32 $0x200, s30  }
0x1b: {  	[tilespmem:s29+$0x2070] =	vst v0  }
0x1c: {  	[tilespmem:s29+$0x2000] =	vst v0  }
0x1d: {  	[tilespmem:s29+$0x2010] =	vst v0  }
0x1e: {  	[tilespmem:s29+$0x2020] =	vst v0  }
0x1f: {  	[tilespmem:s29+$0x2030] =	vst v0  }
0x20: {  	[tilespmem:s29+$0x2040] =	vst v0  }
0x21: {  	[tilespmem:s29+$0x2050] =	vst v0  }
0x22: {  	[tilespmem:s29+$0x2060] =	vst v0  }
0x23: {  	[spmem:s8] =	stream.linear.scatter [tilespmem:s18], [sflag:$0x6], $0x4000, $0x38;
	[tilespmem:$0x1E000] =	vst v63  }
0x24: {  	_ =	swait.ge [sflag:s19], $0x4000  }
0x25: {  	[sflag:s19] =	ssyncset.done $0x0  }
0x26: {  	[sflag:s19] =	ssyncadd.s32 $0xFFFFC000  }
0x27: {  	[spmem:s9] =	stream.linear.scatter [tilespmem:s18], [sflag:$0x6], $0x4000, $0x38;
	[tilespmem:$0x1E000] =	vst v63  }
0x28: {  	_ =	swait.ge [sflag:s19], $0x4000  }
0x29: {  	[sflag:s19] =	ssyncset.done $0x0  }
0x2a: {  	[sflag:s19] =	ssyncadd.s32 $0xFFFFC000  }
0x2b: {  	[spmem:s10] =	stream.linear.scatter [tilespmem:s18], [sflag:$0x6], $0x4000, $0x38;
	[tilespmem:$0x1E000] =	vst v63  }
0x2c: {  	_ =	swait.ge [sflag:s19], $0x4000  }
0x2d: {  	[sflag:s19] =	ssyncset.done $0x0  }
0x2e: {  	[sflag:s19] =	ssyncadd.s32 $0xFFFFC000  }
0x2f: {  	[spmem:s11] =	stream.linear.scatter [tilespmem:s18], [sflag:$0x6], $0x4000, $0x38;
	[tilespmem:$0x1E000] =	vst v63  }
0x30: {  	_ =	swait.ge [sflag:s19], $0x4000  }
0x31: {  	[sflag:s19] =	ssyncset.done $0x0  }
0x32: {  	[sflag:s19] =	ssyncadd.s32 $0xFFFFC000  }
0x33: {  	[spmem:s12] =	stream.linear.scatter [tilespmem:s18], [sflag:$0x6], $0x4000, $0x38;
	[tilespmem:$0x1E000] =	vst v63  }
0x34: {  	_ =	swait.ge [sflag:s19], $0x4000  }
0x35: {  	[sflag:s19] =	ssyncset.done $0x0  }
0x36: {  	[sflag:s19] =	ssyncadd.s32 $0xFFFFC000  }
0x37: {  	s20 =	simm.s32 $0x0;
	[bflag:$0x0] =	sbarrier.arrive $0xFFFF  }
0x38: {  	[tilespmem:s20], [sflag:$0x5] =	stream.linear.gather [hbm4b:s14+s20], $0x800, $0x38;
	[tilespmem:$0x1E000] =	vst v63  }
0x39: {  	s0 =	simm.s32 $0x1000  }
0x3a: {  	[tilespmem:s0], [sflag:$0x5] =	stream.linear.gather [hbm4b:s15+s20], $0x800, $0x38;
	[tilespmem:$0x1E000] =	vst v63  }
0x3b: {  	_ =	swait.ge [sflag:s21], $0x800  }
0x3c: {  	[sflag:s21] =	ssyncset.done $0x0  }
0x3d: {  	[sflag:s21] =	ssyncadd.s32 $0xFFFFF800  }
0x3e: {  	_ =	swait.ge [sflag:s21], $0x800  }
0x3f: {  	[sflag:s21] =	ssyncset.done $0x0  }
0x40: {  	s30 =	simm.s32 $0x0;
	[sflag:s21] =	ssyncadd.s32 $0xFFFFF800  }
.LBB2_4:
0x41: {  	p0 =	seq.s32 s20, $0x9  }
0x42: {  	s31 =	smov.u32 s20;
	p1 =	sgt.u32 @!p0 s20, $0x3  }
0x43: {  	s2 =	simm.s32 @!p0 $0x1;
	s20 =	sadd.s32 $0x1, s20;
	p1 =	por !p1, p0  }
0x44: {  	s29 =	smov.u32 s20;
	s2 =	simm.s32 @p1 $0x0;
	p1 =	slt.u32 @!p0 s31, $0x4  }
0x45: {  	s31 =	sadd.s32 @!p0 $0xFFFFFFFC, s31;
	s2 =	sor.u32 @!p0 s2, s13;
	p1 =	por !p1, p0  }
0x46: {  	s2 =	smul.u32 @!p0 $0x2800, s2;
	s29 =	smov.u32 @p1 s31  }
0x47: {  	s29 =	sshll.u32 @!p0 s29, $0xB  }
0x48: {  	s2 =	sadd.s32 @!p0 s29, s2  }
0x49: {  	s29 =	sadd.s32 @!p0 s7, s2  }
0x4a: {  	s0 =	simm.s32 @!p0 $0x0;
	s31 =	sxor.u32 @!p0 $0xFFFFFFFF, s30;
	s29 =	sshrl.u32 @!p0 s29, $0x3  }
0x4b: {  	s31 =	sand.u32 @!p0 $0x800, s31;
	s2 =	sshrl.u32 @!p0 s2, $0x3;
	s29 =	sadd.s32 @!p0 s1, s29  }
0x4c: {  	[tilespmem:s31], [sflag:$0x5] =	stream.linear.gather @!p0 [hbm4b:s29+s0], $0x800, $0x38;
	[tilespmem:$0x1E000] =	vst v63  }
0x4d: {  	s2 =	sadd.s32 @!p0 s3, s2;
	s29 =	sor.u32 @!p0 $0x1000, s31  }
0x4e: {  	[tilespmem:s29], [sflag:$0x5] =	stream.linear.gather @!p0 [hbm4b:s2+s0], $0x800, $0x38;
	[tilespmem:$0x1E000] =	vst v63  }
0x4f: {  	s31 =	sand.u32 $0x800, s30  }
0x50: {  	[tilespmem:s18], [sflag:$0x1] =	stream.indirect.gather [hbm4b:s6+s22], $0x80, s31, s22, $0xb8;
	[tilespmem:$0x1E000] =	vst v63  }
0x51: {  	s2 =	sor.u32 $0x80, s31  }
0x52: {  	[tilespmem:s23], [sflag:$0x2] =	stream.indirect.gather [hbm4b:s6+s22], $0x80, s2, s22, $0xb8;
	[tilespmem:$0x1E000] =	vst v63  }
0x53: {  	_ =	swait.ge [sflag:s24], $0x4000  }
0x54: {  	[sflag:s24] =	ssyncset.done $0x0  }
0x55: {  	s29 =	sor.u32 $0x1000, s31;
	[sflag:s24] =	ssyncadd.s32 $0xFFFFC000  }
0x56: {  	[spmem:s4] =	stream.indirect.scatter.add.f32 [tilespmem:s18], [sflag:$0x3], $0x80, s29, s22, $0xb8;
	[tilespmem:$0x1E000] =	vst v63  }
0x57: {  	_ =	swait.ge [sflag:s25], $0x4000  }
0x58: {  	[sflag:s25] =	ssyncset.done $0x0  }
0x59: {  	s2 =	sor.u32 $0x100, s31;
	[sflag:s25] =	ssyncadd.s32 $0xFFFFC000  }
0x5a: {  	[tilespmem:s18], [sflag:$0x1] =	stream.indirect.gather [hbm4b:s6+s22], $0x80, s2, s22, $0xb8;
	[tilespmem:$0x1E000] =	vst v63  }
0x5b: {  	_ =	swait.ge [sflag:s26], $0x4000  }
0x5c: {  	[sflag:s26] =	ssyncset.done $0x0  }
0x5d: {  	s29 =	sor.u32 $0x1080, s31;
	[sflag:s26] =	ssyncadd.s32 $0xFFFFC000  }
0x5e: {  	[spmem:s4] =	stream.indirect.scatter.add.f32 [tilespmem:s23], [sflag:$0x4], $0x80, s29, s22, $0xb8;
	[tilespmem:$0x1E000] =	vst v63  }
0x5f: {  	_ =	swait.ge [sflag:s28], $0x4000  }
0x60: {  	[sflag:s28] =	ssyncset.done $0x0  }
0x61: {  	s2 =	sor.u32 $0x180, s31;
	[sflag:s28] =	ssyncadd.s32 $0xFFFFC000  }
0x62: {  	[tilespmem:s23], [sflag:$0x2] =	stream.indirect.gather [hbm4b:s6+s22], $0x80, s2, s22, $0xb8;
	[tilespmem:$0x1E000] =	vst v63  }
0x63: {  	_ =	swait.ge [sflag:s24], $0x4000  }
0x64: {  	[sflag:s24] =	ssyncset.done $0x0  }
0x65: {  	s29 =	sor.u32 $0x1100, s31;
	[sflag:s24] =	ssyncadd.s32 $0xFFFFC000  }
0x66: {  	[spmem:s4] =	stream.indirect.scatter.add.f32 [tilespmem:s18], [sflag:$0x3], $0x80, s29, s22, $0xb8;
	[tilespmem:$0x1E000] =	vst v63  }
0x67: {  	_ =	swait.ge [sflag:s25], $0x4000  }
0x68: {  	[sflag:s25] =	ssyncset.done $0x0  }
0x69: {  	s2 =	sor.u32 $0x200, s31;
	[sflag:s25] =	ssyncadd.s32 $0xFFFFC000  }
0x6a: {  	[tilespmem:s18], [sflag:$0x1] =	stream.indirect.gather [hbm4b:s6+s22], $0x80, s2, s22, $0xb8;
	[tilespmem:$0x1E000] =	vst v63  }
0x6b: {  	_ =	swait.ge [sflag:s26], $0x4000  }
0x6c: {  	[sflag:s26] =	ssyncset.done $0x0  }
0x6d: {  	s29 =	sor.u32 $0x1180, s31;
	[sflag:s26] =	ssyncadd.s32 $0xFFFFC000  }
0x6e: {  	[spmem:s4] =	stream.indirect.scatter.add.f32 [tilespmem:s23], [sflag:$0x4], $0x80, s29, s22, $0xb8;
	[tilespmem:$0x1E000] =	vst v63  }
0x6f: {  	_ =	swait.ge [sflag:s28], $0x4000  }
0x70: {  	[sflag:s28] =	ssyncset.done $0x0  }
0x71: {  	s2 =	sor.u32 $0x280, s31;
	[sflag:s28] =	ssyncadd.s32 $0xFFFFC000  }
0x72: {  	[tilespmem:s23], [sflag:$0x2] =	stream.indirect.gather [hbm4b:s6+s22], $0x80, s2, s22, $0xb8;
	[tilespmem:$0x1E000] =	vst v63  }
0x73: {  	_ =	swait.ge [sflag:s24], $0x4000  }
0x74: {  	[sflag:s24] =	ssyncset.done $0x0  }
0x75: {  	s29 =	sor.u32 $0x1200, s31;
	[sflag:s24] =	ssyncadd.s32 $0xFFFFC000  }
0x76: {  	[spmem:s4] =	stream.indirect.scatter.add.f32 [tilespmem:s18], [sflag:$0x3], $0x80, s29, s22, $0xb8;
	[tilespmem:$0x1E000] =	vst v63  }
0x77: {  	_ =	swait.ge [sflag:s25], $0x4000  }
0x78: {  	[sflag:s25] =	ssyncset.done $0x0  }
0x79: {  	s2 =	sor.u32 $0x300, s31;
	[sflag:s25] =	ssyncadd.s32 $0xFFFFC000  }
0x7a: {  	[tilespmem:s18], [sflag:$0x1] =	stream.indirect.gather [hbm4b:s6+s22], $0x80, s2, s22, $0xb8;
	[tilespmem:$0x1E000] =	vst v63  }
0x7b: {  	_ =	swait.ge [sflag:s26], $0x4000  }
0x7c: {  	[sflag:s26] =	ssyncset.done $0x0  }
0x7d: {  	s29 =	sor.u32 $0x1280, s31;
	[sflag:s26] =	ssyncadd.s32 $0xFFFFC000  }
0x7e: {  	[spmem:s4] =	stream.indirect.scatter.add.f32 [tilespmem:s23], [sflag:$0x4], $0x80, s29, s22, $0xb8;
	[tilespmem:$0x1E000] =	vst v63  }
0x7f: {  	_ =	swait.ge [sflag:s28], $0x4000  }
0x80: {  	[sflag:s28] =	ssyncset.done $0x0  }
0x81: {  	s2 =	sor.u32 $0x380, s31;
	[sflag:s28] =	ssyncadd.s32 $0xFFFFC000  }
0x82: {  	[tilespmem:s23], [sflag:$0x2] =	stream.indirect.gather [hbm4b:s6+s22], $0x80, s2, s22, $0xb8;
	[tilespmem:$0x1E000] =	vst v63  }
0x83: {  	_ =	swait.ge [sflag:s24], $0x4000  }
0x84: {  	[sflag:s24] =	ssyncset.done $0x0  }
0x85: {  	s29 =	sor.u32 $0x1300, s31;
	[sflag:s24] =	ssyncadd.s32 $0xFFFFC000  }
0x86: {  	[spmem:s4] =	stream.indirect.scatter.add.f32 [tilespmem:s18], [sflag:$0x3], $0x80, s29, s22, $0xb8;
	[tilespmem:$0x1E000] =	vst v63  }
0x87: {  	_ =	swait.ge [sflag:s25], $0x4000  }
0x88: {  	[sflag:s25] =	ssyncset.done $0x0  }
0x89: {  	s2 =	sor.u32 $0x400, s31;
	[sflag:s25] =	ssyncadd.s32 $0xFFFFC000  }
0x8a: {  	[tilespmem:s18], [sflag:$0x1] =	stream.indirect.gather [hbm4b:s6+s22], $0x80, s2, s22, $0xb8;
	[tilespmem:$0x1E000] =	vst v63  }
0x8b: {  	_ =	swait.ge [sflag:s26], $0x4000  }
0x8c: {  	[sflag:s26] =	ssyncset.done $0x0  }
0x8d: {  	s29 =	sor.u32 $0x1380, s31;
	[sflag:s26] =	ssyncadd.s32 $0xFFFFC000  }
0x8e: {  	[spmem:s4] =	stream.indirect.scatter.add.f32 [tilespmem:s23], [sflag:$0x4], $0x80, s29, s22, $0xb8;
	[tilespmem:$0x1E000] =	vst v63  }
0x8f: {  	_ =	swait.ge [sflag:s28], $0x4000  }
0x90: {  	[sflag:s28] =	ssyncset.done $0x0  }
0x91: {  	s2 =	sor.u32 $0x480, s31;
	[sflag:s28] =	ssyncadd.s32 $0xFFFFC000  }
0x92: {  	[tilespmem:s23], [sflag:$0x2] =	stream.indirect.gather [hbm4b:s6+s22], $0x80, s2, s22, $0xb8;
	[tilespmem:$0x1E000] =	vst v63  }
0x93: {  	_ =	swait.ge [sflag:s24], $0x4000  }
0x94: {  	[sflag:s24] =	ssyncset.done $0x0  }
0x95: {  	s29 =	sor.u32 $0x1400, s31;
	[sflag:s24] =	ssyncadd.s32 $0xFFFFC000  }
0x96: {  	[spmem:s4] =	stream.indirect.scatter.add.f32 [tilespmem:s18], [sflag:$0x3], $0x80, s29, s22, $0xb8;
	[tilespmem:$0x1E000] =	vst v63  }
0x97: {  	_ =	swait.ge [sflag:s25], $0x4000  }
0x98: {  	[sflag:s25] =	ssyncset.done $0x0  }
0x99: {  	s2 =	sor.u32 $0x500, s31;
	[sflag:s25] =	ssyncadd.s32 $0xFFFFC000  }
0x9a: {  	[tilespmem:s18], [sflag:$0x1] =	stream.indirect.gather [hbm4b:s6+s22], $0x80, s2, s22, $0xb8;
	[tilespmem:$0x1E000] =	vst v63  }
0x9b: {  	_ =	swait.ge [sflag:s26], $0x4000  }
0x9c: {  	[sflag:s26] =	ssyncset.done $0x0  }
0x9d: {  	s29 =	sor.u32 $0x1480, s31;
	[sflag:s26] =	ssyncadd.s32 $0xFFFFC000  }
0x9e: {  	[spmem:s4] =	stream.indirect.scatter.add.f32 [tilespmem:s23], [sflag:$0x4], $0x80, s29, s22, $0xb8;
	[tilespmem:$0x1E000] =	vst v63  }
0x9f: {  	_ =	swait.ge [sflag:s28], $0x4000  }
0xa0: {  	[sflag:s28] =	ssyncset.done $0x0  }
0xa1: {  	s2 =	sor.u32 $0x580, s31;
	[sflag:s28] =	ssyncadd.s32 $0xFFFFC000  }
0xa2: {  	[tilespmem:s23], [sflag:$0x2] =	stream.indirect.gather [hbm4b:s6+s22], $0x80, s2, s22, $0xb8;
	[tilespmem:$0x1E000] =	vst v63  }
0xa3: {  	_ =	swait.ge [sflag:s24], $0x4000  }
0xa4: {  	[sflag:s24] =	ssyncset.done $0x0  }
0xa5: {  	s29 =	sor.u32 $0x1500, s31;
	[sflag:s24] =	ssyncadd.s32 $0xFFFFC000  }
0xa6: {  	[spmem:s4] =	stream.indirect.scatter.add.f32 [tilespmem:s18], [sflag:$0x3], $0x80, s29, s22, $0xb8;
	[tilespmem:$0x1E000] =	vst v63  }
0xa7: {  	_ =	swait.ge [sflag:s25], $0x4000  }
0xa8: {  	[sflag:s25] =	ssyncset.done $0x0  }
0xa9: {  	s2 =	sor.u32 $0x600, s31;
	[sflag:s25] =	ssyncadd.s32 $0xFFFFC000  }
0xaa: {  	[tilespmem:s18], [sflag:$0x1] =	stream.indirect.gather [hbm4b:s6+s22], $0x80, s2, s22, $0xb8;
	[tilespmem:$0x1E000] =	vst v63  }
0xab: {  	_ =	swait.ge [sflag:s26], $0x4000  }
0xac: {  	[sflag:s26] =	ssyncset.done $0x0  }
0xad: {  	s29 =	sor.u32 $0x1580, s31;
	[sflag:s26] =	ssyncadd.s32 $0xFFFFC000  }
0xae: {  	[spmem:s4] =	stream.indirect.scatter.add.f32 [tilespmem:s23], [sflag:$0x4], $0x80, s29, s22, $0xb8;
	[tilespmem:$0x1E000] =	vst v63  }
0xaf: {  	_ =	swait.ge [sflag:s28], $0x4000  }
0xb0: {  	[sflag:s28] =	ssyncset.done $0x0  }
0xb1: {  	s2 =	sor.u32 $0x680, s31;
	[sflag:s28] =	ssyncadd.s32 $0xFFFFC000  }
0xb2: {  	[tilespmem:s23], [sflag:$0x2] =	stream.indirect.gather [hbm4b:s6+s22], $0x80, s2, s22, $0xb8;
	[tilespmem:$0x1E000] =	vst v63  }
0xb3: {  	_ =	swait.ge [sflag:s24], $0x4000  }
0xb4: {  	[sflag:s24] =	ssyncset.done $0x0  }
0xb5: {  	s29 =	sor.u32 $0x1600, s31;
	[sflag:s24] =	ssyncadd.s32 $0xFFFFC000  }
0xb6: {  	[spmem:s4] =	stream.indirect.scatter.add.f32 [tilespmem:s18], [sflag:$0x3], $0x80, s29, s22, $0xb8;
	[tilespmem:$0x1E000] =	vst v63  }
0xb7: {  	_ =	swait.ge [sflag:s25], $0x4000  }
0xb8: {  	[sflag:s25] =	ssyncset.done $0x0  }
0xb9: {  	s2 =	sor.u32 $0x700, s31;
	[sflag:s25] =	ssyncadd.s32 $0xFFFFC000  }
0xba: {  	[tilespmem:s18], [sflag:$0x1] =	stream.indirect.gather [hbm4b:s6+s22], $0x80, s2, s22, $0xb8;
	[tilespmem:$0x1E000] =	vst v63  }
0xbb: {  	_ =	swait.ge [sflag:s26], $0x4000  }
0xbc: {  	[sflag:s26] =	ssyncset.done $0x0  }
0xbd: {  	s29 =	sor.u32 $0x1680, s31;
	[sflag:s26] =	ssyncadd.s32 $0xFFFFC000  }
0xbe: {  	[spmem:s4] =	stream.indirect.scatter.add.f32 [tilespmem:s23], [sflag:$0x4], $0x80, s29, s22, $0xb8;
	[tilespmem:$0x1E000] =	vst v63  }
0xbf: {  	_ =	swait.ge [sflag:s28], $0x4000  }
0xc0: {  	[sflag:s28] =	ssyncset.done $0x0  }
0xc1: {  	s2 =	sor.u32 $0x780, s31;
	[sflag:s28] =	ssyncadd.s32 $0xFFFFC000  }
0xc2: {  	[tilespmem:s23], [sflag:$0x2] =	stream.indirect.gather [hbm4b:s6+s22], $0x80, s2, s22, $0xb8;
	[tilespmem:$0x1E000] =	vst v63  }
0xc3: {  	_ =	swait.ge [sflag:s24], $0x4000  }
0xc4: {  	[sflag:s24] =	ssyncset.done $0x0  }
0xc5: {  	s29 =	sor.u32 $0x1700, s31;
	[sflag:s24] =	ssyncadd.s32 $0xFFFFC000  }
0xc6: {  	[spmem:s4] =	stream.indirect.scatter.add.f32 [tilespmem:s18], [sflag:$0x3], $0x80, s29, s22, $0xb8;
	[tilespmem:$0x1E000] =	vst v63  }
0xc7: {  	_ =	swait.ge [sflag:s26], $0x4000  }
0xc8: {  	[sflag:s26] =	ssyncset.done $0x0  }
0xc9: {  	s31 =	sor.u32 $0x1780, s31;
	[sflag:s26] =	ssyncadd.s32 $0xFFFFC000  }
0xca: {  	[spmem:s4] =	stream.indirect.scatter.add.f32 [tilespmem:s23], [sflag:$0x4], $0x80, s31, s22, $0xb8;
	[tilespmem:$0x1E000] =	vst v63  }
0xcb: {  	_ =	swait.ge [sflag:s25], $0x4000  }
0xcc: {  	[sflag:s25] =	ssyncset.done $0x0  }
0xcd: {  	[sflag:s25] =	ssyncadd.s32 $0xFFFFC000  }
0xce: {  	_ =	swait.ge [sflag:s28], $0x4000  }
0xcf: {  	[sflag:s28] =	ssyncset.done $0x0  }
0xd0: {  	p1 =	sne.s32 @!p0 s20, $0xA;
	s0 =	simm.s32 @!p0 $0x5;
	[sflag:s28] =	ssyncadd.s32 $0xFFFFC000  }
0xd1: {  	p1 =	por p0, !p1;
	_ =	swait.ge @!p0 [sflag:s0], $0x800  }
.Ltmp1:
0xd2: {  	[sflag:s0] =	ssyncset.done @!p0 $0x0;
	(pc) =	sbr.rel @!p1 .LBB2_4-.Ltmp1, $4  }
0xd3: {  	[sflag:s0] =	ssyncadd.s32 @!p0 $0xFFFFF800  }
0xd4: {  	_ =	swait.ge @!p0 [sflag:s0], $0x800  }
0xd5: {  	[sflag:s0] =	ssyncset.done @!p0 $0x0  }
0xd6: {  	s30 =	sadd.s32 @!p0 $0x800, s30;
	[sflag:s0] =	ssyncadd.s32 @!p0 $0xFFFFF800  }
0xd7: {  	s0 =	stileid.u32;
	s5 =	sadd.s32 $0x1, s5  }
0xd8: {  	[bflag:$0x0] =	sbarrier.arrive $0xFFFF;
	s0 =	sshll.u32 s0, $0x6;
	p0 =	sne.s32 s5, s17  }
.Ltmp2:
0xd9: {  	s2 =	sshrl.u32 s8, $0x3;
	s0 =	sor.u32 $0x1C06, s0;
	(pc) =	sbr.rel @p0 .LBB2_1-.Ltmp2, $4  }
0xda: {  	[hbm:s16], [sflag:s0] =	dma.local [spmem:s2], $0x2800  }
0xdb: {  	_ =	swait.ge [sflag:s19], $0x2800  }
0xdc: {  	[sflag:s19] =	ssyncset.done $0x0  }
0xdd: {  	[sflag:s19] =	ssyncadd.s32 $0xFFFFD800  }
0xde: {  	_ =	sfence.sel $0x180000  }
0xdf: {  	[bflag:$0x0] =	sbarrier.arrive $0xFFFF  }
0xe0: {  	_ =	strace $0x9000004D  }
0xe1: {  	s0 =	stileid.u32;
	[bflag:$0x2] =	sbarrier.arrive $0xFFFF  }
0xe2: {  	p0 =	sne.s32 s0, $0x0;
	s0 =	rddreg [dreg:$0x4]  }
0xe3: {  	s0 =	sadd.s32 @!p0 $0x100000, s0  }
0xe4: {  	[sflag:s0] =	ssyncadd.tile.s32 @!p0 $0x1;
	_ =	shalt  }
.Lfunc_end2:
_tile_overlayer_lowered:
.L_overlay_start_2:
0xe5: {  	(tag) =	ssettag $0x2  }
0xe6: {  	s0 =	rddreg [dreg:$0x0];
	s2 =	stileid.u32  }
0xe7: {  	s1 =	rddreg [dreg:$0x1];
	p0 =	sne.s32 s2, $0x0  }
0xe8: {  	s3 =	rddreg [dreg:$0x2];
	[bflag:$0x3] =	sbarrier.arrive $0xFFFF;
	s2 =	simm.s32 @!p0 $0x1C06  }
0xe9: {  	[timem:s3], [sflag:s2] =	dma.local @!p0 [hbm:s0], s1  }
0xea: {  	s0 =	simm.s32 @!p0 $0x6  }
0xeb: {  	_ =	swait.ge @!p0 [sflag:s0], s1  }
0xec: {  	s1 =	ssub.s32 @!p0 $0x0, s1;
	[sflag:s0] =	ssyncset.done @!p0 $0x0  }
0xed: {  	[sflag:s0] =	ssyncadd.s32 @!p0 s1  }
0xee: {  	[bflag:$0x3] =	sbarrier.arrive $0xFFFF  }
0xef: {  	_ =	shalt  }

// kernel: kernel.21.cloned.1.call-start
scs
__scs_entry_jumppad:
0x0: {  	(pc) =	sbr.rel $0x88, $3  }
0x1: {  	(tag) =	ssettag $0x0;
	lr =	simm.s32 $0x1  }
0x2: {  	[smem:$0x3F99] =	sst lr;
	_ =	strace $0xD0000000  }
0x3: {  	_ = 	snop  }
0x4: {  	_ = 	snop  }
0x5: {  	_ = 	snop  }
0x6: {  	_ = 	snop  }
0x7: {  	_ = 	snop  }
__scs_overlays_trampoline_lowered:
0x8: {  	[smem:$0x3FA8] =	sst s0  }
0x9: {  	[smem:$0x3FA9] =	sst s1  }
0xa: {  	[smem:$0x3FAA] =	sst s2  }
0xb: {  	[smem:$0x3FAB] =	sst s3  }
0xc: {  	[smem:$0x3FAC] =	sst s4  }
0xd: {  	[smem:$0x3FAD] =	sst s5  }
0xe: {  	[smem:$0x3FAE] =	sst s6  }
0xf: {  	[smem:$0x3FAF] =	sst s7  }
0x10: {  	[smem:$0x3FB0] =	sst s8  }
0x11: {  	[smem:$0x3FB1] =	sst s9;
	s0 =	simm.s32 @!p0 $0x0  }
0x12: {  	s1 =	sld [smem:$0x3F97];
	s0 =	simm.s32 @p0 $0x1  }
0x13: {  	[smem:$0x3FB2] =	sst s0;
	s0 =	simm.s32 @!p1 $0x0  }
0x14: {  	s2 =	sld [smem:$0x3F96];
	s0 =	simm.s32 @p1 $0x1  }
0x15: {  	[smem:$0x3FB3] =	sst s0;
	s0 =	simm.s32 @!p2 $0x0  }
0x16: {  	s3 =	sld [smem:$0x3FDB];
	s0 =	simm.s32 @p2 $0x1  }
0x17: {  	s4 =	simm.s32 $0x1BF5;
	[smem:$0x3FB5] =	sst s0  }
0x18: {  	s0 =	sld [smem:$0x3F98];
	_ =	swait.ge [sflag:s4], $0x0  }
0x19: {  	s7 =	sld [smem:$0x3F99]  }
0x1a: {  	s8 =	sadd.s32 $0xFFFFE003, lr  }
0x1b: {  	s9 =	sadd.s32 $0xFFFFFEF7, lr;
	s5 =	simm.s32 $0xFFFFFFFF;
	p2 =	slt.u32 s8, $0xFFFFF086  }
0x1c: {  	p1 =	slt.u32 s9, $0xF7A;
	s5 =	simm.s32 @!p2 $0x0  }
0x1d: {  	s5 =	simm.s32 @p1 $0x1;
	p0 =	seq.s32 s7, s2  }
0x1e: {  	s7 =	smul.u32 @!p0 $0xF7A, s2;
	p2 =	seq.s32 @!p0 s5, $0x0  }
0x1f: {  	s9 =	smul.u32 $0xF7A, s1;
	s8 =	simm.s32 @!p0 $0x1BF5;
	p2 =	por !p2, p0  }
0x20: {  	[sflag:s8] =	ssyncset.s32 @!p0 $0xFFFFF086;
	s6 =	sadd.s32 @!p0 s3, s7;
	s7 =	simm.s32 @!p0 $0x108  }
0x21: {  	s3 =	sadd.s32 s3, s9;
	s6 =	sadd.s32 @!p0 $0x88, s6;
	s7 =	simm.s32 @p2 $0x1082  }
0x22: {  	[simem:s7], [sflag:s8] =	dma.local @!p0 [hbm:s6], $0xF7A  }
0x23: {  	s9 =	sor.u32 $0xD0000000, s2;
	s6 =	simm.s32 $0x108;
	_ =	swait.ge @!p0 [sflag:s8], $0x0  }
0x24: {  	s3 =	sadd.s32 $0x88, s3;
	s6 =	simm.s32 @!p1 $0x1082;
	[sflag:s4] =	ssyncset.s32 $0xFFFFF086  }
0x25: {  	[simem:s6], [sflag:s4] =	dma.local [hbm:s3], $0xF7A  }
0x26: {  	[smem:$0x3F99] =	sst s1;
	(tag) =	ssettag s2;
	_ =	strace s9  }
0x27: {  	s1 =	sld [smem:$0x3FA9]  }
0x28: {  	s2 =	sld [smem:$0x3FAA]  }
0x29: {  	s4 =	sld [smem:$0x3FAC]  }
0x2a: {  	p0 =	seq.s32 s5, $0x0;
	s5 =	sld [smem:$0x3FAD]  }
0x2b: {  	s6 =	sld [smem:$0x3FAE]  }
0x2c: {  	s7 =	sld [smem:$0x3FAF]  }
0x2d: {  	s3 =	simm.s32 $0x108;
	s8 =	sld [smem:$0x3FB0]  }
0x2e: {  	s3 =	simm.s32 @!p0 $0x1082;
	s9 =	sld [smem:$0x3FB1]  }
0x2f: {  	lr =	sadd.s32 s0, s3;
	s0 =	sld [smem:$0x3FA8]  }
0x30: {  	s3 =	sld [smem:$0x3FAB]  }
0x31: {  	[smem:$0x3FB4] =	sst s10  }
0x32: {  	s10 =	sld [smem:$0x3FB2];
	_ =	sdelay $0x3  }
0x33: {  	p0 =	seq.s32 s10, $0x1;
	s10 =	sld [smem:$0x3FB4];
	_ =	sdelay $0x3  }
0x34: {  	[smem:$0x3FB4] =	sst s10  }
0x35: {  	s10 =	sld [smem:$0x3FB3];
	_ =	sdelay $0x3  }
0x36: {  	p1 =	seq.s32 s10, $0x1;
	s10 =	sld [smem:$0x3FB4];
	_ =	sdelay $0x3  }
0x37: {  	[smem:$0x3FB4] =	sst s10  }
0x38: {  	s10 =	sld [smem:$0x3FB5]  }
0x39: {  	_ = 	snop;
	(pc) =	sbr.ind lr, $3  }
0x3a: {  	_ = 	snop  }
0x3b: {  	_ = 	snop  }
0x3c: {  	p2 =	seq.s32 s10, $0x1;
	s10 =	sld [smem:$0x3FB4]  }
0x3d: {  	_ =	shalt  }
0x3e: {  	_ =	shalt  }
0x3f: {  	_ =	shalt  }
0x40: {  	_ =	shalt  }
0x41: {  	_ =	shalt  }
0x42: {  	_ =	shalt  }
0x43: {  	_ =	shalt  }
0x44: {  	_ =	shalt  }
0x45: {  	_ =	shalt  }
0x46: {  	_ =	shalt  }
0x47: {  	_ =	shalt  }
0x48: {  	_ =	shalt  }
0x49: {  	_ =	shalt  }
0x4a: {  	_ =	shalt  }
0x4b: {  	_ =	shalt  }
0x4c: {  	_ =	shalt  }
0x4d: {  	_ =	shalt  }
0x4e: {  	_ =	shalt  }
0x4f: {  	_ =	shalt  }
0x50: {  	_ =	shalt  }
0x51: {  	_ =	shalt  }
0x52: {  	_ =	shalt  }
0x53: {  	_ =	shalt  }
0x54: {  	_ =	shalt  }
0x55: {  	_ =	shalt  }
0x56: {  	_ =	shalt  }
0x57: {  	_ =	shalt  }
0x58: {  	_ =	shalt  }
0x59: {  	_ =	shalt  }
0x5a: {  	_ =	shalt  }
0x5b: {  	_ =	shalt  }
0x5c: {  	_ =	shalt  }
0x5d: {  	_ =	shalt  }
0x5e: {  	_ =	shalt  }
0x5f: {  	_ =	shalt  }
0x60: {  	_ =	shalt  }
0x61: {  	_ =	shalt  }
0x62: {  	_ =	shalt  }
0x63: {  	_ =	shalt  }
0x64: {  	_ =	shalt  }
0x65: {  	_ =	shalt  }
0x66: {  	_ =	shalt  }
0x67: {  	_ =	shalt  }
0x68: {  	_ =	shalt  }
0x69: {  	_ =	shalt  }
0x6a: {  	_ =	shalt  }
0x6b: {  	_ =	shalt  }
0x6c: {  	_ =	shalt  }
0x6d: {  	_ =	shalt  }
0x6e: {  	_ =	shalt  }
0x6f: {  	_ =	shalt  }
0x70: {  	_ =	shalt  }
0x71: {  	_ =	shalt  }
0x72: {  	_ =	shalt  }
0x73: {  	_ =	shalt  }
0x74: {  	_ =	shalt  }
0x75: {  	_ =	shalt  }
0x76: {  	_ =	shalt  }
0x77: {  	_ =	shalt  }
0x78: {  	_ =	shalt  }
0x79: {  	_ =	shalt  }
0x7a: {  	_ =	shalt  }
0x7b: {  	_ =	shalt  }
0x7c: {  	_ =	shalt  }
0x7d: {  	_ =	shalt  }
0x7e: {  	_ =	shalt  }
0x7f: {  	_ =	shalt  }
0x80: {  	_ =	shalt  }
0x81: {  	_ =	shalt  }
0x82: {  	_ =	shalt  }
0x83: {  	_ =	shalt  }
0x84: {  	_ =	shalt  }
0x85: {  	_ =	shalt  }
0x86: {  	_ =	shalt  }
0x87: {  	_ =	shalt  }
.Lfunc_end0:
.L_simem_size_0:
called_computation.3_lowered:
.L_overlay_start_0:
0x88: {  	s2 =	sld [smem:$0x3FD9]  }
0x89: {  	s3 =	sld [smem:$0x3FFE];
	_ =	sdelay $0x1  }
0x8a: {  	s1 =	srdreg.scid  }
0x8b: {  	s0 =	sand.u32 $0x1, s1  }
0x8c: {  	s14 =	sshll.u32 s0, $0xA;
	s2 =	sadd.s32 s3, s2  }
0x8d: {  	s2 =	sadd.s32 s2, s14  }
0x8e: {  	[smem:$0x3FC0] =	sst s2  }
0x8f: {  	_ = 	snop  }
0x90: {  	s2 =	sld [smem:$0x3FD0];
	_ =	sdelay $0x2  }
0x91: {  	s15 =	simm.s32 $0xA;
	s4 =	simm.s32 $0x10  }
0x92: {  	[smem:s4], [sflag:s15] =	dma.local [hbm:s2], $0x1  }
0x93: {  	_ =	swait.eq [sflag:s15], $0x1  }
0x94: {  	[sflag:s15] =	ssyncset.done $0x0  }
0x95: {  	s16 =	sld [smem:$0x10];
	[sflag:s15] =	ssyncadd.s32 $0xFFFFFFFF  }
0x96: {  	s17 =	sld [smem:$0x12];
	(tm) =	ssettm $0x1  }
0x97: {  	s18 =	sld [smem:$0x3FFB];
	_ =	sdelay $0x3  }
0x98: {  	_ =	strace s18  }
0x99: {  	s4 =	sld [smem:$0x3FFC];
	_ =	sdelay $0x3  }
0x9a: {  	_ =	strace s4  }
0x9b: {  	s4 =	sld [smem:$0x3FFD];
	_ =	sdelay $0x3  }
0x9c: {  	_ =	strace s4  }
0x9d: {  	_ =	strace $0x8FFFFFFF  }
0x9e: {  	s19 =	sld [smem:$0x3FDB];
	_ =	sdelay $0x1  }
0x9f: {  	s5 =	simm.s32 $_scs_section_size  }
0xa0: {  	s6 =	simm.s32 $_size__tile_overlayer_lowered;
	s7 =	simm.s32 $_tile_overlayer_lowered  }
0xa1: {  	s22 =	simm.s32 $0x1BFF;
	s21 =	sshll.u32 s7, $0x1;
	s4 =	sadd.s32 s5, s19  }
0xa2: {  	s8 =	simm.s32 $0x0;
	s20 =	sshll.u32 s6, $0x1;
	s6 =	sadd.s32 s21, s4  }
0xa3: {  	[timem:s8], [sflag:s22] =	dma.local [hbm:s6], s20  }
0xa4: {  	_ =	swait.ge [sflag:s22], s20  }
0xa5: {  	s5 =	ssub.s32 $0x0, s20;
	[sflag:s22] =	ssyncset.done $0x0  }
0xa6: {  	[sflag:s22] =	ssyncadd.s32 s5;
	_ =	sdelay $0x1  }
0xa7: {  	s23 =	simm.s32 $0x1B8B  }
0xa8: {  	_ =	swait.ge [sflag:s23], $0x1  }
0xa9: {  	[sflag:s23] =	ssyncset.done $0x0  }
0xaa: {  	s25 =	simm.s32 $0x1B8E;
	s24 =	sld [smem:$0x3FFE];
	[sflag:s23] =	ssyncadd.s32 $0xFFFFFFFF  }
0xab: {  	s26 =	simm.s32 $execute0_lowered;
	[smem:$0x3FD2] =	sst s25  }
0xac: {  	s6 =	sshll.u32 s26, $0x1;
	_ =	strace $0x8000004F;
	[dreg:$0x1] =	wrdreg $0xFFFFFFFF  }
0xad: {  	s28 =	simm.s32 $_size_execute0_lowered;
	s4 =	sadd.s32 s4, s6;
	[dreg:$0x0] =	wrdreg $0x0  }
0xae: {  	s6 =	sshll.u32 s28, $0x1;
	[dreg:$0x2] =	wrdreg s4  }
0xaf: {  	[dreg:$0x3] =	wrdreg s6  }
0xb0: {  	[dreg:$0x4] =	wrdreg $0xC0  }
0xb1: {  	_ =	task [dreg:s8], $0x5FFFF  }
0xb2: {  	[dreg:$0x1] =	wrdreg $0xFFFFFFFF  }
0xb3: {  	[dreg:$0x0] =	wrdreg $0x60  }
0xb4: {  	[dreg:$0x2] =	wrdreg s24  }
0xb5: {  	[dreg:$0x3] =	wrdreg s17  }
0xb6: {  	[dreg:$0x4] =	wrdreg s16  }
0xb7: {  	[dreg:$0x5] =	wrdreg $0xA0000  }
0xb8: {  	[dreg:$0x6] =	wrdreg $0x9  }
0xb9: {  	_ =	task.clear_ibuf [dreg:s8], $0x7FFFF;
	_ =	strace $0x9000004F  }
0xba: {  	s29 =	simm.s32 $0x9;
	_ =	strace $0x80000051  }
0xbb: {  	_ =	swait.ge [sflag:s29], $0x1  }
0xbc: {  	[sflag:s29] =	ssyncadd.s32 $0xFFFFFFFF  }
0xbd: {  	_ =	strace $0x90000051  }
0xbe: {  	_ =	sfence  }
0xbf: {  	s30 =	sld [smem:$0x0];
	_ =	sdelay $0x2  }
0xc0: {  	s31 =	sshll.u32 s1, $0xD;
	s1 =	sshrl.u32 s1, $0x2  }
0xc1: {  	s3 =	sand.u32 $0x4000, s31;
	s1 =	sadd.s32 s1, s30  }
0xc2: {  	s0 =	sor.u32 s3, s0;
	s1 =	sshll.u32 s1, $0x11  }
0xc3: {  	s0 =	sor.u32 s1, s0  }
0xc4: {  	s0 =	sadd.s32 $0x8F2B, s0  }
0xc5: {  	[sflag:s0] =	ssyncadd.remote.s32 $0x1  }
0xc6: {  	_ =	sfence.sel $0xFFFF  }
0xc7: {  	[dreg:$0x0] =	wrdreg $0xFFFFFFFF;
	(pc) =	sbr.abs _section_cstart, $3  }
0xc8: {  	[dreg:$0x1] =	wrdreg $0xFFFFFFFF  }
0xc9: {  	_ =	task.clear_ibuf [dreg:s8], $0x2FFFF;
	_ =	strace $0x9FFFFFFF  }
0xca: {  	(tm) =	ssettm $0x7FFFFFFF  }
0xcb: {  	_ =	shalt  }
tec
execute0_lowered:
.L_overlay_start_1:
0x0: {  	(tag) =	ssettag $0x1  }
0x1: {  	s9 =	rddreg [dreg:$0x0]  }
0x2: {  	s1 =	rddreg [dreg:$0x1]  }
0x3: {  	s3 =	rddreg [dreg:$0x2]  }
0x4: {  	s2 =	srdreg.scid;
	s0 =	stileid.u32  }
0x5: {  	s4 =	rddreg [dreg:$0x3];
	s5 =	simm.s32 $0x0;
	s18 =	simm.s32 $0x2000  }
0x6: {  	s19 =	simm.s32 $0x6;
	s21 =	simm.s32 $0x5;
	s22 =	simm.s32 $0x80  }
0x7: {  	s23 =	simm.s32 $0x6000;
	s24 =	simm.s32 $0x1;
	s8 =	smul.u32 $0x2800, s0  }
0x8: {  	s25 =	simm.s32 $0x3;
	s26 =	simm.s32 $0x2;
	s11 =	smul.u32 $0x50000, s0  }
0x9: {  	s28 =	simm.s32 $0x4;
	s7 =	sand.u32 $0x1, s2;
	s13 =	smul.u32 $0x5000, s0  }
0xa: {  	[smem:$0x7FF] =	sst s5;
	s6 =	sadd.s32 $0x3800, s9;
	s10 =	smul.u32 $0x28000, s7  }
0xb: {  	_ =	strace $0x80000050;
	s12 =	ssub.s32 $0x2, s7;
	s7 =	smul.u32 $0x50000, s7  }
0xc: {  	s30 =	sshrl.u32 s11, $0x2;
	s31 =	sshrl.u32 s12, $0x1;
	s15 =	sshrl.u32 s13, $0x3  }
0xd: {  	s10 =	sadd.s32 s8, s10;
	s8 =	sadd.s32 s30, s4;
	s17 =	ssub.s32 s12, s31  }
0xe: {  	s14 =	sadd.s32 s13, s7;
	s13 =	sshll.u32 s0, $0x1;
	s15 =	sadd.s32 s3, s15  }
0xf: {  	s16 =	sadd.s32 s10, s9;
	s9 =	sadd.s32 $0x4000, s8;
	s10 =	sadd.s32 $0x8000, s8  }
0x10: {  	s11 =	sadd.s32 $0xC000, s8;
	s12 =	sadd.s32 $0x10000, s8;
	s14 =	sshrl.u32 s14, $0x3  }
0x11: {  	v0 =	vimm.f32 $0.0e+00;
	s17 =	smax.u32 s17, $0x1;
	s14 =	sadd.s32 s1, s14;
	s16 =	sadd.s32 $0x53800, s16  }
.LBB2_1:
0x12: {  	s29 =	simm.s32 $0x0;
	s30 =	simm.s32 $0x200  }
.LBB2_2:
0x13: {  	p0 =	sne.s32 s30, $0xFE00;
	[tilespmem:s29+$0x2070] =	vst v0  }
0x14: {  	[tilespmem:s29+$0x2000] =	vst v0  }
0x15: {  	[tilespmem:s29+$0x2010] =	vst v0  }
.Ltmp0:
0x16: {  	[tilespmem:s29+$0x2020] =	vst v0;
	(pc) =	sbr.rel @p0 .LBB2_2-.Ltmp0, $4  }
0x17: {  	[tilespmem:s29+$0x2030] =	vst v0  }
0x18: {  	[tilespmem:s29+$0x2040] =	vst v0  }
0x19: {  	[tilespmem:s29+$0x2050] =	vst v0  }
0x1a: {  	[tilespmem:s29+$0x2060] =	vst v0;
	s29 =	sshra.s32 s30, $0x2;
	s30 =	sadd.s32 $0x200, s30  }
0x1b: {  	[tilespmem:s29+$0x2070] =	vst v0  }
0x1c: {  	[tilespmem:s29+$0x2000] =	vst v0  }
0x1d: {  	[tilespmem:s29+$0x2010] =	vst v0  }
0x1e: {  	[tilespmem:s29+$0x2020] =	vst v0  }
0x1f: {  	[tilespmem:s29+$0x2030] =	vst v0  }
0x20: {  	[tilespmem:s29+$0x2040] =	vst v0  }
0x21: {  	[tilespmem:s29+$0x2050] =	vst v0  }
0x22: {  	[tilespmem:s29+$0x2060] =	vst v0  }
0x23: {  	[spmem:s8] =	stream.linear.scatter [tilespmem:s18], [sflag:$0x6], $0x4000, $0x38;
	[tilespmem:$0x1E000] =	vst v63  }
0x24: {  	_ =	swait.ge [sflag:s19], $0x4000  }
0x25: {  	[sflag:s19] =	ssyncset.done $0x0  }
0x26: {  	[sflag:s19] =	ssyncadd.s32 $0xFFFFC000  }
0x27: {  	[spmem:s9] =	stream.linear.scatter [tilespmem:s18], [sflag:$0x6], $0x4000, $0x38;
	[tilespmem:$0x1E000] =	vst v63  }
0x28: {  	_ =	swait.ge [sflag:s19], $0x4000  }
0x29: {  	[sflag:s19] =	ssyncset.done $0x0  }
0x2a: {  	[sflag:s19] =	ssyncadd.s32 $0xFFFFC000  }
0x2b: {  	[spmem:s10] =	stream.linear.scatter [tilespmem:s18], [sflag:$0x6], $0x4000, $0x38;
	[tilespmem:$0x1E000] =	vst v63  }
0x2c: {  	_ =	swait.ge [sflag:s19], $0x4000  }
0x2d: {  	[sflag:s19] =	ssyncset.done $0x0  }
0x2e: {  	[sflag:s19] =	ssyncadd.s32 $0xFFFFC000  }
0x2f: {  	[spmem:s11] =	stream.linear.scatter [tilespmem:s18], [sflag:$0x6], $0x4000, $0x38;
	[tilespmem:$0x1E000] =	vst v63  }
0x30: {  	_ =	swait.ge [sflag:s19], $0x4000  }
0x31: {  	[sflag:s19] =	ssyncset.done $0x0  }
0x32: {  	[sflag:s19] =	ssyncadd.s32 $0xFFFFC000  }
0x33: {  	[spmem:s12] =	stream.linear.scatter [tilespmem:s18], [sflag:$0x6], $0x4000, $0x38;
	[tilespmem:$0x1E000] =	vst v63  }
0x34: {  	_ =	swait.ge [sflag:s19], $0x4000  }
0x35: {  	[sflag:s19] =	ssyncset.done $0x0  }
0x36: {  	[sflag:s19] =	ssyncadd.s32 $0xFFFFC000  }
0x37: {  	s20 =	simm.s32 $0x0;
	[bflag:$0x0] =	sbarrier.arrive $0xFFFF  }
0x38: {  	[tilespmem:s20], [sflag:$0x5] =	stream.linear.gather [hbm4b:s14+s20], $0x800, $0x38;
	[tilespmem:$0x1E000] =	vst v63  }
0x39: {  	s0 =	simm.s32 $0x1000  }
0x3a: {  	[tilespmem:s0], [sflag:$0x5] =	stream.linear.gather [hbm4b:s15+s20], $0x800, $0x38;
	[tilespmem:$0x1E000] =	vst v63  }
0x3b: {  	_ =	swait.ge [sflag:s21], $0x800  }
0x3c: {  	[sflag:s21] =	ssyncset.done $0x0  }
0x3d: {  	[sflag:s21] =	ssyncadd.s32 $0xFFFFF800  }
0x3e: {  	_ =	swait.ge [sflag:s21], $0x800  }
0x3f: {  	[sflag:s21] =	ssyncset.done $0x0  }
0x40: {  	s30 =	simm.s32 $0x0;
	[sflag:s21] =	ssyncadd.s32 $0xFFFFF800  }
.LBB2_4:
0x41: {  	p0 =	seq.s32 s20, $0x9  }
0x42: {  	s31 =	smov.u32 s20;
	p1 =	sgt.u32 @!p0 s20, $0x3  }
0x43: {  	s2 =	simm.s32 @!p0 $0x1;
	s20 =	sadd.s32 $0x1, s20;
	p1 =	por !p1, p0  }
0x44: {  	s29 =	smov.u32 s20;
	s2 =	simm.s32 @p1 $0x0;
	p1 =	slt.u32 @!p0 s31, $0x4  }
0x45: {  	s31 =	sadd.s32 @!p0 $0xFFFFFFFC, s31;
	s2 =	sor.u32 @!p0 s2, s13;
	p1 =	por !p1, p0  }
0x46: {  	s2 =	smul.u32 @!p0 $0x2800, s2;
	s29 =	smov.u32 @p1 s31  }
0x47: {  	s29 =	sshll.u32 @!p0 s29, $0xB  }
0x48: {  	s2 =	sadd.s32 @!p0 s29, s2  }
0x49: {  	s29 =	sadd.s32 @!p0 s7, s2  }
0x4a: {  	s0 =	simm.s32 @!p0 $0x0;
	s31 =	sxor.u32 @!p0 $0xFFFFFFFF, s30;
	s29 =	sshrl.u32 @!p0 s29, $0x3  }
0x4b: {  	s31 =	sand.u32 @!p0 $0x800, s31;
	s2 =	sshrl.u32 @!p0 s2, $0x3;
	s29 =	sadd.s32 @!p0 s1, s29  }
0x4c: {  	[tilespmem:s31], [sflag:$0x5] =	stream.linear.gather @!p0 [hbm4b:s29+s0], $0x800, $0x38;
	[tilespmem:$0x1E000] =	vst v63  }
0x4d: {  	s2 =	sadd.s32 @!p0 s3, s2;
	s29 =	sor.u32 @!p0 $0x1000, s31  }
0x4e: {  	[tilespmem:s29], [sflag:$0x5] =	stream.linear.gather @!p0 [hbm4b:s2+s0], $0x800, $0x38;
	[tilespmem:$0x1E000] =	vst v63  }
0x4f: {  	s31 =	sand.u32 $0x800, s30  }
0x50: {  	[tilespmem:s18], [sflag:$0x1] =	stream.indirect.gather [hbm4b:s6+s22], $0x80, s31, s22, $0xb8;
	[tilespmem:$0x1E000] =	vst v63  }
0x51: {  	s2 =	sor.u32 $0x80, s31  }
0x52: {  	[tilespmem:s23], [sflag:$0x2] =	stream.indirect.gather [hbm4b:s6+s22], $0x80, s2, s22, $0xb8;
	[tilespmem:$0x1E000] =	vst v63  }
0x53: {  	_ =	swait.ge [sflag:s24], $0x4000  }
0x54: {  	[sflag:s24] =	ssyncset.done $0x0  }
0x55: {  	s29 =	sor.u32 $0x1000, s31;
	[sflag:s24] =	ssyncadd.s32 $0xFFFFC000  }
0x56: {  	[spmem:s4] =	stream.indirect.scatter.add.f32 [tilespmem:s18], [sflag:$0x3], $0x80, s29, s22, $0xb8;
	[tilespmem:$0x1E000] =	vst v63  }
0x57: {  	_ =	swait.ge [sflag:s25], $0x4000  }
0x58: {  	[sflag:s25] =	ssyncset.done $0x0  }
0x59: {  	s2 =	sor.u32 $0x100, s31;
	[sflag:s25] =	ssyncadd.s32 $0xFFFFC000  }
0x5a: {  	[tilespmem:s18], [sflag:$0x1] =	stream.indirect.gather [hbm4b:s6+s22], $0x80, s2, s22, $0xb8;
	[tilespmem:$0x1E000] =	vst v63  }
0x5b: {  	_ =	swait.ge [sflag:s26], $0x4000  }
0x5c: {  	[sflag:s26] =	ssyncset.done $0x0  }
0x5d: {  	s29 =	sor.u32 $0x1080, s31;
	[sflag:s26] =	ssyncadd.s32 $0xFFFFC000  }
0x5e: {  	[spmem:s4] =	stream.indirect.scatter.add.f32 [tilespmem:s23], [sflag:$0x4], $0x80, s29, s22, $0xb8;
	[tilespmem:$0x1E000] =	vst v63  }
0x5f: {  	_ =	swait.ge [sflag:s28], $0x4000  }
0x60: {  	[sflag:s28] =	ssyncset.done $0x0  }
0x61: {  	s2 =	sor.u32 $0x180, s31;
	[sflag:s28] =	ssyncadd.s32 $0xFFFFC000  }
0x62: {  	[tilespmem:s23], [sflag:$0x2] =	stream.indirect.gather [hbm4b:s6+s22], $0x80, s2, s22, $0xb8;
	[tilespmem:$0x1E000] =	vst v63  }
0x63: {  	_ =	swait.ge [sflag:s24], $0x4000  }
0x64: {  	[sflag:s24] =	ssyncset.done $0x0  }
0x65: {  	s29 =	sor.u32 $0x1100, s31;
	[sflag:s24] =	ssyncadd.s32 $0xFFFFC000  }
0x66: {  	[spmem:s4] =	stream.indirect.scatter.add.f32 [tilespmem:s18], [sflag:$0x3], $0x80, s29, s22, $0xb8;
	[tilespmem:$0x1E000] =	vst v63  }
0x67: {  	_ =	swait.ge [sflag:s25], $0x4000  }
0x68: {  	[sflag:s25] =	ssyncset.done $0x0  }
0x69: {  	s2 =	sor.u32 $0x200, s31;
	[sflag:s25] =	ssyncadd.s32 $0xFFFFC000  }
0x6a: {  	[tilespmem:s18], [sflag:$0x1] =	stream.indirect.gather [hbm4b:s6+s22], $0x80, s2, s22, $0xb8;
	[tilespmem:$0x1E000] =	vst v63  }
0x6b: {  	_ =	swait.ge [sflag:s26], $0x4000  }
0x6c: {  	[sflag:s26] =	ssyncset.done $0x0  }
0x6d: {  	s29 =	sor.u32 $0x1180, s31;
	[sflag:s26] =	ssyncadd.s32 $0xFFFFC000  }
0x6e: {  	[spmem:s4] =	stream.indirect.scatter.add.f32 [tilespmem:s23], [sflag:$0x4], $0x80, s29, s22, $0xb8;
	[tilespmem:$0x1E000] =	vst v63  }
0x6f: {  	_ =	swait.ge [sflag:s28], $0x4000  }
0x70: {  	[sflag:s28] =	ssyncset.done $0x0  }
0x71: {  	s2 =	sor.u32 $0x280, s31;
	[sflag:s28] =	ssyncadd.s32 $0xFFFFC000  }
0x72: {  	[tilespmem:s23], [sflag:$0x2] =	stream.indirect.gather [hbm4b:s6+s22], $0x80, s2, s22, $0xb8;
	[tilespmem:$0x1E000] =	vst v63  }
0x73: {  	_ =	swait.ge [sflag:s24], $0x4000  }
0x74: {  	[sflag:s24] =	ssyncset.done $0x0  }
0x75: {  	s29 =	sor.u32 $0x1200, s31;
	[sflag:s24] =	ssyncadd.s32 $0xFFFFC000  }
0x76: {  	[spmem:s4] =	stream.indirect.scatter.add.f32 [tilespmem:s18], [sflag:$0x3], $0x80, s29, s22, $0xb8;
	[tilespmem:$0x1E000] =	vst v63  }
0x77: {  	_ =	swait.ge [sflag:s25], $0x4000  }
0x78: {  	[sflag:s25] =	ssyncset.done $0x0  }
0x79: {  	s2 =	sor.u32 $0x300, s31;
	[sflag:s25] =	ssyncadd.s32 $0xFFFFC000  }
0x7a: {  	[tilespmem:s18], [sflag:$0x1] =	stream.indirect.gather [hbm4b:s6+s22], $0x80, s2, s22, $0xb8;
	[tilespmem:$0x1E000] =	vst v63  }
0x7b: {  	_ =	swait.ge [sflag:s26], $0x4000  }
0x7c: {  	[sflag:s26] =	ssyncset.done $0x0  }
0x7d: {  	s29 =	sor.u32 $0x1280, s31;
	[sflag:s26] =	ssyncadd.s32 $0xFFFFC000  }
0x7e: {  	[spmem:s4] =	stream.indirect.scatter.add.f32 [tilespmem:s23], [sflag:$0x4], $0x80, s29, s22, $0xb8;
	[tilespmem:$0x1E000] =	vst v63  }
0x7f: {  	_ =	swait.ge [sflag:s28], $0x4000  }
0x80: {  	[sflag:s28] =	ssyncset.done $0x0  }
0x81: {  	s2 =	sor.u32 $0x380, s31;
	[sflag:s28] =	ssyncadd.s32 $0xFFFFC000  }
0x82: {  	[tilespmem:s23], [sflag:$0x2] =	stream.indirect.gather [hbm4b:s6+s22], $0x80, s2, s22, $0xb8;
	[tilespmem:$0x1E000] =	vst v63  }
0x83: {  	_ =	swait.ge [sflag:s24], $0x4000  }
0x84: {  	[sflag:s24] =	ssyncset.done $0x0  }
0x85: {  	s29 =	sor.u32 $0x1300, s31;
	[sflag:s24] =	ssyncadd.s32 $0xFFFFC000  }
0x86: {  	[spmem:s4] =	stream.indirect.scatter.add.f32 [tilespmem:s18], [sflag:$0x3], $0x80, s29, s22, $0xb8;
	[tilespmem:$0x1E000] =	vst v63  }
0x87: {  	_ =	swait.ge [sflag:s25], $0x4000  }
0x88: {  	[sflag:s25] =	ssyncset.done $0x0  }
0x89: {  	s2 =	sor.u32 $0x400, s31;
	[sflag:s25] =	ssyncadd.s32 $0xFFFFC000  }
0x8a: {  	[tilespmem:s18], [sflag:$0x1] =	stream.indirect.gather [hbm4b:s6+s22], $0x80, s2, s22, $0xb8;
	[tilespmem:$0x1E000] =	vst v63  }
0x8b: {  	_ =	swait.ge [sflag:s26], $0x4000  }
0x8c: {  	[sflag:s26] =	ssyncset.done $0x0  }
0x8d: {  	s29 =	sor.u32 $0x1380, s31;
	[sflag:s26] =	ssyncadd.s32 $0xFFFFC000  }
0x8e: {  	[spmem:s4] =	stream.indirect.scatter.add.f32 [tilespmem:s23], [sflag:$0x4], $0x80, s29, s22, $0xb8;
	[tilespmem:$0x1E000] =	vst v63  }
0x8f: {  	_ =	swait.ge [sflag:s28], $0x4000  }
0x90: {  	[sflag:s28] =	ssyncset.done $0x0  }
0x91: {  	s2 =	sor.u32 $0x480, s31;
	[sflag:s28] =	ssyncadd.s32 $0xFFFFC000  }
0x92: {  	[tilespmem:s23], [sflag:$0x2] =	stream.indirect.gather [hbm4b:s6+s22], $0x80, s2, s22, $0xb8;
	[tilespmem:$0x1E000] =	vst v63  }
0x93: {  	_ =	swait.ge [sflag:s24], $0x4000  }
0x94: {  	[sflag:s24] =	ssyncset.done $0x0  }
0x95: {  	s29 =	sor.u32 $0x1400, s31;
	[sflag:s24] =	ssyncadd.s32 $0xFFFFC000  }
0x96: {  	[spmem:s4] =	stream.indirect.scatter.add.f32 [tilespmem:s18], [sflag:$0x3], $0x80, s29, s22, $0xb8;
	[tilespmem:$0x1E000] =	vst v63  }
0x97: {  	_ =	swait.ge [sflag:s25], $0x4000  }
0x98: {  	[sflag:s25] =	ssyncset.done $0x0  }
0x99: {  	s2 =	sor.u32 $0x500, s31;
	[sflag:s25] =	ssyncadd.s32 $0xFFFFC000  }
0x9a: {  	[tilespmem:s18], [sflag:$0x1] =	stream.indirect.gather [hbm4b:s6+s22], $0x80, s2, s22, $0xb8;
	[tilespmem:$0x1E000] =	vst v63  }
0x9b: {  	_ =	swait.ge [sflag:s26], $0x4000  }
0x9c: {  	[sflag:s26] =	ssyncset.done $0x0  }
0x9d: {  	s29 =	sor.u32 $0x1480, s31;
	[sflag:s26] =	ssyncadd.s32 $0xFFFFC000  }
0x9e: {  	[spmem:s4] =	stream.indirect.scatter.add.f32 [tilespmem:s23], [sflag:$0x4], $0x80, s29, s22, $0xb8;
	[tilespmem:$0x1E000] =	vst v63  }
0x9f: {  	_ =	swait.ge [sflag:s28], $0x4000  }
0xa0: {  	[sflag:s28] =	ssyncset.done $0x0  }
0xa1: {  	s2 =	sor.u32 $0x580, s31;
	[sflag:s28] =	ssyncadd.s32 $0xFFFFC000  }
0xa2: {  	[tilespmem:s23], [sflag:$0x2] =	stream.indirect.gather [hbm4b:s6+s22], $0x80, s2, s22, $0xb8;
	[tilespmem:$0x1E000] =	vst v63  }
0xa3: {  	_ =	swait.ge [sflag:s24], $0x4000  }
0xa4: {  	[sflag:s24] =	ssyncset.done $0x0  }
0xa5: {  	s29 =	sor.u32 $0x1500, s31;
	[sflag:s24] =	ssyncadd.s32 $0xFFFFC000  }
0xa6: {  	[spmem:s4] =	stream.indirect.scatter.add.f32 [tilespmem:s18], [sflag:$0x3], $0x80, s29, s22, $0xb8;
	[tilespmem:$0x1E000] =	vst v63  }
0xa7: {  	_ =	swait.ge [sflag:s25], $0x4000  }
0xa8: {  	[sflag:s25] =	ssyncset.done $0x0  }
0xa9: {  	s2 =	sor.u32 $0x600, s31;
	[sflag:s25] =	ssyncadd.s32 $0xFFFFC000  }
0xaa: {  	[tilespmem:s18], [sflag:$0x1] =	stream.indirect.gather [hbm4b:s6+s22], $0x80, s2, s22, $0xb8;
	[tilespmem:$0x1E000] =	vst v63  }
0xab: {  	_ =	swait.ge [sflag:s26], $0x4000  }
0xac: {  	[sflag:s26] =	ssyncset.done $0x0  }
0xad: {  	s29 =	sor.u32 $0x1580, s31;
	[sflag:s26] =	ssyncadd.s32 $0xFFFFC000  }
0xae: {  	[spmem:s4] =	stream.indirect.scatter.add.f32 [tilespmem:s23], [sflag:$0x4], $0x80, s29, s22, $0xb8;
	[tilespmem:$0x1E000] =	vst v63  }
0xaf: {  	_ =	swait.ge [sflag:s28], $0x4000  }
0xb0: {  	[sflag:s28] =	ssyncset.done $0x0  }
0xb1: {  	s2 =	sor.u32 $0x680, s31;
	[sflag:s28] =	ssyncadd.s32 $0xFFFFC000  }
0xb2: {  	[tilespmem:s23], [sflag:$0x2] =	stream.indirect.gather [hbm4b:s6+s22], $0x80, s2, s22, $0xb8;
	[tilespmem:$0x1E000] =	vst v63  }
0xb3: {  	_ =	swait.ge [sflag:s24], $0x4000  }
0xb4: {  	[sflag:s24] =	ssyncset.done $0x0  }
0xb5: {  	s29 =	sor.u32 $0x1600, s31;
	[sflag:s24] =	ssyncadd.s32 $0xFFFFC000  }
0xb6: {  	[spmem:s4] =	stream.indirect.scatter.add.f32 [tilespmem:s18], [sflag:$0x3], $0x80, s29, s22, $0xb8;
	[tilespmem:$0x1E000] =	vst v63  }
0xb7: {  	_ =	swait.ge [sflag:s25], $0x4000  }
0xb8: {  	[sflag:s25] =	ssyncset.done $0x0  }
0xb9: {  	s2 =	sor.u32 $0x700, s31;
	[sflag:s25] =	ssyncadd.s32 $0xFFFFC000  }
0xba: {  	[tilespmem:s18], [sflag:$0x1] =	stream.indirect.gather [hbm4b:s6+s22], $0x80, s2, s22, $0xb8;
	[tilespmem:$0x1E000] =	vst v63  }
0xbb: {  	_ =	swait.ge [sflag:s26], $0x4000  }
0xbc: {  	[sflag:s26] =	ssyncset.done $0x0  }
0xbd: {  	s29 =	sor.u32 $0x1680, s31;
	[sflag:s26] =	ssyncadd.s32 $0xFFFFC000  }
0xbe: {  	[spmem:s4] =	stream.indirect.scatter.add.f32 [tilespmem:s23], [sflag:$0x4], $0x80, s29, s22, $0xb8;
	[tilespmem:$0x1E000] =	vst v63  }
0xbf: {  	_ =	swait.ge [sflag:s28], $0x4000  }
0xc0: {  	[sflag:s28] =	ssyncset.done $0x0  }
0xc1: {  	s2 =	sor.u32 $0x780, s31;
	[sflag:s28] =	ssyncadd.s32 $0xFFFFC000  }
0xc2: {  	[tilespmem:s23], [sflag:$0x2] =	stream.indirect.gather [hbm4b:s6+s22], $0x80, s2, s22, $0xb8;
	[tilespmem:$0x1E000] =	vst v63  }
0xc3: {  	_ =	swait.ge [sflag:s24], $0x4000  }
0xc4: {  	[sflag:s24] =	ssyncset.done $0x0  }
0xc5: {  	s29 =	sor.u32 $0x1700, s31;
	[sflag:s24] =	ssyncadd.s32 $0xFFFFC000  }
0xc6: {  	[spmem:s4] =	stream.indirect.scatter.add.f32 [tilespmem:s18], [sflag:$0x3], $0x80, s29, s22, $0xb8;
	[tilespmem:$0x1E000] =	vst v63  }
0xc7: {  	_ =	swait.ge [sflag:s26], $0x4000  }
0xc8: {  	[sflag:s26] =	ssyncset.done $0x0  }
0xc9: {  	s31 =	sor.u32 $0x1780, s31;
	[sflag:s26] =	ssyncadd.s32 $0xFFFFC000  }
0xca: {  	[spmem:s4] =	stream.indirect.scatter.add.f32 [tilespmem:s23], [sflag:$0x4], $0x80, s31, s22, $0xb8;
	[tilespmem:$0x1E000] =	vst v63  }
0xcb: {  	_ =	swait.ge [sflag:s25], $0x4000  }
0xcc: {  	[sflag:s25] =	ssyncset.done $0x0  }
0xcd: {  	[sflag:s25] =	ssyncadd.s32 $0xFFFFC000  }
0xce: {  	_ =	swait.ge [sflag:s28], $0x4000  }
0xcf: {  	[sflag:s28] =	ssyncset.done $0x0  }
0xd0: {  	p1 =	sne.s32 @!p0 s20, $0xA;
	s0 =	simm.s32 @!p0 $0x5;
	[sflag:s28] =	ssyncadd.s32 $0xFFFFC000  }
0xd1: {  	p1 =	por p0, !p1;
	_ =	swait.ge @!p0 [sflag:s0], $0x800  }
.Ltmp1:
0xd2: {  	[sflag:s0] =	ssyncset.done @!p0 $0x0;
	(pc) =	sbr.rel @!p1 .LBB2_4-.Ltmp1, $4  }
0xd3: {  	[sflag:s0] =	ssyncadd.s32 @!p0 $0xFFFFF800  }
0xd4: {  	_ =	swait.ge @!p0 [sflag:s0], $0x800  }
0xd5: {  	[sflag:s0] =	ssyncset.done @!p0 $0x0  }
0xd6: {  	s30 =	sadd.s32 @!p0 $0x800, s30;
	[sflag:s0] =	ssyncadd.s32 @!p0 $0xFFFFF800  }
0xd7: {  	s0 =	stileid.u32;
	s5 =	sadd.s32 $0x1, s5  }
0xd8: {  	[bflag:$0x0] =	sbarrier.arrive $0xFFFF;
	s0 =	sshll.u32 s0, $0x6;
	p0 =	sne.s32 s5, s17  }
.Ltmp2:
0xd9: {  	s2 =	sshrl.u32 s8, $0x3;
	s0 =	sor.u32 $0x1C06, s0;
	(pc) =	sbr.rel @p0 .LBB2_1-.Ltmp2, $4  }
0xda: {  	[hbm:s16], [sflag:s0] =	dma.local [spmem:s2], $0x2800  }
0xdb: {  	_ =	swait.ge [sflag:s19], $0x2800  }
0xdc: {  	[sflag:s19] =	ssyncset.done $0x0  }
0xdd: {  	[sflag:s19] =	ssyncadd.s32 $0xFFFFD800  }
0xde: {  	_ =	sfence.sel $0x180000  }
0xdf: {  	[bflag:$0x0] =	sbarrier.arrive $0xFFFF  }
0xe0: {  	_ =	strace $0x90000050  }
0xe1: {  	s0 =	stileid.u32;
	[bflag:$0x2] =	sbarrier.arrive $0xFFFF  }
0xe2: {  	p0 =	sne.s32 s0, $0x0;
	s0 =	rddreg [dreg:$0x4]  }
0xe3: {  	s0 =	sadd.s32 @!p0 $0x100000, s0  }
0xe4: {  	[sflag:s0] =	ssyncadd.tile.s32 @!p0 $0x1;
	_ =	shalt  }
.Lfunc_end2:
_tile_overlayer_lowered:
.L_overlay_start_2:
0xe5: {  	(tag) =	ssettag $0x2  }
0xe6: {  	s0 =	rddreg [dreg:$0x0];
	s2 =	stileid.u32  }
0xe7: {  	s1 =	rddreg [dreg:$0x1];
	p0 =	sne.s32 s2, $0x0  }
0xe8: {  	s3 =	rddreg [dreg:$0x2];
	[bflag:$0x3] =	sbarrier.arrive $0xFFFF;
	s2 =	simm.s32 @!p0 $0x1C06  }
0xe9: {  	[timem:s3], [sflag:s2] =	dma.local @!p0 [hbm:s0], s1  }
0xea: {  	s0 =	simm.s32 @!p0 $0x6  }
0xeb: {  	_ =	swait.ge @!p0 [sflag:s0], s1  }
0xec: {  	s1 =	ssub.s32 @!p0 $0x0, s1;
	[sflag:s0] =	ssyncset.done @!p0 $0x0  }
0xed: {  	[sflag:s0] =	ssyncadd.s32 @!p0 s1  }
0xee: {  	[bflag:$0x3] =	sbarrier.arrive $0xFFFF  }
0xef: {  	_ =	shalt  }

</sc_bundles>
